<compile_context>
chip_gen: v7x
topology: tpu7x:2x2x1
jax: 0.10.2.dev20260603
libtpu: 0.0.44.dev20260713+nightly
codegen_flags: <defaults>
</compile_context>

<pallas_src>
import jax
import jax.numpy as jnp
from jax import lax
from jax.experimental import pallas as pl
from jax.experimental.pallas import tpu as pltpu
from jax.experimental.pallas import tpu_sc as plsc

BATCH = 16384
MAX_D = 20
DIM = 32

_B = BATCH * MAX_D
_NW = 32
_PER_W = _B // _NW
_BPW = BATCH // _NW
_CHB = 16
_CH = _CHB * MAX_D
_NCH = _BPW // _CHB


def _emb_body(idx_hbm, table_hbm, out_hbm, idx_v, rows_v, gsem, osem):
    cid = lax.axis_index("c")
    sid = lax.axis_index("s")
    wid = sid * 2 + cid
    base = wid * _PER_W
    bbase = wid * _BPW

    pltpu.sync_copy(idx_hbm.at[pl.ds(base, _PER_W)], idx_v)

    bufs = (rows_v.at[0], rows_v.at[1])

    def enq_gathers(c, buf):
        def enq(k16, carry2):
            v = idx_v[pl.ds(c * _CH + k16 * 16, 16)]
            for t in range(16):
                pltpu.async_copy(
                    table_hbm.at[pl.ds(v[t], 1)],
                    buf.at[pl.ds(k16 * 16 + t, 1)],
                    gsem,
                )
            return carry2

        lax.fori_loop(0, _CH // 16, enq, 0)

    def drain_gathers(buf):
        pltpu.make_async_copy(table_hbm.at[pl.ds(0, _CH)], buf, gsem).wait()

    def enq_outs(c, buf):
        for q in range(_CHB):
            pltpu.async_copy(
                buf.at[pl.ds(q * MAX_D, MAX_D)],
                out_hbm.at[bbase + c * _CHB + q],
                osem,
            )

    def wait_outs(c, buf):
        for q in range(_CHB):
            pltpu.make_async_copy(
                buf.at[pl.ds(q * MAX_D, MAX_D)],
                out_hbm.at[bbase + c * _CHB + q],
                osem,
            ).wait()

    def pair(i, carry):
        c0 = 2 * i
        c1 = c0 + 1

        @pl.when(i > 0)
        def _():
            wait_outs(c0 - 2, bufs[0])

        enq_gathers(c0, bufs[0])
        drain_gathers(bufs[0])
        enq_outs(c0, bufs[0])

        @pl.when(i > 0)
        def _():
            wait_outs(c0 - 1, bufs[1])

        enq_gathers(c1, bufs[1])
        drain_gathers(bufs[1])
        enq_outs(c1, bufs[1])
        return carry

    lax.fori_loop(0, _NCH // 2, pair, 0)
    wait_outs(_NCH - 2, bufs[0])
    wait_outs(_NCH - 1, bufs[1])


@jax.jit
def _emb_call(x_flat, table):
    mesh = plsc.VectorSubcoreMesh(core_axis_name="c", subcore_axis_name="s")
    f = pl.kernel(
        _emb_body,
        out_type=jax.ShapeDtypeStruct((BATCH, MAX_D, DIM), jnp.float32),
        mesh=mesh,
        scratch_types=[
            pltpu.VMEM((_PER_W,), jnp.int32),
            pltpu.VMEM((2, _CH, DIM), jnp.float32),
            pltpu.SemaphoreType.DMA,
            pltpu.SemaphoreType.DMA,
        ],
        compiler_params=pltpu.CompilerParams(use_tc_tiling_on_sc=True),
    )
    return f(x_flat, table)


def kernel(x, domain_emb_weight):
    x_flat = x.reshape(_B).astype(jnp.int32)
    return _emb_call(x_flat, domain_emb_weight)

# --- scband reference (transcript-rebuilt; emitter-appended) ---
"""Pipeline reference for scband-domain-embedding-49864570306677 (READ-ONLY COPY).

The authoritative reference and input builder live on the scoring server;
editing this copy changes nothing except your own understanding.
"""

import jax, jax.numpy as jnp
import numpy as np

ALL_DOMAINS_NUM = 1000000
MAX_DOMAINS_NUM = 20
DOMAIN_EMBEDDING_DIM = 32
BATCH = 16384


def setup_inputs(seed: int = 0) -> dict:
    key = jax.random.key(seed)
    k_idx, k_emb = jax.random.split(key)
    x = jax.random.randint(k_idx, (BATCH, MAX_DOMAINS_NUM), 0, ALL_DOMAINS_NUM, dtype=jnp.int64 if jax.config.jax_enable_x64 else jnp.int32)
    # nn.Embedding default init: N(0, 1)
    domain_emb_weight = jax.random.normal(k_emb, (ALL_DOMAINS_NUM, DOMAIN_EMBEDDING_DIM), dtype=jnp.float32)
    return {"x": x, "domain_emb_weight": domain_emb_weight}


def reference(x, domain_emb_weight):
    # Faithful translation of DomainEmbedding.forward: out = self.domain_emb(x)
    out = jnp.take(domain_emb_weight, x, axis=0)
    return out

if __name__ == "__main__":
    import jax
    _d = setup_inputs()
    print(jax.jit(kernel)(*tuple(_d.values())))

</pallas_src>

<mosaic_0001>
#map = affine_map<(d0, d1) -> (0)>
#map1 = affine_map<(d0, d1) -> (0, 0)>
#map2 = affine_map<(d0, d1) -> (0, 0, 0)>
module attributes {stable_mosaic.version = 14 : i64} {
  func.func @_emb_body(%arg0: i32, %arg1: i32, %arg2: memref<327680xi32, #tpu.memory_space<hbm>>, %arg3: memref<1000000x32xf32, #tpu.memory_space<hbm>>, %arg4: memref<16384x20x32xf32, #tpu.memory_space<hbm>>, %arg5: memref<10240xi32, #tpu.memory_space<vmem>>, %arg6: memref<2x320x32xf32, #tpu.memory_space<vmem>>, %arg7: memref<!tpu.dma_semaphore, #tpu.memory_space<semaphore_mem>>, %arg8: memref<!tpu.dma_semaphore, #tpu.memory_space<semaphore_mem>>) attributes {dimension_semantics = [#tpu.dimension_semantics<core_parallel>, #tpu.dimension_semantics<subcore_parallel>], iteration_bounds = array<i64: 2, 16>, scalar_prefetch = 0 : i64, scratch_operands = 4 : i64, tpu.core_type = #tpu.core_type<sc_vector_subcore>, window_params = [{transform_indices = #map}, {transform_indices = #map1}, {transform_indices = #map2}]} {
    %mul3A = arith.constant 2 : i32
    %mul3A_0 = arith.muli %arg1, %mul3A : i32
    %add3A = arith.addi %mul3A_0, %arg0 : i32
    %mul3A_1 = arith.constant 10240 : i32
    %mul3A_2 = arith.muli %add3A, %mul3A_1 : i32
    %mul3A_3 = arith.constant 512 : i32
    %mul3A_4 = arith.muli %add3A, %mul3A_3 : i32
    "tpu.region"() ({
      %run_scoped3A = tpu.sem_alloc : memref<!tpu.dma_semaphore, #tpu.memory_space<semaphore_mem>>
      %dma_start3A = tpu.memref_slice %arg2[%mul3A_2] : memref<327680xi32, #tpu.memory_space<hbm>> -> memref<10240xi32, #tpu.memory_space<hbm>>
      %dma_start3A_875 = tpu.memref_slice %arg2[%mul3A_2] : memref<327680xi32, #tpu.memory_space<hbm>> -> memref<10240xi32, #tpu.memory_space<hbm>>
      tpu.enqueue_dma source(%dma_start3A_875 : memref<10240xi32, #tpu.memory_space<hbm>>) target(%arg5 : memref<10240xi32, #tpu.memory_space<vmem>>) target_semaphore(%run_scoped3A : memref<!tpu.dma_semaphore, #tpu.memory_space<semaphore_mem>>)
      %dma_wait3A_876 = tpu.memref_slice %arg2[%mul3A_2] : memref<327680xi32, #tpu.memory_space<hbm>> -> memref<10240xi32, #tpu.memory_space<hbm>>
      %dma_wait3A_877 = tpu.memref_slice %arg2[%mul3A_2] : memref<327680xi32, #tpu.memory_space<hbm>> -> memref<10240xi32, #tpu.memory_space<hbm>>
      tpu.wait_dma2 semaphore(%run_scoped3A : memref<!tpu.dma_semaphore, #tpu.memory_space<semaphore_mem>>) src(%dma_wait3A_877 : memref<10240xi32, #tpu.memory_space<hbm>>) dst(%arg5 : memref<10240xi32, #tpu.memory_space<vmem>>)
      tpu.yield
    }) : () -> ()
    %scan3A = arith.constant 0 : i32
    %scan3A_5 = arith.constant 0 : i32
    %scan3A_6 = arith.constant 1 : i32
    %scan3A_7 = arith.constant 0 : i32
    %scan3A_8 = arith.constant 16 : i32
    %scan3A_9 = arith.addi %scan3A_7, %scan3A_8 : i32
    %scan3A_10 = arith.constant 1 : i32
    scf.for %scan3A_875 = %scan3A_7 to %scan3A_9 step %scan3A_10  : i32 {
      %mul3A_876 = arith.constant 2 : i32
      %mul3A_877 = arith.muli %mul3A_876, %scan3A_875 : i32
      %add3A_878 = arith.constant 1 : i32
      %add3A_879 = arith.addi %mul3A_877, %add3A_878 : i32
      %gt3A = arith.constant 0 : i32
      %gt3A_880 = arith.cmpi sgt, %scan3A_875, %gt3A : i32
      %convert_element_type3A = arith.extui %gt3A_880 : i1 to i32
      %cond3A = arith.constant 0 : i32
      %cond3A_881 = arith.cmpi ne, %convert_element_type3A, %cond3A : i32
      scf.if %cond3A_881 {
        %sub3A = arith.constant 2 : i32
        %sub3A_1790 = arith.subi %mul3A_877, %sub3A : i32
        %mul3A_1791 = arith.constant 16 : i32
        %mul3A_1792 = arith.muli %sub3A_1790, %mul3A_1791 : i32
        %add3A_1793 = arith.addi %mul3A_4, %mul3A_1792 : i32
        %add3A_1794 = arith.constant 0 : i32
        %add3A_1795 = arith.addi %add3A_1793, %add3A_1794 : i32
        %dma_wait3A_1796 = arith.constant 0 : i32
        %dma_wait3A_1797 = arith.constant 0 : i32
        %dma_wait3A_1798 = tpu.memref_slice %arg6[%scan3A_5, %dma_wait3A_1796, %dma_wait3A_1797] : memref<2x320x32xf32, #tpu.memory_space<vmem>> -> memref<1x320x32xf32, #tpu.memory_space<vmem>>
        %dma_wait3A_1799 = tpu.memref_squeeze %dma_wait3A_1798 : memref<1x320x32xf32, #tpu.memory_space<vmem>> -> memref<320x32xf32, #tpu.memory_space<vmem>>
        %dma_wait3A_1800 = arith.constant 0 : i32
        %dma_wait3A_1801 = arith.constant 0 : i32
        %dma_wait3A_1802 = tpu.memref_slice %dma_wait3A_1799[%dma_wait3A_1800, %dma_wait3A_1801] : memref<320x32xf32, #tpu.memory_space<vmem>> -> memref<20x32xf32, #tpu.memory_space<vmem>>
        %dma_wait3A_1803 = arith.constant 0 : i32
        %dma_wait3A_1804 = arith.constant 0 : i32
        %dma_wait3A_1805 = tpu.memref_slice %arg4[%add3A_1795, %dma_wait3A_1803, %dma_wait3A_1804] : memref<16384x20x32xf32, #tpu.memory_space<hbm>> -> memref<1x20x32xf32, #tpu.memory_space<hbm>>
        %dma_wait3A_1806 = tpu.memref_squeeze %dma_wait3A_1805 : memref<1x20x32xf32, #tpu.memory_space<hbm>> -> memref<20x32xf32, #tpu.memory_space<hbm>>
        %dma_wait3A_1807 = arith.constant 0 : i32
        %dma_wait3A_1808 = arith.constant 0 : i32
        %dma_wait3A_1809 = tpu.memref_slice %arg4[%add3A_1795, %dma_wait3A_1807, %dma_wait3A_1808] : memref<16384x20x32xf32, #tpu.memory_space<hbm>> -> memref<1x20x32xf32, #tpu.memory_space<hbm>>
        %dma_wait3A_1810 = tpu.memref_squeeze %dma_wait3A_1809 : memref<1x20x32xf32, #tpu.memory_space<hbm>> -> memref<20x32xf32, #tpu.memory_space<hbm>>
        %dma_wait3A_1811 = arith.constant 0 : i32
        %dma_wait3A_1812 = arith.constant 0 : i32
        %dma_wait3A_1813 = tpu.memref_slice %arg6[%scan3A_5, %dma_wait3A_1811, %dma_wait3A_1812] : memref<2x320x32xf32, #tpu.memory_space<vmem>> -> memref<1x320x32xf32, #tpu.memory_space<vmem>>
        %dma_wait3A_1814 = tpu.memref_squeeze %dma_wait3A_1813 : memref<1x320x32xf32, #tpu.memory_space<vmem>> -> memref<320x32xf32, #tpu.memory_space<vmem>>
        %dma_wait3A_1815 = arith.constant 0 : i32
        %dma_wait3A_1816 = arith.constant 0 : i32
        %dma_wait3A_1817 = tpu.memref_slice %dma_wait3A_1814[%dma_wait3A_1815, %dma_wait3A_1816] : memref<320x32xf32, #tpu.memory_space<vmem>> -> memref<20x32xf32, #tpu.memory_space<vmem>>
        tpu.wait_dma2 semaphore(%arg8 : memref<!tpu.dma_semaphore, #tpu.memory_space<semaphore_mem>>) src(%dma_wait3A_1817 : memref<20x32xf32, #tpu.memory_space<vmem>>) dst(%dma_wait3A_1810 : memref<20x32xf32, #tpu.memory_space<hbm>>)
        %mul3A_1818 = arith.constant 16 : i32
        %mul3A_1819 = arith.muli %sub3A_1790, %mul3A_1818 : i32
        %add3A_1820 = arith.addi %mul3A_4, %mul3A_1819 : i32
        %add3A_1821 = arith.constant 1 : i32
        %add3A_1822 = arith.addi %add3A_1820, %add3A_1821 : i32
        %dma_wait3A_1823 = arith.constant 0 : i32
        %dma_wait3A_1824 = arith.constant 0 : i32
        %dma_wait3A_1825 = tpu.memref_slice %arg6[%scan3A_5, %dma_wait3A_1823, %dma_wait3A_1824] : memref<2x320x32xf32, #tpu.memory_space<vmem>> -> memref<1x320x32xf32, #tpu.memory_space<vmem>>
        %dma_wait3A_1826 = tpu.memref_squeeze %dma_wait3A_1825 : memref<1x320x32xf32, #tpu.memory_space<vmem>> -> memref<320x32xf32, #tpu.memory_space<vmem>>
        %dma_wait3A_1827 = arith.constant 20 : i32
        %dma_wait3A_1828 = arith.constant 0 : i32
        %dma_wait3A_1829 = tpu.memref_slice %dma_wait3A_1826[%dma_wait3A_1827, %dma_wait3A_1828] : memref<320x32xf32, #tpu.memory_space<vmem>> -> memref<20x32xf32, #tpu.memory_space<vmem>>
        %dma_wait3A_1830 = arith.constant 0 : i32
        %dma_wait3A_1831 = arith.constant 0 : i32
        %dma_wait3A_1832 = tpu.memref_slice %arg4[%add3A_1822, %dma_wait3A_1830, %dma_wait3A_1831] : memref<16384x20x32xf32, #tpu.memory_space<hbm>> -> memref<1x20x32xf32, #tpu.memory_space<hbm>>
        %dma_wait3A_1833 = tpu.memref_squeeze %dma_wait3A_1832 : memref<1x20x32xf32, #tpu.memory_space<hbm>> -> memref<20x32xf32, #tpu.memory_space<hbm>>
        %dma_wait3A_1834 = arith.constant 0 : i32
        %dma_wait3A_1835 = arith.constant 0 : i32
        %dma_wait3A_1836 = tpu.memref_slice %arg4[%add3A_1822, %dma_wait3A_1834, %dma_wait3A_1835] : memref<16384x20x32xf32, #tpu.memory_space<hbm>> -> memref<1x20x32xf32, #tpu.memory_space<hbm>>
        %dma_wait3A_1837 = tpu.memref_squeeze %dma_wait3A_1836 : memref<1x20x32xf32, #tpu.memory_space<hbm>> -> memref<20x32xf32, #tpu.memory_space<hbm>>
        %dma_wait3A_1838 = arith.constant 0 : i32
        %dma_wait3A_1839 = arith.constant 0 : i32
        %dma_wait3A_1840 = tpu.memref_slice %arg6[%scan3A_5, %dma_wait3A_1838, %dma_wait3A_1839] : memref<2x320x32xf32, #tpu.memory_space<vmem>> -> memref<1x320x32xf32, #tpu.memory_space<vmem>>
        %dma_wait3A_1841 = tpu.memref_squeeze %dma_wait3A_1840 : memref<1x320x32xf32, #tpu.memory_space<vmem>> -> memref<320x32xf32, #tpu.memory_space<vmem>>
        %dma_wait3A_1842 = arith.constant 20 : i32
        %dma_wait3A_1843 = arith.constant 0 : i32
        %dma_wait3A_1844 = tpu.memref_slice %dma_wait3A_1841[%dma_wait3A_1842, %dma_wait3A_1843] : memref<320x32xf32, #tpu.memory_space<vmem>> -> memref<20x32xf32, #tpu.memory_space<vmem>>
        tpu.wait_dma2 semaphore(%arg8 : memref<!tpu.dma_semaphore, #tpu.memory_space<semaphore_mem>>) src(%dma_wait3A_1844 : memref<20x32xf32, #tpu.memory_space<vmem>>) dst(%dma_wait3A_1837 : memref<20x32xf32, #tpu.memory_space<hbm>>)
        %mul3A_1845 = arith.constant 16 : i32
        %mul3A_1846 = arith.muli %sub3A_1790, %mul3A_1845 : i32
        %add3A_1847 = arith.addi %mul3A_4, %mul3A_1846 : i32
        %add3A_1848 = arith.constant 2 : i32
        %add3A_1849 = arith.addi %add3A_1847, %add3A_1848 : i32
        %dma_wait3A_1850 = arith.constant 0 : i32
        %dma_wait3A_1851 = arith.constant 0 : i32
        %dma_wait3A_1852 = tpu.memref_slice %arg6[%scan3A_5, %dma_wait3A_1850, %dma_wait3A_1851] : memref<2x320x32xf32, #tpu.memory_space<vmem>> -> memref<1x320x32xf32, #tpu.memory_space<vmem>>
        %dma_wait3A_1853 = tpu.memref_squeeze %dma_wait3A_1852 : memref<1x320x32xf32, #tpu.memory_space<vmem>> -> memref<320x32xf32, #tpu.memory_space<vmem>>
        %dma_wait3A_1854 = arith.constant 40 : i32
        %dma_wait3A_1855 = arith.constant 0 : i32
        %dma_wait3A_1856 = tpu.memref_slice %dma_wait3A_1853[%dma_wait3A_1854, %dma_wait3A_1855] : memref<320x32xf32, #tpu.memory_space<vmem>> -> memref<20x32xf32, #tpu.memory_space<vmem>>
        %dma_wait3A_1857 = arith.constant 0 : i32
        %dma_wait3A_1858 = arith.constant 0 : i32
        %dma_wait3A_1859 = tpu.memref_slice %arg4[%add3A_1849, %dma_wait3A_1857, %dma_wait3A_1858] : memref<16384x20x32xf32, #tpu.memory_space<hbm>> -> memref<1x20x32xf32, #tpu.memory_space<hbm>>
        %dma_wait3A_1860 = tpu.memref_squeeze %dma_wait3A_1859 : memref<1x20x32xf32, #tpu.memory_space<hbm>> -> memref<20x32xf32, #tpu.memory_space<hbm>>
        %dma_wait3A_1861 = arith.constant 0 : i32
        %dma_wait3A_1862 = arith.constant 0 : i32
        %dma_wait3A_1863 = tpu.memref_slice %arg4[%add3A_1849, %dma_wait3A_1861, %dma_wait3A_1862] : memref<16384x20x32xf32, #tpu.memory_space<hbm>> -> memref<1x20x32xf32, #tpu.memory_space<hbm>>
        %dma_wait3A_1864 = tpu.memref_squeeze %dma_wait3A_1863 : memref<1x20x32xf32, #tpu.memory_space<hbm>> -> memref<20x32xf32, #tpu.memory_space<hbm>>
        %dma_wait3A_1865 = arith.constant 0 : i32
        %dma_wait3A_1866 = arith.constant 0 : i32
        %dma_wait3A_1867 = tpu.memref_slice %arg6[%scan3A_5, %dma_wait3A_1865, %dma_wait3A_1866] : memref<2x320x32xf32, #tpu.memory_space<vmem>> -> memref<1x320x32xf32, #tpu.memory_space<vmem>>
        %dma_wait3A_1868 = tpu.memref_squeeze %dma_wait3A_1867 : memref<1x320x32xf32, #tpu.memory_space<vmem>> -> memref<320x32xf32, #tpu.memory_space<vmem>>
        %dma_wait3A_1869 = arith.constant 40 : i32
        %dma_wait3A_1870 = arith.constant 0 : i32
        %dma_wait3A_1871 = tpu.memref_slice %dma_wait3A_1868[%dma_wait3A_1869, %dma_wait3A_1870] : memref<320x32xf32, #tpu.memory_space<vmem>> -> memref<20x32xf32, #tpu.memory_space<vmem>>
        tpu.wait_dma2 semaphore(%arg8 : memref<!tpu.dma_semaphore, #tpu.memory_space<semaphore_mem>>) src(%dma_wait3A_1871 : memref<20x32xf32, #tpu.memory_space<vmem>>) dst(%dma_wait3A_1864 : memref<20x32xf32, #tpu.memory_space<hbm>>)
        %mul3A_1872 = arith.constant 16 : i32
        %mul3A_1873 = arith.muli %sub3A_1790, %mul3A_1872 : i32
        %add3A_1874 = arith.addi %mul3A_4, %mul3A_1873 : i32
        %add3A_1875 = arith.constant 3 : i32
        %add3A_1876 = arith.addi %add3A_1874, %add3A_1875 : i32
        %dma_wait3A_1877 = arith.constant 0 : i32
        %dma_wait3A_1878 = arith.constant 0 : i32
        %dma_wait3A_1879 = tpu.memref_slice %arg6[%scan3A_5, %dma_wait3A_1877, %dma_wait3A_1878] : memref<2x320x32xf32, #tpu.memory_space<vmem>> -> memref<1x320x32xf32, #tpu.memory_space<vmem>>
        %dma_wait3A_1880 = tpu.memref_squeeze %dma_wait3A_1879 : memref<1x320x32xf32, #tpu.memory_space<vmem>> -> memref<320x32xf32, #tpu.memory_space<vmem>>
        %dma_wait3A_1881 = arith.constant 60 : i32
        %dma_wait3A_1882 = arith.constant 0 : i32
        %dma_wait3A_1883 = tpu.memref_slice %dma_wait3A_1880[%dma_wait3A_1881, %dma_wait3A_1882] : memref<320x32xf32, #tpu.memory_space<vmem>> -> memref<20x32xf32, #tpu.memory_space<vmem>>
        %dma_wait3A_1884 = arith.constant 0 : i32
        %dma_wait3A_1885 = arith.constant 0 : i32
        %dma_wait3A_1886 = tpu.memref_slice %arg4[%add3A_1876, %dma_wait3A_1884, %dma_wait3A_1885] : memref<16384x20x32xf32, #tpu.memory_space<hbm>> -> memref<1x20x32xf32, #tpu.memory_space<hbm>>
        %dma_wait3A_1887 = tpu.memref_squeeze %dma_wait3A_1886 : memref<1x20x32xf32, #tpu.memory_space<hbm>> -> memref<20x32xf32, #tpu.memory_space<hbm>>
        %dma_wait3A_1888 = arith.constant 0 : i32
        %dma_wait3A_1889 = arith.constant 0 : i32
        %dma_wait3A_1890 = tpu.memref_slice %arg4[%add3A_1876, %dma_wait3A_1888, %dma_wait3A_1889] : memref<16384x20x32xf32, #tpu.memory_space<hbm>> -> memref<1x20x32xf32, #tpu.memory_space<hbm>>
        %dma_wait3A_1891 = tpu.memref_squeeze %dma_wait3A_1890 : memref<1x20x32xf32, #tpu.memory_space<hbm>> -> memref<20x32xf32, #tpu.memory_space<hbm>>
        %dma_wait3A_1892 = arith.constant 0 : i32
        %dma_wait3A_1893 = arith.constant 0 : i32
        %dma_wait3A_1894 = tpu.memref_slice %arg6[%scan3A_5, %dma_wait3A_1892, %dma_wait3A_1893] : memref<2x320x32xf32, #tpu.memory_space<vmem>> -> memref<1x320x32xf32, #tpu.memory_space<vmem>>
        %dma_wait3A_1895 = tpu.memref_squeeze %dma_wait3A_1894 : memref<1x320x32xf32, #tpu.memory_space<vmem>> -> memref<320x32xf32, #tpu.memory_space<vmem>>
        %dma_wait3A_1896 = arith.constant 60 : i32
        %dma_wait3A_1897 = arith.constant 0 : i32
        %dma_wait3A_1898 = tpu.memref_slice %dma_wait3A_1895[%dma_wait3A_1896, %dma_wait3A_1897] : memref<320x32xf32, #tpu.memory_space<vmem>> -> memref<20x32xf32, #tpu.memory_space<vmem>>
        tpu.wait_dma2 semaphore(%arg8 : memref<!tpu.dma_semaphore, #tpu.memory_space<semaphore_mem>>) src(%dma_wait3A_1898 : memref<20x32xf32, #tpu.memory_space<vmem>>) dst(%dma_wait3A_1891 : memref<20x32xf32, #tpu.memory_space<hbm>>)
        %mul3A_1899 = arith.constant 16 : i32
        %mul3A_1900 = arith.muli %sub3A_1790, %mul3A_1899 : i32
        %add3A_1901 = arith.addi %mul3A_4, %mul3A_1900 : i32
        %add3A_1902 = arith.constant 4 : i32
        %add3A_1903 = arith.addi %add3A_1901, %add3A_1902 : i32
        %dma_wait3A_1904 = arith.constant 0 : i32
        %dma_wait3A_1905 = arith.constant 0 : i32
        %dma_wait3A_1906 = tpu.memref_slice %arg6[%scan3A_5, %dma_wait3A_1904, %dma_wait3A_1905] : memref<2x320x32xf32, #tpu.memory_space<vmem>> -> memref<1x320x32xf32, #tpu.memory_space<vmem>>
        %dma_wait3A_1907 = tpu.memref_squeeze %dma_wait3A_1906 : memref<1x320x32xf32, #tpu.memory_space<vmem>> -> memref<320x32xf32, #tpu.memory_space<vmem>>
        %dma_wait3A_1908 = arith.constant 80 : i32
        %dma_wait3A_1909 = arith.constant 0 : i32
        %dma_wait3A_1910 = tpu.memref_slice %dma_wait3A_1907[%dma_wait3A_1908, %dma_wait3A_1909] : memref<320x32xf32, #tpu.memory_space<vmem>> -> memref<20x32xf32, #tpu.memory_space<vmem>>
        %dma_wait3A_1911 = arith.constant 0 : i32
        %dma_wait3A_1912 = arith.constant 0 : i32
        %dma_wait3A_1913 = tpu.memref_slice %arg4[%add3A_1903, %dma_wait3A_1911, %dma_wait3A_1912] : memref<16384x20x32xf32, #tpu.memory_space<hbm>> -> memref<1x20x32xf32, #tpu.memory_space<hbm>>
        %dma_wait3A_1914 = tpu.memref_squeeze %dma_wait3A_1913 : memref<1x20x32xf32, #tpu.memory_space<hbm>> -> memref<20x32xf32, #tpu.memory_space<hbm>>
        %dma_wait3A_1915 = arith.constant 0 : i32
        %dma_wait3A_1916 = arith.constant 0 : i32
        %dma_wait3A_1917 = tpu.memref_slice %arg4[%add3A_1903, %dma_wait3A_1915, %dma_wait3A_1916] : memref<16384x20x32xf32, #tpu.memory_space<hbm>> -> memref<1x20x32xf32, #tpu.memory_space<hbm>>
        %dma_wait3A_1918 = tpu.memref_squeeze %dma_wait3A_1917 : memref<1x20x32xf32, #tpu.memory_space<hbm>> -> memref<20x32xf32, #tpu.memory_space<hbm>>
        %dma_wait3A_1919 = arith.constant 0 : i32
        %dma_wait3A_1920 = arith.constant 0 : i32
        %dma_wait3A_1921 = tpu.memref_slice %arg6[%scan3A_5, %dma_wait3A_1919, %dma_wait3A_1920] : memref<2x320x32xf32, #tpu.memory_space<vmem>> -> memref<1x320x32xf32, #tpu.memory_space<vmem>>
        %dma_wait3A_1922 = tpu.memref_squeeze %dma_wait3A_1921 : memref<1x320x32xf32, #tpu.memory_space<vmem>> -> memref<320x32xf32, #tpu.memory_space<vmem>>
        %dma_wait3A_1923 = arith.constant 80 : i32
        %dma_wait3A_1924 = arith.constant 0 : i32
        %dma_wait3A_1925 = tpu.memref_slice %dma_wait3A_1922[%dma_wait3A_1923, %dma_wait3A_1924] : memref<320x32xf32, #tpu.memory_space<vmem>> -> memref<20x32xf32, #tpu.memory_space<vmem>>
        tpu.wait_dma2 semaphore(%arg8 : memref<!tpu.dma_semaphore, #tpu.memory_space<semaphore_mem>>) src(%dma_wait3A_1925 : memref<20x32xf32, #tpu.memory_space<vmem>>) dst(%dma_wait3A_1918 : memref<20x32xf32, #tpu.memory_space<hbm>>)
        %mul3A_1926 = arith.constant 16 : i32
        %mul3A_1927 = arith.muli %sub3A_1790, %mul3A_1926 : i32
        %add3A_1928 = arith.addi %mul3A_4, %mul3A_1927 : i32
        %add3A_1929 = arith.constant 5 : i32
        %add3A_1930 = arith.addi %add3A_1928, %add3A_1929 : i32
        %dma_wait3A_1931 = arith.constant 0 : i32
        %dma_wait3A_1932 = arith.constant 0 : i32
        %dma_wait3A_1933 = tpu.memref_slice %arg6[%scan3A_5, %dma_wait3A_1931, %dma_wait3A_1932] : memref<2x320x32xf32, #tpu.memory_space<vmem>> -> memref<1x320x32xf32, #tpu.memory_space<vmem>>
        %dma_wait3A_1934 = tpu.memref_squeeze %dma_wait3A_1933 : memref<1x320x32xf32, #tpu.memory_space<vmem>> -> memref<320x32xf32, #tpu.memory_space<vmem>>
        %dma_wait3A_1935 = arith.constant 100 : i32
        %dma_wait3A_1936 = arith.constant 0 : i32
        %dma_wait3A_1937 = tpu.memref_slice %dma_wait3A_1934[%dma_wait3A_1935, %dma_wait3A_1936] : memref<320x32xf32, #tpu.memory_space<vmem>> -> memref<20x32xf32, #tpu.memory_space<vmem>>
        %dma_wait3A_1938 = arith.constant 0 : i32
        %dma_wait3A_1939 = arith.constant 0 : i32
        %dma_wait3A_1940 = tpu.memref_slice %arg4[%add3A_1930, %dma_wait3A_1938, %dma_wait3A_1939] : memref<16384x20x32xf32, #tpu.memory_space<hbm>> -> memref<1x20x32xf32, #tpu.memory_space<hbm>>
        %dma_wait3A_1941 = tpu.memref_squeeze %dma_wait3A_1940 : memref<1x20x32xf32, #tpu.memory_space<hbm>> -> memref<20x32xf32, #tpu.memory_space<hbm>>
        %dma_wait3A_1942 = arith.constant 0 : i32
        %dma_wait3A_1943 = arith.constant 0 : i32
        %dma_wait3A_1944 = tpu.memref_slice %arg4[%add3A_1930, %dma_wait3A_1942, %dma_wait3A_1943] : memref<16384x20x32xf32, #tpu.memory_space<hbm>> -> memref<1x20x32xf32, #tpu.memory_space<hbm>>
        %dma_wait3A_1945 = tpu.memref_squeeze %dma_wait3A_1944 : memref<1x20x32xf32, #tpu.memory_space<hbm>> -> memref<20x32xf32, #tpu.memory_space<hbm>>
        %dma_wait3A_1946 = arith.constant 0 : i32
        %dma_wait3A_1947 = arith.constant 0 : i32
        %dma_wait3A_1948 = tpu.memref_slice %arg6[%scan3A_5, %dma_wait3A_1946, %dma_wait3A_1947] : memref<2x320x32xf32, #tpu.memory_space<vmem>> -> memref<1x320x32xf32, #tpu.memory_space<vmem>>
        %dma_wait3A_1949 = tpu.memref_squeeze %dma_wait3A_1948 : memref<1x320x32xf32, #tpu.memory_space<vmem>> -> memref<320x32xf32, #tpu.memory_space<vmem>>
        %dma_wait3A_1950 = arith.constant 100 : i32
        %dma_wait3A_1951 = arith.constant 0 : i32
        %dma_wait3A_1952 = tpu.memref_slice %dma_wait3A_1949[%dma_wait3A_1950, %dma_wait3A_1951] : memref<320x32xf32, #tpu.memory_space<vmem>> -> memref<20x32xf32, #tpu.memory_space<vmem>>
        tpu.wait_dma2 semaphore(%arg8 : memref<!tpu.dma_semaphore, #tpu.memory_space<semaphore_mem>>) src(%dma_wait3A_1952 : memref<20x32xf32, #tpu.memory_space<vmem>>) dst(%dma_wait3A_1945 : memref<20x32xf32, #tpu.memory_space<hbm>>)
        %mul3A_1953 = arith.constant 16 : i32
        %mul3A_1954 = arith.muli %sub3A_1790, %mul3A_1953 : i32
        %add3A_1955 = arith.addi %mul3A_4, %mul3A_1954 : i32
        %add3A_1956 = arith.constant 6 : i32
        %add3A_1957 = arith.addi %add3A_1955, %add3A_1956 : i32
        %dma_wait3A_1958 = arith.constant 0 : i32
        %dma_wait3A_1959 = arith.constant 0 : i32
        %dma_wait3A_1960 = tpu.memref_slice %arg6[%scan3A_5, %dma_wait3A_1958, %dma_wait3A_1959] : memref<2x320x32xf32, #tpu.memory_space<vmem>> -> memref<1x320x32xf32, #tpu.memory_space<vmem>>
        %dma_wait3A_1961 = tpu.memref_squeeze %dma_wait3A_1960 : memref<1x320x32xf32, #tpu.memory_space<vmem>> -> memref<320x32xf32, #tpu.memory_space<vmem>>
        %dma_wait3A_1962 = arith.constant 120 : i32
        %dma_wait3A_1963 = arith.constant 0 : i32
        %dma_wait3A_1964 = tpu.memref_slice %dma_wait3A_1961[%dma_wait3A_1962, %dma_wait3A_1963] : memref<320x32xf32, #tpu.memory_space<vmem>> -> memref<20x32xf32, #tpu.memory_space<vmem>>
        %dma_wait3A_1965 = arith.constant 0 : i32
        %dma_wait3A_1966 = arith.constant 0 : i32
        %dma_wait3A_1967 = tpu.memref_slice %arg4[%add3A_1957, %dma_wait3A_1965, %dma_wait3A_1966] : memref<16384x20x32xf32, #tpu.memory_space<hbm>> -> memref<1x20x32xf32, #tpu.memory_space<hbm>>
        %dma_wait3A_1968 = tpu.memref_squeeze %dma_wait3A_1967 : memref<1x20x32xf32, #tpu.memory_space<hbm>> -> memref<20x32xf32, #tpu.memory_space<hbm>>
        %dma_wait3A_1969 = arith.constant 0 : i32
        %dma_wait3A_1970 = arith.constant 0 : i32
        %dma_wait3A_1971 = tpu.memref_slice %arg4[%add3A_1957, %dma_wait3A_1969, %dma_wait3A_1970] : memref<16384x20x32xf32, #tpu.memory_space<hbm>> -> memref<1x20x32xf32, #tpu.memory_space<hbm>>
        %dma_wait3A_1972 = tpu.memref_squeeze %dma_wait3A_1971 : memref<1x20x32xf32, #tpu.memory_space<hbm>> -> memref<20x32xf32, #tpu.memory_space<hbm>>
        %dma_wait3A_1973 = arith.constant 0 : i32
        %dma_wait3A_1974 = arith.constant 0 : i32
        %dma_wait3A_1975 = tpu.memref_slice %arg6[%scan3A_5, %dma_wait3A_1973, %dma_wait3A_1974] : memref<2x320x32xf32, #tpu.memory_space<vmem>> -> memref<1x320x32xf32, #tpu.memory_space<vmem>>
        %dma_wait3A_1976 = tpu.memref_squeeze %dma_wait3A_1975 : memref<1x320x32xf32, #tpu.memory_space<vmem>> -> memref<320x32xf32, #tpu.memory_space<vmem>>
        %dma_wait3A_1977 = arith.constant 120 : i32
        %dma_wait3A_1978 = arith.constant 0 : i32
        %dma_wait3A_1979 = tpu.memref_slice %dma_wait3A_1976[%dma_wait3A_1977, %dma_wait3A_1978] : memref<320x32xf32, #tpu.memory_space<vmem>> -> memref<20x32xf32, #tpu.memory_space<vmem>>
        tpu.wait_dma2 semaphore(%arg8 : memref<!tpu.dma_semaphore, #tpu.memory_space<semaphore_mem>>) src(%dma_wait3A_1979 : memref<20x32xf32, #tpu.memory_space<vmem>>) dst(%dma_wait3A_1972 : memref<20x32xf32, #tpu.memory_space<hbm>>)
        %mul3A_1980 = arith.constant 16 : i32
        %mul3A_1981 = arith.muli %sub3A_1790, %mul3A_1980 : i32
        %add3A_1982 = arith.addi %mul3A_4, %mul3A_1981 : i32
        %add3A_1983 = arith.constant 7 : i32
        %add3A_1984 = arith.addi %add3A_1982, %add3A_1983 : i32
        %dma_wait3A_1985 = arith.constant 0 : i32
        %dma_wait3A_1986 = arith.constant 0 : i32
        %dma_wait3A_1987 = tpu.memref_slice %arg6[%scan3A_5, %dma_wait3A_1985, %dma_wait3A_1986] : memref<2x320x32xf32, #tpu.memory_space<vmem>> -> memref<1x320x32xf32, #tpu.memory_space<vmem>>
        %dma_wait3A_1988 = tpu.memref_squeeze %dma_wait3A_1987 : memref<1x320x32xf32, #tpu.memory_space<vmem>> -> memref<320x32xf32, #tpu.memory_space<vmem>>
        %dma_wait3A_1989 = arith.constant 140 : i32
        %dma_wait3A_1990 = arith.constant 0 : i32
        %dma_wait3A_1991 = tpu.memref_slice %dma_wait3A_1988[%dma_wait3A_1989, %dma_wait3A_1990] : memref<320x32xf32, #tpu.memory_space<vmem>> -> memref<20x32xf32, #tpu.memory_space<vmem>>
        %dma_wait3A_1992 = arith.constant 0 : i32
        %dma_wait3A_1993 = arith.constant 0 : i32
        %dma_wait3A_1994 = tpu.memref_slice %arg4[%add3A_1984, %dma_wait3A_1992, %dma_wait3A_1993] : memref<16384x20x32xf32, #tpu.memory_space<hbm>> -> memref<1x20x32xf32, #tpu.memory_space<hbm>>
        %dma_wait3A_1995 = tpu.memref_squeeze %dma_wait3A_1994 : memref<1x20x32xf32, #tpu.memory_space<hbm>> -> memref<20x32xf32, #tpu.memory_space<hbm>>
        %dma_wait3A_1996 = arith.constant 0 : i32
        %dma_wait3A_1997 = arith.constant 0 : i32
        %dma_wait3A_1998 = tpu.memref_slice %arg4[%add3A_1984, %dma_wait3A_1996, %dma_wait3A_1997] : memref<16384x20x32xf32, #tpu.memory_space<hbm>> -> memref<1x20x32xf32, #tpu.memory_space<hbm>>
        %dma_wait3A_1999 = tpu.memref_squeeze %dma_wait3A_1998 : memref<1x20x32xf32, #tpu.memory_space<hbm>> -> memref<20x32xf32, #tpu.memory_space<hbm>>
        %dma_wait3A_2000 = arith.constant 0 : i32
        %dma_wait3A_2001 = arith.constant 0 : i32
        %dma_wait3A_2002 = tpu.memref_slice %arg6[%scan3A_5, %dma_wait3A_2000, %dma_wait3A_2001] : memref<2x320x32xf32, #tpu.memory_space<vmem>> -> memref<1x320x32xf32, #tpu.memory_space<vmem>>
        %dma_wait3A_2003 = tpu.memref_squeeze %dma_wait3A_2002 : memref<1x320x32xf32, #tpu.memory_space<vmem>> -> memref<320x32xf32, #tpu.memory_space<vmem>>
        %dma_wait3A_2004 = arith.constant 140 : i32
        %dma_wait3A_2005 = arith.constant 0 : i32
        %dma_wait3A_2006 = tpu.memref_slice %dma_wait3A_2003[%dma_wait3A_2004, %dma_wait3A_2005] : memref<320x32xf32, #tpu.memory_space<vmem>> -> memref<20x32xf32, #tpu.memory_space<vmem>>
        tpu.wait_dma2 semaphore(%arg8 : memref<!tpu.dma_semaphore, #tpu.memory_space<semaphore_mem>>) src(%dma_wait3A_2006 : memref<20x32xf32, #tpu.memory_space<vmem>>) dst(%dma_wait3A_1999 : memref<20x32xf32, #tpu.memory_space<hbm>>)
        %mul3A_2007 = arith.constant 16 : i32
        %mul3A_2008 = arith.muli %sub3A_1790, %mul3A_2007 : i32
        %add3A_2009 = arith.addi %mul3A_4, %mul3A_2008 : i32
        %add3A_2010 = arith.constant 8 : i32
        %add3A_2011 = arith.addi %add3A_2009, %add3A_2010 : i32
        %dma_wait3A_2012 = arith.constant 0 : i32
        %dma_wait3A_2013 = arith.constant 0 : i32
        %dma_wait3A_2014 = tpu.memref_slice %arg6[%scan3A_5, %dma_wait3A_2012, %dma_wait3A_2013] : memref<2x320x32xf32, #tpu.memory_space<vmem>> -> memref<1x320x32xf32, #tpu.memory_space<vmem>>
        %dma_wait3A_2015 = tpu.memref_squeeze %dma_wait3A_2014 : memref<1x320x32xf32, #tpu.memory_space<vmem>> -> memref<320x32xf32, #tpu.memory_space<vmem>>
        %dma_wait3A_2016 = arith.constant 160 : i32
        %dma_wait3A_2017 = arith.constant 0 : i32
        %dma_wait3A_2018 = tpu.memref_slice %dma_wait3A_2015[%dma_wait3A_2016, %dma_wait3A_2017] : memref<320x32xf32, #tpu.memory_space<vmem>> -> memref<20x32xf32, #tpu.memory_space<vmem>>
        %dma_wait3A_2019 = arith.constant 0 : i32
        %dma_wait3A_2020 = arith.constant 0 : i32
        %dma_wait3A_2021 = tpu.memref_slice %arg4[%add3A_2011, %dma_wait3A_2019, %dma_wait3A_2020] : memref<16384x20x32xf32, #tpu.memory_space<hbm>> -> memref<1x20x32xf32, #tpu.memory_space<hbm>>
        %dma_wait3A_2022 = tpu.memref_squeeze %dma_wait3A_2021 : memref<1x20x32xf32, #tpu.memory_space<hbm>> -> memref<20x32xf32, #tpu.memory_space<hbm>>
        %dma_wait3A_2023 = arith.constant 0 : i32
        %dma_wait3A_2024 = arith.constant 0 : i32
        %dma_wait3A_2025 = tpu.memref_slice %arg4[%add3A_2011, %dma_wait3A_2023, %dma_wait3A_2024] : memref<16384x20x32xf32, #tpu.memory_space<hbm>> -> memref<1x20x32xf32, #tpu.memory_space<hbm>>
        %dma_wait3A_2026 = tpu.memref_squeeze %dma_wait3A_2025 : memref<1x20x32xf32, #tpu.memory_space<hbm>> -> memref<20x32xf32, #tpu.memory_space<hbm>>
        %dma_wait3A_2027 = arith.constant 0 : i32
        %dma_wait3A_2028 = arith.constant 0 : i32
        %dma_wait3A_2029 = tpu.memref_slice %arg6[%scan3A_5, %dma_wait3A_2027, %dma_wait3A_2028] : memref<2x320x32xf32, #tpu.memory_space<vmem>> -> memref<1x320x32xf32, #tpu.memory_space<vmem>>
        %dma_wait3A_2030 = tpu.memref_squeeze %dma_wait3A_2029 : memref<1x320x32xf32, #tpu.memory_space<vmem>> -> memref<320x32xf32, #tpu.memory_space<vmem>>
        %dma_wait3A_2031 = arith.constant 160 : i32
        %dma_wait3A_2032 = arith.constant 0 : i32
        %dma_wait3A_2033 = tpu.memref_slice %dma_wait3A_2030[%dma_wait3A_2031, %dma_wait3A_2032] : memref<320x32xf32, #tpu.memory_space<vmem>> -> memref<20x32xf32, #tpu.memory_space<vmem>>
        tpu.wait_dma2 semaphore(%arg8 : memref<!tpu.dma_semaphore, #tpu.memory_space<semaphore_mem>>) src(%dma_wait3A_2033 : memref<20x32xf32, #tpu.memory_space<vmem>>) dst(%dma_wait3A_2026 : memref<20x32xf32, #tpu.memory_space<hbm>>)
        %mul3A_2034 = arith.constant 16 : i32
        %mul3A_2035 = arith.muli %sub3A_1790, %mul3A_2034 : i32
        %add3A_2036 = arith.addi %mul3A_4, %mul3A_2035 : i32
        %add3A_2037 = arith.constant 9 : i32
        %add3A_2038 = arith.addi %add3A_2036, %add3A_2037 : i32
        %dma_wait3A_2039 = arith.constant 0 : i32
        %dma_wait3A_2040 = arith.constant 0 : i32
        %dma_wait3A_2041 = tpu.memref_slice %arg6[%scan3A_5, %dma_wait3A_2039, %dma_wait3A_2040] : memref<2x320x32xf32, #tpu.memory_space<vmem>> -> memref<1x320x32xf32, #tpu.memory_space<vmem>>
        %dma_wait3A_2042 = tpu.memref_squeeze %dma_wait3A_2041 : memref<1x320x32xf32, #tpu.memory_space<vmem>> -> memref<320x32xf32, #tpu.memory_space<vmem>>
        %dma_wait3A_2043 = arith.constant 180 : i32
        %dma_wait3A_2044 = arith.constant 0 : i32
        %dma_wait3A_2045 = tpu.memref_slice %dma_wait3A_2042[%dma_wait3A_2043, %dma_wait3A_2044] : memref<320x32xf32, #tpu.memory_space<vmem>> -> memref<20x32xf32, #tpu.memory_space<vmem>>
        %dma_wait3A_2046 = arith.constant 0 : i32
        %dma_wait3A_2047 = arith.constant 0 : i32
        %dma_wait3A_2048 = tpu.memref_slice %arg4[%add3A_2038, %dma_wait3A_2046, %dma_wait3A_2047] : memref<16384x20x32xf32, #tpu.memory_space<hbm>> -> memref<1x20x32xf32, #tpu.memory_space<hbm>>
        %dma_wait3A_2049 = tpu.memref_squeeze %dma_wait3A_2048 : memref<1x20x32xf32, #tpu.memory_space<hbm>> -> memref<20x32xf32, #tpu.memory_space<hbm>>
        %dma_wait3A_2050 = arith.constant 0 : i32
        %dma_wait3A_2051 = arith.constant 0 : i32
        %dma_wait3A_2052 = tpu.memref_slice %arg4[%add3A_2038, %dma_wait3A_2050, %dma_wait3A_2051] : memref<16384x20x32xf32, #tpu.memory_space<hbm>> -> memref<1x20x32xf32, #tpu.memory_space<hbm>>
        %dma_wait3A_2053 = tpu.memref_squeeze %dma_wait3A_2052 : memref<1x20x32xf32, #tpu.memory_space<hbm>> -> memref<20x32xf32, #tpu.memory_space<hbm>>
        %dma_wait3A_2054 = arith.constant 0 : i32
        %dma_wait3A_2055 = arith.constant 0 : i32
        %dma_wait3A_2056 = tpu.memref_slice %arg6[%scan3A_5, %dma_wait3A_2054, %dma_wait3A_2055] : memref<2x320x32xf32, #tpu.memory_space<vmem>> -> memref<1x320x32xf32, #tpu.memory_space<vmem>>
        %dma_wait3A_2057 = tpu.memref_squeeze %dma_wait3A_2056 : memref<1x320x32xf32, #tpu.memory_space<vmem>> -> memref<320x32xf32, #tpu.memory_space<vmem>>
        %dma_wait3A_2058 = arith.constant 180 : i32
        %dma_wait3A_2059 = arith.constant 0 : i32
        %dma_wait3A_2060 = tpu.memref_slice %dma_wait3A_2057[%dma_wait3A_2058, %dma_wait3A_2059] : memref<320x32xf32, #tpu.memory_space<vmem>> -> memref<20x32xf32, #tpu.memory_space<vmem>>
        tpu.wait_dma2 semaphore(%arg8 : memref<!tpu.dma_semaphore, #tpu.memory_space<semaphore_mem>>) src(%dma_wait3A_2060 : memref<20x32xf32, #tpu.memory_space<vmem>>) dst(%dma_wait3A_2053 : memref<20x32xf32, #tpu.memory_space<hbm>>)
        %mul3A_2061 = arith.constant 16 : i32
        %mul3A_2062 = arith.muli %sub3A_1790, %mul3A_2061 : i32
        %add3A_2063 = arith.addi %mul3A_4, %mul3A_2062 : i32
        %add3A_2064 = arith.constant 10 : i32
        %add3A_2065 = arith.addi %add3A_2063, %add3A_2064 : i32
        %dma_wait3A_2066 = arith.constant 0 : i32
        %dma_wait3A_2067 = arith.constant 0 : i32
        %dma_wait3A_2068 = tpu.memref_slice %arg6[%scan3A_5, %dma_wait3A_2066, %dma_wait3A_2067] : memref<2x320x32xf32, #tpu.memory_space<vmem>> -> memref<1x320x32xf32, #tpu.memory_space<vmem>>
        %dma_wait3A_2069 = tpu.memref_squeeze %dma_wait3A_2068 : memref<1x320x32xf32, #tpu.memory_space<vmem>> -> memref<320x32xf32, #tpu.memory_space<vmem>>
        %dma_wait3A_2070 = arith.constant 200 : i32
        %dma_wait3A_2071 = arith.constant 0 : i32
        %dma_wait3A_2072 = tpu.memref_slice %dma_wait3A_2069[%dma_wait3A_2070, %dma_wait3A_2071] : memref<320x32xf32, #tpu.memory_space<vmem>> -> memref<20x32xf32, #tpu.memory_space<vmem>>
        %dma_wait3A_2073 = arith.constant 0 : i32
        %dma_wait3A_2074 = arith.constant 0 : i32
        %dma_wait3A_2075 = tpu.memref_slice %arg4[%add3A_2065, %dma_wait3A_2073, %dma_wait3A_2074] : memref<16384x20x32xf32, #tpu.memory_space<hbm>> -> memref<1x20x32xf32, #tpu.memory_space<hbm>>
        %dma_wait3A_2076 = tpu.memref_squeeze %dma_wait3A_2075 : memref<1x20x32xf32, #tpu.memory_space<hbm>> -> memref<20x32xf32, #tpu.memory_space<hbm>>
        %dma_wait3A_2077 = arith.constant 0 : i32
        %dma_wait3A_2078 = arith.constant 0 : i32
        %dma_wait3A_2079 = tpu.memref_slice %arg4[%add3A_2065, %dma_wait3A_2077, %dma_wait3A_2078] : memref<16384x20x32xf32, #tpu.memory_space<hbm>> -> memref<1x20x32xf32, #tpu.memory_space<hbm>>
        %dma_wait3A_2080 = tpu.memref_squeeze %dma_wait3A_2079 : memref<1x20x32xf32, #tpu.memory_space<hbm>> -> memref<20x32xf32, #tpu.memory_space<hbm>>
        %dma_wait3A_2081 = arith.constant 0 : i32
        %dma_wait3A_2082 = arith.constant 0 : i32
        %dma_wait3A_2083 = tpu.memref_slice %arg6[%scan3A_5, %dma_wait3A_2081, %dma_wait3A_2082] : memref<2x320x32xf32, #tpu.memory_space<vmem>> -> memref<1x320x32xf32, #tpu.memory_space<vmem>>
        %dma_wait3A_2084 = tpu.memref_squeeze %dma_wait3A_2083 : memref<1x320x32xf32, #tpu.memory_space<vmem>> -> memref<320x32xf32, #tpu.memory_space<vmem>>
        %dma_wait3A_2085 = arith.constant 200 : i32
        %dma_wait3A_2086 = arith.constant 0 : i32
        %dma_wait3A_2087 = tpu.memref_slice %dma_wait3A_2084[%dma_wait3A_2085, %dma_wait3A_2086] : memref<320x32xf32, #tpu.memory_space<vmem>> -> memref<20x32xf32, #tpu.memory_space<vmem>>
        tpu.wait_dma2 semaphore(%arg8 : memref<!tpu.dma_semaphore, #tpu.memory_space<semaphore_mem>>) src(%dma_wait3A_2087 : memref<20x32xf32, #tpu.memory_space<vmem>>) dst(%dma_wait3A_2080 : memref<20x32xf32, #tpu.memory_space<hbm>>)
        %mul3A_2088 = arith.constant 16 : i32
        %mul3A_2089 = arith.muli %sub3A_1790, %mul3A_2088 : i32
        %add3A_2090 = arith.addi %mul3A_4, %mul3A_2089 : i32
        %add3A_2091 = arith.constant 11 : i32
        %add3A_2092 = arith.addi %add3A_2090, %add3A_2091 : i32
        %dma_wait3A_2093 = arith.constant 0 : i32
        %dma_wait3A_2094 = arith.constant 0 : i32
        %dma_wait3A_2095 = tpu.memref_slice %arg6[%scan3A_5, %dma_wait3A_2093, %dma_wait3A_2094] : memref<2x320x32xf32, #tpu.memory_space<vmem>> -> memref<1x320x32xf32, #tpu.memory_space<vmem>>
        %dma_wait3A_2096 = tpu.memref_squeeze %dma_wait3A_2095 : memref<1x320x32xf32, #tpu.memory_space<vmem>> -> memref<320x32xf32, #tpu.memory_space<vmem>>
        %dma_wait3A_2097 = arith.constant 220 : i32
        %dma_wait3A_2098 = arith.constant 0 : i32
        %dma_wait3A_2099 = tpu.memref_slice %dma_wait3A_2096[%dma_wait3A_2097, %dma_wait3A_2098] : memref<320x32xf32, #tpu.memory_space<vmem>> -> memref<20x32xf32, #tpu.memory_space<vmem>>
        %dma_wait3A_2100 = arith.constant 0 : i32
        %dma_wait3A_2101 = arith.constant 0 : i32
        %dma_wait3A_2102 = tpu.memref_slice %arg4[%add3A_2092, %dma_wait3A_2100, %dma_wait3A_2101] : memref<16384x20x32xf32, #tpu.memory_space<hbm>> -> memref<1x20x32xf32, #tpu.memory_space<hbm>>
        %dma_wait3A_2103 = tpu.memref_squeeze %dma_wait3A_2102 : memref<1x20x32xf32, #tpu.memory_space<hbm>> -> memref<20x32xf32, #tpu.memory_space<hbm>>
        %dma_wait3A_2104 = arith.constant 0 : i32
        %dma_wait3A_2105 = arith.constant 0 : i32
        %dma_wait3A_2106 = tpu.memref_slice %arg4[%add3A_2092, %dma_wait3A_2104, %dma_wait3A_2105] : memref<16384x20x32xf32, #tpu.memory_space<hbm>> -> memref<1x20x32xf32, #tpu.memory_space<hbm>>
        %dma_wait3A_2107 = tpu.memref_squeeze %dma_wait3A_2106 : memref<1x20x32xf32, #tpu.memory_space<hbm>> -> memref<20x32xf32, #tpu.memory_space<hbm>>
        %dma_wait3A_2108 = arith.constant 0 : i32
        %dma_wait3A_2109 = arith.constant 0 : i32
        %dma_wait3A_2110 = tpu.memref_slice %arg6[%scan3A_5, %dma_wait3A_2108, %dma_wait3A_2109] : memref<2x320x32xf32, #tpu.memory_space<vmem>> -> memref<1x320x32xf32, #tpu.memory_space<vmem>>
        %dma_wait3A_2111 = tpu.memref_squeeze %dma_wait3A_2110 : memref<1x320x32xf32, #tpu.memory_space<vmem>> -> memref<320x32xf32, #tpu.memory_space<vmem>>
        %dma_wait3A_2112 = arith.constant 220 : i32
        %dma_wait3A_2113 = arith.constant 0 : i32
        %dma_wait3A_2114 = tpu.memref_slice %dma_wait3A_2111[%dma_wait3A_2112, %dma_wait3A_2113] : memref<320x32xf32, #tpu.memory_space<vmem>> -> memref<20x32xf32, #tpu.memory_space<vmem>>
        tpu.wait_dma2 semaphore(%arg8 : memref<!tpu.dma_semaphore, #tpu.memory_space<semaphore_mem>>) src(%dma_wait3A_2114 : memref<20x32xf32, #tpu.memory_space<vmem>>) dst(%dma_wait3A_2107 : memref<20x32xf32, #tpu.memory_space<hbm>>)
        %mul3A_2115 = arith.constant 16 : i32
        %mul3A_2116 = arith.muli %sub3A_1790, %mul3A_2115 : i32
        %add3A_2117 = arith.addi %mul3A_4, %mul3A_2116 : i32
        %add3A_2118 = arith.constant 12 : i32
        %add3A_2119 = arith.addi %add3A_2117, %add3A_2118 : i32
        %dma_wait3A_2120 = arith.constant 0 : i32
        %dma_wait3A_2121 = arith.constant 0 : i32
        %dma_wait3A_2122 = tpu.memref_slice %arg6[%scan3A_5, %dma_wait3A_2120, %dma_wait3A_2121] : memref<2x320x32xf32, #tpu.memory_space<vmem>> -> memref<1x320x32xf32, #tpu.memory_space<vmem>>
        %dma_wait3A_2123 = tpu.memref_squeeze %dma_wait3A_2122 : memref<1x320x32xf32, #tpu.memory_space<vmem>> -> memref<320x32xf32, #tpu.memory_space<vmem>>
        %dma_wait3A_2124 = arith.constant 240 : i32
        %dma_wait3A_2125 = arith.constant 0 : i32
        %dma_wait3A_2126 = tpu.memref_slice %dma_wait3A_2123[%dma_wait3A_2124, %dma_wait3A_2125] : memref<320x32xf32, #tpu.memory_space<vmem>> -> memref<20x32xf32, #tpu.memory_space<vmem>>
        %dma_wait3A_2127 = arith.constant 0 : i32
        %dma_wait3A_2128 = arith.constant 0 : i32
        %dma_wait3A_2129 = tpu.memref_slice %arg4[%add3A_2119, %dma_wait3A_2127, %dma_wait3A_2128] : memref<16384x20x32xf32, #tpu.memory_space<hbm>> -> memref<1x20x32xf32, #tpu.memory_space<hbm>>
        %dma_wait3A_2130 = tpu.memref_squeeze %dma_wait3A_2129 : memref<1x20x32xf32, #tpu.memory_space<hbm>> -> memref<20x32xf32, #tpu.memory_space<hbm>>
        %dma_wait3A_2131 = arith.constant 0 : i32
        %dma_wait3A_2132 = arith.constant 0 : i32
        %dma_wait3A_2133 = tpu.memref_slice %arg4[%add3A_2119, %dma_wait3A_2131, %dma_wait3A_2132] : memref<16384x20x32xf32, #tpu.memory_space<hbm>> -> memref<1x20x32xf32, #tpu.memory_space<hbm>>
        %dma_wait3A_2134 = tpu.memref_squeeze %dma_wait3A_2133 : memref<1x20x32xf32, #tpu.memory_space<hbm>> -> memref<20x32xf32, #tpu.memory_space<hbm>>
        %dma_wait3A_2135 = arith.constant 0 : i32
        %dma_wait3A_2136 = arith.constant 0 : i32
        %dma_wait3A_2137 = tpu.memref_slice %arg6[%scan3A_5, %dma_wait3A_2135, %dma_wait3A_2136] : memref<2x320x32xf32, #tpu.memory_space<vmem>> -> memref<1x320x32xf32, #tpu.memory_space<vmem>>
        %dma_wait3A_2138 = tpu.memref_squeeze %dma_wait3A_2137 : memref<1x320x32xf32, #tpu.memory_space<vmem>> -> memref<320x32xf32, #tpu.memory_space<vmem>>
        %dma_wait3A_2139 = arith.constant 240 : i32
        %dma_wait3A_2140 = arith.constant 0 : i32
        %dma_wait3A_2141 = tpu.memref_slice %dma_wait3A_2138[%dma_wait3A_2139, %dma_wait3A_2140] : memref<320x32xf32, #tpu.memory_space<vmem>> -> memref<20x32xf32, #tpu.memory_space<vmem>>
        tpu.wait_dma2 semaphore(%arg8 : memref<!tpu.dma_semaphore, #tpu.memory_space<semaphore_mem>>) src(%dma_wait3A_2141 : memref<20x32xf32, #tpu.memory_space<vmem>>) dst(%dma_wait3A_2134 : memref<20x32xf32, #tpu.memory_space<hbm>>)
        %mul3A_2142 = arith.constant 16 : i32
        %mul3A_2143 = arith.muli %sub3A_1790, %mul3A_2142 : i32
        %add3A_2144 = arith.addi %mul3A_4, %mul3A_2143 : i32
        %add3A_2145 = arith.constant 13 : i32
        %add3A_2146 = arith.addi %add3A_2144, %add3A_2145 : i32
        %dma_wait3A_2147 = arith.constant 0 : i32
        %dma_wait3A_2148 = arith.constant 0 : i32
        %dma_wait3A_2149 = tpu.memref_slice %arg6[%scan3A_5, %dma_wait3A_2147, %dma_wait3A_2148] : memref<2x320x32xf32, #tpu.memory_space<vmem>> -> memref<1x320x32xf32, #tpu.memory_space<vmem>>
        %dma_wait3A_2150 = tpu.memref_squeeze %dma_wait3A_2149 : memref<1x320x32xf32, #tpu.memory_space<vmem>> -> memref<320x32xf32, #tpu.memory_space<vmem>>
        %dma_wait3A_2151 = arith.constant 260 : i32
        %dma_wait3A_2152 = arith.constant 0 : i32
        %dma_wait3A_2153 = tpu.memref_slice %dma_wait3A_2150[%dma_wait3A_2151, %dma_wait3A_2152] : memref<320x32xf32, #tpu.memory_space<vmem>> -> memref<20x32xf32, #tpu.memory_space<vmem>>
        %dma_wait3A_2154 = arith.constant 0 : i32
        %dma_wait3A_2155 = arith.constant 0 : i32
        %dma_wait3A_2156 = tpu.memref_slice %arg4[%add3A_2146, %dma_wait3A_2154, %dma_wait3A_2155] : memref<16384x20x32xf32, #tpu.memory_space<hbm>> -> memref<1x20x32xf32, #tpu.memory_space<hbm>>
        %dma_wait3A_2157 = tpu.memref_squeeze %dma_wait3A_2156 : memref<1x20x32xf32, #tpu.memory_space<hbm>> -> memref<20x32xf32, #tpu.memory_space<hbm>>
        %dma_wait3A_2158 = arith.constant 0 : i32
        %dma_wait3A_2159 = arith.constant 0 : i32
        %dma_wait3A_2160 = tpu.memref_slice %arg4[%add3A_2146, %dma_wait3A_2158, %dma_wait3A_2159] : memref<16384x20x32xf32, #tpu.memory_space<hbm>> -> memref<1x20x32xf32, #tpu.memory_space<hbm>>
        %dma_wait3A_2161 = tpu.memref_squeeze %dma_wait3A_2160 : memref<1x20x32xf32, #tpu.memory_space<hbm>> -> memref<20x32xf32, #tpu.memory_space<hbm>>
        %dma_wait3A_2162 = arith.constant 0 : i32
        %dma_wait3A_2163 = arith.constant 0 : i32
        %dma_wait3A_2164 = tpu.memref_slice %arg6[%scan3A_5, %dma_wait3A_2162, %dma_wait3A_2163] : memref<2x320x32xf32, #tpu.memory_space<vmem>> -> memref<1x320x32xf32, #tpu.memory_space<vmem>>
        %dma_wait3A_2165 = tpu.memref_squeeze %dma_wait3A_2164 : memref<1x320x32xf32, #tpu.memory_space<vmem>> -> memref<320x32xf32, #tpu.memory_space<vmem>>
        %dma_wait3A_2166 = arith.constant 260 : i32
        %dma_wait3A_2167 = arith.constant 0 : i32
        %dma_wait3A_2168 = tpu.memref_slice %dma_wait3A_2165[%dma_wait3A_2166, %dma_wait3A_2167] : memref<320x32xf32, #tpu.memory_space<vmem>> -> memref<20x32xf32, #tpu.memory_space<vmem>>
        tpu.wait_dma2 semaphore(%arg8 : memref<!tpu.dma_semaphore, #tpu.memory_space<semaphore_mem>>) src(%dma_wait3A_2168 : memref<20x32xf32, #tpu.memory_space<vmem>>) dst(%dma_wait3A_2161 : memref<20x32xf32, #tpu.memory_space<hbm>>)
        %mul3A_2169 = arith.constant 16 : i32
        %mul3A_2170 = arith.muli %sub3A_1790, %mul3A_2169 : i32
        %add3A_2171 = arith.addi %mul3A_4, %mul3A_2170 : i32
        %add3A_2172 = arith.constant 14 : i32
        %add3A_2173 = arith.addi %add3A_2171, %add3A_2172 : i32
        %dma_wait3A_2174 = arith.constant 0 : i32
        %dma_wait3A_2175 = arith.constant 0 : i32
        %dma_wait3A_2176 = tpu.memref_slice %arg6[%scan3A_5, %dma_wait3A_2174, %dma_wait3A_2175] : memref<2x320x32xf32, #tpu.memory_space<vmem>> -> memref<1x320x32xf32, #tpu.memory_space<vmem>>
        %dma_wait3A_2177 = tpu.memref_squeeze %dma_wait3A_2176 : memref<1x320x32xf32, #tpu.memory_space<vmem>> -> memref<320x32xf32, #tpu.memory_space<vmem>>
        %dma_wait3A_2178 = arith.constant 280 : i32
        %dma_wait3A_2179 = arith.constant 0 : i32
        %dma_wait3A_2180 = tpu.memref_slice %dma_wait3A_2177[%dma_wait3A_2178, %dma_wait3A_2179] : memref<320x32xf32, #tpu.memory_space<vmem>> -> memref<20x32xf32, #tpu.memory_space<vmem>>
        %dma_wait3A_2181 = arith.constant 0 : i32
        %dma_wait3A_2182 = arith.constant 0 : i32
        %dma_wait3A_2183 = tpu.memref_slice %arg4[%add3A_2173, %dma_wait3A_2181, %dma_wait3A_2182] : memref<16384x20x32xf32, #tpu.memory_space<hbm>> -> memref<1x20x32xf32, #tpu.memory_space<hbm>>
        %dma_wait3A_2184 = tpu.memref_squeeze %dma_wait3A_2183 : memref<1x20x32xf32, #tpu.memory_space<hbm>> -> memref<20x32xf32, #tpu.memory_space<hbm>>
        %dma_wait3A_2185 = arith.constant 0 : i32
        %dma_wait3A_2186 = arith.constant 0 : i32
        %dma_wait3A_2187 = tpu.memref_slice %arg4[%add3A_2173, %dma_wait3A_2185, %dma_wait3A_2186] : memref<16384x20x32xf32, #tpu.memory_space<hbm>> -> memref<1x20x32xf32, #tpu.memory_space<hbm>>
        %dma_wait3A_2188 = tpu.memref_squeeze %dma_wait3A_2187 : memref<1x20x32xf32, #tpu.memory_space<hbm>> -> memref<20x32xf32, #tpu.memory_space<hbm>>
        %dma_wait3A_2189 = arith.constant 0 : i32
        %dma_wait3A_2190 = arith.constant 0 : i32
        %dma_wait3A_2191 = tpu.memref_slice %arg6[%scan3A_5, %dma_wait3A_2189, %dma_wait3A_2190] : memref<2x320x32xf32, #tpu.memory_space<vmem>> -> memref<1x320x32xf32, #tpu.memory_space<vmem>>
        %dma_wait3A_2192 = tpu.memref_squeeze %dma_wait3A_2191 : memref<1x320x32xf32, #tpu.memory_space<vmem>> -> memref<320x32xf32, #tpu.memory_space<vmem>>
        %dma_wait3A_2193 = arith.constant 280 : i32
        %dma_wait3A_2194 = arith.constant 0 : i32
        %dma_wait3A_2195 = tpu.memref_slice %dma_wait3A_2192[%dma_wait3A_2193, %dma_wait3A_2194] : memref<320x32xf32, #tpu.memory_space<vmem>> -> memref<20x32xf32, #tpu.memory_space<vmem>>
        tpu.wait_dma2 semaphore(%arg8 : memref<!tpu.dma_semaphore, #tpu.memory_space<semaphore_mem>>) src(%dma_wait3A_2195 : memref<20x32xf32, #tpu.memory_space<vmem>>) dst(%dma_wait3A_2188 : memref<20x32xf32, #tpu.memory_space<hbm>>)
        %mul3A_2196 = arith.constant 16 : i32
        %mul3A_2197 = arith.muli %sub3A_1790, %mul3A_2196 : i32
        %add3A_2198 = arith.addi %mul3A_4, %mul3A_2197 : i32
        %add3A_2199 = arith.constant 15 : i32
        %add3A_2200 = arith.addi %add3A_2198, %add3A_2199 : i32
        %dma_wait3A_2201 = arith.constant 0 : i32
        %dma_wait3A_2202 = arith.constant 0 : i32
        %dma_wait3A_2203 = tpu.memref_slice %arg6[%scan3A_5, %dma_wait3A_2201, %dma_wait3A_2202] : memref<2x320x32xf32, #tpu.memory_space<vmem>> -> memref<1x320x32xf32, #tpu.memory_space<vmem>>
        %dma_wait3A_2204 = tpu.memref_squeeze %dma_wait3A_2203 : memref<1x320x32xf32, #tpu.memory_space<vmem>> -> memref<320x32xf32, #tpu.memory_space<vmem>>
        %dma_wait3A_2205 = arith.constant 300 : i32
        %dma_wait3A_2206 = arith.constant 0 : i32
        %dma_wait3A_2207 = tpu.memref_slice %dma_wait3A_2204[%dma_wait3A_2205, %dma_wait3A_2206] : memref<320x32xf32, #tpu.memory_space<vmem>> -> memref<20x32xf32, #tpu.memory_space<vmem>>
        %dma_wait3A_2208 = arith.constant 0 : i32
        %dma_wait3A_2209 = arith.constant 0 : i32
        %dma_wait3A_2210 = tpu.memref_slice %arg4[%add3A_2200, %dma_wait3A_2208, %dma_wait3A_2209] : memref<16384x20x32xf32, #tpu.memory_space<hbm>> -> memref<1x20x32xf32, #tpu.memory_space<hbm>>
        %dma_wait3A_2211 = tpu.memref_squeeze %dma_wait3A_2210 : memref<1x20x32xf32, #tpu.memory_space<hbm>> -> memref<20x32xf32, #tpu.memory_space<hbm>>
        %dma_wait3A_2212 = arith.constant 0 : i32
        %dma_wait3A_2213 = arith.constant 0 : i32
        %dma_wait3A_2214 = tpu.memref_slice %arg4[%add3A_2200, %dma_wait3A_2212, %dma_wait3A_2213] : memref<16384x20x32xf32, #tpu.memory_space<hbm>> -> memref<1x20x32xf32, #tpu.memory_space<hbm>>
        %dma_wait3A_2215 = tpu.memref_squeeze %dma_wait3A_2214 : memref<1x20x32xf32, #tpu.memory_space<hbm>> -> memref<20x32xf32, #tpu.memory_space<hbm>>
        %dma_wait3A_2216 = arith.constant 0 : i32
        %dma_wait3A_2217 = arith.constant 0 : i32
        %dma_wait3A_2218 = tpu.memref_slice %arg6[%scan3A_5, %dma_wait3A_2216, %dma_wait3A_2217] : memref<2x320x32xf32, #tpu.memory_space<vmem>> -> memref<1x320x32xf32, #tpu.memory_space<vmem>>
        %dma_wait3A_2219 = tpu.memref_squeeze %dma_wait3A_2218 : memref<1x320x32xf32, #tpu.memory_space<vmem>> -> memref<320x32xf32, #tpu.memory_space<vmem>>
        %dma_wait3A_2220 = arith.constant 300 : i32
        %dma_wait3A_2221 = arith.constant 0 : i32
        %dma_wait3A_2222 = tpu.memref_slice %dma_wait3A_2219[%dma_wait3A_2220, %dma_wait3A_2221] : memref<320x32xf32, #tpu.memory_space<vmem>> -> memref<20x32xf32, #tpu.memory_space<vmem>>
        tpu.wait_dma2 semaphore(%arg8 : memref<!tpu.dma_semaphore, #tpu.memory_space<semaphore_mem>>) src(%dma_wait3A_2222 : memref<20x32xf32, #tpu.memory_space<vmem>>) dst(%dma_wait3A_2215 : memref<20x32xf32, #tpu.memory_space<hbm>>)
      } else {
      }
      %scan3A_882 = arith.constant 0 : i32
      %scan3A_883 = arith.constant 0 : i32
      %scan3A_884 = arith.constant 20 : i32
      %scan3A_885 = arith.addi %scan3A_883, %scan3A_884 : i32
      %scan3A_886 = arith.constant 1 : i32
      scf.for %scan3A_1790 = %scan3A_883 to %scan3A_885 step %scan3A_886  : i32 {
        %mul3A_1791 = arith.constant 320 : i32
        %mul3A_1792 = arith.muli %mul3A_877, %mul3A_1791 : i32
        %mul3A_1793 = arith.constant 16 : i32
        %mul3A_1794 = arith.muli %scan3A_1790, %mul3A_1793 : i32
        %add3A_1795 = arith.addi %mul3A_1792, %mul3A_1794 : i32
        %get3A = arith.index_cast %add3A_1795 : i32 to index
        %get3A_1796 = tpu.vector_load %arg5[%get3A] {strides = array<i32>} : memref<10240xi32, #tpu.memory_space<vmem>>, vector<16xi32>,
        %get3A_1797 = vector.shape_cast %get3A_1796 : vector<16xi32> to vector<16xi32>
        %slice3A = vector.extract_strided_slice %get3A_1797 {offsets = [0], sizes = [1], strides = [1]} : vector<16xi32> to vector<1xi32>
        %squeeze3A = vector.extract %slice3A[0] : i32 from vector<1xi32>
        %mul3A_1798 = arith.constant 16 : i32
        %mul3A_1799 = arith.muli %scan3A_1790, %mul3A_1798 : i32
        %add3A_1800 = arith.constant 0 : i32
        %add3A_1801 = arith.addi %mul3A_1799, %add3A_1800 : i32
        %dma_start3A_1802 = arith.constant 0 : i32
        %dma_start3A_1803 = arith.constant 0 : i32
        %dma_start3A_1804 = tpu.memref_slice %arg6[%scan3A_5, %dma_start3A_1802, %dma_start3A_1803] : memref<2x320x32xf32, #tpu.memory_space<vmem>> -> memref<1x320x32xf32, #tpu.memory_space<vmem>>
        %dma_start3A_1805 = tpu.memref_squeeze %dma_start3A_1804 : memref<1x320x32xf32, #tpu.memory_space<vmem>> -> memref<320x32xf32, #tpu.memory_space<vmem>>
        %dma_start3A_1806 = arith.constant 0 : i32
        %dma_start3A_1807 = tpu.memref_slice %dma_start3A_1805[%add3A_1801, %dma_start3A_1806] : memref<320x32xf32, #tpu.memory_space<vmem>> -> memref<1x32xf32, #tpu.memory_space<vmem>>
        %dma_start3A_1808 = arith.constant 0 : i32
        %dma_start3A_1809 = tpu.memref_slice %arg3[%squeeze3A, %dma_start3A_1808] : memref<1000000x32xf32, #tpu.memory_space<hbm>> -> memref<1x32xf32, #tpu.memory_space<hbm>>
        %dma_start3A_1810 = arith.constant 0 : i32
        %dma_start3A_1811 = arith.constant 0 : i32
        %dma_start3A_1812 = tpu.memref_slice %arg6[%scan3A_5, %dma_start3A_1810, %dma_start3A_1811] : memref<2x320x32xf32, #tpu.memory_space<vmem>> -> memref<1x320x32xf32, #tpu.memory_space<vmem>>
        %dma_start3A_1813 = tpu.memref_squeeze %dma_start3A_1812 : memref<1x320x32xf32, #tpu.memory_space<vmem>> -> memref<320x32xf32, #tpu.memory_space<vmem>>
        %dma_start3A_1814 = arith.constant 0 : i32
        %dma_start3A_1815 = tpu.memref_slice %dma_start3A_1813[%add3A_1801, %dma_start3A_1814] : memref<320x32xf32, #tpu.memory_space<vmem>> -> memref<1x32xf32, #tpu.memory_space<vmem>>
        %dma_start3A_1816 = arith.constant 0 : i32
        %dma_start3A_1817 = tpu.memref_slice %arg3[%squeeze3A, %dma_start3A_1816] : memref<1000000x32xf32, #tpu.memory_space<hbm>> -> memref<1x32xf32, #tpu.memory_space<hbm>>
        tpu.enqueue_dma source(%dma_start3A_1817 : memref<1x32xf32, #tpu.memory_space<hbm>>) target(%dma_start3A_1815 : memref<1x32xf32, #tpu.memory_space<vmem>>) target_semaphore(%arg7 : memref<!tpu.dma_semaphore, #tpu.memory_space<semaphore_mem>>)
        %slice3A_1818 = vector.extract_strided_slice %get3A_1797 {offsets = [1], sizes = [1], strides = [1]} : vector<16xi32> to vector<1xi32>
        %squeeze3A_1819 = vector.extract %slice3A_1818[0] : i32 from vector<1xi32>
        %mul3A_1820 = arith.constant 16 : i32
        %mul3A_1821 = arith.muli %scan3A_1790, %mul3A_1820 : i32
        %add3A_1822 = arith.constant 1 : i32
        %add3A_1823 = arith.addi %mul3A_1821, %add3A_1822 : i32
        %dma_start3A_1824 = arith.constant 0 : i32
        %dma_start3A_1825 = arith.constant 0 : i32
        %dma_start3A_1826 = tpu.memref_slice %arg6[%scan3A_5, %dma_start3A_1824, %dma_start3A_1825] : memref<2x320x32xf32, #tpu.memory_space<vmem>> -> memref<1x320x32xf32, #tpu.memory_space<vmem>>
        %dma_start3A_1827 = tpu.memref_squeeze %dma_start3A_1826 : memref<1x320x32xf32, #tpu.memory_space<vmem>> -> memref<320x32xf32, #tpu.memory_space<vmem>>
        %dma_start3A_1828 = arith.constant 0 : i32
        %dma_start3A_1829 = tpu.memref_slice %dma_start3A_1827[%add3A_1823, %dma_start3A_1828] : memref<320x32xf32, #tpu.memory_space<vmem>> -> memref<1x32xf32, #tpu.memory_space<vmem>>
        %dma_start3A_1830 = arith.constant 0 : i32
        %dma_start3A_1831 = tpu.memref_slice %arg3[%squeeze3A_1819, %dma_start3A_1830] : memref<1000000x32xf32, #tpu.memory_space<hbm>> -> memref<1x32xf32, #tpu.memory_space<hbm>>
        %dma_start3A_1832 = arith.constant 0 : i32
        %dma_start3A_1833 = arith.constant 0 : i32
        %dma_start3A_1834 = tpu.memref_slice %arg6[%scan3A_5, %dma_start3A_1832, %dma_start3A_1833] : memref<2x320x32xf32, #tpu.memory_space<vmem>> -> memref<1x320x32xf32, #tpu.memory_space<vmem>>
        %dma_start3A_1835 = tpu.memref_squeeze %dma_start3A_1834 : memref<1x320x32xf32, #tpu.memory_space<vmem>> -> memref<320x32xf32, #tpu.memory_space<vmem>>
        %dma_start3A_1836 = arith.constant 0 : i32
        %dma_start3A_1837 = tpu.memref_slice %dma_start3A_1835[%add3A_1823, %dma_start3A_1836] : memref<320x32xf32, #tpu.memory_space<vmem>> -> memref<1x32xf32, #tpu.memory_space<vmem>>
        %dma_start3A_1838 = arith.constant 0 : i32
        %dma_start3A_1839 = tpu.memref_slice %arg3[%squeeze3A_1819, %dma_start3A_1838] : memref<1000000x32xf32, #tpu.memory_space<hbm>> -> memref<1x32xf32, #tpu.memory_space<hbm>>
        tpu.enqueue_dma source(%dma_start3A_1839 : memref<1x32xf32, #tpu.memory_space<hbm>>) target(%dma_start3A_1837 : memref<1x32xf32, #tpu.memory_space<vmem>>) target_semaphore(%arg7 : memref<!tpu.dma_semaphore, #tpu.memory_space<semaphore_mem>>)
        %slice3A_1840 = vector.extract_strided_slice %get3A_1797 {offsets = [2], sizes = [1], strides = [1]} : vector<16xi32> to vector<1xi32>
        %squeeze3A_1841 = vector.extract %slice3A_1840[0] : i32 from vector<1xi32>
        %mul3A_1842 = arith.constant 16 : i32
        %mul3A_1843 = arith.muli %scan3A_1790, %mul3A_1842 : i32
        %add3A_1844 = arith.constant 2 : i32
        %add3A_1845 = arith.addi %mul3A_1843, %add3A_1844 : i32
        %dma_start3A_1846 = arith.constant 0 : i32
        %dma_start3A_1847 = arith.constant 0 : i32
        %dma_start3A_1848 = tpu.memref_slice %arg6[%scan3A_5, %dma_start3A_1846, %dma_start3A_1847] : memref<2x320x32xf32, #tpu.memory_space<vmem>> -> memref<1x320x32xf32, #tpu.memory_space<vmem>>
        %dma_start3A_1849 = tpu.memref_squeeze %dma_start3A_1848 : memref<1x320x32xf32, #tpu.memory_space<vmem>> -> memref<320x32xf32, #tpu.memory_space<vmem>>
        %dma_start3A_1850 = arith.constant 0 : i32
        %dma_start3A_1851 = tpu.memref_slice %dma_start3A_1849[%add3A_1845, %dma_start3A_1850] : memref<320x32xf32, #tpu.memory_space<vmem>> -> memref<1x32xf32, #tpu.memory_space<vmem>>
        %dma_start3A_1852 = arith.constant 0 : i32
        %dma_start3A_1853 = tpu.memref_slice %arg3[%squeeze3A_1841, %dma_start3A_1852] : memref<1000000x32xf32, #tpu.memory_space<hbm>> -> memref<1x32xf32, #tpu.memory_space<hbm>>
        %dma_start3A_1854 = arith.constant 0 : i32
        %dma_start3A_1855 = arith.constant 0 : i32
        %dma_start3A_1856 = tpu.memref_slice %arg6[%scan3A_5, %dma_start3A_1854, %dma_start3A_1855] : memref<2x320x32xf32, #tpu.memory_space<vmem>> -> memref<1x320x32xf32, #tpu.memory_space<vmem>>
        %dma_start3A_1857 = tpu.memref_squeeze %dma_start3A_1856 : memref<1x320x32xf32, #tpu.memory_space<vmem>> -> memref<320x32xf32, #tpu.memory_space<vmem>>
        %dma_start3A_1858 = arith.constant 0 : i32
        %dma_start3A_1859 = tpu.memref_slice %dma_start3A_1857[%add3A_1845, %dma_start3A_1858] : memref<320x32xf32, #tpu.memory_space<vmem>> -> memref<1x32xf32, #tpu.memory_space<vmem>>
        %dma_start3A_1860 = arith.constant 0 : i32
        %dma_start3A_1861 = tpu.memref_slice %arg3[%squeeze3A_1841, %dma_start3A_1860] : memref<1000000x32xf32, #tpu.memory_space<hbm>> -> memref<1x32xf32, #tpu.memory_space<hbm>>
        tpu.enqueue_dma source(%dma_start3A_1861 : memref<1x32xf32, #tpu.memory_space<hbm>>) target(%dma_start3A_1859 : memref<1x32xf32, #tpu.memory_space<vmem>>) target_semaphore(%arg7 : memref<!tpu.dma_semaphore, #tpu.memory_space<semaphore_mem>>)
        %slice3A_1862 = vector.extract_strided_slice %get3A_1797 {offsets = [3], sizes = [1], strides = [1]} : vector<16xi32> to vector<1xi32>
        %squeeze3A_1863 = vector.extract %slice3A_1862[0] : i32 from vector<1xi32>
        %mul3A_1864 = arith.constant 16 : i32
        %mul3A_1865 = arith.muli %scan3A_1790, %mul3A_1864 : i32
        %add3A_1866 = arith.constant 3 : i32
        %add3A_1867 = arith.addi %mul3A_1865, %add3A_1866 : i32
        %dma_start3A_1868 = arith.constant 0 : i32
        %dma_start3A_1869 = arith.constant 0 : i32
        %dma_start3A_1870 = tpu.memref_slice %arg6[%scan3A_5, %dma_start3A_1868, %dma_start3A_1869] : memref<2x320x32xf32, #tpu.memory_space<vmem>> -> memref<1x320x32xf32, #tpu.memory_space<vmem>>
        %dma_start3A_1871 = tpu.memref_squeeze %dma_start3A_1870 : memref<1x320x32xf32, #tpu.memory_space<vmem>> -> memref<320x32xf32, #tpu.memory_space<vmem>>
        %dma_start3A_1872 = arith.constant 0 : i32
        %dma_start3A_1873 = tpu.memref_slice %dma_start3A_1871[%add3A_1867, %dma_start3A_1872] : memref<320x32xf32, #tpu.memory_space<vmem>> -> memref<1x32xf32, #tpu.memory_space<vmem>>
        %dma_start3A_1874 = arith.constant 0 : i32
        %dma_start3A_1875 = tpu.memref_slice %arg3[%squeeze3A_1863, %dma_start3A_1874] : memref<1000000x32xf32, #tpu.memory_space<hbm>> -> memref<1x32xf32, #tpu.memory_space<hbm>>
        %dma_start3A_1876 = arith.constant 0 : i32
        %dma_start3A_1877 = arith.constant 0 : i32
        %dma_start3A_1878 = tpu.memref_slice %arg6[%scan3A_5, %dma_start3A_1876, %dma_start3A_1877] : memref<2x320x32xf32, #tpu.memory_space<vmem>> -> memref<1x320x32xf32, #tpu.memory_space<vmem>>
        %dma_start3A_1879 = tpu.memref_squeeze %dma_start3A_1878 : memref<1x320x32xf32, #tpu.memory_space<vmem>> -> memref<320x32xf32, #tpu.memory_space<vmem>>
        %dma_start3A_1880 = arith.constant 0 : i32
        %dma_start3A_1881 = tpu.memref_slice %dma_start3A_1879[%add3A_1867, %dma_start3A_1880] : memref<320x32xf32, #tpu.memory_space<vmem>> -> memref<1x32xf32, #tpu.memory_space<vmem>>
        %dma_start3A_1882 = arith.constant 0 : i32
        %dma_start3A_1883 = tpu.memref_slice %arg3[%squeeze3A_1863, %dma_start3A_1882] : memref<1000000x32xf32, #tpu.memory_space<hbm>> -> memref<1x32xf32, #tpu.memory_space<hbm>>
        tpu.enqueue_dma source(%dma_start3A_1883 : memref<1x32xf32, #tpu.memory_space<hbm>>) target(%dma_start3A_1881 : memref<1x32xf32, #tpu.memory_space<vmem>>) target_semaphore(%arg7 : memref<!tpu.dma_semaphore, #tpu.memory_space<semaphore_mem>>)
        %slice3A_1884 = vector.extract_strided_slice %get3A_1797 {offsets = [4], sizes = [1], strides = [1]} : vector<16xi32> to vector<1xi32>
        %squeeze3A_1885 = vector.extract %slice3A_1884[0] : i32 from vector<1xi32>
        %mul3A_1886 = arith.constant 16 : i32
        %mul3A_1887 = arith.muli %scan3A_1790, %mul3A_1886 : i32
        %add3A_1888 = arith.constant 4 : i32
        %add3A_1889 = arith.addi %mul3A_1887, %add3A_1888 : i32
        %dma_start3A_1890 = arith.constant 0 : i32
        %dma_start3A_1891 = arith.constant 0 : i32
        %dma_start3A_1892 = tpu.memref_slice %arg6[%scan3A_5, %dma_start3A_1890, %dma_start3A_1891] : memref<2x320x32xf32, #tpu.memory_space<vmem>> -> memref<1x320x32xf32, #tpu.memory_space<vmem>>
        %dma_start3A_1893 = tpu.memref_squeeze %dma_start3A_1892 : memref<1x320x32xf32, #tpu.memory_space<vmem>> -> memref<320x32xf32, #tpu.memory_space<vmem>>
        %dma_start3A_1894 = arith.constant 0 : i32
        %dma_start3A_1895 = tpu.memref_slice %dma_start3A_1893[%add3A_1889, %dma_start3A_1894] : memref<320x32xf32, #tpu.memory_space<vmem>> -> memref<1x32xf32, #tpu.memory_space<vmem>>
        %dma_start3A_1896 = arith.constant 0 : i32
        %dma_start3A_1897 = tpu.memref_slice %arg3[%squeeze3A_1885, %dma_start3A_1896] : memref<1000000x32xf32, #tpu.memory_space<hbm>> -> memref<1x32xf32, #tpu.memory_space<hbm>>
        %dma_start3A_1898 = arith.constant 0 : i32
        %dma_start3A_1899 = arith.constant 0 : i32
        %dma_start3A_1900 = tpu.memref_slice %arg6[%scan3A_5, %dma_start3A_1898, %dma_start3A_1899] : memref<2x320x32xf32, #tpu.memory_space<vmem>> -> memref<1x320x32xf32, #tpu.memory_space<vmem>>
        %dma_start3A_1901 = tpu.memref_squeeze %dma_start3A_1900 : memref<1x320x32xf32, #tpu.memory_space<vmem>> -> memref<320x32xf32, #tpu.memory_space<vmem>>
        %dma_start3A_1902 = arith.constant 0 : i32
        %dma_start3A_1903 = tpu.memref_slice %dma_start3A_1901[%add3A_1889, %dma_start3A_1902] : memref<320x32xf32, #tpu.memory_space<vmem>> -> memref<1x32xf32, #tpu.memory_space<vmem>>
        %dma_start3A_1904 = arith.constant 0 : i32
        %dma_start3A_1905 = tpu.memref_slice %arg3[%squeeze3A_1885, %dma_start3A_1904] : memref<1000000x32xf32, #tpu.memory_space<hbm>> -> memref<1x32xf32, #tpu.memory_space<hbm>>
        tpu.enqueue_dma source(%dma_start3A_1905 : memref<1x32xf32, #tpu.memory_space<hbm>>) target(%dma_start3A_1903 : memref<1x32xf32, #tpu.memory_space<vmem>>) target_semaphore(%arg7 : memref<!tpu.dma_semaphore, #tpu.memory_space<semaphore_mem>>)
        %slice3A_1906 = vector.extract_strided_slice %get3A_1797 {offsets = [5], sizes = [1], strides = [1]} : vector<16xi32> to vector<1xi32>
        %squeeze3A_1907 = vector.extract %slice3A_1906[0] : i32 from vector<1xi32>
        %mul3A_1908 = arith.constant 16 : i32
        %mul3A_1909 = arith.muli %scan3A_1790, %mul3A_1908 : i32
        %add3A_1910 = arith.constant 5 : i32
        %add3A_1911 = arith.addi %mul3A_1909, %add3A_1910 : i32
        %dma_start3A_1912 = arith.constant 0 : i32
        %dma_start3A_1913 = arith.constant 0 : i32
        %dma_start3A_1914 = tpu.memref_slice %arg6[%scan3A_5, %dma_start3A_1912, %dma_start3A_1913] : memref<2x320x32xf32, #tpu.memory_space<vmem>> -> memref<1x320x32xf32, #tpu.memory_space<vmem>>
        %dma_start3A_1915 = tpu.memref_squeeze %dma_start3A_1914 : memref<1x320x32xf32, #tpu.memory_space<vmem>> -> memref<320x32xf32, #tpu.memory_space<vmem>>
        %dma_start3A_1916 = arith.constant 0 : i32
        %dma_start3A_1917 = tpu.memref_slice %dma_start3A_1915[%add3A_1911, %dma_start3A_1916] : memref<320x32xf32, #tpu.memory_space<vmem>> -> memref<1x32xf32, #tpu.memory_space<vmem>>
        %dma_start3A_1918 = arith.constant 0 : i32
        %dma_start3A_1919 = tpu.memref_slice %arg3[%squeeze3A_1907, %dma_start3A_1918] : memref<1000000x32xf32, #tpu.memory_space<hbm>> -> memref<1x32xf32, #tpu.memory_space<hbm>>
        %dma_start3A_1920 = arith.constant 0 : i32
        %dma_start3A_1921 = arith.constant 0 : i32
        %dma_start3A_1922 = tpu.memref_slice %arg6[%scan3A_5, %dma_start3A_1920, %dma_start3A_1921] : memref<2x320x32xf32, #tpu.memory_space<vmem>> -> memref<1x320x32xf32, #tpu.memory_space<vmem>>
        %dma_start3A_1923 = tpu.memref_squeeze %dma_start3A_1922 : memref<1x320x32xf32, #tpu.memory_space<vmem>> -> memref<320x32xf32, #tpu.memory_space<vmem>>
        %dma_start3A_1924 = arith.constant 0 : i32
        %dma_start3A_1925 = tpu.memref_slice %dma_start3A_1923[%add3A_1911, %dma_start3A_1924] : memref<320x32xf32, #tpu.memory_space<vmem>> -> memref<1x32xf32, #tpu.memory_space<vmem>>
        %dma_start3A_1926 = arith.constant 0 : i32
        %dma_start3A_1927 = tpu.memref_slice %arg3[%squeeze3A_1907, %dma_start3A_1926] : memref<1000000x32xf32, #tpu.memory_space<hbm>> -> memref<1x32xf32, #tpu.memory_space<hbm>>
        tpu.enqueue_dma source(%dma_start3A_1927 : memref<1x32xf32, #tpu.memory_space<hbm>>) target(%dma_start3A_1925 : memref<1x32xf32, #tpu.memory_space<vmem>>) target_semaphore(%arg7 : memref<!tpu.dma_semaphore, #tpu.memory_space<semaphore_mem>>)
        %slice3A_1928 = vector.extract_strided_slice %get3A_1797 {offsets = [6], sizes = [1], strides = [1]} : vector<16xi32> to vector<1xi32>
        %squeeze3A_1929 = vector.extract %slice3A_1928[0] : i32 from vector<1xi32>
        %mul3A_1930 = arith.constant 16 : i32
        %mul3A_1931 = arith.muli %scan3A_1790, %mul3A_1930 : i32
        %add3A_1932 = arith.constant 6 : i32
        %add3A_1933 = arith.addi %mul3A_1931, %add3A_1932 : i32
        %dma_start3A_1934 = arith.constant 0 : i32
        %dma_start3A_1935 = arith.constant 0 : i32
        %dma_start3A_1936 = tpu.memref_slice %arg6[%scan3A_5, %dma_start3A_1934, %dma_start3A_1935] : memref<2x320x32xf32, #tpu.memory_space<vmem>> -> memref<1x320x32xf32, #tpu.memory_space<vmem>>
        %dma_start3A_1937 = tpu.memref_squeeze %dma_start3A_1936 : memref<1x320x32xf32, #tpu.memory_space<vmem>> -> memref<320x32xf32, #tpu.memory_space<vmem>>
        %dma_start3A_1938 = arith.constant 0 : i32
        %dma_start3A_1939 = tpu.memref_slice %dma_start3A_1937[%add3A_1933, %dma_start3A_1938] : memref<320x32xf32, #tpu.memory_space<vmem>> -> memref<1x32xf32, #tpu.memory_space<vmem>>
        %dma_start3A_1940 = arith.constant 0 : i32
        %dma_start3A_1941 = tpu.memref_slice %arg3[%squeeze3A_1929, %dma_start3A_1940] : memref<1000000x32xf32, #tpu.memory_space<hbm>> -> memref<1x32xf32, #tpu.memory_space<hbm>>
        %dma_start3A_1942 = arith.constant 0 : i32
        %dma_start3A_1943 = arith.constant 0 : i32
        %dma_start3A_1944 = tpu.memref_slice %arg6[%scan3A_5, %dma_start3A_1942, %dma_start3A_1943] : memref<2x320x32xf32, #tpu.memory_space<vmem>> -> memref<1x320x32xf32, #tpu.memory_space<vmem>>
        %dma_start3A_1945 = tpu.memref_squeeze %dma_start3A_1944 : memref<1x320x32xf32, #tpu.memory_space<vmem>> -> memref<320x32xf32, #tpu.memory_space<vmem>>
        %dma_start3A_1946 = arith.constant 0 : i32
        %dma_start3A_1947 = tpu.memref_slice %dma_start3A_1945[%add3A_1933, %dma_start3A_1946] : memref<320x32xf32, #tpu.memory_space<vmem>> -> memref<1x32xf32, #tpu.memory_space<vmem>>
        %dma_start3A_1948 = arith.constant 0 : i32
        %dma_start3A_1949 = tpu.memref_slice %arg3[%squeeze3A_1929, %dma_start3A_1948] : memref<1000000x32xf32, #tpu.memory_space<hbm>> -> memref<1x32xf32, #tpu.memory_space<hbm>>
        tpu.enqueue_dma source(%dma_start3A_1949 : memref<1x32xf32, #tpu.memory_space<hbm>>) target(%dma_start3A_1947 : memref<1x32xf32, #tpu.memory_space<vmem>>) target_semaphore(%arg7 : memref<!tpu.dma_semaphore, #tpu.memory_space<semaphore_mem>>)
        %slice3A_1950 = vector.extract_strided_slice %get3A_1797 {offsets = [7], sizes = [1], strides = [1]} : vector<16xi32> to vector<1xi32>
        %squeeze3A_1951 = vector.extract %slice3A_1950[0] : i32 from vector<1xi32>
        %mul3A_1952 = arith.constant 16 : i32
        %mul3A_1953 = arith.muli %scan3A_1790, %mul3A_1952 : i32
        %add3A_1954 = arith.constant 7 : i32
        %add3A_1955 = arith.addi %mul3A_1953, %add3A_1954 : i32
        %dma_start3A_1956 = arith.constant 0 : i32
        %dma_start3A_1957 = arith.constant 0 : i32
        %dma_start3A_1958 = tpu.memref_slice %arg6[%scan3A_5, %dma_start3A_1956, %dma_start3A_1957] : memref<2x320x32xf32, #tpu.memory_space<vmem>> -> memref<1x320x32xf32, #tpu.memory_space<vmem>>
        %dma_start3A_1959 = tpu.memref_squeeze %dma_start3A_1958 : memref<1x320x32xf32, #tpu.memory_space<vmem>> -> memref<320x32xf32, #tpu.memory_space<vmem>>
        %dma_start3A_1960 = arith.constant 0 : i32
        %dma_start3A_1961 = tpu.memref_slice %dma_start3A_1959[%add3A_1955, %dma_start3A_1960] : memref<320x32xf32, #tpu.memory_space<vmem>> -> memref<1x32xf32, #tpu.memory_space<vmem>>
        %dma_start3A_1962 = arith.constant 0 : i32
        %dma_start3A_1963 = tpu.memref_slice %arg3[%squeeze3A_1951, %dma_start3A_1962] : memref<1000000x32xf32, #tpu.memory_space<hbm>> -> memref<1x32xf32, #tpu.memory_space<hbm>>
        %dma_start3A_1964 = arith.constant 0 : i32
        %dma_start3A_1965 = arith.constant 0 : i32
        %dma_start3A_1966 = tpu.memref_slice %arg6[%scan3A_5, %dma_start3A_1964, %dma_start3A_1965] : memref<2x320x32xf32, #tpu.memory_space<vmem>> -> memref<1x320x32xf32, #tpu.memory_space<vmem>>
        %dma_start3A_1967 = tpu.memref_squeeze %dma_start3A_1966 : memref<1x320x32xf32, #tpu.memory_space<vmem>> -> memref<320x32xf32, #tpu.memory_space<vmem>>
        %dma_start3A_1968 = arith.constant 0 : i32
        %dma_start3A_1969 = tpu.memref_slice %dma_start3A_1967[%add3A_1955, %dma_start3A_1968] : memref<320x32xf32, #tpu.memory_space<vmem>> -> memref<1x32xf32, #tpu.memory_space<vmem>>
        %dma_start3A_1970 = arith.constant 0 : i32
        %dma_start3A_1971 = tpu.memref_slice %arg3[%squeeze3A_1951, %dma_start3A_1970] : memref<1000000x32xf32, #tpu.memory_space<hbm>> -> memref<1x32xf32, #tpu.memory_space<hbm>>
        tpu.enqueue_dma source(%dma_start3A_1971 : memref<1x32xf32, #tpu.memory_space<hbm>>) target(%dma_start3A_1969 : memref<1x32xf32, #tpu.memory_space<vmem>>) target_semaphore(%arg7 : memref<!tpu.dma_semaphore, #tpu.memory_space<semaphore_mem>>)
        %slice3A_1972 = vector.extract_strided_slice %get3A_1797 {offsets = [8], sizes = [1], strides = [1]} : vector<16xi32> to vector<1xi32>
        %squeeze3A_1973 = vector.extract %slice3A_1972[0] : i32 from vector<1xi32>
        %mul3A_1974 = arith.constant 16 : i32
        %mul3A_1975 = arith.muli %scan3A_1790, %mul3A_1974 : i32
        %add3A_1976 = arith.constant 8 : i32
        %add3A_1977 = arith.addi %mul3A_1975, %add3A_1976 : i32
        %dma_start3A_1978 = arith.constant 0 : i32
        %dma_start3A_1979 = arith.constant 0 : i32
        %dma_start3A_1980 = tpu.memref_slice %arg6[%scan3A_5, %dma_start3A_1978, %dma_start3A_1979] : memref<2x320x32xf32, #tpu.memory_space<vmem>> -> memref<1x320x32xf32, #tpu.memory_space<vmem>>
        %dma_start3A_1981 = tpu.memref_squeeze %dma_start3A_1980 : memref<1x320x32xf32, #tpu.memory_space<vmem>> -> memref<320x32xf32, #tpu.memory_space<vmem>>
        %dma_start3A_1982 = arith.constant 0 : i32
        %dma_start3A_1983 = tpu.memref_slice %dma_start3A_1981[%add3A_1977, %dma_start3A_1982] : memref<320x32xf32, #tpu.memory_space<vmem>> -> memref<1x32xf32, #tpu.memory_space<vmem>>
        %dma_start3A_1984 = arith.constant 0 : i32
        %dma_start3A_1985 = tpu.memref_slice %arg3[%squeeze3A_1973, %dma_start3A_1984] : memref<1000000x32xf32, #tpu.memory_space<hbm>> -> memref<1x32xf32, #tpu.memory_space<hbm>>
        %dma_start3A_1986 = arith.constant 0 : i32
        %dma_start3A_1987 = arith.constant 0 : i32
        %dma_start3A_1988 = tpu.memref_slice %arg6[%scan3A_5, %dma_start3A_1986, %dma_start3A_1987] : memref<2x320x32xf32, #tpu.memory_space<vmem>> -> memref<1x320x32xf32, #tpu.memory_space<vmem>>
        %dma_start3A_1989 = tpu.memref_squeeze %dma_start3A_1988 : memref<1x320x32xf32, #tpu.memory_space<vmem>> -> memref<320x32xf32, #tpu.memory_space<vmem>>
        %dma_start3A_1990 = arith.constant 0 : i32
        %dma_start3A_1991 = tpu.memref_slice %dma_start3A_1989[%add3A_1977, %dma_start3A_1990] : memref<320x32xf32, #tpu.memory_space<vmem>> -> memref<1x32xf32, #tpu.memory_space<vmem>>
        %dma_start3A_1992 = arith.constant 0 : i32
        %dma_start3A_1993 = tpu.memref_slice %arg3[%squeeze3A_1973, %dma_start3A_1992] : memref<1000000x32xf32, #tpu.memory_space<hbm>> -> memref<1x32xf32, #tpu.memory_space<hbm>>
        tpu.enqueue_dma source(%dma_start3A_1993 : memref<1x32xf32, #tpu.memory_space<hbm>>) target(%dma_start3A_1991 : memref<1x32xf32, #tpu.memory_space<vmem>>) target_semaphore(%arg7 : memref<!tpu.dma_semaphore, #tpu.memory_space<semaphore_mem>>)
        %slice3A_1994 = vector.extract_strided_slice %get3A_1797 {offsets = [9], sizes = [1], strides = [1]} : vector<16xi32> to vector<1xi32>
        %squeeze3A_1995 = vector.extract %slice3A_1994[0] : i32 from vector<1xi32>
        %mul3A_1996 = arith.constant 16 : i32
        %mul3A_1997 = arith.muli %scan3A_1790, %mul3A_1996 : i32
        %add3A_1998 = arith.constant 9 : i32
        %add3A_1999 = arith.addi %mul3A_1997, %add3A_1998 : i32
        %dma_start3A_2000 = arith.constant 0 : i32
        %dma_start3A_2001 = arith.constant 0 : i32
        %dma_start3A_2002 = tpu.memref_slice %arg6[%scan3A_5, %dma_start3A_2000, %dma_start3A_2001] : memref<2x320x32xf32, #tpu.memory_space<vmem>> -> memref<1x320x32xf32, #tpu.memory_space<vmem>>
        %dma_start3A_2003 = tpu.memref_squeeze %dma_start3A_2002 : memref<1x320x32xf32, #tpu.memory_space<vmem>> -> memref<320x32xf32, #tpu.memory_space<vmem>>
        %dma_start3A_2004 = arith.constant 0 : i32
        %dma_start3A_2005 = tpu.memref_slice %dma_start3A_2003[%add3A_1999, %dma_start3A_2004] : memref<320x32xf32, #tpu.memory_space<vmem>> -> memref<1x32xf32, #tpu.memory_space<vmem>>
        %dma_start3A_2006 = arith.constant 0 : i32
        %dma_start3A_2007 = tpu.memref_slice %arg3[%squeeze3A_1995, %dma_start3A_2006] : memref<1000000x32xf32, #tpu.memory_space<hbm>> -> memref<1x32xf32, #tpu.memory_space<hbm>>
        %dma_start3A_2008 = arith.constant 0 : i32
        %dma_start3A_2009 = arith.constant 0 : i32
        %dma_start3A_2010 = tpu.memref_slice %arg6[%scan3A_5, %dma_start3A_2008, %dma_start3A_2009] : memref<2x320x32xf32, #tpu.memory_space<vmem>> -> memref<1x320x32xf32, #tpu.memory_space<vmem>>
        %dma_start3A_2011 = tpu.memref_squeeze %dma_start3A_2010 : memref<1x320x32xf32, #tpu.memory_space<vmem>> -> memref<320x32xf32, #tpu.memory_space<vmem>>
        %dma_start3A_2012 = arith.constant 0 : i32
        %dma_start3A_2013 = tpu.memref_slice %dma_start3A_2011[%add3A_1999, %dma_start3A_2012] : memref<320x32xf32, #tpu.memory_space<vmem>> -> memref<1x32xf32, #tpu.memory_space<vmem>>
        %dma_start3A_2014 = arith.constant 0 : i32
        %dma_start3A_2015 = tpu.memref_slice %arg3[%squeeze3A_1995, %dma_start3A_2014] : memref<1000000x32xf32, #tpu.memory_space<hbm>> -> memref<1x32xf32, #tpu.memory_space<hbm>>
        tpu.enqueue_dma source(%dma_start3A_2015 : memref<1x32xf32, #tpu.memory_space<hbm>>) target(%dma_start3A_2013 : memref<1x32xf32, #tpu.memory_space<vmem>>) target_semaphore(%arg7 : memref<!tpu.dma_semaphore, #tpu.memory_space<semaphore_mem>>)
        %slice3A_2016 = vector.extract_strided_slice %get3A_1797 {offsets = [10], sizes = [1], strides = [1]} : vector<16xi32> to vector<1xi32>
        %squeeze3A_2017 = vector.extract %slice3A_2016[0] : i32 from vector<1xi32>
        %mul3A_2018 = arith.constant 16 : i32
        %mul3A_2019 = arith.muli %scan3A_1790, %mul3A_2018 : i32
        %add3A_2020 = arith.constant 10 : i32
        %add3A_2021 = arith.addi %mul3A_2019, %add3A_2020 : i32
        %dma_start3A_2022 = arith.constant 0 : i32
        %dma_start3A_2023 = arith.constant 0 : i32
        %dma_start3A_2024 = tpu.memref_slice %arg6[%scan3A_5, %dma_start3A_2022, %dma_start3A_2023] : memref<2x320x32xf32, #tpu.memory_space<vmem>> -> memref<1x320x32xf32, #tpu.memory_space<vmem>>
        %dma_start3A_2025 = tpu.memref_squeeze %dma_start3A_2024 : memref<1x320x32xf32, #tpu.memory_space<vmem>> -> memref<320x32xf32, #tpu.memory_space<vmem>>
        %dma_start3A_2026 = arith.constant 0 : i32
        %dma_start3A_2027 = tpu.memref_slice %dma_start3A_2025[%add3A_2021, %dma_start3A_2026] : memref<320x32xf32, #tpu.memory_space<vmem>> -> memref<1x32xf32, #tpu.memory_space<vmem>>
        %dma_start3A_2028 = arith.constant 0 : i32
        %dma_start3A_2029 = tpu.memref_slice %arg3[%squeeze3A_2017, %dma_start3A_2028] : memref<1000000x32xf32, #tpu.memory_space<hbm>> -> memref<1x32xf32, #tpu.memory_space<hbm>>
        %dma_start3A_2030 = arith.constant 0 : i32
        %dma_start3A_2031 = arith.constant 0 : i32
        %dma_start3A_2032 = tpu.memref_slice %arg6[%scan3A_5, %dma_start3A_2030, %dma_start3A_2031] : memref<2x320x32xf32, #tpu.memory_space<vmem>> -> memref<1x320x32xf32, #tpu.memory_space<vmem>>
        %dma_start3A_2033 = tpu.memref_squeeze %dma_start3A_2032 : memref<1x320x32xf32, #tpu.memory_space<vmem>> -> memref<320x32xf32, #tpu.memory_space<vmem>>
        %dma_start3A_2034 = arith.constant 0 : i32
        %dma_start3A_2035 = tpu.memref_slice %dma_start3A_2033[%add3A_2021, %dma_start3A_2034] : memref<320x32xf32, #tpu.memory_space<vmem>> -> memref<1x32xf32, #tpu.memory_space<vmem>>
        %dma_start3A_2036 = arith.constant 0 : i32
        %dma_start3A_2037 = tpu.memref_slice %arg3[%squeeze3A_2017, %dma_start3A_2036] : memref<1000000x32xf32, #tpu.memory_space<hbm>> -> memref<1x32xf32, #tpu.memory_space<hbm>>
        tpu.enqueue_dma source(%dma_start3A_2037 : memref<1x32xf32, #tpu.memory_space<hbm>>) target(%dma_start3A_2035 : memref<1x32xf32, #tpu.memory_space<vmem>>) target_semaphore(%arg7 : memref<!tpu.dma_semaphore, #tpu.memory_space<semaphore_mem>>)
        %slice3A_2038 = vector.extract_strided_slice %get3A_1797 {offsets = [11], sizes = [1], strides = [1]} : vector<16xi32> to vector<1xi32>
        %squeeze3A_2039 = vector.extract %slice3A_2038[0] : i32 from vector<1xi32>
        %mul3A_2040 = arith.constant 16 : i32
        %mul3A_2041 = arith.muli %scan3A_1790, %mul3A_2040 : i32
        %add3A_2042 = arith.constant 11 : i32
        %add3A_2043 = arith.addi %mul3A_2041, %add3A_2042 : i32
        %dma_start3A_2044 = arith.constant 0 : i32
        %dma_start3A_2045 = arith.constant 0 : i32
        %dma_start3A_2046 = tpu.memref_slice %arg6[%scan3A_5, %dma_start3A_2044, %dma_start3A_2045] : memref<2x320x32xf32, #tpu.memory_space<vmem>> -> memref<1x320x32xf32, #tpu.memory_space<vmem>>
        %dma_start3A_2047 = tpu.memref_squeeze %dma_start3A_2046 : memref<1x320x32xf32, #tpu.memory_space<vmem>> -> memref<320x32xf32, #tpu.memory_space<vmem>>
        %dma_start3A_2048 = arith.constant 0 : i32
        %dma_start3A_2049 = tpu.memref_slice %dma_start3A_2047[%add3A_2043, %dma_start3A_2048] : memref<320x32xf32, #tpu.memory_space<vmem>> -> memref<1x32xf32, #tpu.memory_space<vmem>>
        %dma_start3A_2050 = arith.constant 0 : i32
        %dma_start3A_2051 = tpu.memref_slice %arg3[%squeeze3A_2039, %dma_start3A_2050] : memref<1000000x32xf32, #tpu.memory_space<hbm>> -> memref<1x32xf32, #tpu.memory_space<hbm>>
        %dma_start3A_2052 = arith.constant 0 : i32
        %dma_start3A_2053 = arith.constant 0 : i32
        %dma_start3A_2054 = tpu.memref_slice %arg6[%scan3A_5, %dma_start3A_2052, %dma_start3A_2053] : memref<2x320x32xf32, #tpu.memory_space<vmem>> -> memref<1x320x32xf32, #tpu.memory_space<vmem>>
        %dma_start3A_2055 = tpu.memref_squeeze %dma_start3A_2054 : memref<1x320x32xf32, #tpu.memory_space<vmem>> -> memref<320x32xf32, #tpu.memory_space<vmem>>
        %dma_start3A_2056 = arith.constant 0 : i32
        %dma_start3A_2057 = tpu.memref_slice %dma_start3A_2055[%add3A_2043, %dma_start3A_2056] : memref<320x32xf32, #tpu.memory_space<vmem>> -> memref<1x32xf32, #tpu.memory_space<vmem>>
        %dma_start3A_2058 = arith.constant 0 : i32
        %dma_start3A_2059 = tpu.memref_slice %arg3[%squeeze3A_2039, %dma_start3A_2058] : memref<1000000x32xf32, #tpu.memory_space<hbm>> -> memref<1x32xf32, #tpu.memory_space<hbm>>
        tpu.enqueue_dma source(%dma_start3A_2059 : memref<1x32xf32, #tpu.memory_space<hbm>>) target(%dma_start3A_2057 : memref<1x32xf32, #tpu.memory_space<vmem>>) target_semaphore(%arg7 : memref<!tpu.dma_semaphore, #tpu.memory_space<semaphore_mem>>)
        %slice3A_2060 = vector.extract_strided_slice %get3A_1797 {offsets = [12], sizes = [1], strides = [1]} : vector<16xi32> to vector<1xi32>
        %squeeze3A_2061 = vector.extract %slice3A_2060[0] : i32 from vector<1xi32>
        %mul3A_2062 = arith.constant 16 : i32
        %mul3A_2063 = arith.muli %scan3A_1790, %mul3A_2062 : i32
        %add3A_2064 = arith.constant 12 : i32
        %add3A_2065 = arith.addi %mul3A_2063, %add3A_2064 : i32
        %dma_start3A_2066 = arith.constant 0 : i32
        %dma_start3A_2067 = arith.constant 0 : i32
        %dma_start3A_2068 = tpu.memref_slice %arg6[%scan3A_5, %dma_start3A_2066, %dma_start3A_2067] : memref<2x320x32xf32, #tpu.memory_space<vmem>> -> memref<1x320x32xf32, #tpu.memory_space<vmem>>
        %dma_start3A_2069 = tpu.memref_squeeze %dma_start3A_2068 : memref<1x320x32xf32, #tpu.memory_space<vmem>> -> memref<320x32xf32, #tpu.memory_space<vmem>>
        %dma_start3A_2070 = arith.constant 0 : i32
        %dma_start3A_2071 = tpu.memref_slice %dma_start3A_2069[%add3A_2065, %dma_start3A_2070] : memref<320x32xf32, #tpu.memory_space<vmem>> -> memref<1x32xf32, #tpu.memory_space<vmem>>
        %dma_start3A_2072 = arith.constant 0 : i32
        %dma_start3A_2073 = tpu.memref_slice %arg3[%squeeze3A_2061, %dma_start3A_2072] : memref<1000000x32xf32, #tpu.memory_space<hbm>> -> memref<1x32xf32, #tpu.memory_space<hbm>>
        %dma_start3A_2074 = arith.constant 0 : i32
        %dma_start3A_2075 = arith.constant 0 : i32
        %dma_start3A_2076 = tpu.memref_slice %arg6[%scan3A_5, %dma_start3A_2074, %dma_start3A_2075] : memref<2x320x32xf32, #tpu.memory_space<vmem>> -> memref<1x320x32xf32, #tpu.memory_space<vmem>>
        %dma_start3A_2077 = tpu.memref_squeeze %dma_start3A_2076 : memref<1x320x32xf32, #tpu.memory_space<vmem>> -> memref<320x32xf32, #tpu.memory_space<vmem>>
        %dma_start3A_2078 = arith.constant 0 : i32
        %dma_start3A_2079 = tpu.memref_slice %dma_start3A_2077[%add3A_2065, %dma_start3A_2078] : memref<320x32xf32, #tpu.memory_space<vmem>> -> memref<1x32xf32, #tpu.memory_space<vmem>>
        %dma_start3A_2080 = arith.constant 0 : i32
        %dma_start3A_2081 = tpu.memref_slice %arg3[%squeeze3A_2061, %dma_start3A_2080] : memref<1000000x32xf32, #tpu.memory_space<hbm>> -> memref<1x32xf32, #tpu.memory_space<hbm>>
        tpu.enqueue_dma source(%dma_start3A_2081 : memref<1x32xf32, #tpu.memory_space<hbm>>) target(%dma_start3A_2079 : memref<1x32xf32, #tpu.memory_space<vmem>>) target_semaphore(%arg7 : memref<!tpu.dma_semaphore, #tpu.memory_space<semaphore_mem>>)
        %slice3A_2082 = vector.extract_strided_slice %get3A_1797 {offsets = [13], sizes = [1], strides = [1]} : vector<16xi32> to vector<1xi32>
        %squeeze3A_2083 = vector.extract %slice3A_2082[0] : i32 from vector<1xi32>
        %mul3A_2084 = arith.constant 16 : i32
        %mul3A_2085 = arith.muli %scan3A_1790, %mul3A_2084 : i32
        %add3A_2086 = arith.constant 13 : i32
        %add3A_2087 = arith.addi %mul3A_2085, %add3A_2086 : i32
        %dma_start3A_2088 = arith.constant 0 : i32
        %dma_start3A_2089 = arith.constant 0 : i32
        %dma_start3A_2090 = tpu.memref_slice %arg6[%scan3A_5, %dma_start3A_2088, %dma_start3A_2089] : memref<2x320x32xf32, #tpu.memory_space<vmem>> -> memref<1x320x32xf32, #tpu.memory_space<vmem>>
        %dma_start3A_2091 = tpu.memref_squeeze %dma_start3A_2090 : memref<1x320x32xf32, #tpu.memory_space<vmem>> -> memref<320x32xf32, #tpu.memory_space<vmem>>
        %dma_start3A_2092 = arith.constant 0 : i32
        %dma_start3A_2093 = tpu.memref_slice %dma_start3A_2091[%add3A_2087, %dma_start3A_2092] : memref<320x32xf32, #tpu.memory_space<vmem>> -> memref<1x32xf32, #tpu.memory_space<vmem>>
        %dma_start3A_2094 = arith.constant 0 : i32
        %dma_start3A_2095 = tpu.memref_slice %arg3[%squeeze3A_2083, %dma_start3A_2094] : memref<1000000x32xf32, #tpu.memory_space<hbm>> -> memref<1x32xf32, #tpu.memory_space<hbm>>
        %dma_start3A_2096 = arith.constant 0 : i32
        %dma_start3A_2097 = arith.constant 0 : i32
        %dma_start3A_2098 = tpu.memref_slice %arg6[%scan3A_5, %dma_start3A_2096, %dma_start3A_2097] : memref<2x320x32xf32, #tpu.memory_space<vmem>> -> memref<1x320x32xf32, #tpu.memory_space<vmem>>
        %dma_start3A_2099 = tpu.memref_squeeze %dma_start3A_2098 : memref<1x320x32xf32, #tpu.memory_space<vmem>> -> memref<320x32xf32, #tpu.memory_space<vmem>>
        %dma_start3A_2100 = arith.constant 0 : i32
        %dma_start3A_2101 = tpu.memref_slice %dma_start3A_2099[%add3A_2087, %dma_start3A_2100] : memref<320x32xf32, #tpu.memory_space<vmem>> -> memref<1x32xf32, #tpu.memory_space<vmem>>
        %dma_start3A_2102 = arith.constant 0 : i32
        %dma_start3A_2103 = tpu.memref_slice %arg3[%squeeze3A_2083, %dma_start3A_2102] : memref<1000000x32xf32, #tpu.memory_space<hbm>> -> memref<1x32xf32, #tpu.memory_space<hbm>>
        tpu.enqueue_dma source(%dma_start3A_2103 : memref<1x32xf32, #tpu.memory_space<hbm>>) target(%dma_start3A_2101 : memref<1x32xf32, #tpu.memory_space<vmem>>) target_semaphore(%arg7 : memref<!tpu.dma_semaphore, #tpu.memory_space<semaphore_mem>>)
        %slice3A_2104 = vector.extract_strided_slice %get3A_1797 {offsets = [14], sizes = [1], strides = [1]} : vector<16xi32> to vector<1xi32>
        %squeeze3A_2105 = vector.extract %slice3A_2104[0] : i32 from vector<1xi32>
        %mul3A_2106 = arith.constant 16 : i32
        %mul3A_2107 = arith.muli %scan3A_1790, %mul3A_2106 : i32
        %add3A_2108 = arith.constant 14 : i32
        %add3A_2109 = arith.addi %mul3A_2107, %add3A_2108 : i32
        %dma_start3A_2110 = arith.constant 0 : i32
        %dma_start3A_2111 = arith.constant 0 : i32
        %dma_start3A_2112 = tpu.memref_slice %arg6[%scan3A_5, %dma_start3A_2110, %dma_start3A_2111] : memref<2x320x32xf32, #tpu.memory_space<vmem>> -> memref<1x320x32xf32, #tpu.memory_space<vmem>>
        %dma_start3A_2113 = tpu.memref_squeeze %dma_start3A_2112 : memref<1x320x32xf32, #tpu.memory_space<vmem>> -> memref<320x32xf32, #tpu.memory_space<vmem>>
        %dma_start3A_2114 = arith.constant 0 : i32
        %dma_start3A_2115 = tpu.memref_slice %dma_start3A_2113[%add3A_2109, %dma_start3A_2114] : memref<320x32xf32, #tpu.memory_space<vmem>> -> memref<1x32xf32, #tpu.memory_space<vmem>>
        %dma_start3A_2116 = arith.constant 0 : i32
        %dma_start3A_2117 = tpu.memref_slice %arg3[%squeeze3A_2105, %dma_start3A_2116] : memref<1000000x32xf32, #tpu.memory_space<hbm>> -> memref<1x32xf32, #tpu.memory_space<hbm>>
        %dma_start3A_2118 = arith.constant 0 : i32
        %dma_start3A_2119 = arith.constant 0 : i32
        %dma_start3A_2120 = tpu.memref_slice %arg6[%scan3A_5, %dma_start3A_2118, %dma_start3A_2119] : memref<2x320x32xf32, #tpu.memory_space<vmem>> -> memref<1x320x32xf32, #tpu.memory_space<vmem>>
        %dma_start3A_2121 = tpu.memref_squeeze %dma_start3A_2120 : memref<1x320x32xf32, #tpu.memory_space<vmem>> -> memref<320x32xf32, #tpu.memory_space<vmem>>
        %dma_start3A_2122 = arith.constant 0 : i32
        %dma_start3A_2123 = tpu.memref_slice %dma_start3A_2121[%add3A_2109, %dma_start3A_2122] : memref<320x32xf32, #tpu.memory_space<vmem>> -> memref<1x32xf32, #tpu.memory_space<vmem>>
        %dma_start3A_2124 = arith.constant 0 : i32
        %dma_start3A_2125 = tpu.memref_slice %arg3[%squeeze3A_2105, %dma_start3A_2124] : memref<1000000x32xf32, #tpu.memory_space<hbm>> -> memref<1x32xf32, #tpu.memory_space<hbm>>
        tpu.enqueue_dma source(%dma_start3A_2125 : memref<1x32xf32, #tpu.memory_space<hbm>>) target(%dma_start3A_2123 : memref<1x32xf32, #tpu.memory_space<vmem>>) target_semaphore(%arg7 : memref<!tpu.dma_semaphore, #tpu.memory_space<semaphore_mem>>)
        %slice3A_2126 = vector.extract_strided_slice %get3A_1797 {offsets = [15], sizes = [1], strides = [1]} : vector<16xi32> to vector<1xi32>
        %squeeze3A_2127 = vector.extract %slice3A_2126[0] : i32 from vector<1xi32>
        %mul3A_2128 = arith.constant 16 : i32
        %mul3A_2129 = arith.muli %scan3A_1790, %mul3A_2128 : i32
        %add3A_2130 = arith.constant 15 : i32
        %add3A_2131 = arith.addi %mul3A_2129, %add3A_2130 : i32
        %dma_start3A_2132 = arith.constant 0 : i32
        %dma_start3A_2133 = arith.constant 0 : i32
        %dma_start3A_2134 = tpu.memref_slice %arg6[%scan3A_5, %dma_start3A_2132, %dma_start3A_2133] : memref<2x320x32xf32, #tpu.memory_space<vmem>> -> memref<1x320x32xf32, #tpu.memory_space<vmem>>
        %dma_start3A_2135 = tpu.memref_squeeze %dma_start3A_2134 : memref<1x320x32xf32, #tpu.memory_space<vmem>> -> memref<320x32xf32, #tpu.memory_space<vmem>>
        %dma_start3A_2136 = arith.constant 0 : i32
        %dma_start3A_2137 = tpu.memref_slice %dma_start3A_2135[%add3A_2131, %dma_start3A_2136] : memref<320x32xf32, #tpu.memory_space<vmem>> -> memref<1x32xf32, #tpu.memory_space<vmem>>
        %dma_start3A_2138 = arith.constant 0 : i32
        %dma_start3A_2139 = tpu.memref_slice %arg3[%squeeze3A_2127, %dma_start3A_2138] : memref<1000000x32xf32, #tpu.memory_space<hbm>> -> memref<1x32xf32, #tpu.memory_space<hbm>>
        %dma_start3A_2140 = arith.constant 0 : i32
        %dma_start3A_2141 = arith.constant 0 : i32
        %dma_start3A_2142 = tpu.memref_slice %arg6[%scan3A_5, %dma_start3A_2140, %dma_start3A_2141] : memref<2x320x32xf32, #tpu.memory_space<vmem>> -> memref<1x320x32xf32, #tpu.memory_space<vmem>>
        %dma_start3A_2143 = tpu.memref_squeeze %dma_start3A_2142 : memref<1x320x32xf32, #tpu.memory_space<vmem>> -> memref<320x32xf32, #tpu.memory_space<vmem>>
        %dma_start3A_2144 = arith.constant 0 : i32
        %dma_start3A_2145 = tpu.memref_slice %dma_start3A_2143[%add3A_2131, %dma_start3A_2144] : memref<320x32xf32, #tpu.memory_space<vmem>> -> memref<1x32xf32, #tpu.memory_space<vmem>>
        %dma_start3A_2146 = arith.constant 0 : i32
        %dma_start3A_2147 = tpu.memref_slice %arg3[%squeeze3A_2127, %dma_start3A_2146] : memref<1000000x32xf32, #tpu.memory_space<hbm>> -> memref<1x32xf32, #tpu.memory_space<hbm>>
        tpu.enqueue_dma source(%dma_start3A_2147 : memref<1x32xf32, #tpu.memory_space<hbm>>) target(%dma_start3A_2145 : memref<1x32xf32, #tpu.memory_space<vmem>>) target_semaphore(%arg7 : memref<!tpu.dma_semaphore, #tpu.memory_space<semaphore_mem>>)
      }
      %scan3A_887 = arith.constant 20 : i32
      %dma_wait3A_888 = arith.constant 0 : i32
      %dma_wait3A_889 = arith.constant 0 : i32
      %dma_wait3A_890 = tpu.memref_slice %arg6[%scan3A_5, %dma_wait3A_888, %dma_wait3A_889] : memref<2x320x32xf32, #tpu.memory_space<vmem>> -> memref<1x320x32xf32, #tpu.memory_space<vmem>>
      %dma_wait3A_891 = tpu.memref_squeeze %dma_wait3A_890 : memref<1x320x32xf32, #tpu.memory_space<vmem>> -> memref<320x32xf32, #tpu.memory_space<vmem>>
      %dma_wait3A_892 = arith.constant 0 : i32
      %dma_wait3A_893 = arith.constant 0 : i32
      %dma_wait3A_894 = tpu.memref_slice %arg3[%dma_wait3A_892, %dma_wait3A_893] : memref<1000000x32xf32, #tpu.memory_space<hbm>> -> memref<320x32xf32, #tpu.memory_space<hbm>>
      %dma_wait3A_895 = arith.constant 0 : i32
      %dma_wait3A_896 = arith.constant 0 : i32
      %dma_wait3A_897 = tpu.memref_slice %arg6[%scan3A_5, %dma_wait3A_895, %dma_wait3A_896] : memref<2x320x32xf32, #tpu.memory_space<vmem>> -> memref<1x320x32xf32, #tpu.memory_space<vmem>>
      %dma_wait3A_898 = tpu.memref_squeeze %dma_wait3A_897 : memref<1x320x32xf32, #tpu.memory_space<vmem>> -> memref<320x32xf32, #tpu.memory_space<vmem>>
      %dma_wait3A_899 = arith.constant 0 : i32
      %dma_wait3A_900 = arith.constant 0 : i32
      %dma_wait3A_901 = tpu.memref_slice %arg3[%dma_wait3A_899, %dma_wait3A_900] : memref<1000000x32xf32, #tpu.memory_space<hbm>> -> memref<320x32xf32, #tpu.memory_space<hbm>>
      tpu.wait_dma2 semaphore(%arg7 : memref<!tpu.dma_semaphore, #tpu.memory_space<semaphore_mem>>) src(%dma_wait3A_901 : memref<320x32xf32, #tpu.memory_space<hbm>>) dst(%dma_wait3A_898 : memref<320x32xf32, #tpu.memory_space<vmem>>)
      %mul3A_902 = arith.constant 16 : i32
      %mul3A_903 = arith.muli %mul3A_877, %mul3A_902 : i32
      %add3A_904 = arith.addi %mul3A_4, %mul3A_903 : i32
      %add3A_905 = arith.constant 0 : i32
      %add3A_906 = arith.addi %add3A_904, %add3A_905 : i32
      %dma_start3A = arith.constant 0 : i32
      %dma_start3A_907 = arith.constant 0 : i32
      %dma_start3A_908 = tpu.memref_slice %arg6[%scan3A_5, %dma_start3A, %dma_start3A_907] : memref<2x320x32xf32, #tpu.memory_space<vmem>> -> memref<1x320x32xf32, #tpu.memory_space<vmem>>
      %dma_start3A_909 = tpu.memref_squeeze %dma_start3A_908 : memref<1x320x32xf32, #tpu.memory_space<vmem>> -> memref<320x32xf32, #tpu.memory_space<vmem>>
      %dma_start3A_910 = arith.constant 0 : i32
      %dma_start3A_911 = arith.constant 0 : i32
      %dma_start3A_912 = tpu.memref_slice %dma_start3A_909[%dma_start3A_910, %dma_start3A_911] : memref<320x32xf32, #tpu.memory_space<vmem>> -> memref<20x32xf32, #tpu.memory_space<vmem>>
      %dma_start3A_913 = arith.constant 0 : i32
      %dma_start3A_914 = arith.constant 0 : i32
      %dma_start3A_915 = tpu.memref_slice %arg4[%add3A_906, %dma_start3A_913, %dma_start3A_914] : memref<16384x20x32xf32, #tpu.memory_space<hbm>> -> memref<1x20x32xf32, #tpu.memory_space<hbm>>
      %dma_start3A_916 = tpu.memref_squeeze %dma_start3A_915 : memref<1x20x32xf32, #tpu.memory_space<hbm>> -> memref<20x32xf32, #tpu.memory_space<hbm>>
      %dma_start3A_917 = arith.constant 0 : i32
      %dma_start3A_918 = arith.constant 0 : i32
      %dma_start3A_919 = tpu.memref_slice %arg4[%add3A_906, %dma_start3A_917, %dma_start3A_918] : memref<16384x20x32xf32, #tpu.memory_space<hbm>> -> memref<1x20x32xf32, #tpu.memory_space<hbm>>
      %dma_start3A_920 = tpu.memref_squeeze %dma_start3A_919 : memref<1x20x32xf32, #tpu.memory_space<hbm>> -> memref<20x32xf32, #tpu.memory_space<hbm>>
      %dma_start3A_921 = arith.constant 0 : i32
      %dma_start3A_922 = arith.constant 0 : i32
      %dma_start3A_923 = tpu.memref_slice %arg6[%scan3A_5, %dma_start3A_921, %dma_start3A_922] : memref<2x320x32xf32, #tpu.memory_space<vmem>> -> memref<1x320x32xf32, #tpu.memory_space<vmem>>
      %dma_start3A_924 = tpu.memref_squeeze %dma_start3A_923 : memref<1x320x32xf32, #tpu.memory_space<vmem>> -> memref<320x32xf32, #tpu.memory_space<vmem>>
      %dma_start3A_925 = arith.constant 0 : i32
      %dma_start3A_926 = arith.constant 0 : i32
      %dma_start3A_927 = tpu.memref_slice %dma_start3A_924[%dma_start3A_925, %dma_start3A_926] : memref<320x32xf32, #tpu.memory_space<vmem>> -> memref<20x32xf32, #tpu.memory_space<vmem>>
      tpu.enqueue_dma source(%dma_start3A_927 : memref<20x32xf32, #tpu.memory_space<vmem>>) target(%dma_start3A_920 : memref<20x32xf32, #tpu.memory_space<hbm>>) target_semaphore(%arg8 : memref<!tpu.dma_semaphore, #tpu.memory_space<semaphore_mem>>)
      %mul3A_928 = arith.constant 16 : i32
      %mul3A_929 = arith.muli %mul3A_877, %mul3A_928 : i32
      %add3A_930 = arith.addi %mul3A_4, %mul3A_929 : i32
      %add3A_931 = arith.constant 1 : i32
      %add3A_932 = arith.addi %add3A_930, %add3A_931 : i32
      %dma_start3A_933 = arith.constant 0 : i32
      %dma_start3A_934 = arith.constant 0 : i32
      %dma_start3A_935 = tpu.memref_slice %arg6[%scan3A_5, %dma_start3A_933, %dma_start3A_934] : memref<2x320x32xf32, #tpu.memory_space<vmem>> -> memref<1x320x32xf32, #tpu.memory_space<vmem>>
      %dma_start3A_936 = tpu.memref_squeeze %dma_start3A_935 : memref<1x320x32xf32, #tpu.memory_space<vmem>> -> memref<320x32xf32, #tpu.memory_space<vmem>>
      %dma_start3A_937 = arith.constant 20 : i32
      %dma_start3A_938 = arith.constant 0 : i32
      %dma_start3A_939 = tpu.memref_slice %dma_start3A_936[%dma_start3A_937, %dma_start3A_938] : memref<320x32xf32, #tpu.memory_space<vmem>> -> memref<20x32xf32, #tpu.memory_space<vmem>>
      %dma_start3A_940 = arith.constant 0 : i32
      %dma_start3A_941 = arith.constant 0 : i32
      %dma_start3A_942 = tpu.memref_slice %arg4[%add3A_932, %dma_start3A_940, %dma_start3A_941] : memref<16384x20x32xf32, #tpu.memory_space<hbm>> -> memref<1x20x32xf32, #tpu.memory_space<hbm>>
      %dma_start3A_943 = tpu.memref_squeeze %dma_start3A_942 : memref<1x20x32xf32, #tpu.memory_space<hbm>> -> memref<20x32xf32, #tpu.memory_space<hbm>>
      %dma_start3A_944 = arith.constant 0 : i32
      %dma_start3A_945 = arith.constant 0 : i32
      %dma_start3A_946 = tpu.memref_slice %arg4[%add3A_932, %dma_start3A_944, %dma_start3A_945] : memref<16384x20x32xf32, #tpu.memory_space<hbm>> -> memref<1x20x32xf32, #tpu.memory_space<hbm>>
      %dma_start3A_947 = tpu.memref_squeeze %dma_start3A_946 : memref<1x20x32xf32, #tpu.memory_space<hbm>> -> memref<20x32xf32, #tpu.memory_space<hbm>>
      %dma_start3A_948 = arith.constant 0 : i32
      %dma_start3A_949 = arith.constant 0 : i32
      %dma_start3A_950 = tpu.memref_slice %arg6[%scan3A_5, %dma_start3A_948, %dma_start3A_949] : memref<2x320x32xf32, #tpu.memory_space<vmem>> -> memref<1x320x32xf32, #tpu.memory_space<vmem>>
      %dma_start3A_951 = tpu.memref_squeeze %dma_start3A_950 : memref<1x320x32xf32, #tpu.memory_space<vmem>> -> memref<320x32xf32, #tpu.memory_space<vmem>>
      %dma_start3A_952 = arith.constant 20 : i32
      %dma_start3A_953 = arith.constant 0 : i32
      %dma_start3A_954 = tpu.memref_slice %dma_start3A_951[%dma_start3A_952, %dma_start3A_953] : memref<320x32xf32, #tpu.memory_space<vmem>> -> memref<20x32xf32, #tpu.memory_space<vmem>>
      tpu.enqueue_dma source(%dma_start3A_954 : memref<20x32xf32, #tpu.memory_space<vmem>>) target(%dma_start3A_947 : memref<20x32xf32, #tpu.memory_space<hbm>>) target_semaphore(%arg8 : memref<!tpu.dma_semaphore, #tpu.memory_space<semaphore_mem>>)
      %mul3A_955 = arith.constant 16 : i32
      %mul3A_956 = arith.muli %mul3A_877, %mul3A_955 : i32
      %add3A_957 = arith.addi %mul3A_4, %mul3A_956 : i32
      %add3A_958 = arith.constant 2 : i32
      %add3A_959 = arith.addi %add3A_957, %add3A_958 : i32
      %dma_start3A_960 = arith.constant 0 : i32
      %dma_start3A_961 = arith.constant 0 : i32
      %dma_start3A_962 = tpu.memref_slice %arg6[%scan3A_5, %dma_start3A_960, %dma_start3A_961] : memref<2x320x32xf32, #tpu.memory_space<vmem>> -> memref<1x320x32xf32, #tpu.memory_space<vmem>>
      %dma_start3A_963 = tpu.memref_squeeze %dma_start3A_962 : memref<1x320x32xf32, #tpu.memory_space<vmem>> -> memref<320x32xf32, #tpu.memory_space<vmem>>
      %dma_start3A_964 = arith.constant 40 : i32
      %dma_start3A_965 = arith.constant 0 : i32
      %dma_start3A_966 = tpu.memref_slice %dma_start3A_963[%dma_start3A_964, %dma_start3A_965] : memref<320x32xf32, #tpu.memory_space<vmem>> -> memref<20x32xf32, #tpu.memory_space<vmem>>
      %dma_start3A_967 = arith.constant 0 : i32
      %dma_start3A_968 = arith.constant 0 : i32
      %dma_start3A_969 = tpu.memref_slice %arg4[%add3A_959, %dma_start3A_967, %dma_start3A_968] : memref<16384x20x32xf32, #tpu.memory_space<hbm>> -> memref<1x20x32xf32, #tpu.memory_space<hbm>>
      %dma_start3A_970 = tpu.memref_squeeze %dma_start3A_969 : memref<1x20x32xf32, #tpu.memory_space<hbm>> -> memref<20x32xf32, #tpu.memory_space<hbm>>
      %dma_start3A_971 = arith.constant 0 : i32
      %dma_start3A_972 = arith.constant 0 : i32
      %dma_start3A_973 = tpu.memref_slice %arg4[%add3A_959, %dma_start3A_971, %dma_start3A_972] : memref<16384x20x32xf32, #tpu.memory_space<hbm>> -> memref<1x20x32xf32, #tpu.memory_space<hbm>>
      %dma_start3A_974 = tpu.memref_squeeze %dma_start3A_973 : memref<1x20x32xf32, #tpu.memory_space<hbm>> -> memref<20x32xf32, #tpu.memory_space<hbm>>
      %dma_start3A_975 = arith.constant 0 : i32
      %dma_start3A_976 = arith.constant 0 : i32
      %dma_start3A_977 = tpu.memref_slice %arg6[%scan3A_5, %dma_start3A_975, %dma_start3A_976] : memref<2x320x32xf32, #tpu.memory_space<vmem>> -> memref<1x320x32xf32, #tpu.memory_space<vmem>>
      %dma_start3A_978 = tpu.memref_squeeze %dma_start3A_977 : memref<1x320x32xf32, #tpu.memory_space<vmem>> -> memref<320x32xf32, #tpu.memory_space<vmem>>
      %dma_start3A_979 = arith.constant 40 : i32
      %dma_start3A_980 = arith.constant 0 : i32
      %dma_start3A_981 = tpu.memref_slice %dma_start3A_978[%dma_start3A_979, %dma_start3A_980] : memref<320x32xf32, #tpu.memory_space<vmem>> -> memref<20x32xf32, #tpu.memory_space<vmem>>
      tpu.enqueue_dma source(%dma_start3A_981 : memref<20x32xf32, #tpu.memory_space<vmem>>) target(%dma_start3A_974 : memref<20x32xf32, #tpu.memory_space<hbm>>) target_semaphore(%arg8 : memref<!tpu.dma_semaphore, #tpu.memory_space<semaphore_mem>>)
      %mul3A_982 = arith.constant 16 : i32
      %mul3A_983 = arith.muli %mul3A_877, %mul3A_982 : i32
      %add3A_984 = arith.addi %mul3A_4, %mul3A_983 : i32
      %add3A_985 = arith.constant 3 : i32
      %add3A_986 = arith.addi %add3A_984, %add3A_985 : i32
      %dma_start3A_987 = arith.constant 0 : i32
      %dma_start3A_988 = arith.constant 0 : i32
      %dma_start3A_989 = tpu.memref_slice %arg6[%scan3A_5, %dma_start3A_987, %dma_start3A_988] : memref<2x320x32xf32, #tpu.memory_space<vmem>> -> memref<1x320x32xf32, #tpu.memory_space<vmem>>
      %dma_start3A_990 = tpu.memref_squeeze %dma_start3A_989 : memref<1x320x32xf32, #tpu.memory_space<vmem>> -> memref<320x32xf32, #tpu.memory_space<vmem>>
      %dma_start3A_991 = arith.constant 60 : i32
      %dma_start3A_992 = arith.constant 0 : i32
      %dma_start3A_993 = tpu.memref_slice %dma_start3A_990[%dma_start3A_991, %dma_start3A_992] : memref<320x32xf32, #tpu.memory_space<vmem>> -> memref<20x32xf32, #tpu.memory_space<vmem>>
      %dma_start3A_994 = arith.constant 0 : i32
      %dma_start3A_995 = arith.constant 0 : i32
      %dma_start3A_996 = tpu.memref_slice %arg4[%add3A_986, %dma_start3A_994, %dma_start3A_995] : memref<16384x20x32xf32, #tpu.memory_space<hbm>> -> memref<1x20x32xf32, #tpu.memory_space<hbm>>
      %dma_start3A_997 = tpu.memref_squeeze %dma_start3A_996 : memref<1x20x32xf32, #tpu.memory_space<hbm>> -> memref<20x32xf32, #tpu.memory_space<hbm>>
      %dma_start3A_998 = arith.constant 0 : i32
      %dma_start3A_999 = arith.constant 0 : i32
      %dma_start3A_1000 = tpu.memref_slice %arg4[%add3A_986, %dma_start3A_998, %dma_start3A_999] : memref<16384x20x32xf32, #tpu.memory_space<hbm>> -> memref<1x20x32xf32, #tpu.memory_space<hbm>>
      %dma_start3A_1001 = tpu.memref_squeeze %dma_start3A_1000 : memref<1x20x32xf32, #tpu.memory_space<hbm>> -> memref<20x32xf32, #tpu.memory_space<hbm>>
      %dma_start3A_1002 = arith.constant 0 : i32
      %dma_start3A_1003 = arith.constant 0 : i32
      %dma_start3A_1004 = tpu.memref_slice %arg6[%scan3A_5, %dma_start3A_1002, %dma_start3A_1003] : memref<2x320x32xf32, #tpu.memory_space<vmem>> -> memref<1x320x32xf32, #tpu.memory_space<vmem>>
      %dma_start3A_1005 = tpu.memref_squeeze %dma_start3A_1004 : memref<1x320x32xf32, #tpu.memory_space<vmem>> -> memref<320x32xf32, #tpu.memory_space<vmem>>
      %dma_start3A_1006 = arith.constant 60 : i32
      %dma_start3A_1007 = arith.constant 0 : i32
      %dma_start3A_1008 = tpu.memref_slice %dma_start3A_1005[%dma_start3A_1006, %dma_start3A_1007] : memref<320x32xf32, #tpu.memory_space<vmem>> -> memref<20x32xf32, #tpu.memory_space<vmem>>
      tpu.enqueue_dma source(%dma_start3A_1008 : memref<20x32xf32, #tpu.memory_space<vmem>>) target(%dma_start3A_1001 : memref<20x32xf32, #tpu.memory_space<hbm>>) target_semaphore(%arg8 : memref<!tpu.dma_semaphore, #tpu.memory_space<semaphore_mem>>)
      %mul3A_1009 = arith.constant 16 : i32
      %mul3A_1010 = arith.muli %mul3A_877, %mul3A_1009 : i32
      %add3A_1011 = arith.addi %mul3A_4, %mul3A_1010 : i32
      %add3A_1012 = arith.constant 4 : i32
      %add3A_1013 = arith.addi %add3A_1011, %add3A_1012 : i32
      %dma_start3A_1014 = arith.constant 0 : i32
      %dma_start3A_1015 = arith.constant 0 : i32
      %dma_start3A_1016 = tpu.memref_slice %arg6[%scan3A_5, %dma_start3A_1014, %dma_start3A_1015] : memref<2x320x32xf32, #tpu.memory_space<vmem>> -> memref<1x320x32xf32, #tpu.memory_space<vmem>>
      %dma_start3A_1017 = tpu.memref_squeeze %dma_start3A_1016 : memref<1x320x32xf32, #tpu.memory_space<vmem>> -> memref<320x32xf32, #tpu.memory_space<vmem>>
      %dma_start3A_1018 = arith.constant 80 : i32
      %dma_start3A_1019 = arith.constant 0 : i32
      %dma_start3A_1020 = tpu.memref_slice %dma_start3A_1017[%dma_start3A_1018, %dma_start3A_1019] : memref<320x32xf32, #tpu.memory_space<vmem>> -> memref<20x32xf32, #tpu.memory_space<vmem>>
      %dma_start3A_1021 = arith.constant 0 : i32
      %dma_start3A_1022 = arith.constant 0 : i32
      %dma_start3A_1023 = tpu.memref_slice %arg4[%add3A_1013, %dma_start3A_1021, %dma_start3A_1022] : memref<16384x20x32xf32, #tpu.memory_space<hbm>> -> memref<1x20x32xf32, #tpu.memory_space<hbm>>
      %dma_start3A_1024 = tpu.memref_squeeze %dma_start3A_1023 : memref<1x20x32xf32, #tpu.memory_space<hbm>> -> memref<20x32xf32, #tpu.memory_space<hbm>>
      %dma_start3A_1025 = arith.constant 0 : i32
      %dma_start3A_1026 = arith.constant 0 : i32
      %dma_start3A_1027 = tpu.memref_slice %arg4[%add3A_1013, %dma_start3A_1025, %dma_start3A_1026] : memref<16384x20x32xf32, #tpu.memory_space<hbm>> -> memref<1x20x32xf32, #tpu.memory_space<hbm>>
      %dma_start3A_1028 = tpu.memref_squeeze %dma_start3A_1027 : memref<1x20x32xf32, #tpu.memory_space<hbm>> -> memref<20x32xf32, #tpu.memory_space<hbm>>
      %dma_start3A_1029 = arith.constant 0 : i32
      %dma_start3A_1030 = arith.constant 0 : i32
      %dma_start3A_1031 = tpu.memref_slice %arg6[%scan3A_5, %dma_start3A_1029, %dma_start3A_1030] : memref<2x320x32xf32, #tpu.memory_space<vmem>> -> memref<1x320x32xf32, #tpu.memory_space<vmem>>
      %dma_start3A_1032 = tpu.memref_squeeze %dma_start3A_1031 : memref<1x320x32xf32, #tpu.memory_space<vmem>> -> memref<320x32xf32, #tpu.memory_space<vmem>>
      %dma_start3A_1033 = arith.constant 80 : i32
      %dma_start3A_1034 = arith.constant 0 : i32
      %dma_start3A_1035 = tpu.memref_slice %dma_start3A_1032[%dma_start3A_1033, %dma_start3A_1034] : memref<320x32xf32, #tpu.memory_space<vmem>> -> memref<20x32xf32, #tpu.memory_space<vmem>>
      tpu.enqueue_dma source(%dma_start3A_1035 : memref<20x32xf32, #tpu.memory_space<vmem>>) target(%dma_start3A_1028 : memref<20x32xf32, #tpu.memory_space<hbm>>) target_semaphore(%arg8 : memref<!tpu.dma_semaphore, #tpu.memory_space<semaphore_mem>>)
      %mul3A_1036 = arith.constant 16 : i32
      %mul3A_1037 = arith.muli %mul3A_877, %mul3A_1036 : i32
      %add3A_1038 = arith.addi %mul3A_4, %mul3A_1037 : i32
      %add3A_1039 = arith.constant 5 : i32
      %add3A_1040 = arith.addi %add3A_1038, %add3A_1039 : i32
      %dma_start3A_1041 = arith.constant 0 : i32
      %dma_start3A_1042 = arith.constant 0 : i32
      %dma_start3A_1043 = tpu.memref_slice %arg6[%scan3A_5, %dma_start3A_1041, %dma_start3A_1042] : memref<2x320x32xf32, #tpu.memory_space<vmem>> -> memref<1x320x32xf32, #tpu.memory_space<vmem>>
      %dma_start3A_1044 = tpu.memref_squeeze %dma_start3A_1043 : memref<1x320x32xf32, #tpu.memory_space<vmem>> -> memref<320x32xf32, #tpu.memory_space<vmem>>
      %dma_start3A_1045 = arith.constant 100 : i32
      %dma_start3A_1046 = arith.constant 0 : i32
      %dma_start3A_1047 = tpu.memref_slice %dma_start3A_1044[%dma_start3A_1045, %dma_start3A_1046] : memref<320x32xf32, #tpu.memory_space<vmem>> -> memref<20x32xf32, #tpu.memory_space<vmem>>
      %dma_start3A_1048 = arith.constant 0 : i32
      %dma_start3A_1049 = arith.constant 0 : i32
      %dma_start3A_1050 = tpu.memref_slice %arg4[%add3A_1040, %dma_start3A_1048, %dma_start3A_1049] : memref<16384x20x32xf32, #tpu.memory_space<hbm>> -> memref<1x20x32xf32, #tpu.memory_space<hbm>>
      %dma_start3A_1051 = tpu.memref_squeeze %dma_start3A_1050 : memref<1x20x32xf32, #tpu.memory_space<hbm>> -> memref<20x32xf32, #tpu.memory_space<hbm>>
      %dma_start3A_1052 = arith.constant 0 : i32
      %dma_start3A_1053 = arith.constant 0 : i32
      %dma_start3A_1054 = tpu.memref_slice %arg4[%add3A_1040, %dma_start3A_1052, %dma_start3A_1053] : memref<16384x20x32xf32, #tpu.memory_space<hbm>> -> memref<1x20x32xf32, #tpu.memory_space<hbm>>
      %dma_start3A_1055 = tpu.memref_squeeze %dma_start3A_1054 : memref<1x20x32xf32, #tpu.memory_space<hbm>> -> memref<20x32xf32, #tpu.memory_space<hbm>>
      %dma_start3A_1056 = arith.constant 0 : i32
      %dma_start3A_1057 = arith.constant 0 : i32
      %dma_start3A_1058 = tpu.memref_slice %arg6[%scan3A_5, %dma_start3A_1056, %dma_start3A_1057] : memref<2x320x32xf32, #tpu.memory_space<vmem>> -> memref<1x320x32xf32, #tpu.memory_space<vmem>>
      %dma_start3A_1059 = tpu.memref_squeeze %dma_start3A_1058 : memref<1x320x32xf32, #tpu.memory_space<vmem>> -> memref<320x32xf32, #tpu.memory_space<vmem>>
      %dma_start3A_1060 = arith.constant 100 : i32
      %dma_start3A_1061 = arith.constant 0 : i32
      %dma_start3A_1062 = tpu.memref_slice %dma_start3A_1059[%dma_start3A_1060, %dma_start3A_1061] : memref<320x32xf32, #tpu.memory_space<vmem>> -> memref<20x32xf32, #tpu.memory_space<vmem>>
      tpu.enqueue_dma source(%dma_start3A_1062 : memref<20x32xf32, #tpu.memory_space<vmem>>) target(%dma_start3A_1055 : memref<20x32xf32, #tpu.memory_space<hbm>>) target_semaphore(%arg8 : memref<!tpu.dma_semaphore, #tpu.memory_space<semaphore_mem>>)
      %mul3A_1063 = arith.constant 16 : i32
      %mul3A_1064 = arith.muli %mul3A_877, %mul3A_1063 : i32
      %add3A_1065 = arith.addi %mul3A_4, %mul3A_1064 : i32
      %add3A_1066 = arith.constant 6 : i32
      %add3A_1067 = arith.addi %add3A_1065, %add3A_1066 : i32
      %dma_start3A_1068 = arith.constant 0 : i32
      %dma_start3A_1069 = arith.constant 0 : i32
      %dma_start3A_1070 = tpu.memref_slice %arg6[%scan3A_5, %dma_start3A_1068, %dma_start3A_1069] : memref<2x320x32xf32, #tpu.memory_space<vmem>> -> memref<1x320x32xf32, #tpu.memory_space<vmem>>
      %dma_start3A_1071 = tpu.memref_squeeze %dma_start3A_1070 : memref<1x320x32xf32, #tpu.memory_space<vmem>> -> memref<320x32xf32, #tpu.memory_space<vmem>>
      %dma_start3A_1072 = arith.constant 120 : i32
      %dma_start3A_1073 = arith.constant 0 : i32
      %dma_start3A_1074 = tpu.memref_slice %dma_start3A_1071[%dma_start3A_1072, %dma_start3A_1073] : memref<320x32xf32, #tpu.memory_space<vmem>> -> memref<20x32xf32, #tpu.memory_space<vmem>>
      %dma_start3A_1075 = arith.constant 0 : i32
      %dma_start3A_1076 = arith.constant 0 : i32
      %dma_start3A_1077 = tpu.memref_slice %arg4[%add3A_1067, %dma_start3A_1075, %dma_start3A_1076] : memref<16384x20x32xf32, #tpu.memory_space<hbm>> -> memref<1x20x32xf32, #tpu.memory_space<hbm>>
      %dma_start3A_1078 = tpu.memref_squeeze %dma_start3A_1077 : memref<1x20x32xf32, #tpu.memory_space<hbm>> -> memref<20x32xf32, #tpu.memory_space<hbm>>
      %dma_start3A_1079 = arith.constant 0 : i32
      %dma_start3A_1080 = arith.constant 0 : i32
      %dma_start3A_1081 = tpu.memref_slice %arg4[%add3A_1067, %dma_start3A_1079, %dma_start3A_1080] : memref<16384x20x32xf32, #tpu.memory_space<hbm>> -> memref<1x20x32xf32, #tpu.memory_space<hbm>>
      %dma_start3A_1082 = tpu.memref_squeeze %dma_start3A_1081 : memref<1x20x32xf32, #tpu.memory_space<hbm>> -> memref<20x32xf32, #tpu.memory_space<hbm>>
      %dma_start3A_1083 = arith.constant 0 : i32
      %dma_start3A_1084 = arith.constant 0 : i32
      %dma_start3A_1085 = tpu.memref_slice %arg6[%scan3A_5, %dma_start3A_1083, %dma_start3A_1084] : memref<2x320x32xf32, #tpu.memory_space<vmem>> -> memref<1x320x32xf32, #tpu.memory_space<vmem>>
      %dma_start3A_1086 = tpu.memref_squeeze %dma_start3A_1085 : memref<1x320x32xf32, #tpu.memory_space<vmem>> -> memref<320x32xf32, #tpu.memory_space<vmem>>
      %dma_start3A_1087 = arith.constant 120 : i32
      %dma_start3A_1088 = arith.constant 0 : i32
      %dma_start3A_1089 = tpu.memref_slice %dma_start3A_1086[%dma_start3A_1087, %dma_start3A_1088] : memref<320x32xf32, #tpu.memory_space<vmem>> -> memref<20x32xf32, #tpu.memory_space<vmem>>
      tpu.enqueue_dma source(%dma_start3A_1089 : memref<20x32xf32, #tpu.memory_space<vmem>>) target(%dma_start3A_1082 : memref<20x32xf32, #tpu.memory_space<hbm>>) target_semaphore(%arg8 : memref<!tpu.dma_semaphore, #tpu.memory_space<semaphore_mem>>)
      %mul3A_1090 = arith.constant 16 : i32
      %mul3A_1091 = arith.muli %mul3A_877, %mul3A_1090 : i32
      %add3A_1092 = arith.addi %mul3A_4, %mul3A_1091 : i32
      %add3A_1093 = arith.constant 7 : i32
      %add3A_1094 = arith.addi %add3A_1092, %add3A_1093 : i32
      %dma_start3A_1095 = arith.constant 0 : i32
      %dma_start3A_1096 = arith.constant 0 : i32
      %dma_start3A_1097 = tpu.memref_slice %arg6[%scan3A_5, %dma_start3A_1095, %dma_start3A_1096] : memref<2x320x32xf32, #tpu.memory_space<vmem>> -> memref<1x320x32xf32, #tpu.memory_space<vmem>>
      %dma_start3A_1098 = tpu.memref_squeeze %dma_start3A_1097 : memref<1x320x32xf32, #tpu.memory_space<vmem>> -> memref<320x32xf32, #tpu.memory_space<vmem>>
      %dma_start3A_1099 = arith.constant 140 : i32
      %dma_start3A_1100 = arith.constant 0 : i32
      %dma_start3A_1101 = tpu.memref_slice %dma_start3A_1098[%dma_start3A_1099, %dma_start3A_1100] : memref<320x32xf32, #tpu.memory_space<vmem>> -> memref<20x32xf32, #tpu.memory_space<vmem>>
      %dma_start3A_1102 = arith.constant 0 : i32
      %dma_start3A_1103 = arith.constant 0 : i32
      %dma_start3A_1104 = tpu.memref_slice %arg4[%add3A_1094, %dma_start3A_1102, %dma_start3A_1103] : memref<16384x20x32xf32, #tpu.memory_space<hbm>> -> memref<1x20x32xf32, #tpu.memory_space<hbm>>
      %dma_start3A_1105 = tpu.memref_squeeze %dma_start3A_1104 : memref<1x20x32xf32, #tpu.memory_space<hbm>> -> memref<20x32xf32, #tpu.memory_space<hbm>>
      %dma_start3A_1106 = arith.constant 0 : i32
      %dma_start3A_1107 = arith.constant 0 : i32
      %dma_start3A_1108 = tpu.memref_slice %arg4[%add3A_1094, %dma_start3A_1106, %dma_start3A_1107] : memref<16384x20x32xf32, #tpu.memory_space<hbm>> -> memref<1x20x32xf32, #tpu.memory_space<hbm>>
      %dma_start3A_1109 = tpu.memref_squeeze %dma_start3A_1108 : memref<1x20x32xf32, #tpu.memory_space<hbm>> -> memref<20x32xf32, #tpu.memory_space<hbm>>
      %dma_start3A_1110 = arith.constant 0 : i32
      %dma_start3A_1111 = arith.constant 0 : i32
      %dma_start3A_1112 = tpu.memref_slice %arg6[%scan3A_5, %dma_start3A_1110, %dma_start3A_1111] : memref<2x320x32xf32, #tpu.memory_space<vmem>> -> memref<1x320x32xf32, #tpu.memory_space<vmem>>
      %dma_start3A_1113 = tpu.memref_squeeze %dma_start3A_1112 : memref<1x320x32xf32, #tpu.memory_space<vmem>> -> memref<320x32xf32, #tpu.memory_space<vmem>>
      %dma_start3A_1114 = arith.constant 140 : i32
      %dma_start3A_1115 = arith.constant 0 : i32
      %dma_start3A_1116 = tpu.memref_slice %dma_start3A_1113[%dma_start3A_1114, %dma_start3A_1115] : memref<320x32xf32, #tpu.memory_space<vmem>> -> memref<20x32xf32, #tpu.memory_space<vmem>>
      tpu.enqueue_dma source(%dma_start3A_1116 : memref<20x32xf32, #tpu.memory_space<vmem>>) target(%dma_start3A_1109 : memref<20x32xf32, #tpu.memory_space<hbm>>) target_semaphore(%arg8 : memref<!tpu.dma_semaphore, #tpu.memory_space<semaphore_mem>>)
      %mul3A_1117 = arith.constant 16 : i32
      %mul3A_1118 = arith.muli %mul3A_877, %mul3A_1117 : i32
      %add3A_1119 = arith.addi %mul3A_4, %mul3A_1118 : i32
      %add3A_1120 = arith.constant 8 : i32
      %add3A_1121 = arith.addi %add3A_1119, %add3A_1120 : i32
      %dma_start3A_1122 = arith.constant 0 : i32
      %dma_start3A_1123 = arith.constant 0 : i32
      %dma_start3A_1124 = tpu.memref_slice %arg6[%scan3A_5, %dma_start3A_1122, %dma_start3A_1123] : memref<2x320x32xf32, #tpu.memory_space<vmem>> -> memref<1x320x32xf32, #tpu.memory_space<vmem>>
      %dma_start3A_1125 = tpu.memref_squeeze %dma_start3A_1124 : memref<1x320x32xf32, #tpu.memory_space<vmem>> -> memref<320x32xf32, #tpu.memory_space<vmem>>
      %dma_start3A_1126 = arith.constant 160 : i32
      %dma_start3A_1127 = arith.constant 0 : i32
      %dma_start3A_1128 = tpu.memref_slice %dma_start3A_1125[%dma_start3A_1126, %dma_start3A_1127] : memref<320x32xf32, #tpu.memory_space<vmem>> -> memref<20x32xf32, #tpu.memory_space<vmem>>
      %dma_start3A_1129 = arith.constant 0 : i32
      %dma_start3A_1130 = arith.constant 0 : i32
      %dma_start3A_1131 = tpu.memref_slice %arg4[%add3A_1121, %dma_start3A_1129, %dma_start3A_1130] : memref<16384x20x32xf32, #tpu.memory_space<hbm>> -> memref<1x20x32xf32, #tpu.memory_space<hbm>>
      %dma_start3A_1132 = tpu.memref_squeeze %dma_start3A_1131 : memref<1x20x32xf32, #tpu.memory_space<hbm>> -> memref<20x32xf32, #tpu.memory_space<hbm>>
      %dma_start3A_1133 = arith.constant 0 : i32
      %dma_start3A_1134 = arith.constant 0 : i32
      %dma_start3A_1135 = tpu.memref_slice %arg4[%add3A_1121, %dma_start3A_1133, %dma_start3A_1134] : memref<16384x20x32xf32, #tpu.memory_space<hbm>> -> memref<1x20x32xf32, #tpu.memory_space<hbm>>
      %dma_start3A_1136 = tpu.memref_squeeze %dma_start3A_1135 : memref<1x20x32xf32, #tpu.memory_space<hbm>> -> memref<20x32xf32, #tpu.memory_space<hbm>>
      %dma_start3A_1137 = arith.constant 0 : i32
      %dma_start3A_1138 = arith.constant 0 : i32
      %dma_start3A_1139 = tpu.memref_slice %arg6[%scan3A_5, %dma_start3A_1137, %dma_start3A_1138] : memref<2x320x32xf32, #tpu.memory_space<vmem>> -> memref<1x320x32xf32, #tpu.memory_space<vmem>>
      %dma_start3A_1140 = tpu.memref_squeeze %dma_start3A_1139 : memref<1x320x32xf32, #tpu.memory_space<vmem>> -> memref<320x32xf32, #tpu.memory_space<vmem>>
      %dma_start3A_1141 = arith.constant 160 : i32
      %dma_start3A_1142 = arith.constant 0 : i32
      %dma_start3A_1143 = tpu.memref_slice %dma_start3A_1140[%dma_start3A_1141, %dma_start3A_1142] : memref<320x32xf32, #tpu.memory_space<vmem>> -> memref<20x32xf32, #tpu.memory_space<vmem>>
      tpu.enqueue_dma source(%dma_start3A_1143 : memref<20x32xf32, #tpu.memory_space<vmem>>) target(%dma_start3A_1136 : memref<20x32xf32, #tpu.memory_space<hbm>>) target_semaphore(%arg8 : memref<!tpu.dma_semaphore, #tpu.memory_space<semaphore_mem>>)
      %mul3A_1144 = arith.constant 16 : i32
      %mul3A_1145 = arith.muli %mul3A_877, %mul3A_1144 : i32
      %add3A_1146 = arith.addi %mul3A_4, %mul3A_1145 : i32
      %add3A_1147 = arith.constant 9 : i32
      %add3A_1148 = arith.addi %add3A_1146, %add3A_1147 : i32
      %dma_start3A_1149 = arith.constant 0 : i32
      %dma_start3A_1150 = arith.constant 0 : i32
      %dma_start3A_1151 = tpu.memref_slice %arg6[%scan3A_5, %dma_start3A_1149, %dma_start3A_1150] : memref<2x320x32xf32, #tpu.memory_space<vmem>> -> memref<1x320x32xf32, #tpu.memory_space<vmem>>
      %dma_start3A_1152 = tpu.memref_squeeze %dma_start3A_1151 : memref<1x320x32xf32, #tpu.memory_space<vmem>> -> memref<320x32xf32, #tpu.memory_space<vmem>>
      %dma_start3A_1153 = arith.constant 180 : i32
      %dma_start3A_1154 = arith.constant 0 : i32
      %dma_start3A_1155 = tpu.memref_slice %dma_start3A_1152[%dma_start3A_1153, %dma_start3A_1154] : memref<320x32xf32, #tpu.memory_space<vmem>> -> memref<20x32xf32, #tpu.memory_space<vmem>>
      %dma_start3A_1156 = arith.constant 0 : i32
      %dma_start3A_1157 = arith.constant 0 : i32
      %dma_start3A_1158 = tpu.memref_slice %arg4[%add3A_1148, %dma_start3A_1156, %dma_start3A_1157] : memref<16384x20x32xf32, #tpu.memory_space<hbm>> -> memref<1x20x32xf32, #tpu.memory_space<hbm>>
      %dma_start3A_1159 = tpu.memref_squeeze %dma_start3A_1158 : memref<1x20x32xf32, #tpu.memory_space<hbm>> -> memref<20x32xf32, #tpu.memory_space<hbm>>
      %dma_start3A_1160 = arith.constant 0 : i32
      %dma_start3A_1161 = arith.constant 0 : i32
      %dma_start3A_1162 = tpu.memref_slice %arg4[%add3A_1148, %dma_start3A_1160, %dma_start3A_1161] : memref<16384x20x32xf32, #tpu.memory_space<hbm>> -> memref<1x20x32xf32, #tpu.memory_space<hbm>>
      %dma_start3A_1163 = tpu.memref_squeeze %dma_start3A_1162 : memref<1x20x32xf32, #tpu.memory_space<hbm>> -> memref<20x32xf32, #tpu.memory_space<hbm>>
      %dma_start3A_1164 = arith.constant 0 : i32
      %dma_start3A_1165 = arith.constant 0 : i32
      %dma_start3A_1166 = tpu.memref_slice %arg6[%scan3A_5, %dma_start3A_1164, %dma_start3A_1165] : memref<2x320x32xf32, #tpu.memory_space<vmem>> -> memref<1x320x32xf32, #tpu.memory_space<vmem>>
      %dma_start3A_1167 = tpu.memref_squeeze %dma_start3A_1166 : memref<1x320x32xf32, #tpu.memory_space<vmem>> -> memref<320x32xf32, #tpu.memory_space<vmem>>
      %dma_start3A_1168 = arith.constant 180 : i32
      %dma_start3A_1169 = arith.constant 0 : i32
      %dma_start3A_1170 = tpu.memref_slice %dma_start3A_1167[%dma_start3A_1168, %dma_start3A_1169] : memref<320x32xf32, #tpu.memory_space<vmem>> -> memref<20x32xf32, #tpu.memory_space<vmem>>
      tpu.enqueue_dma source(%dma_start3A_1170 : memref<20x32xf32, #tpu.memory_space<vmem>>) target(%dma_start3A_1163 : memref<20x32xf32, #tpu.memory_space<hbm>>) target_semaphore(%arg8 : memref<!tpu.dma_semaphore, #tpu.memory_space<semaphore_mem>>)
      %mul3A_1171 = arith.constant 16 : i32
      %mul3A_1172 = arith.muli %mul3A_877, %mul3A_1171 : i32
      %add3A_1173 = arith.addi %mul3A_4, %mul3A_1172 : i32
      %add3A_1174 = arith.constant 10 : i32
      %add3A_1175 = arith.addi %add3A_1173, %add3A_1174 : i32
      %dma_start3A_1176 = arith.constant 0 : i32
      %dma_start3A_1177 = arith.constant 0 : i32
      %dma_start3A_1178 = tpu.memref_slice %arg6[%scan3A_5, %dma_start3A_1176, %dma_start3A_1177] : memref<2x320x32xf32, #tpu.memory_space<vmem>> -> memref<1x320x32xf32, #tpu.memory_space<vmem>>
      %dma_start3A_1179 = tpu.memref_squeeze %dma_start3A_1178 : memref<1x320x32xf32, #tpu.memory_space<vmem>> -> memref<320x32xf32, #tpu.memory_space<vmem>>
      %dma_start3A_1180 = arith.constant 200 : i32
      %dma_start3A_1181 = arith.constant 0 : i32
      %dma_start3A_1182 = tpu.memref_slice %dma_start3A_1179[%dma_start3A_1180, %dma_start3A_1181] : memref<320x32xf32, #tpu.memory_space<vmem>> -> memref<20x32xf32, #tpu.memory_space<vmem>>
      %dma_start3A_1183 = arith.constant 0 : i32
      %dma_start3A_1184 = arith.constant 0 : i32
      %dma_start3A_1185 = tpu.memref_slice %arg4[%add3A_1175, %dma_start3A_1183, %dma_start3A_1184] : memref<16384x20x32xf32, #tpu.memory_space<hbm>> -> memref<1x20x32xf32, #tpu.memory_space<hbm>>
      %dma_start3A_1186 = tpu.memref_squeeze %dma_start3A_1185 : memref<1x20x32xf32, #tpu.memory_space<hbm>> -> memref<20x32xf32, #tpu.memory_space<hbm>>
      %dma_start3A_1187 = arith.constant 0 : i32
      %dma_start3A_1188 = arith.constant 0 : i32
      %dma_start3A_1189 = tpu.memref_slice %arg4[%add3A_1175, %dma_start3A_1187, %dma_start3A_1188] : memref<16384x20x32xf32, #tpu.memory_space<hbm>> -> memref<1x20x32xf32, #tpu.memory_space<hbm>>
      %dma_start3A_1190 = tpu.memref_squeeze %dma_start3A_1189 : memref<1x20x32xf32, #tpu.memory_space<hbm>> -> memref<20x32xf32, #tpu.memory_space<hbm>>
      %dma_start3A_1191 = arith.constant 0 : i32
      %dma_start3A_1192 = arith.constant 0 : i32
      %dma_start3A_1193 = tpu.memref_slice %arg6[%scan3A_5, %dma_start3A_1191, %dma_start3A_1192] : memref<2x320x32xf32, #tpu.memory_space<vmem>> -> memref<1x320x32xf32, #tpu.memory_space<vmem>>
      %dma_start3A_1194 = tpu.memref_squeeze %dma_start3A_1193 : memref<1x320x32xf32, #tpu.memory_space<vmem>> -> memref<320x32xf32, #tpu.memory_space<vmem>>
      %dma_start3A_1195 = arith.constant 200 : i32
      %dma_start3A_1196 = arith.constant 0 : i32
      %dma_start3A_1197 = tpu.memref_slice %dma_start3A_1194[%dma_start3A_1195, %dma_start3A_1196] : memref<320x32xf32, #tpu.memory_space<vmem>> -> memref<20x32xf32, #tpu.memory_space<vmem>>
      tpu.enqueue_dma source(%dma_start3A_1197 : memref<20x32xf32, #tpu.memory_space<vmem>>) target(%dma_start3A_1190 : memref<20x32xf32, #tpu.memory_space<hbm>>) target_semaphore(%arg8 : memref<!tpu.dma_semaphore, #tpu.memory_space<semaphore_mem>>)
      %mul3A_1198 = arith.constant 16 : i32
      %mul3A_1199 = arith.muli %mul3A_877, %mul3A_1198 : i32
      %add3A_1200 = arith.addi %mul3A_4, %mul3A_1199 : i32
      %add3A_1201 = arith.constant 11 : i32
      %add3A_1202 = arith.addi %add3A_1200, %add3A_1201 : i32
      %dma_start3A_1203 = arith.constant 0 : i32
      %dma_start3A_1204 = arith.constant 0 : i32
      %dma_start3A_1205 = tpu.memref_slice %arg6[%scan3A_5, %dma_start3A_1203, %dma_start3A_1204] : memref<2x320x32xf32, #tpu.memory_space<vmem>> -> memref<1x320x32xf32, #tpu.memory_space<vmem>>
      %dma_start3A_1206 = tpu.memref_squeeze %dma_start3A_1205 : memref<1x320x32xf32, #tpu.memory_space<vmem>> -> memref<320x32xf32, #tpu.memory_space<vmem>>
      %dma_start3A_1207 = arith.constant 220 : i32
      %dma_start3A_1208 = arith.constant 0 : i32
      %dma_start3A_1209 = tpu.memref_slice %dma_start3A_1206[%dma_start3A_1207, %dma_start3A_1208] : memref<320x32xf32, #tpu.memory_space<vmem>> -> memref<20x32xf32, #tpu.memory_space<vmem>>
      %dma_start3A_1210 = arith.constant 0 : i32
      %dma_start3A_1211 = arith.constant 0 : i32
      %dma_start3A_1212 = tpu.memref_slice %arg4[%add3A_1202, %dma_start3A_1210, %dma_start3A_1211] : memref<16384x20x32xf32, #tpu.memory_space<hbm>> -> memref<1x20x32xf32, #tpu.memory_space<hbm>>
      %dma_start3A_1213 = tpu.memref_squeeze %dma_start3A_1212 : memref<1x20x32xf32, #tpu.memory_space<hbm>> -> memref<20x32xf32, #tpu.memory_space<hbm>>
      %dma_start3A_1214 = arith.constant 0 : i32
      %dma_start3A_1215 = arith.constant 0 : i32
      %dma_start3A_1216 = tpu.memref_slice %arg4[%add3A_1202, %dma_start3A_1214, %dma_start3A_1215] : memref<16384x20x32xf32, #tpu.memory_space<hbm>> -> memref<1x20x32xf32, #tpu.memory_space<hbm>>
      %dma_start3A_1217 = tpu.memref_squeeze %dma_start3A_1216 : memref<1x20x32xf32, #tpu.memory_space<hbm>> -> memref<20x32xf32, #tpu.memory_space<hbm>>
      %dma_start3A_1218 = arith.constant 0 : i32
      %dma_start3A_1219 = arith.constant 0 : i32
      %dma_start3A_1220 = tpu.memref_slice %arg6[%scan3A_5, %dma_start3A_1218, %dma_start3A_1219] : memref<2x320x32xf32, #tpu.memory_space<vmem>> -> memref<1x320x32xf32, #tpu.memory_space<vmem>>
      %dma_start3A_1221 = tpu.memref_squeeze %dma_start3A_1220 : memref<1x320x32xf32, #tpu.memory_space<vmem>> -> memref<320x32xf32, #tpu.memory_space<vmem>>
      %dma_start3A_1222 = arith.constant 220 : i32
      %dma_start3A_1223 = arith.constant 0 : i32
      %dma_start3A_1224 = tpu.memref_slice %dma_start3A_1221[%dma_start3A_1222, %dma_start3A_1223] : memref<320x32xf32, #tpu.memory_space<vmem>> -> memref<20x32xf32, #tpu.memory_space<vmem>>
      tpu.enqueue_dma source(%dma_start3A_1224 : memref<20x32xf32, #tpu.memory_space<vmem>>) target(%dma_start3A_1217 : memref<20x32xf32, #tpu.memory_space<hbm>>) target_semaphore(%arg8 : memref<!tpu.dma_semaphore, #tpu.memory_space<semaphore_mem>>)
      %mul3A_1225 = arith.constant 16 : i32
      %mul3A_1226 = arith.muli %mul3A_877, %mul3A_1225 : i32
      %add3A_1227 = arith.addi %mul3A_4, %mul3A_1226 : i32
      %add3A_1228 = arith.constant 12 : i32
      %add3A_1229 = arith.addi %add3A_1227, %add3A_1228 : i32
      %dma_start3A_1230 = arith.constant 0 : i32
      %dma_start3A_1231 = arith.constant 0 : i32
      %dma_start3A_1232 = tpu.memref_slice %arg6[%scan3A_5, %dma_start3A_1230, %dma_start3A_1231] : memref<2x320x32xf32, #tpu.memory_space<vmem>> -> memref<1x320x32xf32, #tpu.memory_space<vmem>>
      %dma_start3A_1233 = tpu.memref_squeeze %dma_start3A_1232 : memref<1x320x32xf32, #tpu.memory_space<vmem>> -> memref<320x32xf32, #tpu.memory_space<vmem>>
      %dma_start3A_1234 = arith.constant 240 : i32
      %dma_start3A_1235 = arith.constant 0 : i32
      %dma_start3A_1236 = tpu.memref_slice %dma_start3A_1233[%dma_start3A_1234, %dma_start3A_1235] : memref<320x32xf32, #tpu.memory_space<vmem>> -> memref<20x32xf32, #tpu.memory_space<vmem>>
      %dma_start3A_1237 = arith.constant 0 : i32
      %dma_start3A_1238 = arith.constant 0 : i32
      %dma_start3A_1239 = tpu.memref_slice %arg4[%add3A_1229, %dma_start3A_1237, %dma_start3A_1238] : memref<16384x20x32xf32, #tpu.memory_space<hbm>> -> memref<1x20x32xf32, #tpu.memory_space<hbm>>
      %dma_start3A_1240 = tpu.memref_squeeze %dma_start3A_1239 : memref<1x20x32xf32, #tpu.memory_space<hbm>> -> memref<20x32xf32, #tpu.memory_space<hbm>>
      %dma_start3A_1241 = arith.constant 0 : i32
      %dma_start3A_1242 = arith.constant 0 : i32
      %dma_start3A_1243 = tpu.memref_slice %arg4[%add3A_1229, %dma_start3A_1241, %dma_start3A_1242] : memref<16384x20x32xf32, #tpu.memory_space<hbm>> -> memref<1x20x32xf32, #tpu.memory_space<hbm>>
      %dma_start3A_1244 = tpu.memref_squeeze %dma_start3A_1243 : memref<1x20x32xf32, #tpu.memory_space<hbm>> -> memref<20x32xf32, #tpu.memory_space<hbm>>
      %dma_start3A_1245 = arith.constant 0 : i32
      %dma_start3A_1246 = arith.constant 0 : i32
      %dma_start3A_1247 = tpu.memref_slice %arg6[%scan3A_5, %dma_start3A_1245, %dma_start3A_1246] : memref<2x320x32xf32, #tpu.memory_space<vmem>> -> memref<1x320x32xf32, #tpu.memory_space<vmem>>
      %dma_start3A_1248 = tpu.memref_squeeze %dma_start3A_1247 : memref<1x320x32xf32, #tpu.memory_space<vmem>> -> memref<320x32xf32, #tpu.memory_space<vmem>>
      %dma_start3A_1249 = arith.constant 240 : i32
      %dma_start3A_1250 = arith.constant 0 : i32
      %dma_start3A_1251 = tpu.memref_slice %dma_start3A_1248[%dma_start3A_1249, %dma_start3A_1250] : memref<320x32xf32, #tpu.memory_space<vmem>> -> memref<20x32xf32, #tpu.memory_space<vmem>>
      tpu.enqueue_dma source(%dma_start3A_1251 : memref<20x32xf32, #tpu.memory_space<vmem>>) target(%dma_start3A_1244 : memref<20x32xf32, #tpu.memory_space<hbm>>) target_semaphore(%arg8 : memref<!tpu.dma_semaphore, #tpu.memory_space<semaphore_mem>>)
      %mul3A_1252 = arith.constant 16 : i32
      %mul3A_1253 = arith.muli %mul3A_877, %mul3A_1252 : i32
      %add3A_1254 = arith.addi %mul3A_4, %mul3A_1253 : i32
      %add3A_1255 = arith.constant 13 : i32
      %add3A_1256 = arith.addi %add3A_1254, %add3A_1255 : i32
      %dma_start3A_1257 = arith.constant 0 : i32
      %dma_start3A_1258 = arith.constant 0 : i32
      %dma_start3A_1259 = tpu.memref_slice %arg6[%scan3A_5, %dma_start3A_1257, %dma_start3A_1258] : memref<2x320x32xf32, #tpu.memory_space<vmem>> -> memref<1x320x32xf32, #tpu.memory_space<vmem>>
      %dma_start3A_1260 = tpu.memref_squeeze %dma_start3A_1259 : memref<1x320x32xf32, #tpu.memory_space<vmem>> -> memref<320x32xf32, #tpu.memory_space<vmem>>
      %dma_start3A_1261 = arith.constant 260 : i32
      %dma_start3A_1262 = arith.constant 0 : i32
      %dma_start3A_1263 = tpu.memref_slice %dma_start3A_1260[%dma_start3A_1261, %dma_start3A_1262] : memref<320x32xf32, #tpu.memory_space<vmem>> -> memref<20x32xf32, #tpu.memory_space<vmem>>
      %dma_start3A_1264 = arith.constant 0 : i32
      %dma_start3A_1265 = arith.constant 0 : i32
      %dma_start3A_1266 = tpu.memref_slice %arg4[%add3A_1256, %dma_start3A_1264, %dma_start3A_1265] : memref<16384x20x32xf32, #tpu.memory_space<hbm>> -> memref<1x20x32xf32, #tpu.memory_space<hbm>>
      %dma_start3A_1267 = tpu.memref_squeeze %dma_start3A_1266 : memref<1x20x32xf32, #tpu.memory_space<hbm>> -> memref<20x32xf32, #tpu.memory_space<hbm>>
      %dma_start3A_1268 = arith.constant 0 : i32
      %dma_start3A_1269 = arith.constant 0 : i32
      %dma_start3A_1270 = tpu.memref_slice %arg4[%add3A_1256, %dma_start3A_1268, %dma_start3A_1269] : memref<16384x20x32xf32, #tpu.memory_space<hbm>> -> memref<1x20x32xf32, #tpu.memory_space<hbm>>
      %dma_start3A_1271 = tpu.memref_squeeze %dma_start3A_1270 : memref<1x20x32xf32, #tpu.memory_space<hbm>> -> memref<20x32xf32, #tpu.memory_space<hbm>>
      %dma_start3A_1272 = arith.constant 0 : i32
      %dma_start3A_1273 = arith.constant 0 : i32
      %dma_start3A_1274 = tpu.memref_slice %arg6[%scan3A_5, %dma_start3A_1272, %dma_start3A_1273] : memref<2x320x32xf32, #tpu.memory_space<vmem>> -> memref<1x320x32xf32, #tpu.memory_space<vmem>>
      %dma_start3A_1275 = tpu.memref_squeeze %dma_start3A_1274 : memref<1x320x32xf32, #tpu.memory_space<vmem>> -> memref<320x32xf32, #tpu.memory_space<vmem>>
      %dma_start3A_1276 = arith.constant 260 : i32
      %dma_start3A_1277 = arith.constant 0 : i32
      %dma_start3A_1278 = tpu.memref_slice %dma_start3A_1275[%dma_start3A_1276, %dma_start3A_1277] : memref<320x32xf32, #tpu.memory_space<vmem>> -> memref<20x32xf32, #tpu.memory_space<vmem>>
      tpu.enqueue_dma source(%dma_start3A_1278 : memref<20x32xf32, #tpu.memory_space<vmem>>) target(%dma_start3A_1271 : memref<20x32xf32, #tpu.memory_space<hbm>>) target_semaphore(%arg8 : memref<!tpu.dma_semaphore, #tpu.memory_space<semaphore_mem>>)
      %mul3A_1279 = arith.constant 16 : i32
      %mul3A_1280 = arith.muli %mul3A_877, %mul3A_1279 : i32
      %add3A_1281 = arith.addi %mul3A_4, %mul3A_1280 : i32
      %add3A_1282 = arith.constant 14 : i32
      %add3A_1283 = arith.addi %add3A_1281, %add3A_1282 : i32
      %dma_start3A_1284 = arith.constant 0 : i32
      %dma_start3A_1285 = arith.constant 0 : i32
      %dma_start3A_1286 = tpu.memref_slice %arg6[%scan3A_5, %dma_start3A_1284, %dma_start3A_1285] : memref<2x320x32xf32, #tpu.memory_space<vmem>> -> memref<1x320x32xf32, #tpu.memory_space<vmem>>
      %dma_start3A_1287 = tpu.memref_squeeze %dma_start3A_1286 : memref<1x320x32xf32, #tpu.memory_space<vmem>> -> memref<320x32xf32, #tpu.memory_space<vmem>>
      %dma_start3A_1288 = arith.constant 280 : i32
      %dma_start3A_1289 = arith.constant 0 : i32
      %dma_start3A_1290 = tpu.memref_slice %dma_start3A_1287[%dma_start3A_1288, %dma_start3A_1289] : memref<320x32xf32, #tpu.memory_space<vmem>> -> memref<20x32xf32, #tpu.memory_space<vmem>>
      %dma_start3A_1291 = arith.constant 0 : i32
      %dma_start3A_1292 = arith.constant 0 : i32
      %dma_start3A_1293 = tpu.memref_slice %arg4[%add3A_1283, %dma_start3A_1291, %dma_start3A_1292] : memref<16384x20x32xf32, #tpu.memory_space<hbm>> -> memref<1x20x32xf32, #tpu.memory_space<hbm>>
      %dma_start3A_1294 = tpu.memref_squeeze %dma_start3A_1293 : memref<1x20x32xf32, #tpu.memory_space<hbm>> -> memref<20x32xf32, #tpu.memory_space<hbm>>
      %dma_start3A_1295 = arith.constant 0 : i32
      %dma_start3A_1296 = arith.constant 0 : i32
      %dma_start3A_1297 = tpu.memref_slice %arg4[%add3A_1283, %dma_start3A_1295, %dma_start3A_1296] : memref<16384x20x32xf32, #tpu.memory_space<hbm>> -> memref<1x20x32xf32, #tpu.memory_space<hbm>>
      %dma_start3A_1298 = tpu.memref_squeeze %dma_start3A_1297 : memref<1x20x32xf32, #tpu.memory_space<hbm>> -> memref<20x32xf32, #tpu.memory_space<hbm>>
      %dma_start3A_1299 = arith.constant 0 : i32
      %dma_start3A_1300 = arith.constant 0 : i32
      %dma_start3A_1301 = tpu.memref_slice %arg6[%scan3A_5, %dma_start3A_1299, %dma_start3A_1300] : memref<2x320x32xf32, #tpu.memory_space<vmem>> -> memref<1x320x32xf32, #tpu.memory_space<vmem>>
      %dma_start3A_1302 = tpu.memref_squeeze %dma_start3A_1301 : memref<1x320x32xf32, #tpu.memory_space<vmem>> -> memref<320x32xf32, #tpu.memory_space<vmem>>
      %dma_start3A_1303 = arith.constant 280 : i32
      %dma_start3A_1304 = arith.constant 0 : i32
      %dma_start3A_1305 = tpu.memref_slice %dma_start3A_1302[%dma_start3A_1303, %dma_start3A_1304] : memref<320x32xf32, #tpu.memory_space<vmem>> -> memref<20x32xf32, #tpu.memory_space<vmem>>
      tpu.enqueue_dma source(%dma_start3A_1305 : memref<20x32xf32, #tpu.memory_space<vmem>>) target(%dma_start3A_1298 : memref<20x32xf32, #tpu.memory_space<hbm>>) target_semaphore(%arg8 : memref<!tpu.dma_semaphore, #tpu.memory_space<semaphore_mem>>)
      %mul3A_1306 = arith.constant 16 : i32
      %mul3A_1307 = arith.muli %mul3A_877, %mul3A_1306 : i32
      %add3A_1308 = arith.addi %mul3A_4, %mul3A_1307 : i32
      %add3A_1309 = arith.constant 15 : i32
      %add3A_1310 = arith.addi %add3A_1308, %add3A_1309 : i32
      %dma_start3A_1311 = arith.constant 0 : i32
      %dma_start3A_1312 = arith.constant 0 : i32
      %dma_start3A_1313 = tpu.memref_slice %arg6[%scan3A_5, %dma_start3A_1311, %dma_start3A_1312] : memref<2x320x32xf32, #tpu.memory_space<vmem>> -> memref<1x320x32xf32, #tpu.memory_space<vmem>>
      %dma_start3A_1314 = tpu.memref_squeeze %dma_start3A_1313 : memref<1x320x32xf32, #tpu.memory_space<vmem>> -> memref<320x32xf32, #tpu.memory_space<vmem>>
      %dma_start3A_1315 = arith.constant 300 : i32
      %dma_start3A_1316 = arith.constant 0 : i32
      %dma_start3A_1317 = tpu.memref_slice %dma_start3A_1314[%dma_start3A_1315, %dma_start3A_1316] : memref<320x32xf32, #tpu.memory_space<vmem>> -> memref<20x32xf32, #tpu.memory_space<vmem>>
      %dma_start3A_1318 = arith.constant 0 : i32
      %dma_start3A_1319 = arith.constant 0 : i32
      %dma_start3A_1320 = tpu.memref_slice %arg4[%add3A_1310, %dma_start3A_1318, %dma_start3A_1319] : memref<16384x20x32xf32, #tpu.memory_space<hbm>> -> memref<1x20x32xf32, #tpu.memory_space<hbm>>
      %dma_start3A_1321 = tpu.memref_squeeze %dma_start3A_1320 : memref<1x20x32xf32, #tpu.memory_space<hbm>> -> memref<20x32xf32, #tpu.memory_space<hbm>>
      %dma_start3A_1322 = arith.constant 0 : i32
      %dma_start3A_1323 = arith.constant 0 : i32
      %dma_start3A_1324 = tpu.memref_slice %arg4[%add3A_1310, %dma_start3A_1322, %dma_start3A_1323] : memref<16384x20x32xf32, #tpu.memory_space<hbm>> -> memref<1x20x32xf32, #tpu.memory_space<hbm>>
      %dma_start3A_1325 = tpu.memref_squeeze %dma_start3A_1324 : memref<1x20x32xf32, #tpu.memory_space<hbm>> -> memref<20x32xf32, #tpu.memory_space<hbm>>
      %dma_start3A_1326 = arith.constant 0 : i32
      %dma_start3A_1327 = arith.constant 0 : i32
      %dma_start3A_1328 = tpu.memref_slice %arg6[%scan3A_5, %dma_start3A_1326, %dma_start3A_1327] : memref<2x320x32xf32, #tpu.memory_space<vmem>> -> memref<1x320x32xf32, #tpu.memory_space<vmem>>
      %dma_start3A_1329 = tpu.memref_squeeze %dma_start3A_1328 : memref<1x320x32xf32, #tpu.memory_space<vmem>> -> memref<320x32xf32, #tpu.memory_space<vmem>>
      %dma_start3A_1330 = arith.constant 300 : i32
      %dma_start3A_1331 = arith.constant 0 : i32
      %dma_start3A_1332 = tpu.memref_slice %dma_start3A_1329[%dma_start3A_1330, %dma_start3A_1331] : memref<320x32xf32, #tpu.memory_space<vmem>> -> memref<20x32xf32, #tpu.memory_space<vmem>>
      tpu.enqueue_dma source(%dma_start3A_1332 : memref<20x32xf32, #tpu.memory_space<vmem>>) target(%dma_start3A_1325 : memref<20x32xf32, #tpu.memory_space<hbm>>) target_semaphore(%arg8 : memref<!tpu.dma_semaphore, #tpu.memory_space<semaphore_mem>>)
      %gt3A_1333 = arith.constant 0 : i32
      %gt3A_1334 = arith.cmpi sgt, %scan3A_875, %gt3A_1333 : i32
      %convert_element_type3A_1335 = arith.extui %gt3A_1334 : i1 to i32
      %cond3A_1336 = arith.constant 0 : i32
      %cond3A_1337 = arith.cmpi ne, %convert_element_type3A_1335, %cond3A_1336 : i32
      scf.if %cond3A_1337 {
        %sub3A = arith.constant 1 : i32
        %sub3A_1790 = arith.subi %mul3A_877, %sub3A : i32
        %mul3A_1791 = arith.constant 16 : i32
        %mul3A_1792 = arith.muli %sub3A_1790, %mul3A_1791 : i32
        %add3A_1793 = arith.addi %mul3A_4, %mul3A_1792 : i32
        %add3A_1794 = arith.constant 0 : i32
        %add3A_1795 = arith.addi %add3A_1793, %add3A_1794 : i32
        %dma_wait3A_1796 = arith.constant 0 : i32
        %dma_wait3A_1797 = arith.constant 0 : i32
        %dma_wait3A_1798 = tpu.memref_slice %arg6[%scan3A_6, %dma_wait3A_1796, %dma_wait3A_1797] : memref<2x320x32xf32, #tpu.memory_space<vmem>> -> memref<1x320x32xf32, #tpu.memory_space<vmem>>
        %dma_wait3A_1799 = tpu.memref_squeeze %dma_wait3A_1798 : memref<1x320x32xf32, #tpu.memory_space<vmem>> -> memref<320x32xf32, #tpu.memory_space<vmem>>
        %dma_wait3A_1800 = arith.constant 0 : i32
        %dma_wait3A_1801 = arith.constant 0 : i32
        %dma_wait3A_1802 = tpu.memref_slice %dma_wait3A_1799[%dma_wait3A_1800, %dma_wait3A_1801] : memref<320x32xf32, #tpu.memory_space<vmem>> -> memref<20x32xf32, #tpu.memory_space<vmem>>
        %dma_wait3A_1803 = arith.constant 0 : i32
        %dma_wait3A_1804 = arith.constant 0 : i32
        %dma_wait3A_1805 = tpu.memref_slice %arg4[%add3A_1795, %dma_wait3A_1803, %dma_wait3A_1804] : memref<16384x20x32xf32, #tpu.memory_space<hbm>> -> memref<1x20x32xf32, #tpu.memory_space<hbm>>
        %dma_wait3A_1806 = tpu.memref_squeeze %dma_wait3A_1805 : memref<1x20x32xf32, #tpu.memory_space<hbm>> -> memref<20x32xf32, #tpu.memory_space<hbm>>
        %dma_wait3A_1807 = arith.constant 0 : i32
        %dma_wait3A_1808 = arith.constant 0 : i32
        %dma_wait3A_1809 = tpu.memref_slice %arg4[%add3A_1795, %dma_wait3A_1807, %dma_wait3A_1808] : memref<16384x20x32xf32, #tpu.memory_space<hbm>> -> memref<1x20x32xf32, #tpu.memory_space<hbm>>
        %dma_wait3A_1810 = tpu.memref_squeeze %dma_wait3A_1809 : memref<1x20x32xf32, #tpu.memory_space<hbm>> -> memref<20x32xf32, #tpu.memory_space<hbm>>
        %dma_wait3A_1811 = arith.constant 0 : i32
        %dma_wait3A_1812 = arith.constant 0 : i32
        %dma_wait3A_1813 = tpu.memref_slice %arg6[%scan3A_6, %dma_wait3A_1811, %dma_wait3A_1812] : memref<2x320x32xf32, #tpu.memory_space<vmem>> -> memref<1x320x32xf32, #tpu.memory_space<vmem>>
        %dma_wait3A_1814 = tpu.memref_squeeze %dma_wait3A_1813 : memref<1x320x32xf32, #tpu.memory_space<vmem>> -> memref<320x32xf32, #tpu.memory_space<vmem>>
        %dma_wait3A_1815 = arith.constant 0 : i32
        %dma_wait3A_1816 = arith.constant 0 : i32
        %dma_wait3A_1817 = tpu.memref_slice %dma_wait3A_1814[%dma_wait3A_1815, %dma_wait3A_1816] : memref<320x32xf32, #tpu.memory_space<vmem>> -> memref<20x32xf32, #tpu.memory_space<vmem>>
        tpu.wait_dma2 semaphore(%arg8 : memref<!tpu.dma_semaphore, #tpu.memory_space<semaphore_mem>>) src(%dma_wait3A_1817 : memref<20x32xf32, #tpu.memory_space<vmem>>) dst(%dma_wait3A_1810 : memref<20x32xf32, #tpu.memory_space<hbm>>)
        %mul3A_1818 = arith.constant 16 : i32
        %mul3A_1819 = arith.muli %sub3A_1790, %mul3A_1818 : i32
        %add3A_1820 = arith.addi %mul3A_4, %mul3A_1819 : i32
        %add3A_1821 = arith.constant 1 : i32
        %add3A_1822 = arith.addi %add3A_1820, %add3A_1821 : i32
        %dma_wait3A_1823 = arith.constant 0 : i32
        %dma_wait3A_1824 = arith.constant 0 : i32
        %dma_wait3A_1825 = tpu.memref_slice %arg6[%scan3A_6, %dma_wait3A_1823, %dma_wait3A_1824] : memref<2x320x32xf32, #tpu.memory_space<vmem>> -> memref<1x320x32xf32, #tpu.memory_space<vmem>>
        %dma_wait3A_1826 = tpu.memref_squeeze %dma_wait3A_1825 : memref<1x320x32xf32, #tpu.memory_space<vmem>> -> memref<320x32xf32, #tpu.memory_space<vmem>>
        %dma_wait3A_1827 = arith.constant 20 : i32
        %dma_wait3A_1828 = arith.constant 0 : i32
        %dma_wait3A_1829 = tpu.memref_slice %dma_wait3A_1826[%dma_wait3A_1827, %dma_wait3A_1828] : memref<320x32xf32, #tpu.memory_space<vmem>> -> memref<20x32xf32, #tpu.memory_space<vmem>>
        %dma_wait3A_1830 = arith.constant 0 : i32
        %dma_wait3A_1831 = arith.constant 0 : i32
        %dma_wait3A_1832 = tpu.memref_slice %arg4[%add3A_1822, %dma_wait3A_1830, %dma_wait3A_1831] : memref<16384x20x32xf32, #tpu.memory_space<hbm>> -> memref<1x20x32xf32, #tpu.memory_space<hbm>>
        %dma_wait3A_1833 = tpu.memref_squeeze %dma_wait3A_1832 : memref<1x20x32xf32, #tpu.memory_space<hbm>> -> memref<20x32xf32, #tpu.memory_space<hbm>>
        %dma_wait3A_1834 = arith.constant 0 : i32
        %dma_wait3A_1835 = arith.constant 0 : i32
        %dma_wait3A_1836 = tpu.memref_slice %arg4[%add3A_1822, %dma_wait3A_1834, %dma_wait3A_1835] : memref<16384x20x32xf32, #tpu.memory_space<hbm>> -> memref<1x20x32xf32, #tpu.memory_space<hbm>>
        %dma_wait3A_1837 = tpu.memref_squeeze %dma_wait3A_1836 : memref<1x20x32xf32, #tpu.memory_space<hbm>> -> memref<20x32xf32, #tpu.memory_space<hbm>>
        %dma_wait3A_1838 = arith.constant 0 : i32
        %dma_wait3A_1839 = arith.constant 0 : i32
        %dma_wait3A_1840 = tpu.memref_slice %arg6[%scan3A_6, %dma_wait3A_1838, %dma_wait3A_1839] : memref<2x320x32xf32, #tpu.memory_space<vmem>> -> memref<1x320x32xf32, #tpu.memory_space<vmem>>
        %dma_wait3A_1841 = tpu.memref_squeeze %dma_wait3A_1840 : memref<1x320x32xf32, #tpu.memory_space<vmem>> -> memref<320x32xf32, #tpu.memory_space<vmem>>
        %dma_wait3A_1842 = arith.constant 20 : i32
        %dma_wait3A_1843 = arith.constant 0 : i32
        %dma_wait3A_1844 = tpu.memref_slice %dma_wait3A_1841[%dma_wait3A_1842, %dma_wait3A_1843] : memref<320x32xf32, #tpu.memory_space<vmem>> -> memref<20x32xf32, #tpu.memory_space<vmem>>
        tpu.wait_dma2 semaphore(%arg8 : memref<!tpu.dma_semaphore, #tpu.memory_space<semaphore_mem>>) src(%dma_wait3A_1844 : memref<20x32xf32, #tpu.memory_space<vmem>>) dst(%dma_wait3A_1837 : memref<20x32xf32, #tpu.memory_space<hbm>>)
        %mul3A_1845 = arith.constant 16 : i32
        %mul3A_1846 = arith.muli %sub3A_1790, %mul3A_1845 : i32
        %add3A_1847 = arith.addi %mul3A_4, %mul3A_1846 : i32
        %add3A_1848 = arith.constant 2 : i32
        %add3A_1849 = arith.addi %add3A_1847, %add3A_1848 : i32
        %dma_wait3A_1850 = arith.constant 0 : i32
        %dma_wait3A_1851 = arith.constant 0 : i32
        %dma_wait3A_1852 = tpu.memref_slice %arg6[%scan3A_6, %dma_wait3A_1850, %dma_wait3A_1851] : memref<2x320x32xf32, #tpu.memory_space<vmem>> -> memref<1x320x32xf32, #tpu.memory_space<vmem>>
        %dma_wait3A_1853 = tpu.memref_squeeze %dma_wait3A_1852 : memref<1x320x32xf32, #tpu.memory_space<vmem>> -> memref<320x32xf32, #tpu.memory_space<vmem>>
        %dma_wait3A_1854 = arith.constant 40 : i32
        %dma_wait3A_1855 = arith.constant 0 : i32
        %dma_wait3A_1856 = tpu.memref_slice %dma_wait3A_1853[%dma_wait3A_1854, %dma_wait3A_1855] : memref<320x32xf32, #tpu.memory_space<vmem>> -> memref<20x32xf32, #tpu.memory_space<vmem>>
        %dma_wait3A_1857 = arith.constant 0 : i32
        %dma_wait3A_1858 = arith.constant 0 : i32
        %dma_wait3A_1859 = tpu.memref_slice %arg4[%add3A_1849, %dma_wait3A_1857, %dma_wait3A_1858] : memref<16384x20x32xf32, #tpu.memory_space<hbm>> -> memref<1x20x32xf32, #tpu.memory_space<hbm>>
        %dma_wait3A_1860 = tpu.memref_squeeze %dma_wait3A_1859 : memref<1x20x32xf32, #tpu.memory_space<hbm>> -> memref<20x32xf32, #tpu.memory_space<hbm>>
        %dma_wait3A_1861 = arith.constant 0 : i32
        %dma_wait3A_1862 = arith.constant 0 : i32
        %dma_wait3A_1863 = tpu.memref_slice %arg4[%add3A_1849, %dma_wait3A_1861, %dma_wait3A_1862] : memref<16384x20x32xf32, #tpu.memory_space<hbm>> -> memref<1x20x32xf32, #tpu.memory_space<hbm>>
        %dma_wait3A_1864 = tpu.memref_squeeze %dma_wait3A_1863 : memref<1x20x32xf32, #tpu.memory_space<hbm>> -> memref<20x32xf32, #tpu.memory_space<hbm>>
        %dma_wait3A_1865 = arith.constant 0 : i32
        %dma_wait3A_1866 = arith.constant 0 : i32
        %dma_wait3A_1867 = tpu.memref_slice %arg6[%scan3A_6, %dma_wait3A_1865, %dma_wait3A_1866] : memref<2x320x32xf32, #tpu.memory_space<vmem>> -> memref<1x320x32xf32, #tpu.memory_space<vmem>>
        %dma_wait3A_1868 = tpu.memref_squeeze %dma_wait3A_1867 : memref<1x320x32xf32, #tpu.memory_space<vmem>> -> memref<320x32xf32, #tpu.memory_space<vmem>>
        %dma_wait3A_1869 = arith.constant 40 : i32
        %dma_wait3A_1870 = arith.constant 0 : i32
        %dma_wait3A_1871 = tpu.memref_slice %dma_wait3A_1868[%dma_wait3A_1869, %dma_wait3A_1870] : memref<320x32xf32, #tpu.memory_space<vmem>> -> memref<20x32xf32, #tpu.memory_space<vmem>>
        tpu.wait_dma2 semaphore(%arg8 : memref<!tpu.dma_semaphore, #tpu.memory_space<semaphore_mem>>) src(%dma_wait3A_1871 : memref<20x32xf32, #tpu.memory_space<vmem>>) dst(%dma_wait3A_1864 : memref<20x32xf32, #tpu.memory_space<hbm>>)
        %mul3A_1872 = arith.constant 16 : i32
        %mul3A_1873 = arith.muli %sub3A_1790, %mul3A_1872 : i32
        %add3A_1874 = arith.addi %mul3A_4, %mul3A_1873 : i32
        %add3A_1875 = arith.constant 3 : i32
        %add3A_1876 = arith.addi %add3A_1874, %add3A_1875 : i32
        %dma_wait3A_1877 = arith.constant 0 : i32
        %dma_wait3A_1878 = arith.constant 0 : i32
        %dma_wait3A_1879 = tpu.memref_slice %arg6[%scan3A_6, %dma_wait3A_1877, %dma_wait3A_1878] : memref<2x320x32xf32, #tpu.memory_space<vmem>> -> memref<1x320x32xf32, #tpu.memory_space<vmem>>
        %dma_wait3A_1880 = tpu.memref_squeeze %dma_wait3A_1879 : memref<1x320x32xf32, #tpu.memory_space<vmem>> -> memref<320x32xf32, #tpu.memory_space<vmem>>
        %dma_wait3A_1881 = arith.constant 60 : i32
        %dma_wait3A_1882 = arith.constant 0 : i32
        %dma_wait3A_1883 = tpu.memref_slice %dma_wait3A_1880[%dma_wait3A_1881, %dma_wait3A_1882] : memref<320x32xf32, #tpu.memory_space<vmem>> -> memref<20x32xf32, #tpu.memory_space<vmem>>
        %dma_wait3A_1884 = arith.constant 0 : i32
        %dma_wait3A_1885 = arith.constant 0 : i32
        %dma_wait3A_1886 = tpu.memref_slice %arg4[%add3A_1876, %dma_wait3A_1884, %dma_wait3A_1885] : memref<16384x20x32xf32, #tpu.memory_space<hbm>> -> memref<1x20x32xf32, #tpu.memory_space<hbm>>
        %dma_wait3A_1887 = tpu.memref_squeeze %dma_wait3A_1886 : memref<1x20x32xf32, #tpu.memory_space<hbm>> -> memref<20x32xf32, #tpu.memory_space<hbm>>
        %dma_wait3A_1888 = arith.constant 0 : i32
        %dma_wait3A_1889 = arith.constant 0 : i32
        %dma_wait3A_1890 = tpu.memref_slice %arg4[%add3A_1876, %dma_wait3A_1888, %dma_wait3A_1889] : memref<16384x20x32xf32, #tpu.memory_space<hbm>> -> memref<1x20x32xf32, #tpu.memory_space<hbm>>
        %dma_wait3A_1891 = tpu.memref_squeeze %dma_wait3A_1890 : memref<1x20x32xf32, #tpu.memory_space<hbm>> -> memref<20x32xf32, #tpu.memory_space<hbm>>
        %dma_wait3A_1892 = arith.constant 0 : i32
        %dma_wait3A_1893 = arith.constant 0 : i32
        %dma_wait3A_1894 = tpu.memref_slice %arg6[%scan3A_6, %dma_wait3A_1892, %dma_wait3A_1893] : memref<2x320x32xf32, #tpu.memory_space<vmem>> -> memref<1x320x32xf32, #tpu.memory_space<vmem>>
        %dma_wait3A_1895 = tpu.memref_squeeze %dma_wait3A_1894 : memref<1x320x32xf32, #tpu.memory_space<vmem>> -> memref<320x32xf32, #tpu.memory_space<vmem>>
        %dma_wait3A_1896 = arith.constant 60 : i32
        %dma_wait3A_1897 = arith.constant 0 : i32
        %dma_wait3A_1898 = tpu.memref_slice %dma_wait3A_1895[%dma_wait3A_1896, %dma_wait3A_1897] : memref<320x32xf32, #tpu.memory_space<vmem>> -> memref<20x32xf32, #tpu.memory_space<vmem>>
        tpu.wait_dma2 semaphore(%arg8 : memref<!tpu.dma_semaphore, #tpu.memory_space<semaphore_mem>>) src(%dma_wait3A_1898 : memref<20x32xf32, #tpu.memory_space<vmem>>) dst(%dma_wait3A_1891 : memref<20x32xf32, #tpu.memory_space<hbm>>)
        %mul3A_1899 = arith.constant 16 : i32
        %mul3A_1900 = arith.muli %sub3A_1790, %mul3A_1899 : i32
        %add3A_1901 = arith.addi %mul3A_4, %mul3A_1900 : i32
        %add3A_1902 = arith.constant 4 : i32
        %add3A_1903 = arith.addi %add3A_1901, %add3A_1902 : i32
        %dma_wait3A_1904 = arith.constant 0 : i32
        %dma_wait3A_1905 = arith.constant 0 : i32
        %dma_wait3A_1906 = tpu.memref_slice %arg6[%scan3A_6, %dma_wait3A_1904, %dma_wait3A_1905] : memref<2x320x32xf32, #tpu.memory_space<vmem>> -> memref<1x320x32xf32, #tpu.memory_space<vmem>>
        %dma_wait3A_1907 = tpu.memref_squeeze %dma_wait3A_1906 : memref<1x320x32xf32, #tpu.memory_space<vmem>> -> memref<320x32xf32, #tpu.memory_space<vmem>>
        %dma_wait3A_1908 = arith.constant 80 : i32
        %dma_wait3A_1909 = arith.constant 0 : i32
        %dma_wait3A_1910 = tpu.memref_slice %dma_wait3A_1907[%dma_wait3A_1908, %dma_wait3A_1909] : memref<320x32xf32, #tpu.memory_space<vmem>> -> memref<20x32xf32, #tpu.memory_space<vmem>>
        %dma_wait3A_1911 = arith.constant 0 : i32
        %dma_wait3A_1912 = arith.constant 0 : i32
        %dma_wait3A_1913 = tpu.memref_slice %arg4[%add3A_1903, %dma_wait3A_1911, %dma_wait3A_1912] : memref<16384x20x32xf32, #tpu.memory_space<hbm>> -> memref<1x20x32xf32, #tpu.memory_space<hbm>>
        %dma_wait3A_1914 = tpu.memref_squeeze %dma_wait3A_1913 : memref<1x20x32xf32, #tpu.memory_space<hbm>> -> memref<20x32xf32, #tpu.memory_space<hbm>>
        %dma_wait3A_1915 = arith.constant 0 : i32
        %dma_wait3A_1916 = arith.constant 0 : i32
        %dma_wait3A_1917 = tpu.memref_slice %arg4[%add3A_1903, %dma_wait3A_1915, %dma_wait3A_1916] : memref<16384x20x32xf32, #tpu.memory_space<hbm>> -> memref<1x20x32xf32, #tpu.memory_space<hbm>>
        %dma_wait3A_1918 = tpu.memref_squeeze %dma_wait3A_1917 : memref<1x20x32xf32, #tpu.memory_space<hbm>> -> memref<20x32xf32, #tpu.memory_space<hbm>>
        %dma_wait3A_1919 = arith.constant 0 : i32
        %dma_wait3A_1920 = arith.constant 0 : i32
        %dma_wait3A_1921 = tpu.memref_slice %arg6[%scan3A_6, %dma_wait3A_1919, %dma_wait3A_1920] : memref<2x320x32xf32, #tpu.memory_space<vmem>> -> memref<1x320x32xf32, #tpu.memory_space<vmem>>
        %dma_wait3A_1922 = tpu.memref_squeeze %dma_wait3A_1921 : memref<1x320x32xf32, #tpu.memory_space<vmem>> -> memref<320x32xf32, #tpu.memory_space<vmem>>
        %dma_wait3A_1923 = arith.constant 80 : i32
        %dma_wait3A_1924 = arith.constant 0 : i32
        %dma_wait3A_1925 = tpu.memref_slice %dma_wait3A_1922[%dma_wait3A_1923, %dma_wait3A_1924] : memref<320x32xf32, #tpu.memory_space<vmem>> -> memref<20x32xf32, #tpu.memory_space<vmem>>
        tpu.wait_dma2 semaphore(%arg8 : memref<!tpu.dma_semaphore, #tpu.memory_space<semaphore_mem>>) src(%dma_wait3A_1925 : memref<20x32xf32, #tpu.memory_space<vmem>>) dst(%dma_wait3A_1918 : memref<20x32xf32, #tpu.memory_space<hbm>>)
        %mul3A_1926 = arith.constant 16 : i32
        %mul3A_1927 = arith.muli %sub3A_1790, %mul3A_1926 : i32
        %add3A_1928 = arith.addi %mul3A_4, %mul3A_1927 : i32
        %add3A_1929 = arith.constant 5 : i32
        %add3A_1930 = arith.addi %add3A_1928, %add3A_1929 : i32
        %dma_wait3A_1931 = arith.constant 0 : i32
        %dma_wait3A_1932 = arith.constant 0 : i32
        %dma_wait3A_1933 = tpu.memref_slice %arg6[%scan3A_6, %dma_wait3A_1931, %dma_wait3A_1932] : memref<2x320x32xf32, #tpu.memory_space<vmem>> -> memref<1x320x32xf32, #tpu.memory_space<vmem>>
        %dma_wait3A_1934 = tpu.memref_squeeze %dma_wait3A_1933 : memref<1x320x32xf32, #tpu.memory_space<vmem>> -> memref<320x32xf32, #tpu.memory_space<vmem>>
        %dma_wait3A_1935 = arith.constant 100 : i32
        %dma_wait3A_1936 = arith.constant 0 : i32
        %dma_wait3A_1937 = tpu.memref_slice %dma_wait3A_1934[%dma_wait3A_1935, %dma_wait3A_1936] : memref<320x32xf32, #tpu.memory_space<vmem>> -> memref<20x32xf32, #tpu.memory_space<vmem>>
        %dma_wait3A_1938 = arith.constant 0 : i32
        %dma_wait3A_1939 = arith.constant 0 : i32
        %dma_wait3A_1940 = tpu.memref_slice %arg4[%add3A_1930, %dma_wait3A_1938, %dma_wait3A_1939] : memref<16384x20x32xf32, #tpu.memory_space<hbm>> -> memref<1x20x32xf32, #tpu.memory_space<hbm>>
        %dma_wait3A_1941 = tpu.memref_squeeze %dma_wait3A_1940 : memref<1x20x32xf32, #tpu.memory_space<hbm>> -> memref<20x32xf32, #tpu.memory_space<hbm>>
        %dma_wait3A_1942 = arith.constant 0 : i32
        %dma_wait3A_1943 = arith.constant 0 : i32
        %dma_wait3A_1944 = tpu.memref_slice %arg4[%add3A_1930, %dma_wait3A_1942, %dma_wait3A_1943] : memref<16384x20x32xf32, #tpu.memory_space<hbm>> -> memref<1x20x32xf32, #tpu.memory_space<hbm>>
        %dma_wait3A_1945 = tpu.memref_squeeze %dma_wait3A_1944 : memref<1x20x32xf32, #tpu.memory_space<hbm>> -> memref<20x32xf32, #tpu.memory_space<hbm>>
        %dma_wait3A_1946 = arith.constant 0 : i32
        %dma_wait3A_1947 = arith.constant 0 : i32
        %dma_wait3A_1948 = tpu.memref_slice %arg6[%scan3A_6, %dma_wait3A_1946, %dma_wait3A_1947] : memref<2x320x32xf32, #tpu.memory_space<vmem>> -> memref<1x320x32xf32, #tpu.memory_space<vmem>>
        %dma_wait3A_1949 = tpu.memref_squeeze %dma_wait3A_1948 : memref<1x320x32xf32, #tpu.memory_space<vmem>> -> memref<320x32xf32, #tpu.memory_space<vmem>>
        %dma_wait3A_1950 = arith.constant 100 : i32
        %dma_wait3A_1951 = arith.constant 0 : i32
        %dma_wait3A_1952 = tpu.memref_slice %dma_wait3A_1949[%dma_wait3A_1950, %dma_wait3A_1951] : memref<320x32xf32, #tpu.memory_space<vmem>> -> memref<20x32xf32, #tpu.memory_space<vmem>>
        tpu.wait_dma2 semaphore(%arg8 : memref<!tpu.dma_semaphore, #tpu.memory_space<semaphore_mem>>) src(%dma_wait3A_1952 : memref<20x32xf32, #tpu.memory_space<vmem>>) dst(%dma_wait3A_1945 : memref<20x32xf32, #tpu.memory_space<hbm>>)
        %mul3A_1953 = arith.constant 16 : i32
        %mul3A_1954 = arith.muli %sub3A_1790, %mul3A_1953 : i32
        %add3A_1955 = arith.addi %mul3A_4, %mul3A_1954 : i32
        %add3A_1956 = arith.constant 6 : i32
        %add3A_1957 = arith.addi %add3A_1955, %add3A_1956 : i32
        %dma_wait3A_1958 = arith.constant 0 : i32
        %dma_wait3A_1959 = arith.constant 0 : i32
        %dma_wait3A_1960 = tpu.memref_slice %arg6[%scan3A_6, %dma_wait3A_1958, %dma_wait3A_1959] : memref<2x320x32xf32, #tpu.memory_space<vmem>> -> memref<1x320x32xf32, #tpu.memory_space<vmem>>
        %dma_wait3A_1961 = tpu.memref_squeeze %dma_wait3A_1960 : memref<1x320x32xf32, #tpu.memory_space<vmem>> -> memref<320x32xf32, #tpu.memory_space<vmem>>
        %dma_wait3A_1962 = arith.constant 120 : i32
        %dma_wait3A_1963 = arith.constant 0 : i32
        %dma_wait3A_1964 = tpu.memref_slice %dma_wait3A_1961[%dma_wait3A_1962, %dma_wait3A_1963] : memref<320x32xf32, #tpu.memory_space<vmem>> -> memref<20x32xf32, #tpu.memory_space<vmem>>
        %dma_wait3A_1965 = arith.constant 0 : i32
        %dma_wait3A_1966 = arith.constant 0 : i32
        %dma_wait3A_1967 = tpu.memref_slice %arg4[%add3A_1957, %dma_wait3A_1965, %dma_wait3A_1966] : memref<16384x20x32xf32, #tpu.memory_space<hbm>> -> memref<1x20x32xf32, #tpu.memory_space<hbm>>
        %dma_wait3A_1968 = tpu.memref_squeeze %dma_wait3A_1967 : memref<1x20x32xf32, #tpu.memory_space<hbm>> -> memref<20x32xf32, #tpu.memory_space<hbm>>
        %dma_wait3A_1969 = arith.constant 0 : i32
        %dma_wait3A_1970 = arith.constant 0 : i32
        %dma_wait3A_1971 = tpu.memref_slice %arg4[%add3A_1957, %dma_wait3A_1969, %dma_wait3A_1970] : memref<16384x20x32xf32, #tpu.memory_space<hbm>> -> memref<1x20x32xf32, #tpu.memory_space<hbm>>
        %dma_wait3A_1972 = tpu.memref_squeeze %dma_wait3A_1971 : memref<1x20x32xf32, #tpu.memory_space<hbm>> -> memref<20x32xf32, #tpu.memory_space<hbm>>
        %dma_wait3A_1973 = arith.constant 0 : i32
        %dma_wait3A_1974 = arith.constant 0 : i32
        %dma_wait3A_1975 = tpu.memref_slice %arg6[%scan3A_6, %dma_wait3A_1973, %dma_wait3A_1974] : memref<2x320x32xf32, #tpu.memory_space<vmem>> -> memref<1x320x32xf32, #tpu.memory_space<vmem>>
        %dma_wait3A_1976 = tpu.memref_squeeze %dma_wait3A_1975 : memref<1x320x32xf32, #tpu.memory_space<vmem>> -> memref<320x32xf32, #tpu.memory_space<vmem>>
        %dma_wait3A_1977 = arith.constant 120 : i32
        %dma_wait3A_1978 = arith.constant 0 : i32
        %dma_wait3A_1979 = tpu.memref_slice %dma_wait3A_1976[%dma_wait3A_1977, %dma_wait3A_1978] : memref<320x32xf32, #tpu.memory_space<vmem>> -> memref<20x32xf32, #tpu.memory_space<vmem>>
        tpu.wait_dma2 semaphore(%arg8 : memref<!tpu.dma_semaphore, #tpu.memory_space<semaphore_mem>>) src(%dma_wait3A_1979 : memref<20x32xf32, #tpu.memory_space<vmem>>) dst(%dma_wait3A_1972 : memref<20x32xf32, #tpu.memory_space<hbm>>)
        %mul3A_1980 = arith.constant 16 : i32
        %mul3A_1981 = arith.muli %sub3A_1790, %mul3A_1980 : i32
        %add3A_1982 = arith.addi %mul3A_4, %mul3A_1981 : i32
        %add3A_1983 = arith.constant 7 : i32
        %add3A_1984 = arith.addi %add3A_1982, %add3A_1983 : i32
        %dma_wait3A_1985 = arith.constant 0 : i32
        %dma_wait3A_1986 = arith.constant 0 : i32
        %dma_wait3A_1987 = tpu.memref_slice %arg6[%scan3A_6, %dma_wait3A_1985, %dma_wait3A_1986] : memref<2x320x32xf32, #tpu.memory_space<vmem>> -> memref<1x320x32xf32, #tpu.memory_space<vmem>>
        %dma_wait3A_1988 = tpu.memref_squeeze %dma_wait3A_1987 : memref<1x320x32xf32, #tpu.memory_space<vmem>> -> memref<320x32xf32, #tpu.memory_space<vmem>>
        %dma_wait3A_1989 = arith.constant 140 : i32
        %dma_wait3A_1990 = arith.constant 0 : i32
        %dma_wait3A_1991 = tpu.memref_slice %dma_wait3A_1988[%dma_wait3A_1989, %dma_wait3A_1990] : memref<320x32xf32, #tpu.memory_space<vmem>> -> memref<20x32xf32, #tpu.memory_space<vmem>>
        %dma_wait3A_1992 = arith.constant 0 : i32
        %dma_wait3A_1993 = arith.constant 0 : i32
        %dma_wait3A_1994 = tpu.memref_slice %arg4[%add3A_1984, %dma_wait3A_1992, %dma_wait3A_1993] : memref<16384x20x32xf32, #tpu.memory_space<hbm>> -> memref<1x20x32xf32, #tpu.memory_space<hbm>>
        %dma_wait3A_1995 = tpu.memref_squeeze %dma_wait3A_1994 : memref<1x20x32xf32, #tpu.memory_space<hbm>> -> memref<20x32xf32, #tpu.memory_space<hbm>>
        %dma_wait3A_1996 = arith.constant 0 : i32
        %dma_wait3A_1997 = arith.constant 0 : i32
        %dma_wait3A_1998 = tpu.memref_slice %arg4[%add3A_1984, %dma_wait3A_1996, %dma_wait3A_1997] : memref<16384x20x32xf32, #tpu.memory_space<hbm>> -> memref<1x20x32xf32, #tpu.memory_space<hbm>>
        %dma_wait3A_1999 = tpu.memref_squeeze %dma_wait3A_1998 : memref<1x20x32xf32, #tpu.memory_space<hbm>> -> memref<20x32xf32, #tpu.memory_space<hbm>>
        %dma_wait3A_2000 = arith.constant 0 : i32
        %dma_wait3A_2001 = arith.constant 0 : i32
        %dma_wait3A_2002 = tpu.memref_slice %arg6[%scan3A_6, %dma_wait3A_2000, %dma_wait3A_2001] : memref<2x320x32xf32, #tpu.memory_space<vmem>> -> memref<1x320x32xf32, #tpu.memory_space<vmem>>
        %dma_wait3A_2003 = tpu.memref_squeeze %dma_wait3A_2002 : memref<1x320x32xf32, #tpu.memory_space<vmem>> -> memref<320x32xf32, #tpu.memory_space<vmem>>
        %dma_wait3A_2004 = arith.constant 140 : i32
        %dma_wait3A_2005 = arith.constant 0 : i32
        %dma_wait3A_2006 = tpu.memref_slice %dma_wait3A_2003[%dma_wait3A_2004, %dma_wait3A_2005] : memref<320x32xf32, #tpu.memory_space<vmem>> -> memref<20x32xf32, #tpu.memory_space<vmem>>
        tpu.wait_dma2 semaphore(%arg8 : memref<!tpu.dma_semaphore, #tpu.memory_space<semaphore_mem>>) src(%dma_wait3A_2006 : memref<20x32xf32, #tpu.memory_space<vmem>>) dst(%dma_wait3A_1999 : memref<20x32xf32, #tpu.memory_space<hbm>>)
        %mul3A_2007 = arith.constant 16 : i32
        %mul3A_2008 = arith.muli %sub3A_1790, %mul3A_2007 : i32
        %add3A_2009 = arith.addi %mul3A_4, %mul3A_2008 : i32
        %add3A_2010 = arith.constant 8 : i32
        %add3A_2011 = arith.addi %add3A_2009, %add3A_2010 : i32
        %dma_wait3A_2012 = arith.constant 0 : i32
        %dma_wait3A_2013 = arith.constant 0 : i32
        %dma_wait3A_2014 = tpu.memref_slice %arg6[%scan3A_6, %dma_wait3A_2012, %dma_wait3A_2013] : memref<2x320x32xf32, #tpu.memory_space<vmem>> -> memref<1x320x32xf32, #tpu.memory_space<vmem>>
        %dma_wait3A_2015 = tpu.memref_squeeze %dma_wait3A_2014 : memref<1x320x32xf32, #tpu.memory_space<vmem>> -> memref<320x32xf32, #tpu.memory_space<vmem>>
        %dma_wait3A_2016 = arith.constant 160 : i32
        %dma_wait3A_2017 = arith.constant 0 : i32
        %dma_wait3A_2018 = tpu.memref_slice %dma_wait3A_2015[%dma_wait3A_2016, %dma_wait3A_2017] : memref<320x32xf32, #tpu.memory_space<vmem>> -> memref<20x32xf32, #tpu.memory_space<vmem>>
        %dma_wait3A_2019 = arith.constant 0 : i32
        %dma_wait3A_2020 = arith.constant 0 : i32
        %dma_wait3A_2021 = tpu.memref_slice %arg4[%add3A_2011, %dma_wait3A_2019, %dma_wait3A_2020] : memref<16384x20x32xf32, #tpu.memory_space<hbm>> -> memref<1x20x32xf32, #tpu.memory_space<hbm>>
        %dma_wait3A_2022 = tpu.memref_squeeze %dma_wait3A_2021 : memref<1x20x32xf32, #tpu.memory_space<hbm>> -> memref<20x32xf32, #tpu.memory_space<hbm>>
        %dma_wait3A_2023 = arith.constant 0 : i32
        %dma_wait3A_2024 = arith.constant 0 : i32
        %dma_wait3A_2025 = tpu.memref_slice %arg4[%add3A_2011, %dma_wait3A_2023, %dma_wait3A_2024] : memref<16384x20x32xf32, #tpu.memory_space<hbm>> -> memref<1x20x32xf32, #tpu.memory_space<hbm>>
        %dma_wait3A_2026 = tpu.memref_squeeze %dma_wait3A_2025 : memref<1x20x32xf32, #tpu.memory_space<hbm>> -> memref<20x32xf32, #tpu.memory_space<hbm>>
        %dma_wait3A_2027 = arith.constant 0 : i32
        %dma_wait3A_2028 = arith.constant 0 : i32
        %dma_wait3A_2029 = tpu.memref_slice %arg6[%scan3A_6, %dma_wait3A_2027, %dma_wait3A_2028] : memref<2x320x32xf32, #tpu.memory_space<vmem>> -> memref<1x320x32xf32, #tpu.memory_space<vmem>>
        %dma_wait3A_2030 = tpu.memref_squeeze %dma_wait3A_2029 : memref<1x320x32xf32, #tpu.memory_space<vmem>> -> memref<320x32xf32, #tpu.memory_space<vmem>>
        %dma_wait3A_2031 = arith.constant 160 : i32
        %dma_wait3A_2032 = arith.constant 0 : i32
        %dma_wait3A_2033 = tpu.memref_slice %dma_wait3A_2030[%dma_wait3A_2031, %dma_wait3A_2032] : memref<320x32xf32, #tpu.memory_space<vmem>> -> memref<20x32xf32, #tpu.memory_space<vmem>>
        tpu.wait_dma2 semaphore(%arg8 : memref<!tpu.dma_semaphore, #tpu.memory_space<semaphore_mem>>) src(%dma_wait3A_2033 : memref<20x32xf32, #tpu.memory_space<vmem>>) dst(%dma_wait3A_2026 : memref<20x32xf32, #tpu.memory_space<hbm>>)
        %mul3A_2034 = arith.constant 16 : i32
        %mul3A_2035 = arith.muli %sub3A_1790, %mul3A_2034 : i32
        %add3A_2036 = arith.addi %mul3A_4, %mul3A_2035 : i32
        %add3A_2037 = arith.constant 9 : i32
        %add3A_2038 = arith.addi %add3A_2036, %add3A_2037 : i32
        %dma_wait3A_2039 = arith.constant 0 : i32
        %dma_wait3A_2040 = arith.constant 0 : i32
        %dma_wait3A_2041 = tpu.memref_slice %arg6[%scan3A_6, %dma_wait3A_2039, %dma_wait3A_2040] : memref<2x320x32xf32, #tpu.memory_space<vmem>> -> memref<1x320x32xf32, #tpu.memory_space<vmem>>
        %dma_wait3A_2042 = tpu.memref_squeeze %dma_wait3A_2041 : memref<1x320x32xf32, #tpu.memory_space<vmem>> -> memref<320x32xf32, #tpu.memory_space<vmem>>
        %dma_wait3A_2043 = arith.constant 180 : i32
        %dma_wait3A_2044 = arith.constant 0 : i32
        %dma_wait3A_2045 = tpu.memref_slice %dma_wait3A_2042[%dma_wait3A_2043, %dma_wait3A_2044] : memref<320x32xf32, #tpu.memory_space<vmem>> -> memref<20x32xf32, #tpu.memory_space<vmem>>
        %dma_wait3A_2046 = arith.constant 0 : i32
        %dma_wait3A_2047 = arith.constant 0 : i32
        %dma_wait3A_2048 = tpu.memref_slice %arg4[%add3A_2038, %dma_wait3A_2046, %dma_wait3A_2047] : memref<16384x20x32xf32, #tpu.memory_space<hbm>> -> memref<1x20x32xf32, #tpu.memory_space<hbm>>
        %dma_wait3A_2049 = tpu.memref_squeeze %dma_wait3A_2048 : memref<1x20x32xf32, #tpu.memory_space<hbm>> -> memref<20x32xf32, #tpu.memory_space<hbm>>
        %dma_wait3A_2050 = arith.constant 0 : i32
        %dma_wait3A_2051 = arith.constant 0 : i32
        %dma_wait3A_2052 = tpu.memref_slice %arg4[%add3A_2038, %dma_wait3A_2050, %dma_wait3A_2051] : memref<16384x20x32xf32, #tpu.memory_space<hbm>> -> memref<1x20x32xf32, #tpu.memory_space<hbm>>
        %dma_wait3A_2053 = tpu.memref_squeeze %dma_wait3A_2052 : memref<1x20x32xf32, #tpu.memory_space<hbm>> -> memref<20x32xf32, #tpu.memory_space<hbm>>
        %dma_wait3A_2054 = arith.constant 0 : i32
        %dma_wait3A_2055 = arith.constant 0 : i32
        %dma_wait3A_2056 = tpu.memref_slice %arg6[%scan3A_6, %dma_wait3A_2054, %dma_wait3A_2055] : memref<2x320x32xf32, #tpu.memory_space<vmem>> -> memref<1x320x32xf32, #tpu.memory_space<vmem>>
        %dma_wait3A_2057 = tpu.memref_squeeze %dma_wait3A_2056 : memref<1x320x32xf32, #tpu.memory_space<vmem>> -> memref<320x32xf32, #tpu.memory_space<vmem>>
        %dma_wait3A_2058 = arith.constant 180 : i32
        %dma_wait3A_2059 = arith.constant 0 : i32
        %dma_wait3A_2060 = tpu.memref_slice %dma_wait3A_2057[%dma_wait3A_2058, %dma_wait3A_2059] : memref<320x32xf32, #tpu.memory_space<vmem>> -> memref<20x32xf32, #tpu.memory_space<vmem>>
        tpu.wait_dma2 semaphore(%arg8 : memref<!tpu.dma_semaphore, #tpu.memory_space<semaphore_mem>>) src(%dma_wait3A_2060 : memref<20x32xf32, #tpu.memory_space<vmem>>) dst(%dma_wait3A_2053 : memref<20x32xf32, #tpu.memory_space<hbm>>)
        %mul3A_2061 = arith.constant 16 : i32
        %mul3A_2062 = arith.muli %sub3A_1790, %mul3A_2061 : i32
        %add3A_2063 = arith.addi %mul3A_4, %mul3A_2062 : i32
        %add3A_2064 = arith.constant 10 : i32
        %add3A_2065 = arith.addi %add3A_2063, %add3A_2064 : i32
        %dma_wait3A_2066 = arith.constant 0 : i32
        %dma_wait3A_2067 = arith.constant 0 : i32
        %dma_wait3A_2068 = tpu.memref_slice %arg6[%scan3A_6, %dma_wait3A_2066, %dma_wait3A_2067] : memref<2x320x32xf32, #tpu.memory_space<vmem>> -> memref<1x320x32xf32, #tpu.memory_space<vmem>>
        %dma_wait3A_2069 = tpu.memref_squeeze %dma_wait3A_2068 : memref<1x320x32xf32, #tpu.memory_space<vmem>> -> memref<320x32xf32, #tpu.memory_space<vmem>>
        %dma_wait3A_2070 = arith.constant 200 : i32
        %dma_wait3A_2071 = arith.constant 0 : i32
        %dma_wait3A_2072 = tpu.memref_slice %dma_wait3A_2069[%dma_wait3A_2070, %dma_wait3A_2071] : memref<320x32xf32, #tpu.memory_space<vmem>> -> memref<20x32xf32, #tpu.memory_space<vmem>>
        %dma_wait3A_2073 = arith.constant 0 : i32
        %dma_wait3A_2074 = arith.constant 0 : i32
        %dma_wait3A_2075 = tpu.memref_slice %arg4[%add3A_2065, %dma_wait3A_2073, %dma_wait3A_2074] : memref<16384x20x32xf32, #tpu.memory_space<hbm>> -> memref<1x20x32xf32, #tpu.memory_space<hbm>>
        %dma_wait3A_2076 = tpu.memref_squeeze %dma_wait3A_2075 : memref<1x20x32xf32, #tpu.memory_space<hbm>> -> memref<20x32xf32, #tpu.memory_space<hbm>>
        %dma_wait3A_2077 = arith.constant 0 : i32
        %dma_wait3A_2078 = arith.constant 0 : i32
        %dma_wait3A_2079 = tpu.memref_slice %arg4[%add3A_2065, %dma_wait3A_2077, %dma_wait3A_2078] : memref<16384x20x32xf32, #tpu.memory_space<hbm>> -> memref<1x20x32xf32, #tpu.memory_space<hbm>>
        %dma_wait3A_2080 = tpu.memref_squeeze %dma_wait3A_2079 : memref<1x20x32xf32, #tpu.memory_space<hbm>> -> memref<20x32xf32, #tpu.memory_space<hbm>>
        %dma_wait3A_2081 = arith.constant 0 : i32
        %dma_wait3A_2082 = arith.constant 0 : i32
        %dma_wait3A_2083 = tpu.memref_slice %arg6[%scan3A_6, %dma_wait3A_2081, %dma_wait3A_2082] : memref<2x320x32xf32, #tpu.memory_space<vmem>> -> memref<1x320x32xf32, #tpu.memory_space<vmem>>
        %dma_wait3A_2084 = tpu.memref_squeeze %dma_wait3A_2083 : memref<1x320x32xf32, #tpu.memory_space<vmem>> -> memref<320x32xf32, #tpu.memory_space<vmem>>
        %dma_wait3A_2085 = arith.constant 200 : i32
        %dma_wait3A_2086 = arith.constant 0 : i32
        %dma_wait3A_2087 = tpu.memref_slice %dma_wait3A_2084[%dma_wait3A_2085, %dma_wait3A_2086] : memref<320x32xf32, #tpu.memory_space<vmem>> -> memref<20x32xf32, #tpu.memory_space<vmem>>
        tpu.wait_dma2 semaphore(%arg8 : memref<!tpu.dma_semaphore, #tpu.memory_space<semaphore_mem>>) src(%dma_wait3A_2087 : memref<20x32xf32, #tpu.memory_space<vmem>>) dst(%dma_wait3A_2080 : memref<20x32xf32, #tpu.memory_space<hbm>>)
        %mul3A_2088 = arith.constant 16 : i32
        %mul3A_2089 = arith.muli %sub3A_1790, %mul3A_2088 : i32
        %add3A_2090 = arith.addi %mul3A_4, %mul3A_2089 : i32
        %add3A_2091 = arith.constant 11 : i32
        %add3A_2092 = arith.addi %add3A_2090, %add3A_2091 : i32
        %dma_wait3A_2093 = arith.constant 0 : i32
        %dma_wait3A_2094 = arith.constant 0 : i32
        %dma_wait3A_2095 = tpu.memref_slice %arg6[%scan3A_6, %dma_wait3A_2093, %dma_wait3A_2094] : memref<2x320x32xf32, #tpu.memory_space<vmem>> -> memref<1x320x32xf32, #tpu.memory_space<vmem>>
        %dma_wait3A_2096 = tpu.memref_squeeze %dma_wait3A_2095 : memref<1x320x32xf32, #tpu.memory_space<vmem>> -> memref<320x32xf32, #tpu.memory_space<vmem>>
        %dma_wait3A_2097 = arith.constant 220 : i32
        %dma_wait3A_2098 = arith.constant 0 : i32
        %dma_wait3A_2099 = tpu.memref_slice %dma_wait3A_2096[%dma_wait3A_2097, %dma_wait3A_2098] : memref<320x32xf32, #tpu.memory_space<vmem>> -> memref<20x32xf32, #tpu.memory_space<vmem>>
        %dma_wait3A_2100 = arith.constant 0 : i32
        %dma_wait3A_2101 = arith.constant 0 : i32
        %dma_wait3A_2102 = tpu.memref_slice %arg4[%add3A_2092, %dma_wait3A_2100, %dma_wait3A_2101] : memref<16384x20x32xf32, #tpu.memory_space<hbm>> -> memref<1x20x32xf32, #tpu.memory_space<hbm>>
        %dma_wait3A_2103 = tpu.memref_squeeze %dma_wait3A_2102 : memref<1x20x32xf32, #tpu.memory_space<hbm>> -> memref<20x32xf32, #tpu.memory_space<hbm>>
        %dma_wait3A_2104 = arith.constant 0 : i32
        %dma_wait3A_2105 = arith.constant 0 : i32
        %dma_wait3A_2106 = tpu.memref_slice %arg4[%add3A_2092, %dma_wait3A_2104, %dma_wait3A_2105] : memref<16384x20x32xf32, #tpu.memory_space<hbm>> -> memref<1x20x32xf32, #tpu.memory_space<hbm>>
        %dma_wait3A_2107 = tpu.memref_squeeze %dma_wait3A_2106 : memref<1x20x32xf32, #tpu.memory_space<hbm>> -> memref<20x32xf32, #tpu.memory_space<hbm>>
        %dma_wait3A_2108 = arith.constant 0 : i32
        %dma_wait3A_2109 = arith.constant 0 : i32
        %dma_wait3A_2110 = tpu.memref_slice %arg6[%scan3A_6, %dma_wait3A_2108, %dma_wait3A_2109] : memref<2x320x32xf32, #tpu.memory_space<vmem>> -> memref<1x320x32xf32, #tpu.memory_space<vmem>>
        %dma_wait3A_2111 = tpu.memref_squeeze %dma_wait3A_2110 : memref<1x320x32xf32, #tpu.memory_space<vmem>> -> memref<320x32xf32, #tpu.memory_space<vmem>>
        %dma_wait3A_2112 = arith.constant 220 : i32
        %dma_wait3A_2113 = arith.constant 0 : i32
        %dma_wait3A_2114 = tpu.memref_slice %dma_wait3A_2111[%dma_wait3A_2112, %dma_wait3A_2113] : memref<320x32xf32, #tpu.memory_space<vmem>> -> memref<20x32xf32, #tpu.memory_space<vmem>>
        tpu.wait_dma2 semaphore(%arg8 : memref<!tpu.dma_semaphore, #tpu.memory_space<semaphore_mem>>) src(%dma_wait3A_2114 : memref<20x32xf32, #tpu.memory_space<vmem>>) dst(%dma_wait3A_2107 : memref<20x32xf32, #tpu.memory_space<hbm>>)
        %mul3A_2115 = arith.constant 16 : i32
        %mul3A_2116 = arith.muli %sub3A_1790, %mul3A_2115 : i32
        %add3A_2117 = arith.addi %mul3A_4, %mul3A_2116 : i32
        %add3A_2118 = arith.constant 12 : i32
        %add3A_2119 = arith.addi %add3A_2117, %add3A_2118 : i32
        %dma_wait3A_2120 = arith.constant 0 : i32
        %dma_wait3A_2121 = arith.constant 0 : i32
        %dma_wait3A_2122 = tpu.memref_slice %arg6[%scan3A_6, %dma_wait3A_2120, %dma_wait3A_2121] : memref<2x320x32xf32, #tpu.memory_space<vmem>> -> memref<1x320x32xf32, #tpu.memory_space<vmem>>
        %dma_wait3A_2123 = tpu.memref_squeeze %dma_wait3A_2122 : memref<1x320x32xf32, #tpu.memory_space<vmem>> -> memref<320x32xf32, #tpu.memory_space<vmem>>
        %dma_wait3A_2124 = arith.constant 240 : i32
        %dma_wait3A_2125 = arith.constant 0 : i32
        %dma_wait3A_2126 = tpu.memref_slice %dma_wait3A_2123[%dma_wait3A_2124, %dma_wait3A_2125] : memref<320x32xf32, #tpu.memory_space<vmem>> -> memref<20x32xf32, #tpu.memory_space<vmem>>
        %dma_wait3A_2127 = arith.constant 0 : i32
        %dma_wait3A_2128 = arith.constant 0 : i32
        %dma_wait3A_2129 = tpu.memref_slice %arg4[%add3A_2119, %dma_wait3A_2127, %dma_wait3A_2128] : memref<16384x20x32xf32, #tpu.memory_space<hbm>> -> memref<1x20x32xf32, #tpu.memory_space<hbm>>
        %dma_wait3A_2130 = tpu.memref_squeeze %dma_wait3A_2129 : memref<1x20x32xf32, #tpu.memory_space<hbm>> -> memref<20x32xf32, #tpu.memory_space<hbm>>
        %dma_wait3A_2131 = arith.constant 0 : i32
        %dma_wait3A_2132 = arith.constant 0 : i32
        %dma_wait3A_2133 = tpu.memref_slice %arg4[%add3A_2119, %dma_wait3A_2131, %dma_wait3A_2132] : memref<16384x20x32xf32, #tpu.memory_space<hbm>> -> memref<1x20x32xf32, #tpu.memory_space<hbm>>
        %dma_wait3A_2134 = tpu.memref_squeeze %dma_wait3A_2133 : memref<1x20x32xf32, #tpu.memory_space<hbm>> -> memref<20x32xf32, #tpu.memory_space<hbm>>
        %dma_wait3A_2135 = arith.constant 0 : i32
        %dma_wait3A_2136 = arith.constant 0 : i32
        %dma_wait3A_2137 = tpu.memref_slice %arg6[%scan3A_6, %dma_wait3A_2135, %dma_wait3A_2136] : memref<2x320x32xf32, #tpu.memory_space<vmem>> -> memref<1x320x32xf32, #tpu.memory_space<vmem>>
        %dma_wait3A_2138 = tpu.memref_squeeze %dma_wait3A_2137 : memref<1x320x32xf32, #tpu.memory_space<vmem>> -> memref<320x32xf32, #tpu.memory_space<vmem>>
        %dma_wait3A_2139 = arith.constant 240 : i32
        %dma_wait3A_2140 = arith.constant 0 : i32
        %dma_wait3A_2141 = tpu.memref_slice %dma_wait3A_2138[%dma_wait3A_2139, %dma_wait3A_2140] : memref<320x32xf32, #tpu.memory_space<vmem>> -> memref<20x32xf32, #tpu.memory_space<vmem>>
        tpu.wait_dma2 semaphore(%arg8 : memref<!tpu.dma_semaphore, #tpu.memory_space<semaphore_mem>>) src(%dma_wait3A_2141 : memref<20x32xf32, #tpu.memory_space<vmem>>) dst(%dma_wait3A_2134 : memref<20x32xf32, #tpu.memory_space<hbm>>)
        %mul3A_2142 = arith.constant 16 : i32
        %mul3A_2143 = arith.muli %sub3A_1790, %mul3A_2142 : i32
        %add3A_2144 = arith.addi %mul3A_4, %mul3A_2143 : i32
        %add3A_2145 = arith.constant 13 : i32
        %add3A_2146 = arith.addi %add3A_2144, %add3A_2145 : i32
        %dma_wait3A_2147 = arith.constant 0 : i32
        %dma_wait3A_2148 = arith.constant 0 : i32
        %dma_wait3A_2149 = tpu.memref_slice %arg6[%scan3A_6, %dma_wait3A_2147, %dma_wait3A_2148] : memref<2x320x32xf32, #tpu.memory_space<vmem>> -> memref<1x320x32xf32, #tpu.memory_space<vmem>>
        %dma_wait3A_2150 = tpu.memref_squeeze %dma_wait3A_2149 : memref<1x320x32xf32, #tpu.memory_space<vmem>> -> memref<320x32xf32, #tpu.memory_space<vmem>>
        %dma_wait3A_2151 = arith.constant 260 : i32
        %dma_wait3A_2152 = arith.constant 0 : i32
        %dma_wait3A_2153 = tpu.memref_slice %dma_wait3A_2150[%dma_wait3A_2151, %dma_wait3A_2152] : memref<320x32xf32, #tpu.memory_space<vmem>> -> memref<20x32xf32, #tpu.memory_space<vmem>>
        %dma_wait3A_2154 = arith.constant 0 : i32
        %dma_wait3A_2155 = arith.constant 0 : i32
        %dma_wait3A_2156 = tpu.memref_slice %arg4[%add3A_2146, %dma_wait3A_2154, %dma_wait3A_2155] : memref<16384x20x32xf32, #tpu.memory_space<hbm>> -> memref<1x20x32xf32, #tpu.memory_space<hbm>>
        %dma_wait3A_2157 = tpu.memref_squeeze %dma_wait3A_2156 : memref<1x20x32xf32, #tpu.memory_space<hbm>> -> memref<20x32xf32, #tpu.memory_space<hbm>>
        %dma_wait3A_2158 = arith.constant 0 : i32
        %dma_wait3A_2159 = arith.constant 0 : i32
        %dma_wait3A_2160 = tpu.memref_slice %arg4[%add3A_2146, %dma_wait3A_2158, %dma_wait3A_2159] : memref<16384x20x32xf32, #tpu.memory_space<hbm>> -> memref<1x20x32xf32, #tpu.memory_space<hbm>>
        %dma_wait3A_2161 = tpu.memref_squeeze %dma_wait3A_2160 : memref<1x20x32xf32, #tpu.memory_space<hbm>> -> memref<20x32xf32, #tpu.memory_space<hbm>>
        %dma_wait3A_2162 = arith.constant 0 : i32
        %dma_wait3A_2163 = arith.constant 0 : i32
        %dma_wait3A_2164 = tpu.memref_slice %arg6[%scan3A_6, %dma_wait3A_2162, %dma_wait3A_2163] : memref<2x320x32xf32, #tpu.memory_space<vmem>> -> memref<1x320x32xf32, #tpu.memory_space<vmem>>
        %dma_wait3A_2165 = tpu.memref_squeeze %dma_wait3A_2164 : memref<1x320x32xf32, #tpu.memory_space<vmem>> -> memref<320x32xf32, #tpu.memory_space<vmem>>
        %dma_wait3A_2166 = arith.constant 260 : i32
        %dma_wait3A_2167 = arith.constant 0 : i32
        %dma_wait3A_2168 = tpu.memref_slice %dma_wait3A_2165[%dma_wait3A_2166, %dma_wait3A_2167] : memref<320x32xf32, #tpu.memory_space<vmem>> -> memref<20x32xf32, #tpu.memory_space<vmem>>
        tpu.wait_dma2 semaphore(%arg8 : memref<!tpu.dma_semaphore, #tpu.memory_space<semaphore_mem>>) src(%dma_wait3A_2168 : memref<20x32xf32, #tpu.memory_space<vmem>>) dst(%dma_wait3A_2161 : memref<20x32xf32, #tpu.memory_space<hbm>>)
        %mul3A_2169 = arith.constant 16 : i32
        %mul3A_2170 = arith.muli %sub3A_1790, %mul3A_2169 : i32
        %add3A_2171 = arith.addi %mul3A_4, %mul3A_2170 : i32
        %add3A_2172 = arith.constant 14 : i32
        %add3A_2173 = arith.addi %add3A_2171, %add3A_2172 : i32
        %dma_wait3A_2174 = arith.constant 0 : i32
        %dma_wait3A_2175 = arith.constant 0 : i32
        %dma_wait3A_2176 = tpu.memref_slice %arg6[%scan3A_6, %dma_wait3A_2174, %dma_wait3A_2175] : memref<2x320x32xf32, #tpu.memory_space<vmem>> -> memref<1x320x32xf32, #tpu.memory_space<vmem>>
        %dma_wait3A_2177 = tpu.memref_squeeze %dma_wait3A_2176 : memref<1x320x32xf32, #tpu.memory_space<vmem>> -> memref<320x32xf32, #tpu.memory_space<vmem>>
        %dma_wait3A_2178 = arith.constant 280 : i32
        %dma_wait3A_2179 = arith.constant 0 : i32
        %dma_wait3A_2180 = tpu.memref_slice %dma_wait3A_2177[%dma_wait3A_2178, %dma_wait3A_2179] : memref<320x32xf32, #tpu.memory_space<vmem>> -> memref<20x32xf32, #tpu.memory_space<vmem>>
        %dma_wait3A_2181 = arith.constant 0 : i32
        %dma_wait3A_2182 = arith.constant 0 : i32
        %dma_wait3A_2183 = tpu.memref_slice %arg4[%add3A_2173, %dma_wait3A_2181, %dma_wait3A_2182] : memref<16384x20x32xf32, #tpu.memory_space<hbm>> -> memref<1x20x32xf32, #tpu.memory_space<hbm>>
        %dma_wait3A_2184 = tpu.memref_squeeze %dma_wait3A_2183 : memref<1x20x32xf32, #tpu.memory_space<hbm>> -> memref<20x32xf32, #tpu.memory_space<hbm>>
        %dma_wait3A_2185 = arith.constant 0 : i32
        %dma_wait3A_2186 = arith.constant 0 : i32
        %dma_wait3A_2187 = tpu.memref_slice %arg4[%add3A_2173, %dma_wait3A_2185, %dma_wait3A_2186] : memref<16384x20x32xf32, #tpu.memory_space<hbm>> -> memref<1x20x32xf32, #tpu.memory_space<hbm>>
        %dma_wait3A_2188 = tpu.memref_squeeze %dma_wait3A_2187 : memref<1x20x32xf32, #tpu.memory_space<hbm>> -> memref<20x32xf32, #tpu.memory_space<hbm>>
        %dma_wait3A_2189 = arith.constant 0 : i32
        %dma_wait3A_2190 = arith.constant 0 : i32
        %dma_wait3A_2191 = tpu.memref_slice %arg6[%scan3A_6, %dma_wait3A_2189, %dma_wait3A_2190] : memref<2x320x32xf32, #tpu.memory_space<vmem>> -> memref<1x320x32xf32, #tpu.memory_space<vmem>>
        %dma_wait3A_2192 = tpu.memref_squeeze %dma_wait3A_2191 : memref<1x320x32xf32, #tpu.memory_space<vmem>> -> memref<320x32xf32, #tpu.memory_space<vmem>>
        %dma_wait3A_2193 = arith.constant 280 : i32
        %dma_wait3A_2194 = arith.constant 0 : i32
        %dma_wait3A_2195 = tpu.memref_slice %dma_wait3A_2192[%dma_wait3A_2193, %dma_wait3A_2194] : memref<320x32xf32, #tpu.memory_space<vmem>> -> memref<20x32xf32, #tpu.memory_space<vmem>>
        tpu.wait_dma2 semaphore(%arg8 : memref<!tpu.dma_semaphore, #tpu.memory_space<semaphore_mem>>) src(%dma_wait3A_2195 : memref<20x32xf32, #tpu.memory_space<vmem>>) dst(%dma_wait3A_2188 : memref<20x32xf32, #tpu.memory_space<hbm>>)
        %mul3A_2196 = arith.constant 16 : i32
        %mul3A_2197 = arith.muli %sub3A_1790, %mul3A_2196 : i32
        %add3A_2198 = arith.addi %mul3A_4, %mul3A_2197 : i32
        %add3A_2199 = arith.constant 15 : i32
        %add3A_2200 = arith.addi %add3A_2198, %add3A_2199 : i32
        %dma_wait3A_2201 = arith.constant 0 : i32
        %dma_wait3A_2202 = arith.constant 0 : i32
        %dma_wait3A_2203 = tpu.memref_slice %arg6[%scan3A_6, %dma_wait3A_2201, %dma_wait3A_2202] : memref<2x320x32xf32, #tpu.memory_space<vmem>> -> memref<1x320x32xf32, #tpu.memory_space<vmem>>
        %dma_wait3A_2204 = tpu.memref_squeeze %dma_wait3A_2203 : memref<1x320x32xf32, #tpu.memory_space<vmem>> -> memref<320x32xf32, #tpu.memory_space<vmem>>
        %dma_wait3A_2205 = arith.constant 300 : i32
        %dma_wait3A_2206 = arith.constant 0 : i32
        %dma_wait3A_2207 = tpu.memref_slice %dma_wait3A_2204[%dma_wait3A_2205, %dma_wait3A_2206] : memref<320x32xf32, #tpu.memory_space<vmem>> -> memref<20x32xf32, #tpu.memory_space<vmem>>
        %dma_wait3A_2208 = arith.constant 0 : i32
        %dma_wait3A_2209 = arith.constant 0 : i32
        %dma_wait3A_2210 = tpu.memref_slice %arg4[%add3A_2200, %dma_wait3A_2208, %dma_wait3A_2209] : memref<16384x20x32xf32, #tpu.memory_space<hbm>> -> memref<1x20x32xf32, #tpu.memory_space<hbm>>
        %dma_wait3A_2211 = tpu.memref_squeeze %dma_wait3A_2210 : memref<1x20x32xf32, #tpu.memory_space<hbm>> -> memref<20x32xf32, #tpu.memory_space<hbm>>
        %dma_wait3A_2212 = arith.constant 0 : i32
        %dma_wait3A_2213 = arith.constant 0 : i32
        %dma_wait3A_2214 = tpu.memref_slice %arg4[%add3A_2200, %dma_wait3A_2212, %dma_wait3A_2213] : memref<16384x20x32xf32, #tpu.memory_space<hbm>> -> memref<1x20x32xf32, #tpu.memory_space<hbm>>
        %dma_wait3A_2215 = tpu.memref_squeeze %dma_wait3A_2214 : memref<1x20x32xf32, #tpu.memory_space<hbm>> -> memref<20x32xf32, #tpu.memory_space<hbm>>
        %dma_wait3A_2216 = arith.constant 0 : i32
        %dma_wait3A_2217 = arith.constant 0 : i32
        %dma_wait3A_2218 = tpu.memref_slice %arg6[%scan3A_6, %dma_wait3A_2216, %dma_wait3A_2217] : memref<2x320x32xf32, #tpu.memory_space<vmem>> -> memref<1x320x32xf32, #tpu.memory_space<vmem>>
        %dma_wait3A_2219 = tpu.memref_squeeze %dma_wait3A_2218 : memref<1x320x32xf32, #tpu.memory_space<vmem>> -> memref<320x32xf32, #tpu.memory_space<vmem>>
        %dma_wait3A_2220 = arith.constant 300 : i32
        %dma_wait3A_2221 = arith.constant 0 : i32
        %dma_wait3A_2222 = tpu.memref_slice %dma_wait3A_2219[%dma_wait3A_2220, %dma_wait3A_2221] : memref<320x32xf32, #tpu.memory_space<vmem>> -> memref<20x32xf32, #tpu.memory_space<vmem>>
        tpu.wait_dma2 semaphore(%arg8 : memref<!tpu.dma_semaphore, #tpu.memory_space<semaphore_mem>>) src(%dma_wait3A_2222 : memref<20x32xf32, #tpu.memory_space<vmem>>) dst(%dma_wait3A_2215 : memref<20x32xf32, #tpu.memory_space<hbm>>)
      } else {
      }
      %scan3A_1338 = arith.constant 0 : i32
      %scan3A_1339 = arith.constant 0 : i32
      %scan3A_1340 = arith.constant 20 : i32
      %scan3A_1341 = arith.addi %scan3A_1339, %scan3A_1340 : i32
      %scan3A_1342 = arith.constant 1 : i32
      scf.for %scan3A_1790 = %scan3A_1339 to %scan3A_1341 step %scan3A_1342  : i32 {
        %mul3A_1791 = arith.constant 320 : i32
        %mul3A_1792 = arith.muli %add3A_879, %mul3A_1791 : i32
        %mul3A_1793 = arith.constant 16 : i32
        %mul3A_1794 = arith.muli %scan3A_1790, %mul3A_1793 : i32
        %add3A_1795 = arith.addi %mul3A_1792, %mul3A_1794 : i32
        %get3A = arith.index_cast %add3A_1795 : i32 to index
        %get3A_1796 = tpu.vector_load %arg5[%get3A] {strides = array<i32>} : memref<10240xi32, #tpu.memory_space<vmem>>, vector<16xi32>,
        %get3A_1797 = vector.shape_cast %get3A_1796 : vector<16xi32> to vector<16xi32>
        %slice3A = vector.extract_strided_slice %get3A_1797 {offsets = [0], sizes = [1], strides = [1]} : vector<16xi32> to vector<1xi32>
        %squeeze3A = vector.extract %slice3A[0] : i32 from vector<1xi32>
        %mul3A_1798 = arith.constant 16 : i32
        %mul3A_1799 = arith.muli %scan3A_1790, %mul3A_1798 : i32
        %add3A_1800 = arith.constant 0 : i32
        %add3A_1801 = arith.addi %mul3A_1799, %add3A_1800 : i32
        %dma_start3A_1802 = arith.constant 0 : i32
        %dma_start3A_1803 = arith.constant 0 : i32
        %dma_start3A_1804 = tpu.memref_slice %arg6[%scan3A_6, %dma_start3A_1802, %dma_start3A_1803] : memref<2x320x32xf32, #tpu.memory_space<vmem>> -> memref<1x320x32xf32, #tpu.memory_space<vmem>>
        %dma_start3A_1805 = tpu.memref_squeeze %dma_start3A_1804 : memref<1x320x32xf32, #tpu.memory_space<vmem>> -> memref<320x32xf32, #tpu.memory_space<vmem>>
        %dma_start3A_1806 = arith.constant 0 : i32
        %dma_start3A_1807 = tpu.memref_slice %dma_start3A_1805[%add3A_1801, %dma_start3A_1806] : memref<320x32xf32, #tpu.memory_space<vmem>> -> memref<1x32xf32, #tpu.memory_space<vmem>>
        %dma_start3A_1808 = arith.constant 0 : i32
        %dma_start3A_1809 = tpu.memref_slice %arg3[%squeeze3A, %dma_start3A_1808] : memref<1000000x32xf32, #tpu.memory_space<hbm>> -> memref<1x32xf32, #tpu.memory_space<hbm>>
        %dma_start3A_1810 = arith.constant 0 : i32
        %dma_start3A_1811 = arith.constant 0 : i32
        %dma_start3A_1812 = tpu.memref_slice %arg6[%scan3A_6, %dma_start3A_1810, %dma_start3A_1811] : memref<2x320x32xf32, #tpu.memory_space<vmem>> -> memref<1x320x32xf32, #tpu.memory_space<vmem>>
        %dma_start3A_1813 = tpu.memref_squeeze %dma_start3A_1812 : memref<1x320x32xf32, #tpu.memory_space<vmem>> -> memref<320x32xf32, #tpu.memory_space<vmem>>
        %dma_start3A_1814 = arith.constant 0 : i32
        %dma_start3A_1815 = tpu.memref_slice %dma_start3A_1813[%add3A_1801, %dma_start3A_1814] : memref<320x32xf32, #tpu.memory_space<vmem>> -> memref<1x32xf32, #tpu.memory_space<vmem>>
        %dma_start3A_1816 = arith.constant 0 : i32
        %dma_start3A_1817 = tpu.memref_slice %arg3[%squeeze3A, %dma_start3A_1816] : memref<1000000x32xf32, #tpu.memory_space<hbm>> -> memref<1x32xf32, #tpu.memory_space<hbm>>
        tpu.enqueue_dma source(%dma_start3A_1817 : memref<1x32xf32, #tpu.memory_space<hbm>>) target(%dma_start3A_1815 : memref<1x32xf32, #tpu.memory_space<vmem>>) target_semaphore(%arg7 : memref<!tpu.dma_semaphore, #tpu.memory_space<semaphore_mem>>)
        %slice3A_1818 = vector.extract_strided_slice %get3A_1797 {offsets = [1], sizes = [1], strides = [1]} : vector<16xi32> to vector<1xi32>
        %squeeze3A_1819 = vector.extract %slice3A_1818[0] : i32 from vector<1xi32>
        %mul3A_1820 = arith.constant 16 : i32
        %mul3A_1821 = arith.muli %scan3A_1790, %mul3A_1820 : i32
        %add3A_1822 = arith.constant 1 : i32
        %add3A_1823 = arith.addi %mul3A_1821, %add3A_1822 : i32
        %dma_start3A_1824 = arith.constant 0 : i32
        %dma_start3A_1825 = arith.constant 0 : i32
        %dma_start3A_1826 = tpu.memref_slice %arg6[%scan3A_6, %dma_start3A_1824, %dma_start3A_1825] : memref<2x320x32xf32, #tpu.memory_space<vmem>> -> memref<1x320x32xf32, #tpu.memory_space<vmem>>
        %dma_start3A_1827 = tpu.memref_squeeze %dma_start3A_1826 : memref<1x320x32xf32, #tpu.memory_space<vmem>> -> memref<320x32xf32, #tpu.memory_space<vmem>>
        %dma_start3A_1828 = arith.constant 0 : i32
        %dma_start3A_1829 = tpu.memref_slice %dma_start3A_1827[%add3A_1823, %dma_start3A_1828] : memref<320x32xf32, #tpu.memory_space<vmem>> -> memref<1x32xf32, #tpu.memory_space<vmem>>
        %dma_start3A_1830 = arith.constant 0 : i32
        %dma_start3A_1831 = tpu.memref_slice %arg3[%squeeze3A_1819, %dma_start3A_1830] : memref<1000000x32xf32, #tpu.memory_space<hbm>> -> memref<1x32xf32, #tpu.memory_space<hbm>>
        %dma_start3A_1832 = arith.constant 0 : i32
        %dma_start3A_1833 = arith.constant 0 : i32
        %dma_start3A_1834 = tpu.memref_slice %arg6[%scan3A_6, %dma_start3A_1832, %dma_start3A_1833] : memref<2x320x32xf32, #tpu.memory_space<vmem>> -> memref<1x320x32xf32, #tpu.memory_space<vmem>>
        %dma_start3A_1835 = tpu.memref_squeeze %dma_start3A_1834 : memref<1x320x32xf32, #tpu.memory_space<vmem>> -> memref<320x32xf32, #tpu.memory_space<vmem>>
        %dma_start3A_1836 = arith.constant 0 : i32
        %dma_start3A_1837 = tpu.memref_slice %dma_start3A_1835[%add3A_1823, %dma_start3A_1836] : memref<320x32xf32, #tpu.memory_space<vmem>> -> memref<1x32xf32, #tpu.memory_space<vmem>>
        %dma_start3A_1838 = arith.constant 0 : i32
        %dma_start3A_1839 = tpu.memref_slice %arg3[%squeeze3A_1819, %dma_start3A_1838] : memref<1000000x32xf32, #tpu.memory_space<hbm>> -> memref<1x32xf32, #tpu.memory_space<hbm>>
        tpu.enqueue_dma source(%dma_start3A_1839 : memref<1x32xf32, #tpu.memory_space<hbm>>) target(%dma_start3A_1837 : memref<1x32xf32, #tpu.memory_space<vmem>>) target_semaphore(%arg7 : memref<!tpu.dma_semaphore, #tpu.memory_space<semaphore_mem>>)
        %slice3A_1840 = vector.extract_strided_slice %get3A_1797 {offsets = [2], sizes = [1], strides = [1]} : vector<16xi32> to vector<1xi32>
        %squeeze3A_1841 = vector.extract %slice3A_1840[0] : i32 from vector<1xi32>
        %mul3A_1842 = arith.constant 16 : i32
        %mul3A_1843 = arith.muli %scan3A_1790, %mul3A_1842 : i32
        %add3A_1844 = arith.constant 2 : i32
        %add3A_1845 = arith.addi %mul3A_1843, %add3A_1844 : i32
        %dma_start3A_1846 = arith.constant 0 : i32
        %dma_start3A_1847 = arith.constant 0 : i32
        %dma_start3A_1848 = tpu.memref_slice %arg6[%scan3A_6, %dma_start3A_1846, %dma_start3A_1847] : memref<2x320x32xf32, #tpu.memory_space<vmem>> -> memref<1x320x32xf32, #tpu.memory_space<vmem>>
        %dma_start3A_1849 = tpu.memref_squeeze %dma_start3A_1848 : memref<1x320x32xf32, #tpu.memory_space<vmem>> -> memref<320x32xf32, #tpu.memory_space<vmem>>
        %dma_start3A_1850 = arith.constant 0 : i32
        %dma_start3A_1851 = tpu.memref_slice %dma_start3A_1849[%add3A_1845, %dma_start3A_1850] : memref<320x32xf32, #tpu.memory_space<vmem>> -> memref<1x32xf32, #tpu.memory_space<vmem>>
        %dma_start3A_1852 = arith.constant 0 : i32
        %dma_start3A_1853 = tpu.memref_slice %arg3[%squeeze3A_1841, %dma_start3A_1852] : memref<1000000x32xf32, #tpu.memory_space<hbm>> -> memref<1x32xf32, #tpu.memory_space<hbm>>
        %dma_start3A_1854 = arith.constant 0 : i32
        %dma_start3A_1855 = arith.constant 0 : i32
        %dma_start3A_1856 = tpu.memref_slice %arg6[%scan3A_6, %dma_start3A_1854, %dma_start3A_1855] : memref<2x320x32xf32, #tpu.memory_space<vmem>> -> memref<1x320x32xf32, #tpu.memory_space<vmem>>
        %dma_start3A_1857 = tpu.memref_squeeze %dma_start3A_1856 : memref<1x320x32xf32, #tpu.memory_space<vmem>> -> memref<320x32xf32, #tpu.memory_space<vmem>>
        %dma_start3A_1858 = arith.constant 0 : i32
        %dma_start3A_1859 = tpu.memref_slice %dma_start3A_1857[%add3A_1845, %dma_start3A_1858] : memref<320x32xf32, #tpu.memory_space<vmem>> -> memref<1x32xf32, #tpu.memory_space<vmem>>
        %dma_start3A_1860 = arith.constant 0 : i32
        %dma_start3A_1861 = tpu.memref_slice %arg3[%squeeze3A_1841, %dma_start3A_1860] : memref<1000000x32xf32, #tpu.memory_space<hbm>> -> memref<1x32xf32, #tpu.memory_space<hbm>>
        tpu.enqueue_dma source(%dma_start3A_1861 : memref<1x32xf32, #tpu.memory_space<hbm>>) target(%dma_start3A_1859 : memref<1x32xf32, #tpu.memory_space<vmem>>) target_semaphore(%arg7 : memref<!tpu.dma_semaphore, #tpu.memory_space<semaphore_mem>>)
        %slice3A_1862 = vector.extract_strided_slice %get3A_1797 {offsets = [3], sizes = [1], strides = [1]} : vector<16xi32> to vector<1xi32>
        %squeeze3A_1863 = vector.extract %slice3A_1862[0] : i32 from vector<1xi32>
        %mul3A_1864 = arith.constant 16 : i32
        %mul3A_1865 = arith.muli %scan3A_1790, %mul3A_1864 : i32
        %add3A_1866 = arith.constant 3 : i32
        %add3A_1867 = arith.addi %mul3A_1865, %add3A_1866 : i32
        %dma_start3A_1868 = arith.constant 0 : i32
        %dma_start3A_1869 = arith.constant 0 : i32
        %dma_start3A_1870 = tpu.memref_slice %arg6[%scan3A_6, %dma_start3A_1868, %dma_start3A_1869] : memref<2x320x32xf32, #tpu.memory_space<vmem>> -> memref<1x320x32xf32, #tpu.memory_space<vmem>>
        %dma_start3A_1871 = tpu.memref_squeeze %dma_start3A_1870 : memref<1x320x32xf32, #tpu.memory_space<vmem>> -> memref<320x32xf32, #tpu.memory_space<vmem>>
        %dma_start3A_1872 = arith.constant 0 : i32
        %dma_start3A_1873 = tpu.memref_slice %dma_start3A_1871[%add3A_1867, %dma_start3A_1872] : memref<320x32xf32, #tpu.memory_space<vmem>> -> memref<1x32xf32, #tpu.memory_space<vmem>>
        %dma_start3A_1874 = arith.constant 0 : i32
        %dma_start3A_1875 = tpu.memref_slice %arg3[%squeeze3A_1863, %dma_start3A_1874] : memref<1000000x32xf32, #tpu.memory_space<hbm>> -> memref<1x32xf32, #tpu.memory_space<hbm>>
        %dma_start3A_1876 = arith.constant 0 : i32
        %dma_start3A_1877 = arith.constant 0 : i32
        %dma_start3A_1878 = tpu.memref_slice %arg6[%scan3A_6, %dma_start3A_1876, %dma_start3A_1877] : memref<2x320x32xf32, #tpu.memory_space<vmem>> -> memref<1x320x32xf32, #tpu.memory_space<vmem>>
        %dma_start3A_1879 = tpu.memref_squeeze %dma_start3A_1878 : memref<1x320x32xf32, #tpu.memory_space<vmem>> -> memref<320x32xf32, #tpu.memory_space<vmem>>
        %dma_start3A_1880 = arith.constant 0 : i32
        %dma_start3A_1881 = tpu.memref_slice %dma_start3A_1879[%add3A_1867, %dma_start3A_1880] : memref<320x32xf32, #tpu.memory_space<vmem>> -> memref<1x32xf32, #tpu.memory_space<vmem>>
        %dma_start3A_1882 = arith.constant 0 : i32
        %dma_start3A_1883 = tpu.memref_slice %arg3[%squeeze3A_1863, %dma_start3A_1882] : memref<1000000x32xf32, #tpu.memory_space<hbm>> -> memref<1x32xf32, #tpu.memory_space<hbm>>
        tpu.enqueue_dma source(%dma_start3A_1883 : memref<1x32xf32, #tpu.memory_space<hbm>>) target(%dma_start3A_1881 : memref<1x32xf32, #tpu.memory_space<vmem>>) target_semaphore(%arg7 : memref<!tpu.dma_semaphore, #tpu.memory_space<semaphore_mem>>)
        %slice3A_1884 = vector.extract_strided_slice %get3A_1797 {offsets = [4], sizes = [1], strides = [1]} : vector<16xi32> to vector<1xi32>
        %squeeze3A_1885 = vector.extract %slice3A_1884[0] : i32 from vector<1xi32>
        %mul3A_1886 = arith.constant 16 : i32
        %mul3A_1887 = arith.muli %scan3A_1790, %mul3A_1886 : i32
        %add3A_1888 = arith.constant 4 : i32
        %add3A_1889 = arith.addi %mul3A_1887, %add3A_1888 : i32
        %dma_start3A_1890 = arith.constant 0 : i32
        %dma_start3A_1891 = arith.constant 0 : i32
        %dma_start3A_1892 = tpu.memref_slice %arg6[%scan3A_6, %dma_start3A_1890, %dma_start3A_1891] : memref<2x320x32xf32, #tpu.memory_space<vmem>> -> memref<1x320x32xf32, #tpu.memory_space<vmem>>
        %dma_start3A_1893 = tpu.memref_squeeze %dma_start3A_1892 : memref<1x320x32xf32, #tpu.memory_space<vmem>> -> memref<320x32xf32, #tpu.memory_space<vmem>>
        %dma_start3A_1894 = arith.constant 0 : i32
        %dma_start3A_1895 = tpu.memref_slice %dma_start3A_1893[%add3A_1889, %dma_start3A_1894] : memref<320x32xf32, #tpu.memory_space<vmem>> -> memref<1x32xf32, #tpu.memory_space<vmem>>
        %dma_start3A_1896 = arith.constant 0 : i32
        %dma_start3A_1897 = tpu.memref_slice %arg3[%squeeze3A_1885, %dma_start3A_1896] : memref<1000000x32xf32, #tpu.memory_space<hbm>> -> memref<1x32xf32, #tpu.memory_space<hbm>>
        %dma_start3A_1898 = arith.constant 0 : i32
        %dma_start3A_1899 = arith.constant 0 : i32
        %dma_start3A_1900 = tpu.memref_slice %arg6[%scan3A_6, %dma_start3A_1898, %dma_start3A_1899] : memref<2x320x32xf32, #tpu.memory_space<vmem>> -> memref<1x320x32xf32, #tpu.memory_space<vmem>>
        %dma_start3A_1901 = tpu.memref_squeeze %dma_start3A_1900 : memref<1x320x32xf32, #tpu.memory_space<vmem>> -> memref<320x32xf32, #tpu.memory_space<vmem>>
        %dma_start3A_1902 = arith.constant 0 : i32
        %dma_start3A_1903 = tpu.memref_slice %dma_start3A_1901[%add3A_1889, %dma_start3A_1902] : memref<320x32xf32, #tpu.memory_space<vmem>> -> memref<1x32xf32, #tpu.memory_space<vmem>>
        %dma_start3A_1904 = arith.constant 0 : i32
        %dma_start3A_1905 = tpu.memref_slice %arg3[%squeeze3A_1885, %dma_start3A_1904] : memref<1000000x32xf32, #tpu.memory_space<hbm>> -> memref<1x32xf32, #tpu.memory_space<hbm>>
        tpu.enqueue_dma source(%dma_start3A_1905 : memref<1x32xf32, #tpu.memory_space<hbm>>) target(%dma_start3A_1903 : memref<1x32xf32, #tpu.memory_space<vmem>>) target_semaphore(%arg7 : memref<!tpu.dma_semaphore, #tpu.memory_space<semaphore_mem>>)
        %slice3A_1906 = vector.extract_strided_slice %get3A_1797 {offsets = [5], sizes = [1], strides = [1]} : vector<16xi32> to vector<1xi32>
        %squeeze3A_1907 = vector.extract %slice3A_1906[0] : i32 from vector<1xi32>
        %mul3A_1908 = arith.constant 16 : i32
        %mul3A_1909 = arith.muli %scan3A_1790, %mul3A_1908 : i32
        %add3A_1910 = arith.constant 5 : i32
        %add3A_1911 = arith.addi %mul3A_1909, %add3A_1910 : i32
        %dma_start3A_1912 = arith.constant 0 : i32
        %dma_start3A_1913 = arith.constant 0 : i32
        %dma_start3A_1914 = tpu.memref_slice %arg6[%scan3A_6, %dma_start3A_1912, %dma_start3A_1913] : memref<2x320x32xf32, #tpu.memory_space<vmem>> -> memref<1x320x32xf32, #tpu.memory_space<vmem>>
        %dma_start3A_1915 = tpu.memref_squeeze %dma_start3A_1914 : memref<1x320x32xf32, #tpu.memory_space<vmem>> -> memref<320x32xf32, #tpu.memory_space<vmem>>
        %dma_start3A_1916 = arith.constant 0 : i32
        %dma_start3A_1917 = tpu.memref_slice %dma_start3A_1915[%add3A_1911, %dma_start3A_1916] : memref<320x32xf32, #tpu.memory_space<vmem>> -> memref<1x32xf32, #tpu.memory_space<vmem>>
        %dma_start3A_1918 = arith.constant 0 : i32
        %dma_start3A_1919 = tpu.memref_slice %arg3[%squeeze3A_1907, %dma_start3A_1918] : memref<1000000x32xf32, #tpu.memory_space<hbm>> -> memref<1x32xf32, #tpu.memory_space<hbm>>
        %dma_start3A_1920 = arith.constant 0 : i32
        %dma_start3A_1921 = arith.constant 0 : i32
        %dma_start3A_1922 = tpu.memref_slice %arg6[%scan3A_6, %dma_start3A_1920, %dma_start3A_1921] : memref<2x320x32xf32, #tpu.memory_space<vmem>> -> memref<1x320x32xf32, #tpu.memory_space<vmem>>
        %dma_start3A_1923 = tpu.memref_squeeze %dma_start3A_1922 : memref<1x320x32xf32, #tpu.memory_space<vmem>> -> memref<320x32xf32, #tpu.memory_space<vmem>>
        %dma_start3A_1924 = arith.constant 0 : i32
        %dma_start3A_1925 = tpu.memref_slice %dma_start3A_1923[%add3A_1911, %dma_start3A_1924] : memref<320x32xf32, #tpu.memory_space<vmem>> -> memref<1x32xf32, #tpu.memory_space<vmem>>
        %dma_start3A_1926 = arith.constant 0 : i32
        %dma_start3A_1927 = tpu.memref_slice %arg3[%squeeze3A_1907, %dma_start3A_1926] : memref<1000000x32xf32, #tpu.memory_space<hbm>> -> memref<1x32xf32, #tpu.memory_space<hbm>>
        tpu.enqueue_dma source(%dma_start3A_1927 : memref<1x32xf32, #tpu.memory_space<hbm>>) target(%dma_start3A_1925 : memref<1x32xf32, #tpu.memory_space<vmem>>) target_semaphore(%arg7 : memref<!tpu.dma_semaphore, #tpu.memory_space<semaphore_mem>>)
        %slice3A_1928 = vector.extract_strided_slice %get3A_1797 {offsets = [6], sizes = [1], strides = [1]} : vector<16xi32> to vector<1xi32>
        %squeeze3A_1929 = vector.extract %slice3A_1928[0] : i32 from vector<1xi32>
        %mul3A_1930 = arith.constant 16 : i32
        %mul3A_1931 = arith.muli %scan3A_1790, %mul3A_1930 : i32
        %add3A_1932 = arith.constant 6 : i32
        %add3A_1933 = arith.addi %mul3A_1931, %add3A_1932 : i32
        %dma_start3A_1934 = arith.constant 0 : i32
        %dma_start3A_1935 = arith.constant 0 : i32
        %dma_start3A_1936 = tpu.memref_slice %arg6[%scan3A_6, %dma_start3A_1934, %dma_start3A_1935] : memref<2x320x32xf32, #tpu.memory_space<vmem>> -> memref<1x320x32xf32, #tpu.memory_space<vmem>>
        %dma_start3A_1937 = tpu.memref_squeeze %dma_start3A_1936 : memref<1x320x32xf32, #tpu.memory_space<vmem>> -> memref<320x32xf32, #tpu.memory_space<vmem>>
        %dma_start3A_1938 = arith.constant 0 : i32
        %dma_start3A_1939 = tpu.memref_slice %dma_start3A_1937[%add3A_1933, %dma_start3A_1938] : memref<320x32xf32, #tpu.memory_space<vmem>> -> memref<1x32xf32, #tpu.memory_space<vmem>>
        %dma_start3A_1940 = arith.constant 0 : i32
        %dma_start3A_1941 = tpu.memref_slice %arg3[%squeeze3A_1929, %dma_start3A_1940] : memref<1000000x32xf32, #tpu.memory_space<hbm>> -> memref<1x32xf32, #tpu.memory_space<hbm>>
        %dma_start3A_1942 = arith.constant 0 : i32
        %dma_start3A_1943 = arith.constant 0 : i32
        %dma_start3A_1944 = tpu.memref_slice %arg6[%scan3A_6, %dma_start3A_1942, %dma_start3A_1943] : memref<2x320x32xf32, #tpu.memory_space<vmem>> -> memref<1x320x32xf32, #tpu.memory_space<vmem>>
        %dma_start3A_1945 = tpu.memref_squeeze %dma_start3A_1944 : memref<1x320x32xf32, #tpu.memory_space<vmem>> -> memref<320x32xf32, #tpu.memory_space<vmem>>
        %dma_start3A_1946 = arith.constant 0 : i32
        %dma_start3A_1947 = tpu.memref_slice %dma_start3A_1945[%add3A_1933, %dma_start3A_1946] : memref<320x32xf32, #tpu.memory_space<vmem>> -> memref<1x32xf32, #tpu.memory_space<vmem>>
        %dma_start3A_1948 = arith.constant 0 : i32
        %dma_start3A_1949 = tpu.memref_slice %arg3[%squeeze3A_1929, %dma_start3A_1948] : memref<1000000x32xf32, #tpu.memory_space<hbm>> -> memref<1x32xf32, #tpu.memory_space<hbm>>
        tpu.enqueue_dma source(%dma_start3A_1949 : memref<1x32xf32, #tpu.memory_space<hbm>>) target(%dma_start3A_1947 : memref<1x32xf32, #tpu.memory_space<vmem>>) target_semaphore(%arg7 : memref<!tpu.dma_semaphore, #tpu.memory_space<semaphore_mem>>)
        %slice3A_1950 = vector.extract_strided_slice %get3A_1797 {offsets = [7], sizes = [1], strides = [1]} : vector<16xi32> to vector<1xi32>
        %squeeze3A_1951 = vector.extract %slice3A_1950[0] : i32 from vector<1xi32>
        %mul3A_1952 = arith.constant 16 : i32
        %mul3A_1953 = arith.muli %scan3A_1790, %mul3A_1952 : i32
        %add3A_1954 = arith.constant 7 : i32
        %add3A_1955 = arith.addi %mul3A_1953, %add3A_1954 : i32
        %dma_start3A_1956 = arith.constant 0 : i32
        %dma_start3A_1957 = arith.constant 0 : i32
        %dma_start3A_1958 = tpu.memref_slice %arg6[%scan3A_6, %dma_start3A_1956, %dma_start3A_1957] : memref<2x320x32xf32, #tpu.memory_space<vmem>> -> memref<1x320x32xf32, #tpu.memory_space<vmem>>
        %dma_start3A_1959 = tpu.memref_squeeze %dma_start3A_1958 : memref<1x320x32xf32, #tpu.memory_space<vmem>> -> memref<320x32xf32, #tpu.memory_space<vmem>>
        %dma_start3A_1960 = arith.constant 0 : i32
        %dma_start3A_1961 = tpu.memref_slice %dma_start3A_1959[%add3A_1955, %dma_start3A_1960] : memref<320x32xf32, #tpu.memory_space<vmem>> -> memref<1x32xf32, #tpu.memory_space<vmem>>
        %dma_start3A_1962 = arith.constant 0 : i32
        %dma_start3A_1963 = tpu.memref_slice %arg3[%squeeze3A_1951, %dma_start3A_1962] : memref<1000000x32xf32, #tpu.memory_space<hbm>> -> memref<1x32xf32, #tpu.memory_space<hbm>>
        %dma_start3A_1964 = arith.constant 0 : i32
        %dma_start3A_1965 = arith.constant 0 : i32
        %dma_start3A_1966 = tpu.memref_slice %arg6[%scan3A_6, %dma_start3A_1964, %dma_start3A_1965] : memref<2x320x32xf32, #tpu.memory_space<vmem>> -> memref<1x320x32xf32, #tpu.memory_space<vmem>>
        %dma_start3A_1967 = tpu.memref_squeeze %dma_start3A_1966 : memref<1x320x32xf32, #tpu.memory_space<vmem>> -> memref<320x32xf32, #tpu.memory_space<vmem>>
        %dma_start3A_1968 = arith.constant 0 : i32
        %dma_start3A_1969 = tpu.memref_slice %dma_start3A_1967[%add3A_1955, %dma_start3A_1968] : memref<320x32xf32, #tpu.memory_space<vmem>> -> memref<1x32xf32, #tpu.memory_space<vmem>>
        %dma_start3A_1970 = arith.constant 0 : i32
        %dma_start3A_1971 = tpu.memref_slice %arg3[%squeeze3A_1951, %dma_start3A_1970] : memref<1000000x32xf32, #tpu.memory_space<hbm>> -> memref<1x32xf32, #tpu.memory_space<hbm>>
        tpu.enqueue_dma source(%dma_start3A_1971 : memref<1x32xf32, #tpu.memory_space<hbm>>) target(%dma_start3A_1969 : memref<1x32xf32, #tpu.memory_space<vmem>>) target_semaphore(%arg7 : memref<!tpu.dma_semaphore, #tpu.memory_space<semaphore_mem>>)
        %slice3A_1972 = vector.extract_strided_slice %get3A_1797 {offsets = [8], sizes = [1], strides = [1]} : vector<16xi32> to vector<1xi32>
        %squeeze3A_1973 = vector.extract %slice3A_1972[0] : i32 from vector<1xi32>
        %mul3A_1974 = arith.constant 16 : i32
        %mul3A_1975 = arith.muli %scan3A_1790, %mul3A_1974 : i32
        %add3A_1976 = arith.constant 8 : i32
        %add3A_1977 = arith.addi %mul3A_1975, %add3A_1976 : i32
        %dma_start3A_1978 = arith.constant 0 : i32
        %dma_start3A_1979 = arith.constant 0 : i32
        %dma_start3A_1980 = tpu.memref_slice %arg6[%scan3A_6, %dma_start3A_1978, %dma_start3A_1979] : memref<2x320x32xf32, #tpu.memory_space<vmem>> -> memref<1x320x32xf32, #tpu.memory_space<vmem>>
        %dma_start3A_1981 = tpu.memref_squeeze %dma_start3A_1980 : memref<1x320x32xf32, #tpu.memory_space<vmem>> -> memref<320x32xf32, #tpu.memory_space<vmem>>
        %dma_start3A_1982 = arith.constant 0 : i32
        %dma_start3A_1983 = tpu.memref_slice %dma_start3A_1981[%add3A_1977, %dma_start3A_1982] : memref<320x32xf32, #tpu.memory_space<vmem>> -> memref<1x32xf32, #tpu.memory_space<vmem>>
        %dma_start3A_1984 = arith.constant 0 : i32
        %dma_start3A_1985 = tpu.memref_slice %arg3[%squeeze3A_1973, %dma_start3A_1984] : memref<1000000x32xf32, #tpu.memory_space<hbm>> -> memref<1x32xf32, #tpu.memory_space<hbm>>
        %dma_start3A_1986 = arith.constant 0 : i32
        %dma_start3A_1987 = arith.constant 0 : i32
        %dma_start3A_1988 = tpu.memref_slice %arg6[%scan3A_6, %dma_start3A_1986, %dma_start3A_1987] : memref<2x320x32xf32, #tpu.memory_space<vmem>> -> memref<1x320x32xf32, #tpu.memory_space<vmem>>
        %dma_start3A_1989 = tpu.memref_squeeze %dma_start3A_1988 : memref<1x320x32xf32, #tpu.memory_space<vmem>> -> memref<320x32xf32, #tpu.memory_space<vmem>>
        %dma_start3A_1990 = arith.constant 0 : i32
        %dma_start3A_1991 = tpu.memref_slice %dma_start3A_1989[%add3A_1977, %dma_start3A_1990] : memref<320x32xf32, #tpu.memory_space<vmem>> -> memref<1x32xf32, #tpu.memory_space<vmem>>
        %dma_start3A_1992 = arith.constant 0 : i32
        %dma_start3A_1993 = tpu.memref_slice %arg3[%squeeze3A_1973, %dma_start3A_1992] : memref<1000000x32xf32, #tpu.memory_space<hbm>> -> memref<1x32xf32, #tpu.memory_space<hbm>>
        tpu.enqueue_dma source(%dma_start3A_1993 : memref<1x32xf32, #tpu.memory_space<hbm>>) target(%dma_start3A_1991 : memref<1x32xf32, #tpu.memory_space<vmem>>) target_semaphore(%arg7 : memref<!tpu.dma_semaphore, #tpu.memory_space<semaphore_mem>>)
        %slice3A_1994 = vector.extract_strided_slice %get3A_1797 {offsets = [9], sizes = [1], strides = [1]} : vector<16xi32> to vector<1xi32>
        %squeeze3A_1995 = vector.extract %slice3A_1994[0] : i32 from vector<1xi32>
        %mul3A_1996 = arith.constant 16 : i32
        %mul3A_1997 = arith.muli %scan3A_1790, %mul3A_1996 : i32
        %add3A_1998 = arith.constant 9 : i32
        %add3A_1999 = arith.addi %mul3A_1997, %add3A_1998 : i32
        %dma_start3A_2000 = arith.constant 0 : i32
        %dma_start3A_2001 = arith.constant 0 : i32
        %dma_start3A_2002 = tpu.memref_slice %arg6[%scan3A_6, %dma_start3A_2000, %dma_start3A_2001] : memref<2x320x32xf32, #tpu.memory_space<vmem>> -> memref<1x320x32xf32, #tpu.memory_space<vmem>>
        %dma_start3A_2003 = tpu.memref_squeeze %dma_start3A_2002 : memref<1x320x32xf32, #tpu.memory_space<vmem>> -> memref<320x32xf32, #tpu.memory_space<vmem>>
        %dma_start3A_2004 = arith.constant 0 : i32
        %dma_start3A_2005 = tpu.memref_slice %dma_start3A_2003[%add3A_1999, %dma_start3A_2004] : memref<320x32xf32, #tpu.memory_space<vmem>> -> memref<1x32xf32, #tpu.memory_space<vmem>>
        %dma_start3A_2006 = arith.constant 0 : i32
        %dma_start3A_2007 = tpu.memref_slice %arg3[%squeeze3A_1995, %dma_start3A_2006] : memref<1000000x32xf32, #tpu.memory_space<hbm>> -> memref<1x32xf32, #tpu.memory_space<hbm>>
        %dma_start3A_2008 = arith.constant 0 : i32
        %dma_start3A_2009 = arith.constant 0 : i32
        %dma_start3A_2010 = tpu.memref_slice %arg6[%scan3A_6, %dma_start3A_2008, %dma_start3A_2009] : memref<2x320x32xf32, #tpu.memory_space<vmem>> -> memref<1x320x32xf32, #tpu.memory_space<vmem>>
        %dma_start3A_2011 = tpu.memref_squeeze %dma_start3A_2010 : memref<1x320x32xf32, #tpu.memory_space<vmem>> -> memref<320x32xf32, #tpu.memory_space<vmem>>
        %dma_start3A_2012 = arith.constant 0 : i32
        %dma_start3A_2013 = tpu.memref_slice %dma_start3A_2011[%add3A_1999, %dma_start3A_2012] : memref<320x32xf32, #tpu.memory_space<vmem>> -> memref<1x32xf32, #tpu.memory_space<vmem>>
        %dma_start3A_2014 = arith.constant 0 : i32
        %dma_start3A_2015 = tpu.memref_slice %arg3[%squeeze3A_1995, %dma_start3A_2014] : memref<1000000x32xf32, #tpu.memory_space<hbm>> -> memref<1x32xf32, #tpu.memory_space<hbm>>
        tpu.enqueue_dma source(%dma_start3A_2015 : memref<1x32xf32, #tpu.memory_space<hbm>>) target(%dma_start3A_2013 : memref<1x32xf32, #tpu.memory_space<vmem>>) target_semaphore(%arg7 : memref<!tpu.dma_semaphore, #tpu.memory_space<semaphore_mem>>)
        %slice3A_2016 = vector.extract_strided_slice %get3A_1797 {offsets = [10], sizes = [1], strides = [1]} : vector<16xi32> to vector<1xi32>
        %squeeze3A_2017 = vector.extract %slice3A_2016[0] : i32 from vector<1xi32>
        %mul3A_2018 = arith.constant 16 : i32
        %mul3A_2019 = arith.muli %scan3A_1790, %mul3A_2018 : i32
        %add3A_2020 = arith.constant 10 : i32
        %add3A_2021 = arith.addi %mul3A_2019, %add3A_2020 : i32
        %dma_start3A_2022 = arith.constant 0 : i32
        %dma_start3A_2023 = arith.constant 0 : i32
        %dma_start3A_2024 = tpu.memref_slice %arg6[%scan3A_6, %dma_start3A_2022, %dma_start3A_2023] : memref<2x320x32xf32, #tpu.memory_space<vmem>> -> memref<1x320x32xf32, #tpu.memory_space<vmem>>
        %dma_start3A_2025 = tpu.memref_squeeze %dma_start3A_2024 : memref<1x320x32xf32, #tpu.memory_space<vmem>> -> memref<320x32xf32, #tpu.memory_space<vmem>>
        %dma_start3A_2026 = arith.constant 0 : i32
        %dma_start3A_2027 = tpu.memref_slice %dma_start3A_2025[%add3A_2021, %dma_start3A_2026] : memref<320x32xf32, #tpu.memory_space<vmem>> -> memref<1x32xf32, #tpu.memory_space<vmem>>
        %dma_start3A_2028 = arith.constant 0 : i32
        %dma_start3A_2029 = tpu.memref_slice %arg3[%squeeze3A_2017, %dma_start3A_2028] : memref<1000000x32xf32, #tpu.memory_space<hbm>> -> memref<1x32xf32, #tpu.memory_space<hbm>>
        %dma_start3A_2030 = arith.constant 0 : i32
        %dma_start3A_2031 = arith.constant 0 : i32
        %dma_start3A_2032 = tpu.memref_slice %arg6[%scan3A_6, %dma_start3A_2030, %dma_start3A_2031] : memref<2x320x32xf32, #tpu.memory_space<vmem>> -> memref<1x320x32xf32, #tpu.memory_space<vmem>>
        %dma_start3A_2033 = tpu.memref_squeeze %dma_start3A_2032 : memref<1x320x32xf32, #tpu.memory_space<vmem>> -> memref<320x32xf32, #tpu.memory_space<vmem>>
        %dma_start3A_2034 = arith.constant 0 : i32
        %dma_start3A_2035 = tpu.memref_slice %dma_start3A_2033[%add3A_2021, %dma_start3A_2034] : memref<320x32xf32, #tpu.memory_space<vmem>> -> memref<1x32xf32, #tpu.memory_space<vmem>>
        %dma_start3A_2036 = arith.constant 0 : i32
        %dma_start3A_2037 = tpu.memref_slice %arg3[%squeeze3A_2017, %dma_start3A_2036] : memref<1000000x32xf32, #tpu.memory_space<hbm>> -> memref<1x32xf32, #tpu.memory_space<hbm>>
        tpu.enqueue_dma source(%dma_start3A_2037 : memref<1x32xf32, #tpu.memory_space<hbm>>) target(%dma_start3A_2035 : memref<1x32xf32, #tpu.memory_space<vmem>>) target_semaphore(%arg7 : memref<!tpu.dma_semaphore, #tpu.memory_space<semaphore_mem>>)
        %slice3A_2038 = vector.extract_strided_slice %get3A_1797 {offsets = [11], sizes = [1], strides = [1]} : vector<16xi32> to vector<1xi32>
        %squeeze3A_2039 = vector.extract %slice3A_2038[0] : i32 from vector<1xi32>
        %mul3A_2040 = arith.constant 16 : i32
        %mul3A_2041 = arith.muli %scan3A_1790, %mul3A_2040 : i32
        %add3A_2042 = arith.constant 11 : i32
        %add3A_2043 = arith.addi %mul3A_2041, %add3A_2042 : i32
        %dma_start3A_2044 = arith.constant 0 : i32
        %dma_start3A_2045 = arith.constant 0 : i32
        %dma_start3A_2046 = tpu.memref_slice %arg6[%scan3A_6, %dma_start3A_2044, %dma_start3A_2045] : memref<2x320x32xf32, #tpu.memory_space<vmem>> -> memref<1x320x32xf32, #tpu.memory_space<vmem>>
        %dma_start3A_2047 = tpu.memref_squeeze %dma_start3A_2046 : memref<1x320x32xf32, #tpu.memory_space<vmem>> -> memref<320x32xf32, #tpu.memory_space<vmem>>
        %dma_start3A_2048 = arith.constant 0 : i32
        %dma_start3A_2049 = tpu.memref_slice %dma_start3A_2047[%add3A_2043, %dma_start3A_2048] : memref<320x32xf32, #tpu.memory_space<vmem>> -> memref<1x32xf32, #tpu.memory_space<vmem>>
        %dma_start3A_2050 = arith.constant 0 : i32
        %dma_start3A_2051 = tpu.memref_slice %arg3[%squeeze3A_2039, %dma_start3A_2050] : memref<1000000x32xf32, #tpu.memory_space<hbm>> -> memref<1x32xf32, #tpu.memory_space<hbm>>
        %dma_start3A_2052 = arith.constant 0 : i32
        %dma_start3A_2053 = arith.constant 0 : i32
        %dma_start3A_2054 = tpu.memref_slice %arg6[%scan3A_6, %dma_start3A_2052, %dma_start3A_2053] : memref<2x320x32xf32, #tpu.memory_space<vmem>> -> memref<1x320x32xf32, #tpu.memory_space<vmem>>
        %dma_start3A_2055 = tpu.memref_squeeze %dma_start3A_2054 : memref<1x320x32xf32, #tpu.memory_space<vmem>> -> memref<320x32xf32, #tpu.memory_space<vmem>>
        %dma_start3A_2056 = arith.constant 0 : i32
        %dma_start3A_2057 = tpu.memref_slice %dma_start3A_2055[%add3A_2043, %dma_start3A_2056] : memref<320x32xf32, #tpu.memory_space<vmem>> -> memref<1x32xf32, #tpu.memory_space<vmem>>
        %dma_start3A_2058 = arith.constant 0 : i32
        %dma_start3A_2059 = tpu.memref_slice %arg3[%squeeze3A_2039, %dma_start3A_2058] : memref<1000000x32xf32, #tpu.memory_space<hbm>> -> memref<1x32xf32, #tpu.memory_space<hbm>>
        tpu.enqueue_dma source(%dma_start3A_2059 : memref<1x32xf32, #tpu.memory_space<hbm>>) target(%dma_start3A_2057 : memref<1x32xf32, #tpu.memory_space<vmem>>) target_semaphore(%arg7 : memref<!tpu.dma_semaphore, #tpu.memory_space<semaphore_mem>>)
        %slice3A_2060 = vector.extract_strided_slice %get3A_1797 {offsets = [12], sizes = [1], strides = [1]} : vector<16xi32> to vector<1xi32>
        %squeeze3A_2061 = vector.extract %slice3A_2060[0] : i32 from vector<1xi32>
        %mul3A_2062 = arith.constant 16 : i32
        %mul3A_2063 = arith.muli %scan3A_1790, %mul3A_2062 : i32
        %add3A_2064 = arith.constant 12 : i32
        %add3A_2065 = arith.addi %mul3A_2063, %add3A_2064 : i32
        %dma_start3A_2066 = arith.constant 0 : i32
        %dma_start3A_2067 = arith.constant 0 : i32
        %dma_start3A_2068 = tpu.memref_slice %arg6[%scan3A_6, %dma_start3A_2066, %dma_start3A_2067] : memref<2x320x32xf32, #tpu.memory_space<vmem>> -> memref<1x320x32xf32, #tpu.memory_space<vmem>>
        %dma_start3A_2069 = tpu.memref_squeeze %dma_start3A_2068 : memref<1x320x32xf32, #tpu.memory_space<vmem>> -> memref<320x32xf32, #tpu.memory_space<vmem>>
        %dma_start3A_2070 = arith.constant 0 : i32
        %dma_start3A_2071 = tpu.memref_slice %dma_start3A_2069[%add3A_2065, %dma_start3A_2070] : memref<320x32xf32, #tpu.memory_space<vmem>> -> memref<1x32xf32, #tpu.memory_space<vmem>>
        %dma_start3A_2072 = arith.constant 0 : i32
        %dma_start3A_2073 = tpu.memref_slice %arg3[%squeeze3A_2061, %dma_start3A_2072] : memref<1000000x32xf32, #tpu.memory_space<hbm>> -> memref<1x32xf32, #tpu.memory_space<hbm>>
        %dma_start3A_2074 = arith.constant 0 : i32
        %dma_start3A_2075 = arith.constant 0 : i32
        %dma_start3A_2076 = tpu.memref_slice %arg6[%scan3A_6, %dma_start3A_2074, %dma_start3A_2075] : memref<2x320x32xf32, #tpu.memory_space<vmem>> -> memref<1x320x32xf32, #tpu.memory_space<vmem>>
        %dma_start3A_2077 = tpu.memref_squeeze %dma_start3A_2076 : memref<1x320x32xf32, #tpu.memory_space<vmem>> -> memref<320x32xf32, #tpu.memory_space<vmem>>
        %dma_start3A_2078 = arith.constant 0 : i32
        %dma_start3A_2079 = tpu.memref_slice %dma_start3A_2077[%add3A_2065, %dma_start3A_2078] : memref<320x32xf32, #tpu.memory_space<vmem>> -> memref<1x32xf32, #tpu.memory_space<vmem>>
        %dma_start3A_2080 = arith.constant 0 : i32
        %dma_start3A_2081 = tpu.memref_slice %arg3[%squeeze3A_2061, %dma_start3A_2080] : memref<1000000x32xf32, #tpu.memory_space<hbm>> -> memref<1x32xf32, #tpu.memory_space<hbm>>
        tpu.enqueue_dma source(%dma_start3A_2081 : memref<1x32xf32, #tpu.memory_space<hbm>>) target(%dma_start3A_2079 : memref<1x32xf32, #tpu.memory_space<vmem>>) target_semaphore(%arg7 : memref<!tpu.dma_semaphore, #tpu.memory_space<semaphore_mem>>)
        %slice3A_2082 = vector.extract_strided_slice %get3A_1797 {offsets = [13], sizes = [1], strides = [1]} : vector<16xi32> to vector<1xi32>
        %squeeze3A_2083 = vector.extract %slice3A_2082[0] : i32 from vector<1xi32>
        %mul3A_2084 = arith.constant 16 : i32
        %mul3A_2085 = arith.muli %scan3A_1790, %mul3A_2084 : i32
        %add3A_2086 = arith.constant 13 : i32
        %add3A_2087 = arith.addi %mul3A_2085, %add3A_2086 : i32
        %dma_start3A_2088 = arith.constant 0 : i32
        %dma_start3A_2089 = arith.constant 0 : i32
        %dma_start3A_2090 = tpu.memref_slice %arg6[%scan3A_6, %dma_start3A_2088, %dma_start3A_2089] : memref<2x320x32xf32, #tpu.memory_space<vmem>> -> memref<1x320x32xf32, #tpu.memory_space<vmem>>
        %dma_start3A_2091 = tpu.memref_squeeze %dma_start3A_2090 : memref<1x320x32xf32, #tpu.memory_space<vmem>> -> memref<320x32xf32, #tpu.memory_space<vmem>>
        %dma_start3A_2092 = arith.constant 0 : i32
        %dma_start3A_2093 = tpu.memref_slice %dma_start3A_2091[%add3A_2087, %dma_start3A_2092] : memref<320x32xf32, #tpu.memory_space<vmem>> -> memref<1x32xf32, #tpu.memory_space<vmem>>
        %dma_start3A_2094 = arith.constant 0 : i32
        %dma_start3A_2095 = tpu.memref_slice %arg3[%squeeze3A_2083, %dma_start3A_2094] : memref<1000000x32xf32, #tpu.memory_space<hbm>> -> memref<1x32xf32, #tpu.memory_space<hbm>>
        %dma_start3A_2096 = arith.constant 0 : i32
        %dma_start3A_2097 = arith.constant 0 : i32
        %dma_start3A_2098 = tpu.memref_slice %arg6[%scan3A_6, %dma_start3A_2096, %dma_start3A_2097] : memref<2x320x32xf32, #tpu.memory_space<vmem>> -> memref<1x320x32xf32, #tpu.memory_space<vmem>>
        %dma_start3A_2099 = tpu.memref_squeeze %dma_start3A_2098 : memref<1x320x32xf32, #tpu.memory_space<vmem>> -> memref<320x32xf32, #tpu.memory_space<vmem>>
        %dma_start3A_2100 = arith.constant 0 : i32
        %dma_start3A_2101 = tpu.memref_slice %dma_start3A_2099[%add3A_2087, %dma_start3A_2100] : memref<320x32xf32, #tpu.memory_space<vmem>> -> memref<1x32xf32, #tpu.memory_space<vmem>>
        %dma_start3A_2102 = arith.constant 0 : i32
        %dma_start3A_2103 = tpu.memref_slice %arg3[%squeeze3A_2083, %dma_start3A_2102] : memref<1000000x32xf32, #tpu.memory_space<hbm>> -> memref<1x32xf32, #tpu.memory_space<hbm>>
        tpu.enqueue_dma source(%dma_start3A_2103 : memref<1x32xf32, #tpu.memory_space<hbm>>) target(%dma_start3A_2101 : memref<1x32xf32, #tpu.memory_space<vmem>>) target_semaphore(%arg7 : memref<!tpu.dma_semaphore, #tpu.memory_space<semaphore_mem>>)
        %slice3A_2104 = vector.extract_strided_slice %get3A_1797 {offsets = [14], sizes = [1], strides = [1]} : vector<16xi32> to vector<1xi32>
        %squeeze3A_2105 = vector.extract %slice3A_2104[0] : i32 from vector<1xi32>
        %mul3A_2106 = arith.constant 16 : i32
        %mul3A_2107 = arith.muli %scan3A_1790, %mul3A_2106 : i32
        %add3A_2108 = arith.constant 14 : i32
        %add3A_2109 = arith.addi %mul3A_2107, %add3A_2108 : i32
        %dma_start3A_2110 = arith.constant 0 : i32
        %dma_start3A_2111 = arith.constant 0 : i32
        %dma_start3A_2112 = tpu.memref_slice %arg6[%scan3A_6, %dma_start3A_2110, %dma_start3A_2111] : memref<2x320x32xf32, #tpu.memory_space<vmem>> -> memref<1x320x32xf32, #tpu.memory_space<vmem>>
        %dma_start3A_2113 = tpu.memref_squeeze %dma_start3A_2112 : memref<1x320x32xf32, #tpu.memory_space<vmem>> -> memref<320x32xf32, #tpu.memory_space<vmem>>
        %dma_start3A_2114 = arith.constant 0 : i32
        %dma_start3A_2115 = tpu.memref_slice %dma_start3A_2113[%add3A_2109, %dma_start3A_2114] : memref<320x32xf32, #tpu.memory_space<vmem>> -> memref<1x32xf32, #tpu.memory_space<vmem>>
        %dma_start3A_2116 = arith.constant 0 : i32
        %dma_start3A_2117 = tpu.memref_slice %arg3[%squeeze3A_2105, %dma_start3A_2116] : memref<1000000x32xf32, #tpu.memory_space<hbm>> -> memref<1x32xf32, #tpu.memory_space<hbm>>
        %dma_start3A_2118 = arith.constant 0 : i32
        %dma_start3A_2119 = arith.constant 0 : i32
        %dma_start3A_2120 = tpu.memref_slice %arg6[%scan3A_6, %dma_start3A_2118, %dma_start3A_2119] : memref<2x320x32xf32, #tpu.memory_space<vmem>> -> memref<1x320x32xf32, #tpu.memory_space<vmem>>
        %dma_start3A_2121 = tpu.memref_squeeze %dma_start3A_2120 : memref<1x320x32xf32, #tpu.memory_space<vmem>> -> memref<320x32xf32, #tpu.memory_space<vmem>>
        %dma_start3A_2122 = arith.constant 0 : i32
        %dma_start3A_2123 = tpu.memref_slice %dma_start3A_2121[%add3A_2109, %dma_start3A_2122] : memref<320x32xf32, #tpu.memory_space<vmem>> -> memref<1x32xf32, #tpu.memory_space<vmem>>
        %dma_start3A_2124 = arith.constant 0 : i32
        %dma_start3A_2125 = tpu.memref_slice %arg3[%squeeze3A_2105, %dma_start3A_2124] : memref<1000000x32xf32, #tpu.memory_space<hbm>> -> memref<1x32xf32, #tpu.memory_space<hbm>>
        tpu.enqueue_dma source(%dma_start3A_2125 : memref<1x32xf32, #tpu.memory_space<hbm>>) target(%dma_start3A_2123 : memref<1x32xf32, #tpu.memory_space<vmem>>) target_semaphore(%arg7 : memref<!tpu.dma_semaphore, #tpu.memory_space<semaphore_mem>>)
        %slice3A_2126 = vector.extract_strided_slice %get3A_1797 {offsets = [15], sizes = [1], strides = [1]} : vector<16xi32> to vector<1xi32>
        %squeeze3A_2127 = vector.extract %slice3A_2126[0] : i32 from vector<1xi32>
        %mul3A_2128 = arith.constant 16 : i32
        %mul3A_2129 = arith.muli %scan3A_1790, %mul3A_2128 : i32
        %add3A_2130 = arith.constant 15 : i32
        %add3A_2131 = arith.addi %mul3A_2129, %add3A_2130 : i32
        %dma_start3A_2132 = arith.constant 0 : i32
        %dma_start3A_2133 = arith.constant 0 : i32
        %dma_start3A_2134 = tpu.memref_slice %arg6[%scan3A_6, %dma_start3A_2132, %dma_start3A_2133] : memref<2x320x32xf32, #tpu.memory_space<vmem>> -> memref<1x320x32xf32, #tpu.memory_space<vmem>>
        %dma_start3A_2135 = tpu.memref_squeeze %dma_start3A_2134 : memref<1x320x32xf32, #tpu.memory_space<vmem>> -> memref<320x32xf32, #tpu.memory_space<vmem>>
        %dma_start3A_2136 = arith.constant 0 : i32
        %dma_start3A_2137 = tpu.memref_slice %dma_start3A_2135[%add3A_2131, %dma_start3A_2136] : memref<320x32xf32, #tpu.memory_space<vmem>> -> memref<1x32xf32, #tpu.memory_space<vmem>>
        %dma_start3A_2138 = arith.constant 0 : i32
        %dma_start3A_2139 = tpu.memref_slice %arg3[%squeeze3A_2127, %dma_start3A_2138] : memref<1000000x32xf32, #tpu.memory_space<hbm>> -> memref<1x32xf32, #tpu.memory_space<hbm>>
        %dma_start3A_2140 = arith.constant 0 : i32
        %dma_start3A_2141 = arith.constant 0 : i32
        %dma_start3A_2142 = tpu.memref_slice %arg6[%scan3A_6, %dma_start3A_2140, %dma_start3A_2141] : memref<2x320x32xf32, #tpu.memory_space<vmem>> -> memref<1x320x32xf32, #tpu.memory_space<vmem>>
        %dma_start3A_2143 = tpu.memref_squeeze %dma_start3A_2142 : memref<1x320x32xf32, #tpu.memory_space<vmem>> -> memref<320x32xf32, #tpu.memory_space<vmem>>
        %dma_start3A_2144 = arith.constant 0 : i32
        %dma_start3A_2145 = tpu.memref_slice %dma_start3A_2143[%add3A_2131, %dma_start3A_2144] : memref<320x32xf32, #tpu.memory_space<vmem>> -> memref<1x32xf32, #tpu.memory_space<vmem>>
        %dma_start3A_2146 = arith.constant 0 : i32
        %dma_start3A_2147 = tpu.memref_slice %arg3[%squeeze3A_2127, %dma_start3A_2146] : memref<1000000x32xf32, #tpu.memory_space<hbm>> -> memref<1x32xf32, #tpu.memory_space<hbm>>
        tpu.enqueue_dma source(%dma_start3A_2147 : memref<1x32xf32, #tpu.memory_space<hbm>>) target(%dma_start3A_2145 : memref<1x32xf32, #tpu.memory_space<vmem>>) target_semaphore(%arg7 : memref<!tpu.dma_semaphore, #tpu.memory_space<semaphore_mem>>)
      }
      %scan3A_1343 = arith.constant 20 : i32
      %dma_wait3A_1344 = arith.constant 0 : i32
      %dma_wait3A_1345 = arith.constant 0 : i32
      %dma_wait3A_1346 = tpu.memref_slice %arg6[%scan3A_6, %dma_wait3A_1344, %dma_wait3A_1345] : memref<2x320x32xf32, #tpu.memory_space<vmem>> -> memref<1x320x32xf32, #tpu.memory_space<vmem>>
      %dma_wait3A_1347 = tpu.memref_squeeze %dma_wait3A_1346 : memref<1x320x32xf32, #tpu.memory_space<vmem>> -> memref<320x32xf32, #tpu.memory_space<vmem>>
      %dma_wait3A_1348 = arith.constant 0 : i32
      %dma_wait3A_1349 = arith.constant 0 : i32
      %dma_wait3A_1350 = tpu.memref_slice %arg3[%dma_wait3A_1348, %dma_wait3A_1349] : memref<1000000x32xf32, #tpu.memory_space<hbm>> -> memref<320x32xf32, #tpu.memory_space<hbm>>
      %dma_wait3A_1351 = arith.constant 0 : i32
      %dma_wait3A_1352 = arith.constant 0 : i32
      %dma_wait3A_1353 = tpu.memref_slice %arg6[%scan3A_6, %dma_wait3A_1351, %dma_wait3A_1352] : memref<2x320x32xf32, #tpu.memory_space<vmem>> -> memref<1x320x32xf32, #tpu.memory_space<vmem>>
      %dma_wait3A_1354 = tpu.memref_squeeze %dma_wait3A_1353 : memref<1x320x32xf32, #tpu.memory_space<vmem>> -> memref<320x32xf32, #tpu.memory_space<vmem>>
      %dma_wait3A_1355 = arith.constant 0 : i32
      %dma_wait3A_1356 = arith.constant 0 : i32
      %dma_wait3A_1357 = tpu.memref_slice %arg3[%dma_wait3A_1355, %dma_wait3A_1356] : memref<1000000x32xf32, #tpu.memory_space<hbm>> -> memref<320x32xf32, #tpu.memory_space<hbm>>
      tpu.wait_dma2 semaphore(%arg7 : memref<!tpu.dma_semaphore, #tpu.memory_space<semaphore_mem>>) src(%dma_wait3A_1357 : memref<320x32xf32, #tpu.memory_space<hbm>>) dst(%dma_wait3A_1354 : memref<320x32xf32, #tpu.memory_space<vmem>>)
      %mul3A_1358 = arith.constant 16 : i32
      %mul3A_1359 = arith.muli %add3A_879, %mul3A_1358 : i32
      %add3A_1360 = arith.addi %mul3A_4, %mul3A_1359 : i32
      %add3A_1361 = arith.constant 0 : i32
      %add3A_1362 = arith.addi %add3A_1360, %add3A_1361 : i32
      %dma_start3A_1363 = arith.constant 0 : i32
      %dma_start3A_1364 = arith.constant 0 : i32
      %dma_start3A_1365 = tpu.memref_slice %arg6[%scan3A_6, %dma_start3A_1363, %dma_start3A_1364] : memref<2x320x32xf32, #tpu.memory_space<vmem>> -> memref<1x320x32xf32, #tpu.memory_space<vmem>>
      %dma_start3A_1366 = tpu.memref_squeeze %dma_start3A_1365 : memref<1x320x32xf32, #tpu.memory_space<vmem>> -> memref<320x32xf32, #tpu.memory_space<vmem>>
      %dma_start3A_1367 = arith.constant 0 : i32
      %dma_start3A_1368 = arith.constant 0 : i32
      %dma_start3A_1369 = tpu.memref_slice %dma_start3A_1366[%dma_start3A_1367, %dma_start3A_1368] : memref<320x32xf32, #tpu.memory_space<vmem>> -> memref<20x32xf32, #tpu.memory_space<vmem>>
      %dma_start3A_1370 = arith.constant 0 : i32
      %dma_start3A_1371 = arith.constant 0 : i32
      %dma_start3A_1372 = tpu.memref_slice %arg4[%add3A_1362, %dma_start3A_1370, %dma_start3A_1371] : memref<16384x20x32xf32, #tpu.memory_space<hbm>> -> memref<1x20x32xf32, #tpu.memory_space<hbm>>
      %dma_start3A_1373 = tpu.memref_squeeze %dma_start3A_1372 : memref<1x20x32xf32, #tpu.memory_space<hbm>> -> memref<20x32xf32, #tpu.memory_space<hbm>>
      %dma_start3A_1374 = arith.constant 0 : i32
      %dma_start3A_1375 = arith.constant 0 : i32
      %dma_start3A_1376 = tpu.memref_slice %arg4[%add3A_1362, %dma_start3A_1374, %dma_start3A_1375] : memref<16384x20x32xf32, #tpu.memory_space<hbm>> -> memref<1x20x32xf32, #tpu.memory_space<hbm>>
      %dma_start3A_1377 = tpu.memref_squeeze %dma_start3A_1376 : memref<1x20x32xf32, #tpu.memory_space<hbm>> -> memref<20x32xf32, #tpu.memory_space<hbm>>
      %dma_start3A_1378 = arith.constant 0 : i32
      %dma_start3A_1379 = arith.constant 0 : i32
      %dma_start3A_1380 = tpu.memref_slice %arg6[%scan3A_6, %dma_start3A_1378, %dma_start3A_1379] : memref<2x320x32xf32, #tpu.memory_space<vmem>> -> memref<1x320x32xf32, #tpu.memory_space<vmem>>
      %dma_start3A_1381 = tpu.memref_squeeze %dma_start3A_1380 : memref<1x320x32xf32, #tpu.memory_space<vmem>> -> memref<320x32xf32, #tpu.memory_space<vmem>>
      %dma_start3A_1382 = arith.constant 0 : i32
      %dma_start3A_1383 = arith.constant 0 : i32
      %dma_start3A_1384 = tpu.memref_slice %dma_start3A_1381[%dma_start3A_1382, %dma_start3A_1383] : memref<320x32xf32, #tpu.memory_space<vmem>> -> memref<20x32xf32, #tpu.memory_space<vmem>>
      tpu.enqueue_dma source(%dma_start3A_1384 : memref<20x32xf32, #tpu.memory_space<vmem>>) target(%dma_start3A_1377 : memref<20x32xf32, #tpu.memory_space<hbm>>) target_semaphore(%arg8 : memref<!tpu.dma_semaphore, #tpu.memory_space<semaphore_mem>>)
      %mul3A_1385 = arith.constant 16 : i32
      %mul3A_1386 = arith.muli %add3A_879, %mul3A_1385 : i32
      %add3A_1387 = arith.addi %mul3A_4, %mul3A_1386 : i32
      %add3A_1388 = arith.constant 1 : i32
      %add3A_1389 = arith.addi %add3A_1387, %add3A_1388 : i32
      %dma_start3A_1390 = arith.constant 0 : i32
      %dma_start3A_1391 = arith.constant 0 : i32
      %dma_start3A_1392 = tpu.memref_slice %arg6[%scan3A_6, %dma_start3A_1390, %dma_start3A_1391] : memref<2x320x32xf32, #tpu.memory_space<vmem>> -> memref<1x320x32xf32, #tpu.memory_space<vmem>>
      %dma_start3A_1393 = tpu.memref_squeeze %dma_start3A_1392 : memref<1x320x32xf32, #tpu.memory_space<vmem>> -> memref<320x32xf32, #tpu.memory_space<vmem>>
      %dma_start3A_1394 = arith.constant 20 : i32
      %dma_start3A_1395 = arith.constant 0 : i32
      %dma_start3A_1396 = tpu.memref_slice %dma_start3A_1393[%dma_start3A_1394, %dma_start3A_1395] : memref<320x32xf32, #tpu.memory_space<vmem>> -> memref<20x32xf32, #tpu.memory_space<vmem>>
      %dma_start3A_1397 = arith.constant 0 : i32
      %dma_start3A_1398 = arith.constant 0 : i32
      %dma_start3A_1399 = tpu.memref_slice %arg4[%add3A_1389, %dma_start3A_1397, %dma_start3A_1398] : memref<16384x20x32xf32, #tpu.memory_space<hbm>> -> memref<1x20x32xf32, #tpu.memory_space<hbm>>
      %dma_start3A_1400 = tpu.memref_squeeze %dma_start3A_1399 : memref<1x20x32xf32, #tpu.memory_space<hbm>> -> memref<20x32xf32, #tpu.memory_space<hbm>>
      %dma_start3A_1401 = arith.constant 0 : i32
      %dma_start3A_1402 = arith.constant 0 : i32
      %dma_start3A_1403 = tpu.memref_slice %arg4[%add3A_1389, %dma_start3A_1401, %dma_start3A_1402] : memref<16384x20x32xf32, #tpu.memory_space<hbm>> -> memref<1x20x32xf32, #tpu.memory_space<hbm>>
      %dma_start3A_1404 = tpu.memref_squeeze %dma_start3A_1403 : memref<1x20x32xf32, #tpu.memory_space<hbm>> -> memref<20x32xf32, #tpu.memory_space<hbm>>
      %dma_start3A_1405 = arith.constant 0 : i32
      %dma_start3A_1406 = arith.constant 0 : i32
      %dma_start3A_1407 = tpu.memref_slice %arg6[%scan3A_6, %dma_start3A_1405, %dma_start3A_1406] : memref<2x320x32xf32, #tpu.memory_space<vmem>> -> memref<1x320x32xf32, #tpu.memory_space<vmem>>
      %dma_start3A_1408 = tpu.memref_squeeze %dma_start3A_1407 : memref<1x320x32xf32, #tpu.memory_space<vmem>> -> memref<320x32xf32, #tpu.memory_space<vmem>>
      %dma_start3A_1409 = arith.constant 20 : i32
      %dma_start3A_1410 = arith.constant 0 : i32
      %dma_start3A_1411 = tpu.memref_slice %dma_start3A_1408[%dma_start3A_1409, %dma_start3A_1410] : memref<320x32xf32, #tpu.memory_space<vmem>> -> memref<20x32xf32, #tpu.memory_space<vmem>>
      tpu.enqueue_dma source(%dma_start3A_1411 : memref<20x32xf32, #tpu.memory_space<vmem>>) target(%dma_start3A_1404 : memref<20x32xf32, #tpu.memory_space<hbm>>) target_semaphore(%arg8 : memref<!tpu.dma_semaphore, #tpu.memory_space<semaphore_mem>>)
      %mul3A_1412 = arith.constant 16 : i32
      %mul3A_1413 = arith.muli %add3A_879, %mul3A_1412 : i32
      %add3A_1414 = arith.addi %mul3A_4, %mul3A_1413 : i32
      %add3A_1415 = arith.constant 2 : i32
      %add3A_1416 = arith.addi %add3A_1414, %add3A_1415 : i32
      %dma_start3A_1417 = arith.constant 0 : i32
      %dma_start3A_1418 = arith.constant 0 : i32
      %dma_start3A_1419 = tpu.memref_slice %arg6[%scan3A_6, %dma_start3A_1417, %dma_start3A_1418] : memref<2x320x32xf32, #tpu.memory_space<vmem>> -> memref<1x320x32xf32, #tpu.memory_space<vmem>>
      %dma_start3A_1420 = tpu.memref_squeeze %dma_start3A_1419 : memref<1x320x32xf32, #tpu.memory_space<vmem>> -> memref<320x32xf32, #tpu.memory_space<vmem>>
      %dma_start3A_1421 = arith.constant 40 : i32
      %dma_start3A_1422 = arith.constant 0 : i32
      %dma_start3A_1423 = tpu.memref_slice %dma_start3A_1420[%dma_start3A_1421, %dma_start3A_1422] : memref<320x32xf32, #tpu.memory_space<vmem>> -> memref<20x32xf32, #tpu.memory_space<vmem>>
      %dma_start3A_1424 = arith.constant 0 : i32
      %dma_start3A_1425 = arith.constant 0 : i32
      %dma_start3A_1426 = tpu.memref_slice %arg4[%add3A_1416, %dma_start3A_1424, %dma_start3A_1425] : memref<16384x20x32xf32, #tpu.memory_space<hbm>> -> memref<1x20x32xf32, #tpu.memory_space<hbm>>
      %dma_start3A_1427 = tpu.memref_squeeze %dma_start3A_1426 : memref<1x20x32xf32, #tpu.memory_space<hbm>> -> memref<20x32xf32, #tpu.memory_space<hbm>>
      %dma_start3A_1428 = arith.constant 0 : i32
      %dma_start3A_1429 = arith.constant 0 : i32
      %dma_start3A_1430 = tpu.memref_slice %arg4[%add3A_1416, %dma_start3A_1428, %dma_start3A_1429] : memref<16384x20x32xf32, #tpu.memory_space<hbm>> -> memref<1x20x32xf32, #tpu.memory_space<hbm>>
      %dma_start3A_1431 = tpu.memref_squeeze %dma_start3A_1430 : memref<1x20x32xf32, #tpu.memory_space<hbm>> -> memref<20x32xf32, #tpu.memory_space<hbm>>
      %dma_start3A_1432 = arith.constant 0 : i32
      %dma_start3A_1433 = arith.constant 0 : i32
      %dma_start3A_1434 = tpu.memref_slice %arg6[%scan3A_6, %dma_start3A_1432, %dma_start3A_1433] : memref<2x320x32xf32, #tpu.memory_space<vmem>> -> memref<1x320x32xf32, #tpu.memory_space<vmem>>
      %dma_start3A_1435 = tpu.memref_squeeze %dma_start3A_1434 : memref<1x320x32xf32, #tpu.memory_space<vmem>> -> memref<320x32xf32, #tpu.memory_space<vmem>>
      %dma_start3A_1436 = arith.constant 40 : i32
      %dma_start3A_1437 = arith.constant 0 : i32
      %dma_start3A_1438 = tpu.memref_slice %dma_start3A_1435[%dma_start3A_1436, %dma_start3A_1437] : memref<320x32xf32, #tpu.memory_space<vmem>> -> memref<20x32xf32, #tpu.memory_space<vmem>>
      tpu.enqueue_dma source(%dma_start3A_1438 : memref<20x32xf32, #tpu.memory_space<vmem>>) target(%dma_start3A_1431 : memref<20x32xf32, #tpu.memory_space<hbm>>) target_semaphore(%arg8 : memref<!tpu.dma_semaphore, #tpu.memory_space<semaphore_mem>>)
      %mul3A_1439 = arith.constant 16 : i32
      %mul3A_1440 = arith.muli %add3A_879, %mul3A_1439 : i32
      %add3A_1441 = arith.addi %mul3A_4, %mul3A_1440 : i32
      %add3A_1442 = arith.constant 3 : i32
      %add3A_1443 = arith.addi %add3A_1441, %add3A_1442 : i32
      %dma_start3A_1444 = arith.constant 0 : i32
      %dma_start3A_1445 = arith.constant 0 : i32
      %dma_start3A_1446 = tpu.memref_slice %arg6[%scan3A_6, %dma_start3A_1444, %dma_start3A_1445] : memref<2x320x32xf32, #tpu.memory_space<vmem>> -> memref<1x320x32xf32, #tpu.memory_space<vmem>>
      %dma_start3A_1447 = tpu.memref_squeeze %dma_start3A_1446 : memref<1x320x32xf32, #tpu.memory_space<vmem>> -> memref<320x32xf32, #tpu.memory_space<vmem>>
      %dma_start3A_1448 = arith.constant 60 : i32
      %dma_start3A_1449 = arith.constant 0 : i32
      %dma_start3A_1450 = tpu.memref_slice %dma_start3A_1447[%dma_start3A_1448, %dma_start3A_1449] : memref<320x32xf32, #tpu.memory_space<vmem>> -> memref<20x32xf32, #tpu.memory_space<vmem>>
      %dma_start3A_1451 = arith.constant 0 : i32
      %dma_start3A_1452 = arith.constant 0 : i32
      %dma_start3A_1453 = tpu.memref_slice %arg4[%add3A_1443, %dma_start3A_1451, %dma_start3A_1452] : memref<16384x20x32xf32, #tpu.memory_space<hbm>> -> memref<1x20x32xf32, #tpu.memory_space<hbm>>
      %dma_start3A_1454 = tpu.memref_squeeze %dma_start3A_1453 : memref<1x20x32xf32, #tpu.memory_space<hbm>> -> memref<20x32xf32, #tpu.memory_space<hbm>>
      %dma_start3A_1455 = arith.constant 0 : i32
      %dma_start3A_1456 = arith.constant 0 : i32
      %dma_start3A_1457 = tpu.memref_slice %arg4[%add3A_1443, %dma_start3A_1455, %dma_start3A_1456] : memref<16384x20x32xf32, #tpu.memory_space<hbm>> -> memref<1x20x32xf32, #tpu.memory_space<hbm>>
      %dma_start3A_1458 = tpu.memref_squeeze %dma_start3A_1457 : memref<1x20x32xf32, #tpu.memory_space<hbm>> -> memref<20x32xf32, #tpu.memory_space<hbm>>
      %dma_start3A_1459 = arith.constant 0 : i32
      %dma_start3A_1460 = arith.constant 0 : i32
      %dma_start3A_1461 = tpu.memref_slice %arg6[%scan3A_6, %dma_start3A_1459, %dma_start3A_1460] : memref<2x320x32xf32, #tpu.memory_space<vmem>> -> memref<1x320x32xf32, #tpu.memory_space<vmem>>
      %dma_start3A_1462 = tpu.memref_squeeze %dma_start3A_1461 : memref<1x320x32xf32, #tpu.memory_space<vmem>> -> memref<320x32xf32, #tpu.memory_space<vmem>>
      %dma_start3A_1463 = arith.constant 60 : i32
      %dma_start3A_1464 = arith.constant 0 : i32
      %dma_start3A_1465 = tpu.memref_slice %dma_start3A_1462[%dma_start3A_1463, %dma_start3A_1464] : memref<320x32xf32, #tpu.memory_space<vmem>> -> memref<20x32xf32, #tpu.memory_space<vmem>>
      tpu.enqueue_dma source(%dma_start3A_1465 : memref<20x32xf32, #tpu.memory_space<vmem>>) target(%dma_start3A_1458 : memref<20x32xf32, #tpu.memory_space<hbm>>) target_semaphore(%arg8 : memref<!tpu.dma_semaphore, #tpu.memory_space<semaphore_mem>>)
      %mul3A_1466 = arith.constant 16 : i32
      %mul3A_1467 = arith.muli %add3A_879, %mul3A_1466 : i32
      %add3A_1468 = arith.addi %mul3A_4, %mul3A_1467 : i32
      %add3A_1469 = arith.constant 4 : i32
      %add3A_1470 = arith.addi %add3A_1468, %add3A_1469 : i32
      %dma_start3A_1471 = arith.constant 0 : i32
      %dma_start3A_1472 = arith.constant 0 : i32
      %dma_start3A_1473 = tpu.memref_slice %arg6[%scan3A_6, %dma_start3A_1471, %dma_start3A_1472] : memref<2x320x32xf32, #tpu.memory_space<vmem>> -> memref<1x320x32xf32, #tpu.memory_space<vmem>>
      %dma_start3A_1474 = tpu.memref_squeeze %dma_start3A_1473 : memref<1x320x32xf32, #tpu.memory_space<vmem>> -> memref<320x32xf32, #tpu.memory_space<vmem>>
      %dma_start3A_1475 = arith.constant 80 : i32
      %dma_start3A_1476 = arith.constant 0 : i32
      %dma_start3A_1477 = tpu.memref_slice %dma_start3A_1474[%dma_start3A_1475, %dma_start3A_1476] : memref<320x32xf32, #tpu.memory_space<vmem>> -> memref<20x32xf32, #tpu.memory_space<vmem>>
      %dma_start3A_1478 = arith.constant 0 : i32
      %dma_start3A_1479 = arith.constant 0 : i32
      %dma_start3A_1480 = tpu.memref_slice %arg4[%add3A_1470, %dma_start3A_1478, %dma_start3A_1479] : memref<16384x20x32xf32, #tpu.memory_space<hbm>> -> memref<1x20x32xf32, #tpu.memory_space<hbm>>
      %dma_start3A_1481 = tpu.memref_squeeze %dma_start3A_1480 : memref<1x20x32xf32, #tpu.memory_space<hbm>> -> memref<20x32xf32, #tpu.memory_space<hbm>>
      %dma_start3A_1482 = arith.constant 0 : i32
      %dma_start3A_1483 = arith.constant 0 : i32
      %dma_start3A_1484 = tpu.memref_slice %arg4[%add3A_1470, %dma_start3A_1482, %dma_start3A_1483] : memref<16384x20x32xf32, #tpu.memory_space<hbm>> -> memref<1x20x32xf32, #tpu.memory_space<hbm>>
      %dma_start3A_1485 = tpu.memref_squeeze %dma_start3A_1484 : memref<1x20x32xf32, #tpu.memory_space<hbm>> -> memref<20x32xf32, #tpu.memory_space<hbm>>
      %dma_start3A_1486 = arith.constant 0 : i32
      %dma_start3A_1487 = arith.constant 0 : i32
      %dma_start3A_1488 = tpu.memref_slice %arg6[%scan3A_6, %dma_start3A_1486, %dma_start3A_1487] : memref<2x320x32xf32, #tpu.memory_space<vmem>> -> memref<1x320x32xf32, #tpu.memory_space<vmem>>
      %dma_start3A_1489 = tpu.memref_squeeze %dma_start3A_1488 : memref<1x320x32xf32, #tpu.memory_space<vmem>> -> memref<320x32xf32, #tpu.memory_space<vmem>>
      %dma_start3A_1490 = arith.constant 80 : i32
      %dma_start3A_1491 = arith.constant 0 : i32
      %dma_start3A_1492 = tpu.memref_slice %dma_start3A_1489[%dma_start3A_1490, %dma_start3A_1491] : memref<320x32xf32, #tpu.memory_space<vmem>> -> memref<20x32xf32, #tpu.memory_space<vmem>>
      tpu.enqueue_dma source(%dma_start3A_1492 : memref<20x32xf32, #tpu.memory_space<vmem>>) target(%dma_start3A_1485 : memref<20x32xf32, #tpu.memory_space<hbm>>) target_semaphore(%arg8 : memref<!tpu.dma_semaphore, #tpu.memory_space<semaphore_mem>>)
      %mul3A_1493 = arith.constant 16 : i32
      %mul3A_1494 = arith.muli %add3A_879, %mul3A_1493 : i32
      %add3A_1495 = arith.addi %mul3A_4, %mul3A_1494 : i32
      %add3A_1496 = arith.constant 5 : i32
      %add3A_1497 = arith.addi %add3A_1495, %add3A_1496 : i32
      %dma_start3A_1498 = arith.constant 0 : i32
      %dma_start3A_1499 = arith.constant 0 : i32
      %dma_start3A_1500 = tpu.memref_slice %arg6[%scan3A_6, %dma_start3A_1498, %dma_start3A_1499] : memref<2x320x32xf32, #tpu.memory_space<vmem>> -> memref<1x320x32xf32, #tpu.memory_space<vmem>>
      %dma_start3A_1501 = tpu.memref_squeeze %dma_start3A_1500 : memref<1x320x32xf32, #tpu.memory_space<vmem>> -> memref<320x32xf32, #tpu.memory_space<vmem>>
      %dma_start3A_1502 = arith.constant 100 : i32
      %dma_start3A_1503 = arith.constant 0 : i32
      %dma_start3A_1504 = tpu.memref_slice %dma_start3A_1501[%dma_start3A_1502, %dma_start3A_1503] : memref<320x32xf32, #tpu.memory_space<vmem>> -> memref<20x32xf32, #tpu.memory_space<vmem>>
      %dma_start3A_1505 = arith.constant 0 : i32
      %dma_start3A_1506 = arith.constant 0 : i32
      %dma_start3A_1507 = tpu.memref_slice %arg4[%add3A_1497, %dma_start3A_1505, %dma_start3A_1506] : memref<16384x20x32xf32, #tpu.memory_space<hbm>> -> memref<1x20x32xf32, #tpu.memory_space<hbm>>
      %dma_start3A_1508 = tpu.memref_squeeze %dma_start3A_1507 : memref<1x20x32xf32, #tpu.memory_space<hbm>> -> memref<20x32xf32, #tpu.memory_space<hbm>>
      %dma_start3A_1509 = arith.constant 0 : i32
      %dma_start3A_1510 = arith.constant 0 : i32
      %dma_start3A_1511 = tpu.memref_slice %arg4[%add3A_1497, %dma_start3A_1509, %dma_start3A_1510] : memref<16384x20x32xf32, #tpu.memory_space<hbm>> -> memref<1x20x32xf32, #tpu.memory_space<hbm>>
      %dma_start3A_1512 = tpu.memref_squeeze %dma_start3A_1511 : memref<1x20x32xf32, #tpu.memory_space<hbm>> -> memref<20x32xf32, #tpu.memory_space<hbm>>
      %dma_start3A_1513 = arith.constant 0 : i32
      %dma_start3A_1514 = arith.constant 0 : i32
      %dma_start3A_1515 = tpu.memref_slice %arg6[%scan3A_6, %dma_start3A_1513, %dma_start3A_1514] : memref<2x320x32xf32, #tpu.memory_space<vmem>> -> memref<1x320x32xf32, #tpu.memory_space<vmem>>
      %dma_start3A_1516 = tpu.memref_squeeze %dma_start3A_1515 : memref<1x320x32xf32, #tpu.memory_space<vmem>> -> memref<320x32xf32, #tpu.memory_space<vmem>>
      %dma_start3A_1517 = arith.constant 100 : i32
      %dma_start3A_1518 = arith.constant 0 : i32
      %dma_start3A_1519 = tpu.memref_slice %dma_start3A_1516[%dma_start3A_1517, %dma_start3A_1518] : memref<320x32xf32, #tpu.memory_space<vmem>> -> memref<20x32xf32, #tpu.memory_space<vmem>>
      tpu.enqueue_dma source(%dma_start3A_1519 : memref<20x32xf32, #tpu.memory_space<vmem>>) target(%dma_start3A_1512 : memref<20x32xf32, #tpu.memory_space<hbm>>) target_semaphore(%arg8 : memref<!tpu.dma_semaphore, #tpu.memory_space<semaphore_mem>>)
      %mul3A_1520 = arith.constant 16 : i32
      %mul3A_1521 = arith.muli %add3A_879, %mul3A_1520 : i32
      %add3A_1522 = arith.addi %mul3A_4, %mul3A_1521 : i32
      %add3A_1523 = arith.constant 6 : i32
      %add3A_1524 = arith.addi %add3A_1522, %add3A_1523 : i32
      %dma_start3A_1525 = arith.constant 0 : i32
      %dma_start3A_1526 = arith.constant 0 : i32
      %dma_start3A_1527 = tpu.memref_slice %arg6[%scan3A_6, %dma_start3A_1525, %dma_start3A_1526] : memref<2x320x32xf32, #tpu.memory_space<vmem>> -> memref<1x320x32xf32, #tpu.memory_space<vmem>>
      %dma_start3A_1528 = tpu.memref_squeeze %dma_start3A_1527 : memref<1x320x32xf32, #tpu.memory_space<vmem>> -> memref<320x32xf32, #tpu.memory_space<vmem>>
      %dma_start3A_1529 = arith.constant 120 : i32
      %dma_start3A_1530 = arith.constant 0 : i32
      %dma_start3A_1531 = tpu.memref_slice %dma_start3A_1528[%dma_start3A_1529, %dma_start3A_1530] : memref<320x32xf32, #tpu.memory_space<vmem>> -> memref<20x32xf32, #tpu.memory_space<vmem>>
      %dma_start3A_1532 = arith.constant 0 : i32
      %dma_start3A_1533 = arith.constant 0 : i32
      %dma_start3A_1534 = tpu.memref_slice %arg4[%add3A_1524, %dma_start3A_1532, %dma_start3A_1533] : memref<16384x20x32xf32, #tpu.memory_space<hbm>> -> memref<1x20x32xf32, #tpu.memory_space<hbm>>
      %dma_start3A_1535 = tpu.memref_squeeze %dma_start3A_1534 : memref<1x20x32xf32, #tpu.memory_space<hbm>> -> memref<20x32xf32, #tpu.memory_space<hbm>>
      %dma_start3A_1536 = arith.constant 0 : i32
      %dma_start3A_1537 = arith.constant 0 : i32
      %dma_start3A_1538 = tpu.memref_slice %arg4[%add3A_1524, %dma_start3A_1536, %dma_start3A_1537] : memref<16384x20x32xf32, #tpu.memory_space<hbm>> -> memref<1x20x32xf32, #tpu.memory_space<hbm>>
      %dma_start3A_1539 = tpu.memref_squeeze %dma_start3A_1538 : memref<1x20x32xf32, #tpu.memory_space<hbm>> -> memref<20x32xf32, #tpu.memory_space<hbm>>
      %dma_start3A_1540 = arith.constant 0 : i32
      %dma_start3A_1541 = arith.constant 0 : i32
      %dma_start3A_1542 = tpu.memref_slice %arg6[%scan3A_6, %dma_start3A_1540, %dma_start3A_1541] : memref<2x320x32xf32, #tpu.memory_space<vmem>> -> memref<1x320x32xf32, #tpu.memory_space<vmem>>
      %dma_start3A_1543 = tpu.memref_squeeze %dma_start3A_1542 : memref<1x320x32xf32, #tpu.memory_space<vmem>> -> memref<320x32xf32, #tpu.memory_space<vmem>>
      %dma_start3A_1544 = arith.constant 120 : i32
      %dma_start3A_1545 = arith.constant 0 : i32
      %dma_start3A_1546 = tpu.memref_slice %dma_start3A_1543[%dma_start3A_1544, %dma_start3A_1545] : memref<320x32xf32, #tpu.memory_space<vmem>> -> memref<20x32xf32, #tpu.memory_space<vmem>>
      tpu.enqueue_dma source(%dma_start3A_1546 : memref<20x32xf32, #tpu.memory_space<vmem>>) target(%dma_start3A_1539 : memref<20x32xf32, #tpu.memory_space<hbm>>) target_semaphore(%arg8 : memref<!tpu.dma_semaphore, #tpu.memory_space<semaphore_mem>>)
      %mul3A_1547 = arith.constant 16 : i32
      %mul3A_1548 = arith.muli %add3A_879, %mul3A_1547 : i32
      %add3A_1549 = arith.addi %mul3A_4, %mul3A_1548 : i32
      %add3A_1550 = arith.constant 7 : i32
      %add3A_1551 = arith.addi %add3A_1549, %add3A_1550 : i32
      %dma_start3A_1552 = arith.constant 0 : i32
      %dma_start3A_1553 = arith.constant 0 : i32
      %dma_start3A_1554 = tpu.memref_slice %arg6[%scan3A_6, %dma_start3A_1552, %dma_start3A_1553] : memref<2x320x32xf32, #tpu.memory_space<vmem>> -> memref<1x320x32xf32, #tpu.memory_space<vmem>>
      %dma_start3A_1555 = tpu.memref_squeeze %dma_start3A_1554 : memref<1x320x32xf32, #tpu.memory_space<vmem>> -> memref<320x32xf32, #tpu.memory_space<vmem>>
      %dma_start3A_1556 = arith.constant 140 : i32
      %dma_start3A_1557 = arith.constant 0 : i32
      %dma_start3A_1558 = tpu.memref_slice %dma_start3A_1555[%dma_start3A_1556, %dma_start3A_1557] : memref<320x32xf32, #tpu.memory_space<vmem>> -> memref<20x32xf32, #tpu.memory_space<vmem>>
      %dma_start3A_1559 = arith.constant 0 : i32
      %dma_start3A_1560 = arith.constant 0 : i32
      %dma_start3A_1561 = tpu.memref_slice %arg4[%add3A_1551, %dma_start3A_1559, %dma_start3A_1560] : memref<16384x20x32xf32, #tpu.memory_space<hbm>> -> memref<1x20x32xf32, #tpu.memory_space<hbm>>
      %dma_start3A_1562 = tpu.memref_squeeze %dma_start3A_1561 : memref<1x20x32xf32, #tpu.memory_space<hbm>> -> memref<20x32xf32, #tpu.memory_space<hbm>>
      %dma_start3A_1563 = arith.constant 0 : i32
      %dma_start3A_1564 = arith.constant 0 : i32
      %dma_start3A_1565 = tpu.memref_slice %arg4[%add3A_1551, %dma_start3A_1563, %dma_start3A_1564] : memref<16384x20x32xf32, #tpu.memory_space<hbm>> -> memref<1x20x32xf32, #tpu.memory_space<hbm>>
      %dma_start3A_1566 = tpu.memref_squeeze %dma_start3A_1565 : memref<1x20x32xf32, #tpu.memory_space<hbm>> -> memref<20x32xf32, #tpu.memory_space<hbm>>
      %dma_start3A_1567 = arith.constant 0 : i32
      %dma_start3A_1568 = arith.constant 0 : i32
      %dma_start3A_1569 = tpu.memref_slice %arg6[%scan3A_6, %dma_start3A_1567, %dma_start3A_1568] : memref<2x320x32xf32, #tpu.memory_space<vmem>> -> memref<1x320x32xf32, #tpu.memory_space<vmem>>
      %dma_start3A_1570 = tpu.memref_squeeze %dma_start3A_1569 : memref<1x320x32xf32, #tpu.memory_space<vmem>> -> memref<320x32xf32, #tpu.memory_space<vmem>>
      %dma_start3A_1571 = arith.constant 140 : i32
      %dma_start3A_1572 = arith.constant 0 : i32
      %dma_start3A_1573 = tpu.memref_slice %dma_start3A_1570[%dma_start3A_1571, %dma_start3A_1572] : memref<320x32xf32, #tpu.memory_space<vmem>> -> memref<20x32xf32, #tpu.memory_space<vmem>>
      tpu.enqueue_dma source(%dma_start3A_1573 : memref<20x32xf32, #tpu.memory_space<vmem>>) target(%dma_start3A_1566 : memref<20x32xf32, #tpu.memory_space<hbm>>) target_semaphore(%arg8 : memref<!tpu.dma_semaphore, #tpu.memory_space<semaphore_mem>>)
      %mul3A_1574 = arith.constant 16 : i32
      %mul3A_1575 = arith.muli %add3A_879, %mul3A_1574 : i32
      %add3A_1576 = arith.addi %mul3A_4, %mul3A_1575 : i32
      %add3A_1577 = arith.constant 8 : i32
      %add3A_1578 = arith.addi %add3A_1576, %add3A_1577 : i32
      %dma_start3A_1579 = arith.constant 0 : i32
      %dma_start3A_1580 = arith.constant 0 : i32
      %dma_start3A_1581 = tpu.memref_slice %arg6[%scan3A_6, %dma_start3A_1579, %dma_start3A_1580] : memref<2x320x32xf32, #tpu.memory_space<vmem>> -> memref<1x320x32xf32, #tpu.memory_space<vmem>>
      %dma_start3A_1582 = tpu.memref_squeeze %dma_start3A_1581 : memref<1x320x32xf32, #tpu.memory_space<vmem>> -> memref<320x32xf32, #tpu.memory_space<vmem>>
      %dma_start3A_1583 = arith.constant 160 : i32
      %dma_start3A_1584 = arith.constant 0 : i32
      %dma_start3A_1585 = tpu.memref_slice %dma_start3A_1582[%dma_start3A_1583, %dma_start3A_1584] : memref<320x32xf32, #tpu.memory_space<vmem>> -> memref<20x32xf32, #tpu.memory_space<vmem>>
      %dma_start3A_1586 = arith.constant 0 : i32
      %dma_start3A_1587 = arith.constant 0 : i32
      %dma_start3A_1588 = tpu.memref_slice %arg4[%add3A_1578, %dma_start3A_1586, %dma_start3A_1587] : memref<16384x20x32xf32, #tpu.memory_space<hbm>> -> memref<1x20x32xf32, #tpu.memory_space<hbm>>
      %dma_start3A_1589 = tpu.memref_squeeze %dma_start3A_1588 : memref<1x20x32xf32, #tpu.memory_space<hbm>> -> memref<20x32xf32, #tpu.memory_space<hbm>>
      %dma_start3A_1590 = arith.constant 0 : i32
      %dma_start3A_1591 = arith.constant 0 : i32
      %dma_start3A_1592 = tpu.memref_slice %arg4[%add3A_1578, %dma_start3A_1590, %dma_start3A_1591] : memref<16384x20x32xf32, #tpu.memory_space<hbm>> -> memref<1x20x32xf32, #tpu.memory_space<hbm>>
      %dma_start3A_1593 = tpu.memref_squeeze %dma_start3A_1592 : memref<1x20x32xf32, #tpu.memory_space<hbm>> -> memref<20x32xf32, #tpu.memory_space<hbm>>
      %dma_start3A_1594 = arith.constant 0 : i32
      %dma_start3A_1595 = arith.constant 0 : i32
      %dma_start3A_1596 = tpu.memref_slice %arg6[%scan3A_6, %dma_start3A_1594, %dma_start3A_1595] : memref<2x320x32xf32, #tpu.memory_space<vmem>> -> memref<1x320x32xf32, #tpu.memory_space<vmem>>
      %dma_start3A_1597 = tpu.memref_squeeze %dma_start3A_1596 : memref<1x320x32xf32, #tpu.memory_space<vmem>> -> memref<320x32xf32, #tpu.memory_space<vmem>>
      %dma_start3A_1598 = arith.constant 160 : i32
      %dma_start3A_1599 = arith.constant 0 : i32
      %dma_start3A_1600 = tpu.memref_slice %dma_start3A_1597[%dma_start3A_1598, %dma_start3A_1599] : memref<320x32xf32, #tpu.memory_space<vmem>> -> memref<20x32xf32, #tpu.memory_space<vmem>>
      tpu.enqueue_dma source(%dma_start3A_1600 : memref<20x32xf32, #tpu.memory_space<vmem>>) target(%dma_start3A_1593 : memref<20x32xf32, #tpu.memory_space<hbm>>) target_semaphore(%arg8 : memref<!tpu.dma_semaphore, #tpu.memory_space<semaphore_mem>>)
      %mul3A_1601 = arith.constant 16 : i32
      %mul3A_1602 = arith.muli %add3A_879, %mul3A_1601 : i32
      %add3A_1603 = arith.addi %mul3A_4, %mul3A_1602 : i32
      %add3A_1604 = arith.constant 9 : i32
      %add3A_1605 = arith.addi %add3A_1603, %add3A_1604 : i32
      %dma_start3A_1606 = arith.constant 0 : i32
      %dma_start3A_1607 = arith.constant 0 : i32
      %dma_start3A_1608 = tpu.memref_slice %arg6[%scan3A_6, %dma_start3A_1606, %dma_start3A_1607] : memref<2x320x32xf32, #tpu.memory_space<vmem>> -> memref<1x320x32xf32, #tpu.memory_space<vmem>>
      %dma_start3A_1609 = tpu.memref_squeeze %dma_start3A_1608 : memref<1x320x32xf32, #tpu.memory_space<vmem>> -> memref<320x32xf32, #tpu.memory_space<vmem>>
      %dma_start3A_1610 = arith.constant 180 : i32
      %dma_start3A_1611 = arith.constant 0 : i32
      %dma_start3A_1612 = tpu.memref_slice %dma_start3A_1609[%dma_start3A_1610, %dma_start3A_1611] : memref<320x32xf32, #tpu.memory_space<vmem>> -> memref<20x32xf32, #tpu.memory_space<vmem>>
      %dma_start3A_1613 = arith.constant 0 : i32
      %dma_start3A_1614 = arith.constant 0 : i32
      %dma_start3A_1615 = tpu.memref_slice %arg4[%add3A_1605, %dma_start3A_1613, %dma_start3A_1614] : memref<16384x20x32xf32, #tpu.memory_space<hbm>> -> memref<1x20x32xf32, #tpu.memory_space<hbm>>
      %dma_start3A_1616 = tpu.memref_squeeze %dma_start3A_1615 : memref<1x20x32xf32, #tpu.memory_space<hbm>> -> memref<20x32xf32, #tpu.memory_space<hbm>>
      %dma_start3A_1617 = arith.constant 0 : i32
      %dma_start3A_1618 = arith.constant 0 : i32
      %dma_start3A_1619 = tpu.memref_slice %arg4[%add3A_1605, %dma_start3A_1617, %dma_start3A_1618] : memref<16384x20x32xf32, #tpu.memory_space<hbm>> -> memref<1x20x32xf32, #tpu.memory_space<hbm>>
      %dma_start3A_1620 = tpu.memref_squeeze %dma_start3A_1619 : memref<1x20x32xf32, #tpu.memory_space<hbm>> -> memref<20x32xf32, #tpu.memory_space<hbm>>
      %dma_start3A_1621 = arith.constant 0 : i32
      %dma_start3A_1622 = arith.constant 0 : i32
      %dma_start3A_1623 = tpu.memref_slice %arg6[%scan3A_6, %dma_start3A_1621, %dma_start3A_1622] : memref<2x320x32xf32, #tpu.memory_space<vmem>> -> memref<1x320x32xf32, #tpu.memory_space<vmem>>
      %dma_start3A_1624 = tpu.memref_squeeze %dma_start3A_1623 : memref<1x320x32xf32, #tpu.memory_space<vmem>> -> memref<320x32xf32, #tpu.memory_space<vmem>>
      %dma_start3A_1625 = arith.constant 180 : i32
      %dma_start3A_1626 = arith.constant 0 : i32
      %dma_start3A_1627 = tpu.memref_slice %dma_start3A_1624[%dma_start3A_1625, %dma_start3A_1626] : memref<320x32xf32, #tpu.memory_space<vmem>> -> memref<20x32xf32, #tpu.memory_space<vmem>>
      tpu.enqueue_dma source(%dma_start3A_1627 : memref<20x32xf32, #tpu.memory_space<vmem>>) target(%dma_start3A_1620 : memref<20x32xf32, #tpu.memory_space<hbm>>) target_semaphore(%arg8 : memref<!tpu.dma_semaphore, #tpu.memory_space<semaphore_mem>>)
      %mul3A_1628 = arith.constant 16 : i32
      %mul3A_1629 = arith.muli %add3A_879, %mul3A_1628 : i32
      %add3A_1630 = arith.addi %mul3A_4, %mul3A_1629 : i32
      %add3A_1631 = arith.constant 10 : i32
      %add3A_1632 = arith.addi %add3A_1630, %add3A_1631 : i32
      %dma_start3A_1633 = arith.constant 0 : i32
      %dma_start3A_1634 = arith.constant 0 : i32
      %dma_start3A_1635 = tpu.memref_slice %arg6[%scan3A_6, %dma_start3A_1633, %dma_start3A_1634] : memref<2x320x32xf32, #tpu.memory_space<vmem>> -> memref<1x320x32xf32, #tpu.memory_space<vmem>>
      %dma_start3A_1636 = tpu.memref_squeeze %dma_start3A_1635 : memref<1x320x32xf32, #tpu.memory_space<vmem>> -> memref<320x32xf32, #tpu.memory_space<vmem>>
      %dma_start3A_1637 = arith.constant 200 : i32
      %dma_start3A_1638 = arith.constant 0 : i32
      %dma_start3A_1639 = tpu.memref_slice %dma_start3A_1636[%dma_start3A_1637, %dma_start3A_1638] : memref<320x32xf32, #tpu.memory_space<vmem>> -> memref<20x32xf32, #tpu.memory_space<vmem>>
      %dma_start3A_1640 = arith.constant 0 : i32
      %dma_start3A_1641 = arith.constant 0 : i32
      %dma_start3A_1642 = tpu.memref_slice %arg4[%add3A_1632, %dma_start3A_1640, %dma_start3A_1641] : memref<16384x20x32xf32, #tpu.memory_space<hbm>> -> memref<1x20x32xf32, #tpu.memory_space<hbm>>
      %dma_start3A_1643 = tpu.memref_squeeze %dma_start3A_1642 : memref<1x20x32xf32, #tpu.memory_space<hbm>> -> memref<20x32xf32, #tpu.memory_space<hbm>>
      %dma_start3A_1644 = arith.constant 0 : i32
      %dma_start3A_1645 = arith.constant 0 : i32
      %dma_start3A_1646 = tpu.memref_slice %arg4[%add3A_1632, %dma_start3A_1644, %dma_start3A_1645] : memref<16384x20x32xf32, #tpu.memory_space<hbm>> -> memref<1x20x32xf32, #tpu.memory_space<hbm>>
      %dma_start3A_1647 = tpu.memref_squeeze %dma_start3A_1646 : memref<1x20x32xf32, #tpu.memory_space<hbm>> -> memref<20x32xf32, #tpu.memory_space<hbm>>
      %dma_start3A_1648 = arith.constant 0 : i32
      %dma_start3A_1649 = arith.constant 0 : i32
      %dma_start3A_1650 = tpu.memref_slice %arg6[%scan3A_6, %dma_start3A_1648, %dma_start3A_1649] : memref<2x320x32xf32, #tpu.memory_space<vmem>> -> memref<1x320x32xf32, #tpu.memory_space<vmem>>
      %dma_start3A_1651 = tpu.memref_squeeze %dma_start3A_1650 : memref<1x320x32xf32, #tpu.memory_space<vmem>> -> memref<320x32xf32, #tpu.memory_space<vmem>>
      %dma_start3A_1652 = arith.constant 200 : i32
      %dma_start3A_1653 = arith.constant 0 : i32
      %dma_start3A_1654 = tpu.memref_slice %dma_start3A_1651[%dma_start3A_1652, %dma_start3A_1653] : memref<320x32xf32, #tpu.memory_space<vmem>> -> memref<20x32xf32, #tpu.memory_space<vmem>>
      tpu.enqueue_dma source(%dma_start3A_1654 : memref<20x32xf32, #tpu.memory_space<vmem>>) target(%dma_start3A_1647 : memref<20x32xf32, #tpu.memory_space<hbm>>) target_semaphore(%arg8 : memref<!tpu.dma_semaphore, #tpu.memory_space<semaphore_mem>>)
      %mul3A_1655 = arith.constant 16 : i32
      %mul3A_1656 = arith.muli %add3A_879, %mul3A_1655 : i32
      %add3A_1657 = arith.addi %mul3A_4, %mul3A_1656 : i32
      %add3A_1658 = arith.constant 11 : i32
      %add3A_1659 = arith.addi %add3A_1657, %add3A_1658 : i32
      %dma_start3A_1660 = arith.constant 0 : i32
      %dma_start3A_1661 = arith.constant 0 : i32
      %dma_start3A_1662 = tpu.memref_slice %arg6[%scan3A_6, %dma_start3A_1660, %dma_start3A_1661] : memref<2x320x32xf32, #tpu.memory_space<vmem>> -> memref<1x320x32xf32, #tpu.memory_space<vmem>>
      %dma_start3A_1663 = tpu.memref_squeeze %dma_start3A_1662 : memref<1x320x32xf32, #tpu.memory_space<vmem>> -> memref<320x32xf32, #tpu.memory_space<vmem>>
      %dma_start3A_1664 = arith.constant 220 : i32
      %dma_start3A_1665 = arith.constant 0 : i32
      %dma_start3A_1666 = tpu.memref_slice %dma_start3A_1663[%dma_start3A_1664, %dma_start3A_1665] : memref<320x32xf32, #tpu.memory_space<vmem>> -> memref<20x32xf32, #tpu.memory_space<vmem>>
      %dma_start3A_1667 = arith.constant 0 : i32
      %dma_start3A_1668 = arith.constant 0 : i32
      %dma_start3A_1669 = tpu.memref_slice %arg4[%add3A_1659, %dma_start3A_1667, %dma_start3A_1668] : memref<16384x20x32xf32, #tpu.memory_space<hbm>> -> memref<1x20x32xf32, #tpu.memory_space<hbm>>
      %dma_start3A_1670 = tpu.memref_squeeze %dma_start3A_1669 : memref<1x20x32xf32, #tpu.memory_space<hbm>> -> memref<20x32xf32, #tpu.memory_space<hbm>>
      %dma_start3A_1671 = arith.constant 0 : i32
      %dma_start3A_1672 = arith.constant 0 : i32
      %dma_start3A_1673 = tpu.memref_slice %arg4[%add3A_1659, %dma_start3A_1671, %dma_start3A_1672] : memref<16384x20x32xf32, #tpu.memory_space<hbm>> -> memref<1x20x32xf32, #tpu.memory_space<hbm>>
      %dma_start3A_1674 = tpu.memref_squeeze %dma_start3A_1673 : memref<1x20x32xf32, #tpu.memory_space<hbm>> -> memref<20x32xf32, #tpu.memory_space<hbm>>
      %dma_start3A_1675 = arith.constant 0 : i32
      %dma_start3A_1676 = arith.constant 0 : i32
      %dma_start3A_1677 = tpu.memref_slice %arg6[%scan3A_6, %dma_start3A_1675, %dma_start3A_1676] : memref<2x320x32xf32, #tpu.memory_space<vmem>> -> memref<1x320x32xf32, #tpu.memory_space<vmem>>
      %dma_start3A_1678 = tpu.memref_squeeze %dma_start3A_1677 : memref<1x320x32xf32, #tpu.memory_space<vmem>> -> memref<320x32xf32, #tpu.memory_space<vmem>>
      %dma_start3A_1679 = arith.constant 220 : i32
      %dma_start3A_1680 = arith.constant 0 : i32
      %dma_start3A_1681 = tpu.memref_slice %dma_start3A_1678[%dma_start3A_1679, %dma_start3A_1680] : memref<320x32xf32, #tpu.memory_space<vmem>> -> memref<20x32xf32, #tpu.memory_space<vmem>>
      tpu.enqueue_dma source(%dma_start3A_1681 : memref<20x32xf32, #tpu.memory_space<vmem>>) target(%dma_start3A_1674 : memref<20x32xf32, #tpu.memory_space<hbm>>) target_semaphore(%arg8 : memref<!tpu.dma_semaphore, #tpu.memory_space<semaphore_mem>>)
      %mul3A_1682 = arith.constant 16 : i32
      %mul3A_1683 = arith.muli %add3A_879, %mul3A_1682 : i32
      %add3A_1684 = arith.addi %mul3A_4, %mul3A_1683 : i32
      %add3A_1685 = arith.constant 12 : i32
      %add3A_1686 = arith.addi %add3A_1684, %add3A_1685 : i32
      %dma_start3A_1687 = arith.constant 0 : i32
      %dma_start3A_1688 = arith.constant 0 : i32
      %dma_start3A_1689 = tpu.memref_slice %arg6[%scan3A_6, %dma_start3A_1687, %dma_start3A_1688] : memref<2x320x32xf32, #tpu.memory_space<vmem>> -> memref<1x320x32xf32, #tpu.memory_space<vmem>>
      %dma_start3A_1690 = tpu.memref_squeeze %dma_start3A_1689 : memref<1x320x32xf32, #tpu.memory_space<vmem>> -> memref<320x32xf32, #tpu.memory_space<vmem>>
      %dma_start3A_1691 = arith.constant 240 : i32
      %dma_start3A_1692 = arith.constant 0 : i32
      %dma_start3A_1693 = tpu.memref_slice %dma_start3A_1690[%dma_start3A_1691, %dma_start3A_1692] : memref<320x32xf32, #tpu.memory_space<vmem>> -> memref<20x32xf32, #tpu.memory_space<vmem>>
      %dma_start3A_1694 = arith.constant 0 : i32
      %dma_start3A_1695 = arith.constant 0 : i32
      %dma_start3A_1696 = tpu.memref_slice %arg4[%add3A_1686, %dma_start3A_1694, %dma_start3A_1695] : memref<16384x20x32xf32, #tpu.memory_space<hbm>> -> memref<1x20x32xf32, #tpu.memory_space<hbm>>
      %dma_start3A_1697 = tpu.memref_squeeze %dma_start3A_1696 : memref<1x20x32xf32, #tpu.memory_space<hbm>> -> memref<20x32xf32, #tpu.memory_space<hbm>>
      %dma_start3A_1698 = arith.constant 0 : i32
      %dma_start3A_1699 = arith.constant 0 : i32
      %dma_start3A_1700 = tpu.memref_slice %arg4[%add3A_1686, %dma_start3A_1698, %dma_start3A_1699] : memref<16384x20x32xf32, #tpu.memory_space<hbm>> -> memref<1x20x32xf32, #tpu.memory_space<hbm>>
      %dma_start3A_1701 = tpu.memref_squeeze %dma_start3A_1700 : memref<1x20x32xf32, #tpu.memory_space<hbm>> -> memref<20x32xf32, #tpu.memory_space<hbm>>
      %dma_start3A_1702 = arith.constant 0 : i32
      %dma_start3A_1703 = arith.constant 0 : i32
      %dma_start3A_1704 = tpu.memref_slice %arg6[%scan3A_6, %dma_start3A_1702, %dma_start3A_1703] : memref<2x320x32xf32, #tpu.memory_space<vmem>> -> memref<1x320x32xf32, #tpu.memory_space<vmem>>
      %dma_start3A_1705 = tpu.memref_squeeze %dma_start3A_1704 : memref<1x320x32xf32, #tpu.memory_space<vmem>> -> memref<320x32xf32, #tpu.memory_space<vmem>>
      %dma_start3A_1706 = arith.constant 240 : i32
      %dma_start3A_1707 = arith.constant 0 : i32
      %dma_start3A_1708 = tpu.memref_slice %dma_start3A_1705[%dma_start3A_1706, %dma_start3A_1707] : memref<320x32xf32, #tpu.memory_space<vmem>> -> memref<20x32xf32, #tpu.memory_space<vmem>>
      tpu.enqueue_dma source(%dma_start3A_1708 : memref<20x32xf32, #tpu.memory_space<vmem>>) target(%dma_start3A_1701 : memref<20x32xf32, #tpu.memory_space<hbm>>) target_semaphore(%arg8 : memref<!tpu.dma_semaphore, #tpu.memory_space<semaphore_mem>>)
      %mul3A_1709 = arith.constant 16 : i32
      %mul3A_1710 = arith.muli %add3A_879, %mul3A_1709 : i32
      %add3A_1711 = arith.addi %mul3A_4, %mul3A_1710 : i32
      %add3A_1712 = arith.constant 13 : i32
      %add3A_1713 = arith.addi %add3A_1711, %add3A_1712 : i32
      %dma_start3A_1714 = arith.constant 0 : i32
      %dma_start3A_1715 = arith.constant 0 : i32
      %dma_start3A_1716 = tpu.memref_slice %arg6[%scan3A_6, %dma_start3A_1714, %dma_start3A_1715] : memref<2x320x32xf32, #tpu.memory_space<vmem>> -> memref<1x320x32xf32, #tpu.memory_space<vmem>>
      %dma_start3A_1717 = tpu.memref_squeeze %dma_start3A_1716 : memref<1x320x32xf32, #tpu.memory_space<vmem>> -> memref<320x32xf32, #tpu.memory_space<vmem>>
      %dma_start3A_1718 = arith.constant 260 : i32
      %dma_start3A_1719 = arith.constant 0 : i32
      %dma_start3A_1720 = tpu.memref_slice %dma_start3A_1717[%dma_start3A_1718, %dma_start3A_1719] : memref<320x32xf32, #tpu.memory_space<vmem>> -> memref<20x32xf32, #tpu.memory_space<vmem>>
      %dma_start3A_1721 = arith.constant 0 : i32
      %dma_start3A_1722 = arith.constant 0 : i32
      %dma_start3A_1723 = tpu.memref_slice %arg4[%add3A_1713, %dma_start3A_1721, %dma_start3A_1722] : memref<16384x20x32xf32, #tpu.memory_space<hbm>> -> memref<1x20x32xf32, #tpu.memory_space<hbm>>
      %dma_start3A_1724 = tpu.memref_squeeze %dma_start3A_1723 : memref<1x20x32xf32, #tpu.memory_space<hbm>> -> memref<20x32xf32, #tpu.memory_space<hbm>>
      %dma_start3A_1725 = arith.constant 0 : i32
      %dma_start3A_1726 = arith.constant 0 : i32
      %dma_start3A_1727 = tpu.memref_slice %arg4[%add3A_1713, %dma_start3A_1725, %dma_start3A_1726] : memref<16384x20x32xf32, #tpu.memory_space<hbm>> -> memref<1x20x32xf32, #tpu.memory_space<hbm>>
      %dma_start3A_1728 = tpu.memref_squeeze %dma_start3A_1727 : memref<1x20x32xf32, #tpu.memory_space<hbm>> -> memref<20x32xf32, #tpu.memory_space<hbm>>
      %dma_start3A_1729 = arith.constant 0 : i32
      %dma_start3A_1730 = arith.constant 0 : i32
      %dma_start3A_1731 = tpu.memref_slice %arg6[%scan3A_6, %dma_start3A_1729, %dma_start3A_1730] : memref<2x320x32xf32, #tpu.memory_space<vmem>> -> memref<1x320x32xf32, #tpu.memory_space<vmem>>
      %dma_start3A_1732 = tpu.memref_squeeze %dma_start3A_1731 : memref<1x320x32xf32, #tpu.memory_space<vmem>> -> memref<320x32xf32, #tpu.memory_space<vmem>>
      %dma_start3A_1733 = arith.constant 260 : i32
      %dma_start3A_1734 = arith.constant 0 : i32
      %dma_start3A_1735 = tpu.memref_slice %dma_start3A_1732[%dma_start3A_1733, %dma_start3A_1734] : memref<320x32xf32, #tpu.memory_space<vmem>> -> memref<20x32xf32, #tpu.memory_space<vmem>>
      tpu.enqueue_dma source(%dma_start3A_1735 : memref<20x32xf32, #tpu.memory_space<vmem>>) target(%dma_start3A_1728 : memref<20x32xf32, #tpu.memory_space<hbm>>) target_semaphore(%arg8 : memref<!tpu.dma_semaphore, #tpu.memory_space<semaphore_mem>>)
      %mul3A_1736 = arith.constant 16 : i32
      %mul3A_1737 = arith.muli %add3A_879, %mul3A_1736 : i32
      %add3A_1738 = arith.addi %mul3A_4, %mul3A_1737 : i32
      %add3A_1739 = arith.constant 14 : i32
      %add3A_1740 = arith.addi %add3A_1738, %add3A_1739 : i32
      %dma_start3A_1741 = arith.constant 0 : i32
      %dma_start3A_1742 = arith.constant 0 : i32
      %dma_start3A_1743 = tpu.memref_slice %arg6[%scan3A_6, %dma_start3A_1741, %dma_start3A_1742] : memref<2x320x32xf32, #tpu.memory_space<vmem>> -> memref<1x320x32xf32, #tpu.memory_space<vmem>>
      %dma_start3A_1744 = tpu.memref_squeeze %dma_start3A_1743 : memref<1x320x32xf32, #tpu.memory_space<vmem>> -> memref<320x32xf32, #tpu.memory_space<vmem>>
      %dma_start3A_1745 = arith.constant 280 : i32
      %dma_start3A_1746 = arith.constant 0 : i32
      %dma_start3A_1747 = tpu.memref_slice %dma_start3A_1744[%dma_start3A_1745, %dma_start3A_1746] : memref<320x32xf32, #tpu.memory_space<vmem>> -> memref<20x32xf32, #tpu.memory_space<vmem>>
      %dma_start3A_1748 = arith.constant 0 : i32
      %dma_start3A_1749 = arith.constant 0 : i32
      %dma_start3A_1750 = tpu.memref_slice %arg4[%add3A_1740, %dma_start3A_1748, %dma_start3A_1749] : memref<16384x20x32xf32, #tpu.memory_space<hbm>> -> memref<1x20x32xf32, #tpu.memory_space<hbm>>
      %dma_start3A_1751 = tpu.memref_squeeze %dma_start3A_1750 : memref<1x20x32xf32, #tpu.memory_space<hbm>> -> memref<20x32xf32, #tpu.memory_space<hbm>>
      %dma_start3A_1752 = arith.constant 0 : i32
      %dma_start3A_1753 = arith.constant 0 : i32
      %dma_start3A_1754 = tpu.memref_slice %arg4[%add3A_1740, %dma_start3A_1752, %dma_start3A_1753] : memref<16384x20x32xf32, #tpu.memory_space<hbm>> -> memref<1x20x32xf32, #tpu.memory_space<hbm>>
      %dma_start3A_1755 = tpu.memref_squeeze %dma_start3A_1754 : memref<1x20x32xf32, #tpu.memory_space<hbm>> -> memref<20x32xf32, #tpu.memory_space<hbm>>
      %dma_start3A_1756 = arith.constant 0 : i32
      %dma_start3A_1757 = arith.constant 0 : i32
      %dma_start3A_1758 = tpu.memref_slice %arg6[%scan3A_6, %dma_start3A_1756, %dma_start3A_1757] : memref<2x320x32xf32, #tpu.memory_space<vmem>> -> memref<1x320x32xf32, #tpu.memory_space<vmem>>
      %dma_start3A_1759 = tpu.memref_squeeze %dma_start3A_1758 : memref<1x320x32xf32, #tpu.memory_space<vmem>> -> memref<320x32xf32, #tpu.memory_space<vmem>>
      %dma_start3A_1760 = arith.constant 280 : i32
      %dma_start3A_1761 = arith.constant 0 : i32
      %dma_start3A_1762 = tpu.memref_slice %dma_start3A_1759[%dma_start3A_1760, %dma_start3A_1761] : memref<320x32xf32, #tpu.memory_space<vmem>> -> memref<20x32xf32, #tpu.memory_space<vmem>>
      tpu.enqueue_dma source(%dma_start3A_1762 : memref<20x32xf32, #tpu.memory_space<vmem>>) target(%dma_start3A_1755 : memref<20x32xf32, #tpu.memory_space<hbm>>) target_semaphore(%arg8 : memref<!tpu.dma_semaphore, #tpu.memory_space<semaphore_mem>>)
      %mul3A_1763 = arith.constant 16 : i32
      %mul3A_1764 = arith.muli %add3A_879, %mul3A_1763 : i32
      %add3A_1765 = arith.addi %mul3A_4, %mul3A_1764 : i32
      %add3A_1766 = arith.constant 15 : i32
      %add3A_1767 = arith.addi %add3A_1765, %add3A_1766 : i32
      %dma_start3A_1768 = arith.constant 0 : i32
      %dma_start3A_1769 = arith.constant 0 : i32
      %dma_start3A_1770 = tpu.memref_slice %arg6[%scan3A_6, %dma_start3A_1768, %dma_start3A_1769] : memref<2x320x32xf32, #tpu.memory_space<vmem>> -> memref<1x320x32xf32, #tpu.memory_space<vmem>>
      %dma_start3A_1771 = tpu.memref_squeeze %dma_start3A_1770 : memref<1x320x32xf32, #tpu.memory_space<vmem>> -> memref<320x32xf32, #tpu.memory_space<vmem>>
      %dma_start3A_1772 = arith.constant 300 : i32
      %dma_start3A_1773 = arith.constant 0 : i32
      %dma_start3A_1774 = tpu.memref_slice %dma_start3A_1771[%dma_start3A_1772, %dma_start3A_1773] : memref<320x32xf32, #tpu.memory_space<vmem>> -> memref<20x32xf32, #tpu.memory_space<vmem>>
      %dma_start3A_1775 = arith.constant 0 : i32
      %dma_start3A_1776 = arith.constant 0 : i32
      %dma_start3A_1777 = tpu.memref_slice %arg4[%add3A_1767, %dma_start3A_1775, %dma_start3A_1776] : memref<16384x20x32xf32, #tpu.memory_space<hbm>> -> memref<1x20x32xf32, #tpu.memory_space<hbm>>
      %dma_start3A_1778 = tpu.memref_squeeze %dma_start3A_1777 : memref<1x20x32xf32, #tpu.memory_space<hbm>> -> memref<20x32xf32, #tpu.memory_space<hbm>>
      %dma_start3A_1779 = arith.constant 0 : i32
      %dma_start3A_1780 = arith.constant 0 : i32
      %dma_start3A_1781 = tpu.memref_slice %arg4[%add3A_1767, %dma_start3A_1779, %dma_start3A_1780] : memref<16384x20x32xf32, #tpu.memory_space<hbm>> -> memref<1x20x32xf32, #tpu.memory_space<hbm>>
      %dma_start3A_1782 = tpu.memref_squeeze %dma_start3A_1781 : memref<1x20x32xf32, #tpu.memory_space<hbm>> -> memref<20x32xf32, #tpu.memory_space<hbm>>
      %dma_start3A_1783 = arith.constant 0 : i32
      %dma_start3A_1784 = arith.constant 0 : i32
      %dma_start3A_1785 = tpu.memref_slice %arg6[%scan3A_6, %dma_start3A_1783, %dma_start3A_1784] : memref<2x320x32xf32, #tpu.memory_space<vmem>> -> memref<1x320x32xf32, #tpu.memory_space<vmem>>
      %dma_start3A_1786 = tpu.memref_squeeze %dma_start3A_1785 : memref<1x320x32xf32, #tpu.memory_space<vmem>> -> memref<320x32xf32, #tpu.memory_space<vmem>>
      %dma_start3A_1787 = arith.constant 300 : i32
      %dma_start3A_1788 = arith.constant 0 : i32
      %dma_start3A_1789 = tpu.memref_slice %dma_start3A_1786[%dma_start3A_1787, %dma_start3A_1788] : memref<320x32xf32, #tpu.memory_space<vmem>> -> memref<20x32xf32, #tpu.memory_space<vmem>>
      tpu.enqueue_dma source(%dma_start3A_1789 : memref<20x32xf32, #tpu.memory_space<vmem>>) target(%dma_start3A_1782 : memref<20x32xf32, #tpu.memory_space<hbm>>) target_semaphore(%arg8 : memref<!tpu.dma_semaphore, #tpu.memory_space<semaphore_mem>>)
    }
    %scan3A_11 = arith.constant 16 : i32
    %add3A_12 = arith.constant 480 : i32
    %add3A_13 = arith.addi %mul3A_4, %add3A_12 : i32
    %add3A_14 = arith.constant 0 : i32
    %add3A_15 = arith.addi %add3A_13, %add3A_14 : i32
    %dma_wait3A = arith.constant 0 : i32
    %dma_wait3A_16 = arith.constant 0 : i32
    %dma_wait3A_17 = arith.constant 0 : i32
    %dma_wait3A_18 = tpu.memref_slice %arg6[%dma_wait3A, %dma_wait3A_16, %dma_wait3A_17] : memref<2x320x32xf32, #tpu.memory_space<vmem>> -> memref<1x320x32xf32, #tpu.memory_space<vmem>>
    %dma_wait3A_19 = tpu.memref_squeeze %dma_wait3A_18 : memref<1x320x32xf32, #tpu.memory_space<vmem>> -> memref<320x32xf32, #tpu.memory_space<vmem>>
    %dma_wait3A_20 = arith.constant 0 : i32
    %dma_wait3A_21 = arith.constant 0 : i32
    %dma_wait3A_22 = tpu.memref_slice %dma_wait3A_19[%dma_wait3A_20, %dma_wait3A_21] : memref<320x32xf32, #tpu.memory_space<vmem>> -> memref<20x32xf32, #tpu.memory_space<vmem>>
    %dma_wait3A_23 = arith.constant 0 : i32
    %dma_wait3A_24 = arith.constant 0 : i32
    %dma_wait3A_25 = tpu.memref_slice %arg4[%add3A_15, %dma_wait3A_23, %dma_wait3A_24] : memref<16384x20x32xf32, #tpu.memory_space<hbm>> -> memref<1x20x32xf32, #tpu.memory_space<hbm>>
    %dma_wait3A_26 = tpu.memref_squeeze %dma_wait3A_25 : memref<1x20x32xf32, #tpu.memory_space<hbm>> -> memref<20x32xf32, #tpu.memory_space<hbm>>
    %dma_wait3A_27 = arith.constant 0 : i32
    %dma_wait3A_28 = arith.constant 0 : i32
    %dma_wait3A_29 = tpu.memref_slice %arg4[%add3A_15, %dma_wait3A_27, %dma_wait3A_28] : memref<16384x20x32xf32, #tpu.memory_space<hbm>> -> memref<1x20x32xf32, #tpu.memory_space<hbm>>
    %dma_wait3A_30 = tpu.memref_squeeze %dma_wait3A_29 : memref<1x20x32xf32, #tpu.memory_space<hbm>> -> memref<20x32xf32, #tpu.memory_space<hbm>>
    %dma_wait3A_31 = arith.constant 0 : i32
    %dma_wait3A_32 = arith.constant 0 : i32
    %dma_wait3A_33 = tpu.memref_slice %arg6[%dma_wait3A, %dma_wait3A_31, %dma_wait3A_32] : memref<2x320x32xf32, #tpu.memory_space<vmem>> -> memref<1x320x32xf32, #tpu.memory_space<vmem>>
    %dma_wait3A_34 = tpu.memref_squeeze %dma_wait3A_33 : memref<1x320x32xf32, #tpu.memory_space<vmem>> -> memref<320x32xf32, #tpu.memory_space<vmem>>
    %dma_wait3A_35 = arith.constant 0 : i32
    %dma_wait3A_36 = arith.constant 0 : i32
    %dma_wait3A_37 = tpu.memref_slice %dma_wait3A_34[%dma_wait3A_35, %dma_wait3A_36] : memref<320x32xf32, #tpu.memory_space<vmem>> -> memref<20x32xf32, #tpu.memory_space<vmem>>
    tpu.wait_dma2 semaphore(%arg8 : memref<!tpu.dma_semaphore, #tpu.memory_space<semaphore_mem>>) src(%dma_wait3A_37 : memref<20x32xf32, #tpu.memory_space<vmem>>) dst(%dma_wait3A_30 : memref<20x32xf32, #tpu.memory_space<hbm>>)
    %add3A_38 = arith.constant 480 : i32
    %add3A_39 = arith.addi %mul3A_4, %add3A_38 : i32
    %add3A_40 = arith.constant 1 : i32
    %add3A_41 = arith.addi %add3A_39, %add3A_40 : i32
    %dma_wait3A_42 = arith.constant 0 : i32
    %dma_wait3A_43 = arith.constant 0 : i32
    %dma_wait3A_44 = arith.constant 0 : i32
    %dma_wait3A_45 = tpu.memref_slice %arg6[%dma_wait3A_42, %dma_wait3A_43, %dma_wait3A_44] : memref<2x320x32xf32, #tpu.memory_space<vmem>> -> memref<1x320x32xf32, #tpu.memory_space<vmem>>
    %dma_wait3A_46 = tpu.memref_squeeze %dma_wait3A_45 : memref<1x320x32xf32, #tpu.memory_space<vmem>> -> memref<320x32xf32, #tpu.memory_space<vmem>>
    %dma_wait3A_47 = arith.constant 20 : i32
    %dma_wait3A_48 = arith.constant 0 : i32
    %dma_wait3A_49 = tpu.memref_slice %dma_wait3A_46[%dma_wait3A_47, %dma_wait3A_48] : memref<320x32xf32, #tpu.memory_space<vmem>> -> memref<20x32xf32, #tpu.memory_space<vmem>>
    %dma_wait3A_50 = arith.constant 0 : i32
    %dma_wait3A_51 = arith.constant 0 : i32
    %dma_wait3A_52 = tpu.memref_slice %arg4[%add3A_41, %dma_wait3A_50, %dma_wait3A_51] : memref<16384x20x32xf32, #tpu.memory_space<hbm>> -> memref<1x20x32xf32, #tpu.memory_space<hbm>>
    %dma_wait3A_53 = tpu.memref_squeeze %dma_wait3A_52 : memref<1x20x32xf32, #tpu.memory_space<hbm>> -> memref<20x32xf32, #tpu.memory_space<hbm>>
    %dma_wait3A_54 = arith.constant 0 : i32
    %dma_wait3A_55 = arith.constant 0 : i32
    %dma_wait3A_56 = tpu.memref_slice %arg4[%add3A_41, %dma_wait3A_54, %dma_wait3A_55] : memref<16384x20x32xf32, #tpu.memory_space<hbm>> -> memref<1x20x32xf32, #tpu.memory_space<hbm>>
    %dma_wait3A_57 = tpu.memref_squeeze %dma_wait3A_56 : memref<1x20x32xf32, #tpu.memory_space<hbm>> -> memref<20x32xf32, #tpu.memory_space<hbm>>
    %dma_wait3A_58 = arith.constant 0 : i32
    %dma_wait3A_59 = arith.constant 0 : i32
    %dma_wait3A_60 = tpu.memref_slice %arg6[%dma_wait3A_42, %dma_wait3A_58, %dma_wait3A_59] : memref<2x320x32xf32, #tpu.memory_space<vmem>> -> memref<1x320x32xf32, #tpu.memory_space<vmem>>
    %dma_wait3A_61 = tpu.memref_squeeze %dma_wait3A_60 : memref<1x320x32xf32, #tpu.memory_space<vmem>> -> memref<320x32xf32, #tpu.memory_space<vmem>>
    %dma_wait3A_62 = arith.constant 20 : i32
    %dma_wait3A_63 = arith.constant 0 : i32
    %dma_wait3A_64 = tpu.memref_slice %dma_wait3A_61[%dma_wait3A_62, %dma_wait3A_63] : memref<320x32xf32, #tpu.memory_space<vmem>> -> memref<20x32xf32, #tpu.memory_space<vmem>>
    tpu.wait_dma2 semaphore(%arg8 : memref<!tpu.dma_semaphore, #tpu.memory_space<semaphore_mem>>) src(%dma_wait3A_64 : memref<20x32xf32, #tpu.memory_space<vmem>>) dst(%dma_wait3A_57 : memref<20x32xf32, #tpu.memory_space<hbm>>)
    %add3A_65 = arith.constant 480 : i32
    %add3A_66 = arith.addi %mul3A_4, %add3A_65 : i32
    %add3A_67 = arith.constant 2 : i32
    %add3A_68 = arith.addi %add3A_66, %add3A_67 : i32
    %dma_wait3A_69 = arith.constant 0 : i32
    %dma_wait3A_70 = arith.constant 0 : i32
    %dma_wait3A_71 = arith.constant 0 : i32
    %dma_wait3A_72 = tpu.memref_slice %arg6[%dma_wait3A_69, %dma_wait3A_70, %dma_wait3A_71] : memref<2x320x32xf32, #tpu.memory_space<vmem>> -> memref<1x320x32xf32, #tpu.memory_space<vmem>>
    %dma_wait3A_73 = tpu.memref_squeeze %dma_wait3A_72 : memref<1x320x32xf32, #tpu.memory_space<vmem>> -> memref<320x32xf32, #tpu.memory_space<vmem>>
    %dma_wait3A_74 = arith.constant 40 : i32
    %dma_wait3A_75 = arith.constant 0 : i32
    %dma_wait3A_76 = tpu.memref_slice %dma_wait3A_73[%dma_wait3A_74, %dma_wait3A_75] : memref<320x32xf32, #tpu.memory_space<vmem>> -> memref<20x32xf32, #tpu.memory_space<vmem>>
    %dma_wait3A_77 = arith.constant 0 : i32
    %dma_wait3A_78 = arith.constant 0 : i32
    %dma_wait3A_79 = tpu.memref_slice %arg4[%add3A_68, %dma_wait3A_77, %dma_wait3A_78] : memref<16384x20x32xf32, #tpu.memory_space<hbm>> -> memref<1x20x32xf32, #tpu.memory_space<hbm>>
    %dma_wait3A_80 = tpu.memref_squeeze %dma_wait3A_79 : memref<1x20x32xf32, #tpu.memory_space<hbm>> -> memref<20x32xf32, #tpu.memory_space<hbm>>
    %dma_wait3A_81 = arith.constant 0 : i32
    %dma_wait3A_82 = arith.constant 0 : i32
    %dma_wait3A_83 = tpu.memref_slice %arg4[%add3A_68, %dma_wait3A_81, %dma_wait3A_82] : memref<16384x20x32xf32, #tpu.memory_space<hbm>> -> memref<1x20x32xf32, #tpu.memory_space<hbm>>
    %dma_wait3A_84 = tpu.memref_squeeze %dma_wait3A_83 : memref<1x20x32xf32, #tpu.memory_space<hbm>> -> memref<20x32xf32, #tpu.memory_space<hbm>>
    %dma_wait3A_85 = arith.constant 0 : i32
    %dma_wait3A_86 = arith.constant 0 : i32
    %dma_wait3A_87 = tpu.memref_slice %arg6[%dma_wait3A_69, %dma_wait3A_85, %dma_wait3A_86] : memref<2x320x32xf32, #tpu.memory_space<vmem>> -> memref<1x320x32xf32, #tpu.memory_space<vmem>>
    %dma_wait3A_88 = tpu.memref_squeeze %dma_wait3A_87 : memref<1x320x32xf32, #tpu.memory_space<vmem>> -> memref<320x32xf32, #tpu.memory_space<vmem>>
    %dma_wait3A_89 = arith.constant 40 : i32
    %dma_wait3A_90 = arith.constant 0 : i32
    %dma_wait3A_91 = tpu.memref_slice %dma_wait3A_88[%dma_wait3A_89, %dma_wait3A_90] : memref<320x32xf32, #tpu.memory_space<vmem>> -> memref<20x32xf32, #tpu.memory_space<vmem>>
    tpu.wait_dma2 semaphore(%arg8 : memref<!tpu.dma_semaphore, #tpu.memory_space<semaphore_mem>>) src(%dma_wait3A_91 : memref<20x32xf32, #tpu.memory_space<vmem>>) dst(%dma_wait3A_84 : memref<20x32xf32, #tpu.memory_space<hbm>>)
    %add3A_92 = arith.constant 480 : i32
    %add3A_93 = arith.addi %mul3A_4, %add3A_92 : i32
    %add3A_94 = arith.constant 3 : i32
    %add3A_95 = arith.addi %add3A_93, %add3A_94 : i32
    %dma_wait3A_96 = arith.constant 0 : i32
    %dma_wait3A_97 = arith.constant 0 : i32
    %dma_wait3A_98 = arith.constant 0 : i32
    %dma_wait3A_99 = tpu.memref_slice %arg6[%dma_wait3A_96, %dma_wait3A_97, %dma_wait3A_98] : memref<2x320x32xf32, #tpu.memory_space<vmem>> -> memref<1x320x32xf32, #tpu.memory_space<vmem>>
    %dma_wait3A_100 = tpu.memref_squeeze %dma_wait3A_99 : memref<1x320x32xf32, #tpu.memory_space<vmem>> -> memref<320x32xf32, #tpu.memory_space<vmem>>
    %dma_wait3A_101 = arith.constant 60 : i32
    %dma_wait3A_102 = arith.constant 0 : i32
    %dma_wait3A_103 = tpu.memref_slice %dma_wait3A_100[%dma_wait3A_101, %dma_wait3A_102] : memref<320x32xf32, #tpu.memory_space<vmem>> -> memref<20x32xf32, #tpu.memory_space<vmem>>
    %dma_wait3A_104 = arith.constant 0 : i32
    %dma_wait3A_105 = arith.constant 0 : i32
    %dma_wait3A_106 = tpu.memref_slice %arg4[%add3A_95, %dma_wait3A_104, %dma_wait3A_105] : memref<16384x20x32xf32, #tpu.memory_space<hbm>> -> memref<1x20x32xf32, #tpu.memory_space<hbm>>
    %dma_wait3A_107 = tpu.memref_squeeze %dma_wait3A_106 : memref<1x20x32xf32, #tpu.memory_space<hbm>> -> memref<20x32xf32, #tpu.memory_space<hbm>>
    %dma_wait3A_108 = arith.constant 0 : i32
    %dma_wait3A_109 = arith.constant 0 : i32
    %dma_wait3A_110 = tpu.memref_slice %arg4[%add3A_95, %dma_wait3A_108, %dma_wait3A_109] : memref<16384x20x32xf32, #tpu.memory_space<hbm>> -> memref<1x20x32xf32, #tpu.memory_space<hbm>>
    %dma_wait3A_111 = tpu.memref_squeeze %dma_wait3A_110 : memref<1x20x32xf32, #tpu.memory_space<hbm>> -> memref<20x32xf32, #tpu.memory_space<hbm>>
    %dma_wait3A_112 = arith.constant 0 : i32
    %dma_wait3A_113 = arith.constant 0 : i32
    %dma_wait3A_114 = tpu.memref_slice %arg6[%dma_wait3A_96, %dma_wait3A_112, %dma_wait3A_113] : memref<2x320x32xf32, #tpu.memory_space<vmem>> -> memref<1x320x32xf32, #tpu.memory_space<vmem>>
    %dma_wait3A_115 = tpu.memref_squeeze %dma_wait3A_114 : memref<1x320x32xf32, #tpu.memory_space<vmem>> -> memref<320x32xf32, #tpu.memory_space<vmem>>
    %dma_wait3A_116 = arith.constant 60 : i32
    %dma_wait3A_117 = arith.constant 0 : i32
    %dma_wait3A_118 = tpu.memref_slice %dma_wait3A_115[%dma_wait3A_116, %dma_wait3A_117] : memref<320x32xf32, #tpu.memory_space<vmem>> -> memref<20x32xf32, #tpu.memory_space<vmem>>
    tpu.wait_dma2 semaphore(%arg8 : memref<!tpu.dma_semaphore, #tpu.memory_space<semaphore_mem>>) src(%dma_wait3A_118 : memref<20x32xf32, #tpu.memory_space<vmem>>) dst(%dma_wait3A_111 : memref<20x32xf32, #tpu.memory_space<hbm>>)
    %add3A_119 = arith.constant 480 : i32
    %add3A_120 = arith.addi %mul3A_4, %add3A_119 : i32
    %add3A_121 = arith.constant 4 : i32
    %add3A_122 = arith.addi %add3A_120, %add3A_121 : i32
    %dma_wait3A_123 = arith.constant 0 : i32
    %dma_wait3A_124 = arith.constant 0 : i32
    %dma_wait3A_125 = arith.constant 0 : i32
    %dma_wait3A_126 = tpu.memref_slice %arg6[%dma_wait3A_123, %dma_wait3A_124, %dma_wait3A_125] : memref<2x320x32xf32, #tpu.memory_space<vmem>> -> memref<1x320x32xf32, #tpu.memory_space<vmem>>
    %dma_wait3A_127 = tpu.memref_squeeze %dma_wait3A_126 : memref<1x320x32xf32, #tpu.memory_space<vmem>> -> memref<320x32xf32, #tpu.memory_space<vmem>>
    %dma_wait3A_128 = arith.constant 80 : i32
    %dma_wait3A_129 = arith.constant 0 : i32
    %dma_wait3A_130 = tpu.memref_slice %dma_wait3A_127[%dma_wait3A_128, %dma_wait3A_129] : memref<320x32xf32, #tpu.memory_space<vmem>> -> memref<20x32xf32, #tpu.memory_space<vmem>>
    %dma_wait3A_131 = arith.constant 0 : i32
    %dma_wait3A_132 = arith.constant 0 : i32
    %dma_wait3A_133 = tpu.memref_slice %arg4[%add3A_122, %dma_wait3A_131, %dma_wait3A_132] : memref<16384x20x32xf32, #tpu.memory_space<hbm>> -> memref<1x20x32xf32, #tpu.memory_space<hbm>>
    %dma_wait3A_134 = tpu.memref_squeeze %dma_wait3A_133 : memref<1x20x32xf32, #tpu.memory_space<hbm>> -> memref<20x32xf32, #tpu.memory_space<hbm>>
    %dma_wait3A_135 = arith.constant 0 : i32
    %dma_wait3A_136 = arith.constant 0 : i32
    %dma_wait3A_137 = tpu.memref_slice %arg4[%add3A_122, %dma_wait3A_135, %dma_wait3A_136] : memref<16384x20x32xf32, #tpu.memory_space<hbm>> -> memref<1x20x32xf32, #tpu.memory_space<hbm>>
    %dma_wait3A_138 = tpu.memref_squeeze %dma_wait3A_137 : memref<1x20x32xf32, #tpu.memory_space<hbm>> -> memref<20x32xf32, #tpu.memory_space<hbm>>
    %dma_wait3A_139 = arith.constant 0 : i32
    %dma_wait3A_140 = arith.constant 0 : i32
    %dma_wait3A_141 = tpu.memref_slice %arg6[%dma_wait3A_123, %dma_wait3A_139, %dma_wait3A_140] : memref<2x320x32xf32, #tpu.memory_space<vmem>> -> memref<1x320x32xf32, #tpu.memory_space<vmem>>
    %dma_wait3A_142 = tpu.memref_squeeze %dma_wait3A_141 : memref<1x320x32xf32, #tpu.memory_space<vmem>> -> memref<320x32xf32, #tpu.memory_space<vmem>>
    %dma_wait3A_143 = arith.constant 80 : i32
    %dma_wait3A_144 = arith.constant 0 : i32
    %dma_wait3A_145 = tpu.memref_slice %dma_wait3A_142[%dma_wait3A_143, %dma_wait3A_144] : memref<320x32xf32, #tpu.memory_space<vmem>> -> memref<20x32xf32, #tpu.memory_space<vmem>>
    tpu.wait_dma2 semaphore(%arg8 : memref<!tpu.dma_semaphore, #tpu.memory_space<semaphore_mem>>) src(%dma_wait3A_145 : memref<20x32xf32, #tpu.memory_space<vmem>>) dst(%dma_wait3A_138 : memref<20x32xf32, #tpu.memory_space<hbm>>)
    %add3A_146 = arith.constant 480 : i32
    %add3A_147 = arith.addi %mul3A_4, %add3A_146 : i32
    %add3A_148 = arith.constant 5 : i32
    %add3A_149 = arith.addi %add3A_147, %add3A_148 : i32
    %dma_wait3A_150 = arith.constant 0 : i32
    %dma_wait3A_151 = arith.constant 0 : i32
    %dma_wait3A_152 = arith.constant 0 : i32
    %dma_wait3A_153 = tpu.memref_slice %arg6[%dma_wait3A_150, %dma_wait3A_151, %dma_wait3A_152] : memref<2x320x32xf32, #tpu.memory_space<vmem>> -> memref<1x320x32xf32, #tpu.memory_space<vmem>>
    %dma_wait3A_154 = tpu.memref_squeeze %dma_wait3A_153 : memref<1x320x32xf32, #tpu.memory_space<vmem>> -> memref<320x32xf32, #tpu.memory_space<vmem>>
    %dma_wait3A_155 = arith.constant 100 : i32
    %dma_wait3A_156 = arith.constant 0 : i32
    %dma_wait3A_157 = tpu.memref_slice %dma_wait3A_154[%dma_wait3A_155, %dma_wait3A_156] : memref<320x32xf32, #tpu.memory_space<vmem>> -> memref<20x32xf32, #tpu.memory_space<vmem>>
    %dma_wait3A_158 = arith.constant 0 : i32
    %dma_wait3A_159 = arith.constant 0 : i32
    %dma_wait3A_160 = tpu.memref_slice %arg4[%add3A_149, %dma_wait3A_158, %dma_wait3A_159] : memref<16384x20x32xf32, #tpu.memory_space<hbm>> -> memref<1x20x32xf32, #tpu.memory_space<hbm>>
    %dma_wait3A_161 = tpu.memref_squeeze %dma_wait3A_160 : memref<1x20x32xf32, #tpu.memory_space<hbm>> -> memref<20x32xf32, #tpu.memory_space<hbm>>
    %dma_wait3A_162 = arith.constant 0 : i32
    %dma_wait3A_163 = arith.constant 0 : i32
    %dma_wait3A_164 = tpu.memref_slice %arg4[%add3A_149, %dma_wait3A_162, %dma_wait3A_163] : memref<16384x20x32xf32, #tpu.memory_space<hbm>> -> memref<1x20x32xf32, #tpu.memory_space<hbm>>
    %dma_wait3A_165 = tpu.memref_squeeze %dma_wait3A_164 : memref<1x20x32xf32, #tpu.memory_space<hbm>> -> memref<20x32xf32, #tpu.memory_space<hbm>>
    %dma_wait3A_166 = arith.constant 0 : i32
    %dma_wait3A_167 = arith.constant 0 : i32
    %dma_wait3A_168 = tpu.memref_slice %arg6[%dma_wait3A_150, %dma_wait3A_166, %dma_wait3A_167] : memref<2x320x32xf32, #tpu.memory_space<vmem>> -> memref<1x320x32xf32, #tpu.memory_space<vmem>>
    %dma_wait3A_169 = tpu.memref_squeeze %dma_wait3A_168 : memref<1x320x32xf32, #tpu.memory_space<vmem>> -> memref<320x32xf32, #tpu.memory_space<vmem>>
    %dma_wait3A_170 = arith.constant 100 : i32
    %dma_wait3A_171 = arith.constant 0 : i32
    %dma_wait3A_172 = tpu.memref_slice %dma_wait3A_169[%dma_wait3A_170, %dma_wait3A_171] : memref<320x32xf32, #tpu.memory_space<vmem>> -> memref<20x32xf32, #tpu.memory_space<vmem>>
    tpu.wait_dma2 semaphore(%arg8 : memref<!tpu.dma_semaphore, #tpu.memory_space<semaphore_mem>>) src(%dma_wait3A_172 : memref<20x32xf32, #tpu.memory_space<vmem>>) dst(%dma_wait3A_165 : memref<20x32xf32, #tpu.memory_space<hbm>>)
    %add3A_173 = arith.constant 480 : i32
    %add3A_174 = arith.addi %mul3A_4, %add3A_173 : i32
    %add3A_175 = arith.constant 6 : i32
    %add3A_176 = arith.addi %add3A_174, %add3A_175 : i32
    %dma_wait3A_177 = arith.constant 0 : i32
    %dma_wait3A_178 = arith.constant 0 : i32
    %dma_wait3A_179 = arith.constant 0 : i32
    %dma_wait3A_180 = tpu.memref_slice %arg6[%dma_wait3A_177, %dma_wait3A_178, %dma_wait3A_179] : memref<2x320x32xf32, #tpu.memory_space<vmem>> -> memref<1x320x32xf32, #tpu.memory_space<vmem>>
    %dma_wait3A_181 = tpu.memref_squeeze %dma_wait3A_180 : memref<1x320x32xf32, #tpu.memory_space<vmem>> -> memref<320x32xf32, #tpu.memory_space<vmem>>
    %dma_wait3A_182 = arith.constant 120 : i32
    %dma_wait3A_183 = arith.constant 0 : i32
    %dma_wait3A_184 = tpu.memref_slice %dma_wait3A_181[%dma_wait3A_182, %dma_wait3A_183] : memref<320x32xf32, #tpu.memory_space<vmem>> -> memref<20x32xf32, #tpu.memory_space<vmem>>
    %dma_wait3A_185 = arith.constant 0 : i32
    %dma_wait3A_186 = arith.constant 0 : i32
    %dma_wait3A_187 = tpu.memref_slice %arg4[%add3A_176, %dma_wait3A_185, %dma_wait3A_186] : memref<16384x20x32xf32, #tpu.memory_space<hbm>> -> memref<1x20x32xf32, #tpu.memory_space<hbm>>
    %dma_wait3A_188 = tpu.memref_squeeze %dma_wait3A_187 : memref<1x20x32xf32, #tpu.memory_space<hbm>> -> memref<20x32xf32, #tpu.memory_space<hbm>>
    %dma_wait3A_189 = arith.constant 0 : i32
    %dma_wait3A_190 = arith.constant 0 : i32
    %dma_wait3A_191 = tpu.memref_slice %arg4[%add3A_176, %dma_wait3A_189, %dma_wait3A_190] : memref<16384x20x32xf32, #tpu.memory_space<hbm>> -> memref<1x20x32xf32, #tpu.memory_space<hbm>>
    %dma_wait3A_192 = tpu.memref_squeeze %dma_wait3A_191 : memref<1x20x32xf32, #tpu.memory_space<hbm>> -> memref<20x32xf32, #tpu.memory_space<hbm>>
    %dma_wait3A_193 = arith.constant 0 : i32
    %dma_wait3A_194 = arith.constant 0 : i32
    %dma_wait3A_195 = tpu.memref_slice %arg6[%dma_wait3A_177, %dma_wait3A_193, %dma_wait3A_194] : memref<2x320x32xf32, #tpu.memory_space<vmem>> -> memref<1x320x32xf32, #tpu.memory_space<vmem>>
    %dma_wait3A_196 = tpu.memref_squeeze %dma_wait3A_195 : memref<1x320x32xf32, #tpu.memory_space<vmem>> -> memref<320x32xf32, #tpu.memory_space<vmem>>
    %dma_wait3A_197 = arith.constant 120 : i32
    %dma_wait3A_198 = arith.constant 0 : i32
    %dma_wait3A_199 = tpu.memref_slice %dma_wait3A_196[%dma_wait3A_197, %dma_wait3A_198] : memref<320x32xf32, #tpu.memory_space<vmem>> -> memref<20x32xf32, #tpu.memory_space<vmem>>
    tpu.wait_dma2 semaphore(%arg8 : memref<!tpu.dma_semaphore, #tpu.memory_space<semaphore_mem>>) src(%dma_wait3A_199 : memref<20x32xf32, #tpu.memory_space<vmem>>) dst(%dma_wait3A_192 : memref<20x32xf32, #tpu.memory_space<hbm>>)
    %add3A_200 = arith.constant 480 : i32
    %add3A_201 = arith.addi %mul3A_4, %add3A_200 : i32
    %add3A_202 = arith.constant 7 : i32
    %add3A_203 = arith.addi %add3A_201, %add3A_202 : i32
    %dma_wait3A_204 = arith.constant 0 : i32
    %dma_wait3A_205 = arith.constant 0 : i32
    %dma_wait3A_206 = arith.constant 0 : i32
    %dma_wait3A_207 = tpu.memref_slice %arg6[%dma_wait3A_204, %dma_wait3A_205, %dma_wait3A_206] : memref<2x320x32xf32, #tpu.memory_space<vmem>> -> memref<1x320x32xf32, #tpu.memory_space<vmem>>
    %dma_wait3A_208 = tpu.memref_squeeze %dma_wait3A_207 : memref<1x320x32xf32, #tpu.memory_space<vmem>> -> memref<320x32xf32, #tpu.memory_space<vmem>>
    %dma_wait3A_209 = arith.constant 140 : i32
    %dma_wait3A_210 = arith.constant 0 : i32
    %dma_wait3A_211 = tpu.memref_slice %dma_wait3A_208[%dma_wait3A_209, %dma_wait3A_210] : memref<320x32xf32, #tpu.memory_space<vmem>> -> memref<20x32xf32, #tpu.memory_space<vmem>>
    %dma_wait3A_212 = arith.constant 0 : i32
    %dma_wait3A_213 = arith.constant 0 : i32
    %dma_wait3A_214 = tpu.memref_slice %arg4[%add3A_203, %dma_wait3A_212, %dma_wait3A_213] : memref<16384x20x32xf32, #tpu.memory_space<hbm>> -> memref<1x20x32xf32, #tpu.memory_space<hbm>>
    %dma_wait3A_215 = tpu.memref_squeeze %dma_wait3A_214 : memref<1x20x32xf32, #tpu.memory_space<hbm>> -> memref<20x32xf32, #tpu.memory_space<hbm>>
    %dma_wait3A_216 = arith.constant 0 : i32
    %dma_wait3A_217 = arith.constant 0 : i32
    %dma_wait3A_218 = tpu.memref_slice %arg4[%add3A_203, %dma_wait3A_216, %dma_wait3A_217] : memref<16384x20x32xf32, #tpu.memory_space<hbm>> -> memref<1x20x32xf32, #tpu.memory_space<hbm>>
    %dma_wait3A_219 = tpu.memref_squeeze %dma_wait3A_218 : memref<1x20x32xf32, #tpu.memory_space<hbm>> -> memref<20x32xf32, #tpu.memory_space<hbm>>
    %dma_wait3A_220 = arith.constant 0 : i32
    %dma_wait3A_221 = arith.constant 0 : i32
    %dma_wait3A_222 = tpu.memref_slice %arg6[%dma_wait3A_204, %dma_wait3A_220, %dma_wait3A_221] : memref<2x320x32xf32, #tpu.memory_space<vmem>> -> memref<1x320x32xf32, #tpu.memory_space<vmem>>
    %dma_wait3A_223 = tpu.memref_squeeze %dma_wait3A_222 : memref<1x320x32xf32, #tpu.memory_space<vmem>> -> memref<320x32xf32, #tpu.memory_space<vmem>>
    %dma_wait3A_224 = arith.constant 140 : i32
    %dma_wait3A_225 = arith.constant 0 : i32
    %dma_wait3A_226 = tpu.memref_slice %dma_wait3A_223[%dma_wait3A_224, %dma_wait3A_225] : memref<320x32xf32, #tpu.memory_space<vmem>> -> memref<20x32xf32, #tpu.memory_space<vmem>>
    tpu.wait_dma2 semaphore(%arg8 : memref<!tpu.dma_semaphore, #tpu.memory_space<semaphore_mem>>) src(%dma_wait3A_226 : memref<20x32xf32, #tpu.memory_space<vmem>>) dst(%dma_wait3A_219 : memref<20x32xf32, #tpu.memory_space<hbm>>)
    %add3A_227 = arith.constant 480 : i32
    %add3A_228 = arith.addi %mul3A_4, %add3A_227 : i32
    %add3A_229 = arith.constant 8 : i32
    %add3A_230 = arith.addi %add3A_228, %add3A_229 : i32
    %dma_wait3A_231 = arith.constant 0 : i32
    %dma_wait3A_232 = arith.constant 0 : i32
    %dma_wait3A_233 = arith.constant 0 : i32
    %dma_wait3A_234 = tpu.memref_slice %arg6[%dma_wait3A_231, %dma_wait3A_232, %dma_wait3A_233] : memref<2x320x32xf32, #tpu.memory_space<vmem>> -> memref<1x320x32xf32, #tpu.memory_space<vmem>>
    %dma_wait3A_235 = tpu.memref_squeeze %dma_wait3A_234 : memref<1x320x32xf32, #tpu.memory_space<vmem>> -> memref<320x32xf32, #tpu.memory_space<vmem>>
    %dma_wait3A_236 = arith.constant 160 : i32
    %dma_wait3A_237 = arith.constant 0 : i32
    %dma_wait3A_238 = tpu.memref_slice %dma_wait3A_235[%dma_wait3A_236, %dma_wait3A_237] : memref<320x32xf32, #tpu.memory_space<vmem>> -> memref<20x32xf32, #tpu.memory_space<vmem>>
    %dma_wait3A_239 = arith.constant 0 : i32
    %dma_wait3A_240 = arith.constant 0 : i32
    %dma_wait3A_241 = tpu.memref_slice %arg4[%add3A_230, %dma_wait3A_239, %dma_wait3A_240] : memref<16384x20x32xf32, #tpu.memory_space<hbm>> -> memref<1x20x32xf32, #tpu.memory_space<hbm>>
    %dma_wait3A_242 = tpu.memref_squeeze %dma_wait3A_241 : memref<1x20x32xf32, #tpu.memory_space<hbm>> -> memref<20x32xf32, #tpu.memory_space<hbm>>
    %dma_wait3A_243 = arith.constant 0 : i32
    %dma_wait3A_244 = arith.constant 0 : i32
    %dma_wait3A_245 = tpu.memref_slice %arg4[%add3A_230, %dma_wait3A_243, %dma_wait3A_244] : memref<16384x20x32xf32, #tpu.memory_space<hbm>> -> memref<1x20x32xf32, #tpu.memory_space<hbm>>
    %dma_wait3A_246 = tpu.memref_squeeze %dma_wait3A_245 : memref<1x20x32xf32, #tpu.memory_space<hbm>> -> memref<20x32xf32, #tpu.memory_space<hbm>>
    %dma_wait3A_247 = arith.constant 0 : i32
    %dma_wait3A_248 = arith.constant 0 : i32
    %dma_wait3A_249 = tpu.memref_slice %arg6[%dma_wait3A_231, %dma_wait3A_247, %dma_wait3A_248] : memref<2x320x32xf32, #tpu.memory_space<vmem>> -> memref<1x320x32xf32, #tpu.memory_space<vmem>>
    %dma_wait3A_250 = tpu.memref_squeeze %dma_wait3A_249 : memref<1x320x32xf32, #tpu.memory_space<vmem>> -> memref<320x32xf32, #tpu.memory_space<vmem>>
    %dma_wait3A_251 = arith.constant 160 : i32
    %dma_wait3A_252 = arith.constant 0 : i32
    %dma_wait3A_253 = tpu.memref_slice %dma_wait3A_250[%dma_wait3A_251, %dma_wait3A_252] : memref<320x32xf32, #tpu.memory_space<vmem>> -> memref<20x32xf32, #tpu.memory_space<vmem>>
    tpu.wait_dma2 semaphore(%arg8 : memref<!tpu.dma_semaphore, #tpu.memory_space<semaphore_mem>>) src(%dma_wait3A_253 : memref<20x32xf32, #tpu.memory_space<vmem>>) dst(%dma_wait3A_246 : memref<20x32xf32, #tpu.memory_space<hbm>>)
    %add3A_254 = arith.constant 480 : i32
    %add3A_255 = arith.addi %mul3A_4, %add3A_254 : i32
    %add3A_256 = arith.constant 9 : i32
    %add3A_257 = arith.addi %add3A_255, %add3A_256 : i32
    %dma_wait3A_258 = arith.constant 0 : i32
    %dma_wait3A_259 = arith.constant 0 : i32
    %dma_wait3A_260 = arith.constant 0 : i32
    %dma_wait3A_261 = tpu.memref_slice %arg6[%dma_wait3A_258, %dma_wait3A_259, %dma_wait3A_260] : memref<2x320x32xf32, #tpu.memory_space<vmem>> -> memref<1x320x32xf32, #tpu.memory_space<vmem>>
    %dma_wait3A_262 = tpu.memref_squeeze %dma_wait3A_261 : memref<1x320x32xf32, #tpu.memory_space<vmem>> -> memref<320x32xf32, #tpu.memory_space<vmem>>
    %dma_wait3A_263 = arith.constant 180 : i32
    %dma_wait3A_264 = arith.constant 0 : i32
    %dma_wait3A_265 = tpu.memref_slice %dma_wait3A_262[%dma_wait3A_263, %dma_wait3A_264] : memref<320x32xf32, #tpu.memory_space<vmem>> -> memref<20x32xf32, #tpu.memory_space<vmem>>
    %dma_wait3A_266 = arith.constant 0 : i32
    %dma_wait3A_267 = arith.constant 0 : i32
    %dma_wait3A_268 = tpu.memref_slice %arg4[%add3A_257, %dma_wait3A_266, %dma_wait3A_267] : memref<16384x20x32xf32, #tpu.memory_space<hbm>> -> memref<1x20x32xf32, #tpu.memory_space<hbm>>
    %dma_wait3A_269 = tpu.memref_squeeze %dma_wait3A_268 : memref<1x20x32xf32, #tpu.memory_space<hbm>> -> memref<20x32xf32, #tpu.memory_space<hbm>>
    %dma_wait3A_270 = arith.constant 0 : i32
    %dma_wait3A_271 = arith.constant 0 : i32
    %dma_wait3A_272 = tpu.memref_slice %arg4[%add3A_257, %dma_wait3A_270, %dma_wait3A_271] : memref<16384x20x32xf32, #tpu.memory_space<hbm>> -> memref<1x20x32xf32, #tpu.memory_space<hbm>>
    %dma_wait3A_273 = tpu.memref_squeeze %dma_wait3A_272 : memref<1x20x32xf32, #tpu.memory_space<hbm>> -> memref<20x32xf32, #tpu.memory_space<hbm>>
    %dma_wait3A_274 = arith.constant 0 : i32
    %dma_wait3A_275 = arith.constant 0 : i32
    %dma_wait3A_276 = tpu.memref_slice %arg6[%dma_wait3A_258, %dma_wait3A_274, %dma_wait3A_275] : memref<2x320x32xf32, #tpu.memory_space<vmem>> -> memref<1x320x32xf32, #tpu.memory_space<vmem>>
    %dma_wait3A_277 = tpu.memref_squeeze %dma_wait3A_276 : memref<1x320x32xf32, #tpu.memory_space<vmem>> -> memref<320x32xf32, #tpu.memory_space<vmem>>
    %dma_wait3A_278 = arith.constant 180 : i32
    %dma_wait3A_279 = arith.constant 0 : i32
    %dma_wait3A_280 = tpu.memref_slice %dma_wait3A_277[%dma_wait3A_278, %dma_wait3A_279] : memref<320x32xf32, #tpu.memory_space<vmem>> -> memref<20x32xf32, #tpu.memory_space<vmem>>
    tpu.wait_dma2 semaphore(%arg8 : memref<!tpu.dma_semaphore, #tpu.memory_space<semaphore_mem>>) src(%dma_wait3A_280 : memref<20x32xf32, #tpu.memory_space<vmem>>) dst(%dma_wait3A_273 : memref<20x32xf32, #tpu.memory_space<hbm>>)
    %add3A_281 = arith.constant 480 : i32
    %add3A_282 = arith.addi %mul3A_4, %add3A_281 : i32
    %add3A_283 = arith.constant 10 : i32
    %add3A_284 = arith.addi %add3A_282, %add3A_283 : i32
    %dma_wait3A_285 = arith.constant 0 : i32
    %dma_wait3A_286 = arith.constant 0 : i32
    %dma_wait3A_287 = arith.constant 0 : i32
    %dma_wait3A_288 = tpu.memref_slice %arg6[%dma_wait3A_285, %dma_wait3A_286, %dma_wait3A_287] : memref<2x320x32xf32, #tpu.memory_space<vmem>> -> memref<1x320x32xf32, #tpu.memory_space<vmem>>
    %dma_wait3A_289 = tpu.memref_squeeze %dma_wait3A_288 : memref<1x320x32xf32, #tpu.memory_space<vmem>> -> memref<320x32xf32, #tpu.memory_space<vmem>>
    %dma_wait3A_290 = arith.constant 200 : i32
    %dma_wait3A_291 = arith.constant 0 : i32
    %dma_wait3A_292 = tpu.memref_slice %dma_wait3A_289[%dma_wait3A_290, %dma_wait3A_291] : memref<320x32xf32, #tpu.memory_space<vmem>> -> memref<20x32xf32, #tpu.memory_space<vmem>>
    %dma_wait3A_293 = arith.constant 0 : i32
    %dma_wait3A_294 = arith.constant 0 : i32
    %dma_wait3A_295 = tpu.memref_slice %arg4[%add3A_284, %dma_wait3A_293, %dma_wait3A_294] : memref<16384x20x32xf32, #tpu.memory_space<hbm>> -> memref<1x20x32xf32, #tpu.memory_space<hbm>>
    %dma_wait3A_296 = tpu.memref_squeeze %dma_wait3A_295 : memref<1x20x32xf32, #tpu.memory_space<hbm>> -> memref<20x32xf32, #tpu.memory_space<hbm>>
    %dma_wait3A_297 = arith.constant 0 : i32
    %dma_wait3A_298 = arith.constant 0 : i32
    %dma_wait3A_299 = tpu.memref_slice %arg4[%add3A_284, %dma_wait3A_297, %dma_wait3A_298] : memref<16384x20x32xf32, #tpu.memory_space<hbm>> -> memref<1x20x32xf32, #tpu.memory_space<hbm>>
    %dma_wait3A_300 = tpu.memref_squeeze %dma_wait3A_299 : memref<1x20x32xf32, #tpu.memory_space<hbm>> -> memref<20x32xf32, #tpu.memory_space<hbm>>
    %dma_wait3A_301 = arith.constant 0 : i32
    %dma_wait3A_302 = arith.constant 0 : i32
    %dma_wait3A_303 = tpu.memref_slice %arg6[%dma_wait3A_285, %dma_wait3A_301, %dma_wait3A_302] : memref<2x320x32xf32, #tpu.memory_space<vmem>> -> memref<1x320x32xf32, #tpu.memory_space<vmem>>
    %dma_wait3A_304 = tpu.memref_squeeze %dma_wait3A_303 : memref<1x320x32xf32, #tpu.memory_space<vmem>> -> memref<320x32xf32, #tpu.memory_space<vmem>>
    %dma_wait3A_305 = arith.constant 200 : i32
    %dma_wait3A_306 = arith.constant 0 : i32
    %dma_wait3A_307 = tpu.memref_slice %dma_wait3A_304[%dma_wait3A_305, %dma_wait3A_306] : memref<320x32xf32, #tpu.memory_space<vmem>> -> memref<20x32xf32, #tpu.memory_space<vmem>>
    tpu.wait_dma2 semaphore(%arg8 : memref<!tpu.dma_semaphore, #tpu.memory_space<semaphore_mem>>) src(%dma_wait3A_307 : memref<20x32xf32, #tpu.memory_space<vmem>>) dst(%dma_wait3A_300 : memref<20x32xf32, #tpu.memory_space<hbm>>)
    %add3A_308 = arith.constant 480 : i32
    %add3A_309 = arith.addi %mul3A_4, %add3A_308 : i32
    %add3A_310 = arith.constant 11 : i32
    %add3A_311 = arith.addi %add3A_309, %add3A_310 : i32
    %dma_wait3A_312 = arith.constant 0 : i32
    %dma_wait3A_313 = arith.constant 0 : i32
    %dma_wait3A_314 = arith.constant 0 : i32
    %dma_wait3A_315 = tpu.memref_slice %arg6[%dma_wait3A_312, %dma_wait3A_313, %dma_wait3A_314] : memref<2x320x32xf32, #tpu.memory_space<vmem>> -> memref<1x320x32xf32, #tpu.memory_space<vmem>>
    %dma_wait3A_316 = tpu.memref_squeeze %dma_wait3A_315 : memref<1x320x32xf32, #tpu.memory_space<vmem>> -> memref<320x32xf32, #tpu.memory_space<vmem>>
    %dma_wait3A_317 = arith.constant 220 : i32
    %dma_wait3A_318 = arith.constant 0 : i32
    %dma_wait3A_319 = tpu.memref_slice %dma_wait3A_316[%dma_wait3A_317, %dma_wait3A_318] : memref<320x32xf32, #tpu.memory_space<vmem>> -> memref<20x32xf32, #tpu.memory_space<vmem>>
    %dma_wait3A_320 = arith.constant 0 : i32
    %dma_wait3A_321 = arith.constant 0 : i32
    %dma_wait3A_322 = tpu.memref_slice %arg4[%add3A_311, %dma_wait3A_320, %dma_wait3A_321] : memref<16384x20x32xf32, #tpu.memory_space<hbm>> -> memref<1x20x32xf32, #tpu.memory_space<hbm>>
    %dma_wait3A_323 = tpu.memref_squeeze %dma_wait3A_322 : memref<1x20x32xf32, #tpu.memory_space<hbm>> -> memref<20x32xf32, #tpu.memory_space<hbm>>
    %dma_wait3A_324 = arith.constant 0 : i32
    %dma_wait3A_325 = arith.constant 0 : i32
    %dma_wait3A_326 = tpu.memref_slice %arg4[%add3A_311, %dma_wait3A_324, %dma_wait3A_325] : memref<16384x20x32xf32, #tpu.memory_space<hbm>> -> memref<1x20x32xf32, #tpu.memory_space<hbm>>
    %dma_wait3A_327 = tpu.memref_squeeze %dma_wait3A_326 : memref<1x20x32xf32, #tpu.memory_space<hbm>> -> memref<20x32xf32, #tpu.memory_space<hbm>>
    %dma_wait3A_328 = arith.constant 0 : i32
    %dma_wait3A_329 = arith.constant 0 : i32
    %dma_wait3A_330 = tpu.memref_slice %arg6[%dma_wait3A_312, %dma_wait3A_328, %dma_wait3A_329] : memref<2x320x32xf32, #tpu.memory_space<vmem>> -> memref<1x320x32xf32, #tpu.memory_space<vmem>>
    %dma_wait3A_331 = tpu.memref_squeeze %dma_wait3A_330 : memref<1x320x32xf32, #tpu.memory_space<vmem>> -> memref<320x32xf32, #tpu.memory_space<vmem>>
    %dma_wait3A_332 = arith.constant 220 : i32
    %dma_wait3A_333 = arith.constant 0 : i32
    %dma_wait3A_334 = tpu.memref_slice %dma_wait3A_331[%dma_wait3A_332, %dma_wait3A_333] : memref<320x32xf32, #tpu.memory_space<vmem>> -> memref<20x32xf32, #tpu.memory_space<vmem>>
    tpu.wait_dma2 semaphore(%arg8 : memref<!tpu.dma_semaphore, #tpu.memory_space<semaphore_mem>>) src(%dma_wait3A_334 : memref<20x32xf32, #tpu.memory_space<vmem>>) dst(%dma_wait3A_327 : memref<20x32xf32, #tpu.memory_space<hbm>>)
    %add3A_335 = arith.constant 480 : i32
    %add3A_336 = arith.addi %mul3A_4, %add3A_335 : i32
    %add3A_337 = arith.constant 12 : i32
    %add3A_338 = arith.addi %add3A_336, %add3A_337 : i32
    %dma_wait3A_339 = arith.constant 0 : i32
    %dma_wait3A_340 = arith.constant 0 : i32
    %dma_wait3A_341 = arith.constant 0 : i32
    %dma_wait3A_342 = tpu.memref_slice %arg6[%dma_wait3A_339, %dma_wait3A_340, %dma_wait3A_341] : memref<2x320x32xf32, #tpu.memory_space<vmem>> -> memref<1x320x32xf32, #tpu.memory_space<vmem>>
    %dma_wait3A_343 = tpu.memref_squeeze %dma_wait3A_342 : memref<1x320x32xf32, #tpu.memory_space<vmem>> -> memref<320x32xf32, #tpu.memory_space<vmem>>
    %dma_wait3A_344 = arith.constant 240 : i32
    %dma_wait3A_345 = arith.constant 0 : i32
    %dma_wait3A_346 = tpu.memref_slice %dma_wait3A_343[%dma_wait3A_344, %dma_wait3A_345] : memref<320x32xf32, #tpu.memory_space<vmem>> -> memref<20x32xf32, #tpu.memory_space<vmem>>
    %dma_wait3A_347 = arith.constant 0 : i32
    %dma_wait3A_348 = arith.constant 0 : i32
    %dma_wait3A_349 = tpu.memref_slice %arg4[%add3A_338, %dma_wait3A_347, %dma_wait3A_348] : memref<16384x20x32xf32, #tpu.memory_space<hbm>> -> memref<1x20x32xf32, #tpu.memory_space<hbm>>
    %dma_wait3A_350 = tpu.memref_squeeze %dma_wait3A_349 : memref<1x20x32xf32, #tpu.memory_space<hbm>> -> memref<20x32xf32, #tpu.memory_space<hbm>>
    %dma_wait3A_351 = arith.constant 0 : i32
    %dma_wait3A_352 = arith.constant 0 : i32
    %dma_wait3A_353 = tpu.memref_slice %arg4[%add3A_338, %dma_wait3A_351, %dma_wait3A_352] : memref<16384x20x32xf32, #tpu.memory_space<hbm>> -> memref<1x20x32xf32, #tpu.memory_space<hbm>>
    %dma_wait3A_354 = tpu.memref_squeeze %dma_wait3A_353 : memref<1x20x32xf32, #tpu.memory_space<hbm>> -> memref<20x32xf32, #tpu.memory_space<hbm>>
    %dma_wait3A_355 = arith.constant 0 : i32
    %dma_wait3A_356 = arith.constant 0 : i32
    %dma_wait3A_357 = tpu.memref_slice %arg6[%dma_wait3A_339, %dma_wait3A_355, %dma_wait3A_356] : memref<2x320x32xf32, #tpu.memory_space<vmem>> -> memref<1x320x32xf32, #tpu.memory_space<vmem>>
    %dma_wait3A_358 = tpu.memref_squeeze %dma_wait3A_357 : memref<1x320x32xf32, #tpu.memory_space<vmem>> -> memref<320x32xf32, #tpu.memory_space<vmem>>
    %dma_wait3A_359 = arith.constant 240 : i32
    %dma_wait3A_360 = arith.constant 0 : i32
    %dma_wait3A_361 = tpu.memref_slice %dma_wait3A_358[%dma_wait3A_359, %dma_wait3A_360] : memref<320x32xf32, #tpu.memory_space<vmem>> -> memref<20x32xf32, #tpu.memory_space<vmem>>
    tpu.wait_dma2 semaphore(%arg8 : memref<!tpu.dma_semaphore, #tpu.memory_space<semaphore_mem>>) src(%dma_wait3A_361 : memref<20x32xf32, #tpu.memory_space<vmem>>) dst(%dma_wait3A_354 : memref<20x32xf32, #tpu.memory_space<hbm>>)
    %add3A_362 = arith.constant 480 : i32
    %add3A_363 = arith.addi %mul3A_4, %add3A_362 : i32
    %add3A_364 = arith.constant 13 : i32
    %add3A_365 = arith.addi %add3A_363, %add3A_364 : i32
    %dma_wait3A_366 = arith.constant 0 : i32
    %dma_wait3A_367 = arith.constant 0 : i32
    %dma_wait3A_368 = arith.constant 0 : i32
    %dma_wait3A_369 = tpu.memref_slice %arg6[%dma_wait3A_366, %dma_wait3A_367, %dma_wait3A_368] : memref<2x320x32xf32, #tpu.memory_space<vmem>> -> memref<1x320x32xf32, #tpu.memory_space<vmem>>
    %dma_wait3A_370 = tpu.memref_squeeze %dma_wait3A_369 : memref<1x320x32xf32, #tpu.memory_space<vmem>> -> memref<320x32xf32, #tpu.memory_space<vmem>>
    %dma_wait3A_371 = arith.constant 260 : i32
    %dma_wait3A_372 = arith.constant 0 : i32
    %dma_wait3A_373 = tpu.memref_slice %dma_wait3A_370[%dma_wait3A_371, %dma_wait3A_372] : memref<320x32xf32, #tpu.memory_space<vmem>> -> memref<20x32xf32, #tpu.memory_space<vmem>>
    %dma_wait3A_374 = arith.constant 0 : i32
    %dma_wait3A_375 = arith.constant 0 : i32
    %dma_wait3A_376 = tpu.memref_slice %arg4[%add3A_365, %dma_wait3A_374, %dma_wait3A_375] : memref<16384x20x32xf32, #tpu.memory_space<hbm>> -> memref<1x20x32xf32, #tpu.memory_space<hbm>>
    %dma_wait3A_377 = tpu.memref_squeeze %dma_wait3A_376 : memref<1x20x32xf32, #tpu.memory_space<hbm>> -> memref<20x32xf32, #tpu.memory_space<hbm>>
    %dma_wait3A_378 = arith.constant 0 : i32
    %dma_wait3A_379 = arith.constant 0 : i32
    %dma_wait3A_380 = tpu.memref_slice %arg4[%add3A_365, %dma_wait3A_378, %dma_wait3A_379] : memref<16384x20x32xf32, #tpu.memory_space<hbm>> -> memref<1x20x32xf32, #tpu.memory_space<hbm>>
    %dma_wait3A_381 = tpu.memref_squeeze %dma_wait3A_380 : memref<1x20x32xf32, #tpu.memory_space<hbm>> -> memref<20x32xf32, #tpu.memory_space<hbm>>
    %dma_wait3A_382 = arith.constant 0 : i32
    %dma_wait3A_383 = arith.constant 0 : i32
    %dma_wait3A_384 = tpu.memref_slice %arg6[%dma_wait3A_366, %dma_wait3A_382, %dma_wait3A_383] : memref<2x320x32xf32, #tpu.memory_space<vmem>> -> memref<1x320x32xf32, #tpu.memory_space<vmem>>
    %dma_wait3A_385 = tpu.memref_squeeze %dma_wait3A_384 : memref<1x320x32xf32, #tpu.memory_space<vmem>> -> memref<320x32xf32, #tpu.memory_space<vmem>>
    %dma_wait3A_386 = arith.constant 260 : i32
    %dma_wait3A_387 = arith.constant 0 : i32
    %dma_wait3A_388 = tpu.memref_slice %dma_wait3A_385[%dma_wait3A_386, %dma_wait3A_387] : memref<320x32xf32, #tpu.memory_space<vmem>> -> memref<20x32xf32, #tpu.memory_space<vmem>>
    tpu.wait_dma2 semaphore(%arg8 : memref<!tpu.dma_semaphore, #tpu.memory_space<semaphore_mem>>) src(%dma_wait3A_388 : memref<20x32xf32, #tpu.memory_space<vmem>>) dst(%dma_wait3A_381 : memref<20x32xf32, #tpu.memory_space<hbm>>)
    %add3A_389 = arith.constant 480 : i32
    %add3A_390 = arith.addi %mul3A_4, %add3A_389 : i32
    %add3A_391 = arith.constant 14 : i32
    %add3A_392 = arith.addi %add3A_390, %add3A_391 : i32
    %dma_wait3A_393 = arith.constant 0 : i32
    %dma_wait3A_394 = arith.constant 0 : i32
    %dma_wait3A_395 = arith.constant 0 : i32
    %dma_wait3A_396 = tpu.memref_slice %arg6[%dma_wait3A_393, %dma_wait3A_394, %dma_wait3A_395] : memref<2x320x32xf32, #tpu.memory_space<vmem>> -> memref<1x320x32xf32, #tpu.memory_space<vmem>>
    %dma_wait3A_397 = tpu.memref_squeeze %dma_wait3A_396 : memref<1x320x32xf32, #tpu.memory_space<vmem>> -> memref<320x32xf32, #tpu.memory_space<vmem>>
    %dma_wait3A_398 = arith.constant 280 : i32
    %dma_wait3A_399 = arith.constant 0 : i32
    %dma_wait3A_400 = tpu.memref_slice %dma_wait3A_397[%dma_wait3A_398, %dma_wait3A_399] : memref<320x32xf32, #tpu.memory_space<vmem>> -> memref<20x32xf32, #tpu.memory_space<vmem>>
    %dma_wait3A_401 = arith.constant 0 : i32
    %dma_wait3A_402 = arith.constant 0 : i32
    %dma_wait3A_403 = tpu.memref_slice %arg4[%add3A_392, %dma_wait3A_401, %dma_wait3A_402] : memref<16384x20x32xf32, #tpu.memory_space<hbm>> -> memref<1x20x32xf32, #tpu.memory_space<hbm>>
    %dma_wait3A_404 = tpu.memref_squeeze %dma_wait3A_403 : memref<1x20x32xf32, #tpu.memory_space<hbm>> -> memref<20x32xf32, #tpu.memory_space<hbm>>
    %dma_wait3A_405 = arith.constant 0 : i32
    %dma_wait3A_406 = arith.constant 0 : i32
    %dma_wait3A_407 = tpu.memref_slice %arg4[%add3A_392, %dma_wait3A_405, %dma_wait3A_406] : memref<16384x20x32xf32, #tpu.memory_space<hbm>> -> memref<1x20x32xf32, #tpu.memory_space<hbm>>
    %dma_wait3A_408 = tpu.memref_squeeze %dma_wait3A_407 : memref<1x20x32xf32, #tpu.memory_space<hbm>> -> memref<20x32xf32, #tpu.memory_space<hbm>>
    %dma_wait3A_409 = arith.constant 0 : i32
    %dma_wait3A_410 = arith.constant 0 : i32
    %dma_wait3A_411 = tpu.memref_slice %arg6[%dma_wait3A_393, %dma_wait3A_409, %dma_wait3A_410] : memref<2x320x32xf32, #tpu.memory_space<vmem>> -> memref<1x320x32xf32, #tpu.memory_space<vmem>>
    %dma_wait3A_412 = tpu.memref_squeeze %dma_wait3A_411 : memref<1x320x32xf32, #tpu.memory_space<vmem>> -> memref<320x32xf32, #tpu.memory_space<vmem>>
    %dma_wait3A_413 = arith.constant 280 : i32
    %dma_wait3A_414 = arith.constant 0 : i32
    %dma_wait3A_415 = tpu.memref_slice %dma_wait3A_412[%dma_wait3A_413, %dma_wait3A_414] : memref<320x32xf32, #tpu.memory_space<vmem>> -> memref<20x32xf32, #tpu.memory_space<vmem>>
    tpu.wait_dma2 semaphore(%arg8 : memref<!tpu.dma_semaphore, #tpu.memory_space<semaphore_mem>>) src(%dma_wait3A_415 : memref<20x32xf32, #tpu.memory_space<vmem>>) dst(%dma_wait3A_408 : memref<20x32xf32, #tpu.memory_space<hbm>>)
    %add3A_416 = arith.constant 480 : i32
    %add3A_417 = arith.addi %mul3A_4, %add3A_416 : i32
    %add3A_418 = arith.constant 15 : i32
    %add3A_419 = arith.addi %add3A_417, %add3A_418 : i32
    %dma_wait3A_420 = arith.constant 0 : i32
    %dma_wait3A_421 = arith.constant 0 : i32
    %dma_wait3A_422 = arith.constant 0 : i32
    %dma_wait3A_423 = tpu.memref_slice %arg6[%dma_wait3A_420, %dma_wait3A_421, %dma_wait3A_422] : memref<2x320x32xf32, #tpu.memory_space<vmem>> -> memref<1x320x32xf32, #tpu.memory_space<vmem>>
    %dma_wait3A_424 = tpu.memref_squeeze %dma_wait3A_423 : memref<1x320x32xf32, #tpu.memory_space<vmem>> -> memref<320x32xf32, #tpu.memory_space<vmem>>
    %dma_wait3A_425 = arith.constant 300 : i32
    %dma_wait3A_426 = arith.constant 0 : i32
    %dma_wait3A_427 = tpu.memref_slice %dma_wait3A_424[%dma_wait3A_425, %dma_wait3A_426] : memref<320x32xf32, #tpu.memory_space<vmem>> -> memref<20x32xf32, #tpu.memory_space<vmem>>
    %dma_wait3A_428 = arith.constant 0 : i32
    %dma_wait3A_429 = arith.constant 0 : i32
    %dma_wait3A_430 = tpu.memref_slice %arg4[%add3A_419, %dma_wait3A_428, %dma_wait3A_429] : memref<16384x20x32xf32, #tpu.memory_space<hbm>> -> memref<1x20x32xf32, #tpu.memory_space<hbm>>
    %dma_wait3A_431 = tpu.memref_squeeze %dma_wait3A_430 : memref<1x20x32xf32, #tpu.memory_space<hbm>> -> memref<20x32xf32, #tpu.memory_space<hbm>>
    %dma_wait3A_432 = arith.constant 0 : i32
    %dma_wait3A_433 = arith.constant 0 : i32
    %dma_wait3A_434 = tpu.memref_slice %arg4[%add3A_419, %dma_wait3A_432, %dma_wait3A_433] : memref<16384x20x32xf32, #tpu.memory_space<hbm>> -> memref<1x20x32xf32, #tpu.memory_space<hbm>>
    %dma_wait3A_435 = tpu.memref_squeeze %dma_wait3A_434 : memref<1x20x32xf32, #tpu.memory_space<hbm>> -> memref<20x32xf32, #tpu.memory_space<hbm>>
    %dma_wait3A_436 = arith.constant 0 : i32
    %dma_wait3A_437 = arith.constant 0 : i32
    %dma_wait3A_438 = tpu.memref_slice %arg6[%dma_wait3A_420, %dma_wait3A_436, %dma_wait3A_437] : memref<2x320x32xf32, #tpu.memory_space<vmem>> -> memref<1x320x32xf32, #tpu.memory_space<vmem>>
    %dma_wait3A_439 = tpu.memref_squeeze %dma_wait3A_438 : memref<1x320x32xf32, #tpu.memory_space<vmem>> -> memref<320x32xf32, #tpu.memory_space<vmem>>
    %dma_wait3A_440 = arith.constant 300 : i32
    %dma_wait3A_441 = arith.constant 0 : i32
    %dma_wait3A_442 = tpu.memref_slice %dma_wait3A_439[%dma_wait3A_440, %dma_wait3A_441] : memref<320x32xf32, #tpu.memory_space<vmem>> -> memref<20x32xf32, #tpu.memory_space<vmem>>
    tpu.wait_dma2 semaphore(%arg8 : memref<!tpu.dma_semaphore, #tpu.memory_space<semaphore_mem>>) src(%dma_wait3A_442 : memref<20x32xf32, #tpu.memory_space<vmem>>) dst(%dma_wait3A_435 : memref<20x32xf32, #tpu.memory_space<hbm>>)
    %add3A_443 = arith.constant 496 : i32
    %add3A_444 = arith.addi %mul3A_4, %add3A_443 : i32
    %add3A_445 = arith.constant 0 : i32
    %add3A_446 = arith.addi %add3A_444, %add3A_445 : i32
    %dma_wait3A_447 = arith.constant 1 : i32
    %dma_wait3A_448 = arith.constant 0 : i32
    %dma_wait3A_449 = arith.constant 0 : i32
    %dma_wait3A_450 = tpu.memref_slice %arg6[%dma_wait3A_447, %dma_wait3A_448, %dma_wait3A_449] : memref<2x320x32xf32, #tpu.memory_space<vmem>> -> memref<1x320x32xf32, #tpu.memory_space<vmem>>
    %dma_wait3A_451 = tpu.memref_squeeze %dma_wait3A_450 : memref<1x320x32xf32, #tpu.memory_space<vmem>> -> memref<320x32xf32, #tpu.memory_space<vmem>>
    %dma_wait3A_452 = arith.constant 0 : i32
    %dma_wait3A_453 = arith.constant 0 : i32
    %dma_wait3A_454 = tpu.memref_slice %dma_wait3A_451[%dma_wait3A_452, %dma_wait3A_453] : memref<320x32xf32, #tpu.memory_space<vmem>> -> memref<20x32xf32, #tpu.memory_space<vmem>>
    %dma_wait3A_455 = arith.constant 0 : i32
    %dma_wait3A_456 = arith.constant 0 : i32
    %dma_wait3A_457 = tpu.memref_slice %arg4[%add3A_446, %dma_wait3A_455, %dma_wait3A_456] : memref<16384x20x32xf32, #tpu.memory_space<hbm>> -> memref<1x20x32xf32, #tpu.memory_space<hbm>>
    %dma_wait3A_458 = tpu.memref_squeeze %dma_wait3A_457 : memref<1x20x32xf32, #tpu.memory_space<hbm>> -> memref<20x32xf32, #tpu.memory_space<hbm>>
    %dma_wait3A_459 = arith.constant 0 : i32
    %dma_wait3A_460 = arith.constant 0 : i32
    %dma_wait3A_461 = tpu.memref_slice %arg4[%add3A_446, %dma_wait3A_459, %dma_wait3A_460] : memref<16384x20x32xf32, #tpu.memory_space<hbm>> -> memref<1x20x32xf32, #tpu.memory_space<hbm>>
    %dma_wait3A_462 = tpu.memref_squeeze %dma_wait3A_461 : memref<1x20x32xf32, #tpu.memory_space<hbm>> -> memref<20x32xf32, #tpu.memory_space<hbm>>
    %dma_wait3A_463 = arith.constant 0 : i32
    %dma_wait3A_464 = arith.constant 0 : i32
    %dma_wait3A_465 = tpu.memref_slice %arg6[%dma_wait3A_447, %dma_wait3A_463, %dma_wait3A_464] : memref<2x320x32xf32, #tpu.memory_space<vmem>> -> memref<1x320x32xf32, #tpu.memory_space<vmem>>
    %dma_wait3A_466 = tpu.memref_squeeze %dma_wait3A_465 : memref<1x320x32xf32, #tpu.memory_space<vmem>> -> memref<320x32xf32, #tpu.memory_space<vmem>>
    %dma_wait3A_467 = arith.constant 0 : i32
    %dma_wait3A_468 = arith.constant 0 : i32
    %dma_wait3A_469 = tpu.memref_slice %dma_wait3A_466[%dma_wait3A_467, %dma_wait3A_468] : memref<320x32xf32, #tpu.memory_space<vmem>> -> memref<20x32xf32, #tpu.memory_space<vmem>>
    tpu.wait_dma2 semaphore(%arg8 : memref<!tpu.dma_semaphore, #tpu.memory_space<semaphore_mem>>) src(%dma_wait3A_469 : memref<20x32xf32, #tpu.memory_space<vmem>>) dst(%dma_wait3A_462 : memref<20x32xf32, #tpu.memory_space<hbm>>)
    %add3A_470 = arith.constant 496 : i32
    %add3A_471 = arith.addi %mul3A_4, %add3A_470 : i32
    %add3A_472 = arith.constant 1 : i32
    %add3A_473 = arith.addi %add3A_471, %add3A_472 : i32
    %dma_wait3A_474 = arith.constant 1 : i32
    %dma_wait3A_475 = arith.constant 0 : i32
    %dma_wait3A_476 = arith.constant 0 : i32
    %dma_wait3A_477 = tpu.memref_slice %arg6[%dma_wait3A_474, %dma_wait3A_475, %dma_wait3A_476] : memref<2x320x32xf32, #tpu.memory_space<vmem>> -> memref<1x320x32xf32, #tpu.memory_space<vmem>>
    %dma_wait3A_478 = tpu.memref_squeeze %dma_wait3A_477 : memref<1x320x32xf32, #tpu.memory_space<vmem>> -> memref<320x32xf32, #tpu.memory_space<vmem>>
    %dma_wait3A_479 = arith.constant 20 : i32
    %dma_wait3A_480 = arith.constant 0 : i32
    %dma_wait3A_481 = tpu.memref_slice %dma_wait3A_478[%dma_wait3A_479, %dma_wait3A_480] : memref<320x32xf32, #tpu.memory_space<vmem>> -> memref<20x32xf32, #tpu.memory_space<vmem>>
    %dma_wait3A_482 = arith.constant 0 : i32
    %dma_wait3A_483 = arith.constant 0 : i32
    %dma_wait3A_484 = tpu.memref_slice %arg4[%add3A_473, %dma_wait3A_482, %dma_wait3A_483] : memref<16384x20x32xf32, #tpu.memory_space<hbm>> -> memref<1x20x32xf32, #tpu.memory_space<hbm>>
    %dma_wait3A_485 = tpu.memref_squeeze %dma_wait3A_484 : memref<1x20x32xf32, #tpu.memory_space<hbm>> -> memref<20x32xf32, #tpu.memory_space<hbm>>
    %dma_wait3A_486 = arith.constant 0 : i32
    %dma_wait3A_487 = arith.constant 0 : i32
    %dma_wait3A_488 = tpu.memref_slice %arg4[%add3A_473, %dma_wait3A_486, %dma_wait3A_487] : memref<16384x20x32xf32, #tpu.memory_space<hbm>> -> memref<1x20x32xf32, #tpu.memory_space<hbm>>
    %dma_wait3A_489 = tpu.memref_squeeze %dma_wait3A_488 : memref<1x20x32xf32, #tpu.memory_space<hbm>> -> memref<20x32xf32, #tpu.memory_space<hbm>>
    %dma_wait3A_490 = arith.constant 0 : i32
    %dma_wait3A_491 = arith.constant 0 : i32
    %dma_wait3A_492 = tpu.memref_slice %arg6[%dma_wait3A_474, %dma_wait3A_490, %dma_wait3A_491] : memref<2x320x32xf32, #tpu.memory_space<vmem>> -> memref<1x320x32xf32, #tpu.memory_space<vmem>>
    %dma_wait3A_493 = tpu.memref_squeeze %dma_wait3A_492 : memref<1x320x32xf32, #tpu.memory_space<vmem>> -> memref<320x32xf32, #tpu.memory_space<vmem>>
    %dma_wait3A_494 = arith.constant 20 : i32
    %dma_wait3A_495 = arith.constant 0 : i32
    %dma_wait3A_496 = tpu.memref_slice %dma_wait3A_493[%dma_wait3A_494, %dma_wait3A_495] : memref<320x32xf32, #tpu.memory_space<vmem>> -> memref<20x32xf32, #tpu.memory_space<vmem>>
    tpu.wait_dma2 semaphore(%arg8 : memref<!tpu.dma_semaphore, #tpu.memory_space<semaphore_mem>>) src(%dma_wait3A_496 : memref<20x32xf32, #tpu.memory_space<vmem>>) dst(%dma_wait3A_489 : memref<20x32xf32, #tpu.memory_space<hbm>>)
    %add3A_497 = arith.constant 496 : i32
    %add3A_498 = arith.addi %mul3A_4, %add3A_497 : i32
    %add3A_499 = arith.constant 2 : i32
    %add3A_500 = arith.addi %add3A_498, %add3A_499 : i32
    %dma_wait3A_501 = arith.constant 1 : i32
    %dma_wait3A_502 = arith.constant 0 : i32
    %dma_wait3A_503 = arith.constant 0 : i32
    %dma_wait3A_504 = tpu.memref_slice %arg6[%dma_wait3A_501, %dma_wait3A_502, %dma_wait3A_503] : memref<2x320x32xf32, #tpu.memory_space<vmem>> -> memref<1x320x32xf32, #tpu.memory_space<vmem>>
    %dma_wait3A_505 = tpu.memref_squeeze %dma_wait3A_504 : memref<1x320x32xf32, #tpu.memory_space<vmem>> -> memref<320x32xf32, #tpu.memory_space<vmem>>
    %dma_wait3A_506 = arith.constant 40 : i32
    %dma_wait3A_507 = arith.constant 0 : i32
    %dma_wait3A_508 = tpu.memref_slice %dma_wait3A_505[%dma_wait3A_506, %dma_wait3A_507] : memref<320x32xf32, #tpu.memory_space<vmem>> -> memref<20x32xf32, #tpu.memory_space<vmem>>
    %dma_wait3A_509 = arith.constant 0 : i32
    %dma_wait3A_510 = arith.constant 0 : i32
    %dma_wait3A_511 = tpu.memref_slice %arg4[%add3A_500, %dma_wait3A_509, %dma_wait3A_510] : memref<16384x20x32xf32, #tpu.memory_space<hbm>> -> memref<1x20x32xf32, #tpu.memory_space<hbm>>
    %dma_wait3A_512 = tpu.memref_squeeze %dma_wait3A_511 : memref<1x20x32xf32, #tpu.memory_space<hbm>> -> memref<20x32xf32, #tpu.memory_space<hbm>>
    %dma_wait3A_513 = arith.constant 0 : i32
    %dma_wait3A_514 = arith.constant 0 : i32
    %dma_wait3A_515 = tpu.memref_slice %arg4[%add3A_500, %dma_wait3A_513, %dma_wait3A_514] : memref<16384x20x32xf32, #tpu.memory_space<hbm>> -> memref<1x20x32xf32, #tpu.memory_space<hbm>>
    %dma_wait3A_516 = tpu.memref_squeeze %dma_wait3A_515 : memref<1x20x32xf32, #tpu.memory_space<hbm>> -> memref<20x32xf32, #tpu.memory_space<hbm>>
    %dma_wait3A_517 = arith.constant 0 : i32
    %dma_wait3A_518 = arith.constant 0 : i32
    %dma_wait3A_519 = tpu.memref_slice %arg6[%dma_wait3A_501, %dma_wait3A_517, %dma_wait3A_518] : memref<2x320x32xf32, #tpu.memory_space<vmem>> -> memref<1x320x32xf32, #tpu.memory_space<vmem>>
    %dma_wait3A_520 = tpu.memref_squeeze %dma_wait3A_519 : memref<1x320x32xf32, #tpu.memory_space<vmem>> -> memref<320x32xf32, #tpu.memory_space<vmem>>
    %dma_wait3A_521 = arith.constant 40 : i32
    %dma_wait3A_522 = arith.constant 0 : i32
    %dma_wait3A_523 = tpu.memref_slice %dma_wait3A_520[%dma_wait3A_521, %dma_wait3A_522] : memref<320x32xf32, #tpu.memory_space<vmem>> -> memref<20x32xf32, #tpu.memory_space<vmem>>
    tpu.wait_dma2 semaphore(%arg8 : memref<!tpu.dma_semaphore, #tpu.memory_space<semaphore_mem>>) src(%dma_wait3A_523 : memref<20x32xf32, #tpu.memory_space<vmem>>) dst(%dma_wait3A_516 : memref<20x32xf32, #tpu.memory_space<hbm>>)
    %add3A_524 = arith.constant 496 : i32
    %add3A_525 = arith.addi %mul3A_4, %add3A_524 : i32
    %add3A_526 = arith.constant 3 : i32
    %add3A_527 = arith.addi %add3A_525, %add3A_526 : i32
    %dma_wait3A_528 = arith.constant 1 : i32
    %dma_wait3A_529 = arith.constant 0 : i32
    %dma_wait3A_530 = arith.constant 0 : i32
    %dma_wait3A_531 = tpu.memref_slice %arg6[%dma_wait3A_528, %dma_wait3A_529, %dma_wait3A_530] : memref<2x320x32xf32, #tpu.memory_space<vmem>> -> memref<1x320x32xf32, #tpu.memory_space<vmem>>
    %dma_wait3A_532 = tpu.memref_squeeze %dma_wait3A_531 : memref<1x320x32xf32, #tpu.memory_space<vmem>> -> memref<320x32xf32, #tpu.memory_space<vmem>>
    %dma_wait3A_533 = arith.constant 60 : i32
    %dma_wait3A_534 = arith.constant 0 : i32
    %dma_wait3A_535 = tpu.memref_slice %dma_wait3A_532[%dma_wait3A_533, %dma_wait3A_534] : memref<320x32xf32, #tpu.memory_space<vmem>> -> memref<20x32xf32, #tpu.memory_space<vmem>>
    %dma_wait3A_536 = arith.constant 0 : i32
    %dma_wait3A_537 = arith.constant 0 : i32
    %dma_wait3A_538 = tpu.memref_slice %arg4[%add3A_527, %dma_wait3A_536, %dma_wait3A_537] : memref<16384x20x32xf32, #tpu.memory_space<hbm>> -> memref<1x20x32xf32, #tpu.memory_space<hbm>>
    %dma_wait3A_539 = tpu.memref_squeeze %dma_wait3A_538 : memref<1x20x32xf32, #tpu.memory_space<hbm>> -> memref<20x32xf32, #tpu.memory_space<hbm>>
    %dma_wait3A_540 = arith.constant 0 : i32
    %dma_wait3A_541 = arith.constant 0 : i32
    %dma_wait3A_542 = tpu.memref_slice %arg4[%add3A_527, %dma_wait3A_540, %dma_wait3A_541] : memref<16384x20x32xf32, #tpu.memory_space<hbm>> -> memref<1x20x32xf32, #tpu.memory_space<hbm>>
    %dma_wait3A_543 = tpu.memref_squeeze %dma_wait3A_542 : memref<1x20x32xf32, #tpu.memory_space<hbm>> -> memref<20x32xf32, #tpu.memory_space<hbm>>
    %dma_wait3A_544 = arith.constant 0 : i32
    %dma_wait3A_545 = arith.constant 0 : i32
    %dma_wait3A_546 = tpu.memref_slice %arg6[%dma_wait3A_528, %dma_wait3A_544, %dma_wait3A_545] : memref<2x320x32xf32, #tpu.memory_space<vmem>> -> memref<1x320x32xf32, #tpu.memory_space<vmem>>
    %dma_wait3A_547 = tpu.memref_squeeze %dma_wait3A_546 : memref<1x320x32xf32, #tpu.memory_space<vmem>> -> memref<320x32xf32, #tpu.memory_space<vmem>>
    %dma_wait3A_548 = arith.constant 60 : i32
    %dma_wait3A_549 = arith.constant 0 : i32
    %dma_wait3A_550 = tpu.memref_slice %dma_wait3A_547[%dma_wait3A_548, %dma_wait3A_549] : memref<320x32xf32, #tpu.memory_space<vmem>> -> memref<20x32xf32, #tpu.memory_space<vmem>>
    tpu.wait_dma2 semaphore(%arg8 : memref<!tpu.dma_semaphore, #tpu.memory_space<semaphore_mem>>) src(%dma_wait3A_550 : memref<20x32xf32, #tpu.memory_space<vmem>>) dst(%dma_wait3A_543 : memref<20x32xf32, #tpu.memory_space<hbm>>)
    %add3A_551 = arith.constant 496 : i32
    %add3A_552 = arith.addi %mul3A_4, %add3A_551 : i32
    %add3A_553 = arith.constant 4 : i32
    %add3A_554 = arith.addi %add3A_552, %add3A_553 : i32
    %dma_wait3A_555 = arith.constant 1 : i32
    %dma_wait3A_556 = arith.constant 0 : i32
    %dma_wait3A_557 = arith.constant 0 : i32
    %dma_wait3A_558 = tpu.memref_slice %arg6[%dma_wait3A_555, %dma_wait3A_556, %dma_wait3A_557] : memref<2x320x32xf32, #tpu.memory_space<vmem>> -> memref<1x320x32xf32, #tpu.memory_space<vmem>>
    %dma_wait3A_559 = tpu.memref_squeeze %dma_wait3A_558 : memref<1x320x32xf32, #tpu.memory_space<vmem>> -> memref<320x32xf32, #tpu.memory_space<vmem>>
    %dma_wait3A_560 = arith.constant 80 : i32
    %dma_wait3A_561 = arith.constant 0 : i32
    %dma_wait3A_562 = tpu.memref_slice %dma_wait3A_559[%dma_wait3A_560, %dma_wait3A_561] : memref<320x32xf32, #tpu.memory_space<vmem>> -> memref<20x32xf32, #tpu.memory_space<vmem>>
    %dma_wait3A_563 = arith.constant 0 : i32
    %dma_wait3A_564 = arith.constant 0 : i32
    %dma_wait3A_565 = tpu.memref_slice %arg4[%add3A_554, %dma_wait3A_563, %dma_wait3A_564] : memref<16384x20x32xf32, #tpu.memory_space<hbm>> -> memref<1x20x32xf32, #tpu.memory_space<hbm>>
    %dma_wait3A_566 = tpu.memref_squeeze %dma_wait3A_565 : memref<1x20x32xf32, #tpu.memory_space<hbm>> -> memref<20x32xf32, #tpu.memory_space<hbm>>
    %dma_wait3A_567 = arith.constant 0 : i32
    %dma_wait3A_568 = arith.constant 0 : i32
    %dma_wait3A_569 = tpu.memref_slice %arg4[%add3A_554, %dma_wait3A_567, %dma_wait3A_568] : memref<16384x20x32xf32, #tpu.memory_space<hbm>> -> memref<1x20x32xf32, #tpu.memory_space<hbm>>
    %dma_wait3A_570 = tpu.memref_squeeze %dma_wait3A_569 : memref<1x20x32xf32, #tpu.memory_space<hbm>> -> memref<20x32xf32, #tpu.memory_space<hbm>>
    %dma_wait3A_571 = arith.constant 0 : i32
    %dma_wait3A_572 = arith.constant 0 : i32
    %dma_wait3A_573 = tpu.memref_slice %arg6[%dma_wait3A_555, %dma_wait3A_571, %dma_wait3A_572] : memref<2x320x32xf32, #tpu.memory_space<vmem>> -> memref<1x320x32xf32, #tpu.memory_space<vmem>>
    %dma_wait3A_574 = tpu.memref_squeeze %dma_wait3A_573 : memref<1x320x32xf32, #tpu.memory_space<vmem>> -> memref<320x32xf32, #tpu.memory_space<vmem>>
    %dma_wait3A_575 = arith.constant 80 : i32
    %dma_wait3A_576 = arith.constant 0 : i32
    %dma_wait3A_577 = tpu.memref_slice %dma_wait3A_574[%dma_wait3A_575, %dma_wait3A_576] : memref<320x32xf32, #tpu.memory_space<vmem>> -> memref<20x32xf32, #tpu.memory_space<vmem>>
    tpu.wait_dma2 semaphore(%arg8 : memref<!tpu.dma_semaphore, #tpu.memory_space<semaphore_mem>>) src(%dma_wait3A_577 : memref<20x32xf32, #tpu.memory_space<vmem>>) dst(%dma_wait3A_570 : memref<20x32xf32, #tpu.memory_space<hbm>>)
    %add3A_578 = arith.constant 496 : i32
    %add3A_579 = arith.addi %mul3A_4, %add3A_578 : i32
    %add3A_580 = arith.constant 5 : i32
    %add3A_581 = arith.addi %add3A_579, %add3A_580 : i32
    %dma_wait3A_582 = arith.constant 1 : i32
    %dma_wait3A_583 = arith.constant 0 : i32
    %dma_wait3A_584 = arith.constant 0 : i32
    %dma_wait3A_585 = tpu.memref_slice %arg6[%dma_wait3A_582, %dma_wait3A_583, %dma_wait3A_584] : memref<2x320x32xf32, #tpu.memory_space<vmem>> -> memref<1x320x32xf32, #tpu.memory_space<vmem>>
    %dma_wait3A_586 = tpu.memref_squeeze %dma_wait3A_585 : memref<1x320x32xf32, #tpu.memory_space<vmem>> -> memref<320x32xf32, #tpu.memory_space<vmem>>
    %dma_wait3A_587 = arith.constant 100 : i32
    %dma_wait3A_588 = arith.constant 0 : i32
    %dma_wait3A_589 = tpu.memref_slice %dma_wait3A_586[%dma_wait3A_587, %dma_wait3A_588] : memref<320x32xf32, #tpu.memory_space<vmem>> -> memref<20x32xf32, #tpu.memory_space<vmem>>
    %dma_wait3A_590 = arith.constant 0 : i32
    %dma_wait3A_591 = arith.constant 0 : i32
    %dma_wait3A_592 = tpu.memref_slice %arg4[%add3A_581, %dma_wait3A_590, %dma_wait3A_591] : memref<16384x20x32xf32, #tpu.memory_space<hbm>> -> memref<1x20x32xf32, #tpu.memory_space<hbm>>
    %dma_wait3A_593 = tpu.memref_squeeze %dma_wait3A_592 : memref<1x20x32xf32, #tpu.memory_space<hbm>> -> memref<20x32xf32, #tpu.memory_space<hbm>>
    %dma_wait3A_594 = arith.constant 0 : i32
    %dma_wait3A_595 = arith.constant 0 : i32
    %dma_wait3A_596 = tpu.memref_slice %arg4[%add3A_581, %dma_wait3A_594, %dma_wait3A_595] : memref<16384x20x32xf32, #tpu.memory_space<hbm>> -> memref<1x20x32xf32, #tpu.memory_space<hbm>>
    %dma_wait3A_597 = tpu.memref_squeeze %dma_wait3A_596 : memref<1x20x32xf32, #tpu.memory_space<hbm>> -> memref<20x32xf32, #tpu.memory_space<hbm>>
    %dma_wait3A_598 = arith.constant 0 : i32
    %dma_wait3A_599 = arith.constant 0 : i32
    %dma_wait3A_600 = tpu.memref_slice %arg6[%dma_wait3A_582, %dma_wait3A_598, %dma_wait3A_599] : memref<2x320x32xf32, #tpu.memory_space<vmem>> -> memref<1x320x32xf32, #tpu.memory_space<vmem>>
    %dma_wait3A_601 = tpu.memref_squeeze %dma_wait3A_600 : memref<1x320x32xf32, #tpu.memory_space<vmem>> -> memref<320x32xf32, #tpu.memory_space<vmem>>
    %dma_wait3A_602 = arith.constant 100 : i32
    %dma_wait3A_603 = arith.constant 0 : i32
    %dma_wait3A_604 = tpu.memref_slice %dma_wait3A_601[%dma_wait3A_602, %dma_wait3A_603] : memref<320x32xf32, #tpu.memory_space<vmem>> -> memref<20x32xf32, #tpu.memory_space<vmem>>
    tpu.wait_dma2 semaphore(%arg8 : memref<!tpu.dma_semaphore, #tpu.memory_space<semaphore_mem>>) src(%dma_wait3A_604 : memref<20x32xf32, #tpu.memory_space<vmem>>) dst(%dma_wait3A_597 : memref<20x32xf32, #tpu.memory_space<hbm>>)
    %add3A_605 = arith.constant 496 : i32
    %add3A_606 = arith.addi %mul3A_4, %add3A_605 : i32
    %add3A_607 = arith.constant 6 : i32
    %add3A_608 = arith.addi %add3A_606, %add3A_607 : i32
    %dma_wait3A_609 = arith.constant 1 : i32
    %dma_wait3A_610 = arith.constant 0 : i32
    %dma_wait3A_611 = arith.constant 0 : i32
    %dma_wait3A_612 = tpu.memref_slice %arg6[%dma_wait3A_609, %dma_wait3A_610, %dma_wait3A_611] : memref<2x320x32xf32, #tpu.memory_space<vmem>> -> memref<1x320x32xf32, #tpu.memory_space<vmem>>
    %dma_wait3A_613 = tpu.memref_squeeze %dma_wait3A_612 : memref<1x320x32xf32, #tpu.memory_space<vmem>> -> memref<320x32xf32, #tpu.memory_space<vmem>>
    %dma_wait3A_614 = arith.constant 120 : i32
    %dma_wait3A_615 = arith.constant 0 : i32
    %dma_wait3A_616 = tpu.memref_slice %dma_wait3A_613[%dma_wait3A_614, %dma_wait3A_615] : memref<320x32xf32, #tpu.memory_space<vmem>> -> memref<20x32xf32, #tpu.memory_space<vmem>>
    %dma_wait3A_617 = arith.constant 0 : i32
    %dma_wait3A_618 = arith.constant 0 : i32
    %dma_wait3A_619 = tpu.memref_slice %arg4[%add3A_608, %dma_wait3A_617, %dma_wait3A_618] : memref<16384x20x32xf32, #tpu.memory_space<hbm>> -> memref<1x20x32xf32, #tpu.memory_space<hbm>>
    %dma_wait3A_620 = tpu.memref_squeeze %dma_wait3A_619 : memref<1x20x32xf32, #tpu.memory_space<hbm>> -> memref<20x32xf32, #tpu.memory_space<hbm>>
    %dma_wait3A_621 = arith.constant 0 : i32
    %dma_wait3A_622 = arith.constant 0 : i32
    %dma_wait3A_623 = tpu.memref_slice %arg4[%add3A_608, %dma_wait3A_621, %dma_wait3A_622] : memref<16384x20x32xf32, #tpu.memory_space<hbm>> -> memref<1x20x32xf32, #tpu.memory_space<hbm>>
    %dma_wait3A_624 = tpu.memref_squeeze %dma_wait3A_623 : memref<1x20x32xf32, #tpu.memory_space<hbm>> -> memref<20x32xf32, #tpu.memory_space<hbm>>
    %dma_wait3A_625 = arith.constant 0 : i32
    %dma_wait3A_626 = arith.constant 0 : i32
    %dma_wait3A_627 = tpu.memref_slice %arg6[%dma_wait3A_609, %dma_wait3A_625, %dma_wait3A_626] : memref<2x320x32xf32, #tpu.memory_space<vmem>> -> memref<1x320x32xf32, #tpu.memory_space<vmem>>
    %dma_wait3A_628 = tpu.memref_squeeze %dma_wait3A_627 : memref<1x320x32xf32, #tpu.memory_space<vmem>> -> memref<320x32xf32, #tpu.memory_space<vmem>>
    %dma_wait3A_629 = arith.constant 120 : i32
    %dma_wait3A_630 = arith.constant 0 : i32
    %dma_wait3A_631 = tpu.memref_slice %dma_wait3A_628[%dma_wait3A_629, %dma_wait3A_630] : memref<320x32xf32, #tpu.memory_space<vmem>> -> memref<20x32xf32, #tpu.memory_space<vmem>>
    tpu.wait_dma2 semaphore(%arg8 : memref<!tpu.dma_semaphore, #tpu.memory_space<semaphore_mem>>) src(%dma_wait3A_631 : memref<20x32xf32, #tpu.memory_space<vmem>>) dst(%dma_wait3A_624 : memref<20x32xf32, #tpu.memory_space<hbm>>)
    %add3A_632 = arith.constant 496 : i32
    %add3A_633 = arith.addi %mul3A_4, %add3A_632 : i32
    %add3A_634 = arith.constant 7 : i32
    %add3A_635 = arith.addi %add3A_633, %add3A_634 : i32
    %dma_wait3A_636 = arith.constant 1 : i32
    %dma_wait3A_637 = arith.constant 0 : i32
    %dma_wait3A_638 = arith.constant 0 : i32
    %dma_wait3A_639 = tpu.memref_slice %arg6[%dma_wait3A_636, %dma_wait3A_637, %dma_wait3A_638] : memref<2x320x32xf32, #tpu.memory_space<vmem>> -> memref<1x320x32xf32, #tpu.memory_space<vmem>>
    %dma_wait3A_640 = tpu.memref_squeeze %dma_wait3A_639 : memref<1x320x32xf32, #tpu.memory_space<vmem>> -> memref<320x32xf32, #tpu.memory_space<vmem>>
    %dma_wait3A_641 = arith.constant 140 : i32
    %dma_wait3A_642 = arith.constant 0 : i32
    %dma_wait3A_643 = tpu.memref_slice %dma_wait3A_640[%dma_wait3A_641, %dma_wait3A_642] : memref<320x32xf32, #tpu.memory_space<vmem>> -> memref<20x32xf32, #tpu.memory_space<vmem>>
    %dma_wait3A_644 = arith.constant 0 : i32
    %dma_wait3A_645 = arith.constant 0 : i32
    %dma_wait3A_646 = tpu.memref_slice %arg4[%add3A_635, %dma_wait3A_644, %dma_wait3A_645] : memref<16384x20x32xf32, #tpu.memory_space<hbm>> -> memref<1x20x32xf32, #tpu.memory_space<hbm>>
    %dma_wait3A_647 = tpu.memref_squeeze %dma_wait3A_646 : memref<1x20x32xf32, #tpu.memory_space<hbm>> -> memref<20x32xf32, #tpu.memory_space<hbm>>
    %dma_wait3A_648 = arith.constant 0 : i32
    %dma_wait3A_649 = arith.constant 0 : i32
    %dma_wait3A_650 = tpu.memref_slice %arg4[%add3A_635, %dma_wait3A_648, %dma_wait3A_649] : memref<16384x20x32xf32, #tpu.memory_space<hbm>> -> memref<1x20x32xf32, #tpu.memory_space<hbm>>
    %dma_wait3A_651 = tpu.memref_squeeze %dma_wait3A_650 : memref<1x20x32xf32, #tpu.memory_space<hbm>> -> memref<20x32xf32, #tpu.memory_space<hbm>>
    %dma_wait3A_652 = arith.constant 0 : i32
    %dma_wait3A_653 = arith.constant 0 : i32
    %dma_wait3A_654 = tpu.memref_slice %arg6[%dma_wait3A_636, %dma_wait3A_652, %dma_wait3A_653] : memref<2x320x32xf32, #tpu.memory_space<vmem>> -> memref<1x320x32xf32, #tpu.memory_space<vmem>>
    %dma_wait3A_655 = tpu.memref_squeeze %dma_wait3A_654 : memref<1x320x32xf32, #tpu.memory_space<vmem>> -> memref<320x32xf32, #tpu.memory_space<vmem>>
    %dma_wait3A_656 = arith.constant 140 : i32
    %dma_wait3A_657 = arith.constant 0 : i32
    %dma_wait3A_658 = tpu.memref_slice %dma_wait3A_655[%dma_wait3A_656, %dma_wait3A_657] : memref<320x32xf32, #tpu.memory_space<vmem>> -> memref<20x32xf32, #tpu.memory_space<vmem>>
    tpu.wait_dma2 semaphore(%arg8 : memref<!tpu.dma_semaphore, #tpu.memory_space<semaphore_mem>>) src(%dma_wait3A_658 : memref<20x32xf32, #tpu.memory_space<vmem>>) dst(%dma_wait3A_651 : memref<20x32xf32, #tpu.memory_space<hbm>>)
    %add3A_659 = arith.constant 496 : i32
    %add3A_660 = arith.addi %mul3A_4, %add3A_659 : i32
    %add3A_661 = arith.constant 8 : i32
    %add3A_662 = arith.addi %add3A_660, %add3A_661 : i32
    %dma_wait3A_663 = arith.constant 1 : i32
    %dma_wait3A_664 = arith.constant 0 : i32
    %dma_wait3A_665 = arith.constant 0 : i32
    %dma_wait3A_666 = tpu.memref_slice %arg6[%dma_wait3A_663, %dma_wait3A_664, %dma_wait3A_665] : memref<2x320x32xf32, #tpu.memory_space<vmem>> -> memref<1x320x32xf32, #tpu.memory_space<vmem>>
    %dma_wait3A_667 = tpu.memref_squeeze %dma_wait3A_666 : memref<1x320x32xf32, #tpu.memory_space<vmem>> -> memref<320x32xf32, #tpu.memory_space<vmem>>
    %dma_wait3A_668 = arith.constant 160 : i32
    %dma_wait3A_669 = arith.constant 0 : i32
    %dma_wait3A_670 = tpu.memref_slice %dma_wait3A_667[%dma_wait3A_668, %dma_wait3A_669] : memref<320x32xf32, #tpu.memory_space<vmem>> -> memref<20x32xf32, #tpu.memory_space<vmem>>
    %dma_wait3A_671 = arith.constant 0 : i32
    %dma_wait3A_672 = arith.constant 0 : i32
    %dma_wait3A_673 = tpu.memref_slice %arg4[%add3A_662, %dma_wait3A_671, %dma_wait3A_672] : memref<16384x20x32xf32, #tpu.memory_space<hbm>> -> memref<1x20x32xf32, #tpu.memory_space<hbm>>
    %dma_wait3A_674 = tpu.memref_squeeze %dma_wait3A_673 : memref<1x20x32xf32, #tpu.memory_space<hbm>> -> memref<20x32xf32, #tpu.memory_space<hbm>>
    %dma_wait3A_675 = arith.constant 0 : i32
    %dma_wait3A_676 = arith.constant 0 : i32
    %dma_wait3A_677 = tpu.memref_slice %arg4[%add3A_662, %dma_wait3A_675, %dma_wait3A_676] : memref<16384x20x32xf32, #tpu.memory_space<hbm>> -> memref<1x20x32xf32, #tpu.memory_space<hbm>>
    %dma_wait3A_678 = tpu.memref_squeeze %dma_wait3A_677 : memref<1x20x32xf32, #tpu.memory_space<hbm>> -> memref<20x32xf32, #tpu.memory_space<hbm>>
    %dma_wait3A_679 = arith.constant 0 : i32
    %dma_wait3A_680 = arith.constant 0 : i32
    %dma_wait3A_681 = tpu.memref_slice %arg6[%dma_wait3A_663, %dma_wait3A_679, %dma_wait3A_680] : memref<2x320x32xf32, #tpu.memory_space<vmem>> -> memref<1x320x32xf32, #tpu.memory_space<vmem>>
    %dma_wait3A_682 = tpu.memref_squeeze %dma_wait3A_681 : memref<1x320x32xf32, #tpu.memory_space<vmem>> -> memref<320x32xf32, #tpu.memory_space<vmem>>
    %dma_wait3A_683 = arith.constant 160 : i32
    %dma_wait3A_684 = arith.constant 0 : i32
    %dma_wait3A_685 = tpu.memref_slice %dma_wait3A_682[%dma_wait3A_683, %dma_wait3A_684] : memref<320x32xf32, #tpu.memory_space<vmem>> -> memref<20x32xf32, #tpu.memory_space<vmem>>
    tpu.wait_dma2 semaphore(%arg8 : memref<!tpu.dma_semaphore, #tpu.memory_space<semaphore_mem>>) src(%dma_wait3A_685 : memref<20x32xf32, #tpu.memory_space<vmem>>) dst(%dma_wait3A_678 : memref<20x32xf32, #tpu.memory_space<hbm>>)
    %add3A_686 = arith.constant 496 : i32
    %add3A_687 = arith.addi %mul3A_4, %add3A_686 : i32
    %add3A_688 = arith.constant 9 : i32
    %add3A_689 = arith.addi %add3A_687, %add3A_688 : i32
    %dma_wait3A_690 = arith.constant 1 : i32
    %dma_wait3A_691 = arith.constant 0 : i32
    %dma_wait3A_692 = arith.constant 0 : i32
    %dma_wait3A_693 = tpu.memref_slice %arg6[%dma_wait3A_690, %dma_wait3A_691, %dma_wait3A_692] : memref<2x320x32xf32, #tpu.memory_space<vmem>> -> memref<1x320x32xf32, #tpu.memory_space<vmem>>
    %dma_wait3A_694 = tpu.memref_squeeze %dma_wait3A_693 : memref<1x320x32xf32, #tpu.memory_space<vmem>> -> memref<320x32xf32, #tpu.memory_space<vmem>>
    %dma_wait3A_695 = arith.constant 180 : i32
    %dma_wait3A_696 = arith.constant 0 : i32
    %dma_wait3A_697 = tpu.memref_slice %dma_wait3A_694[%dma_wait3A_695, %dma_wait3A_696] : memref<320x32xf32, #tpu.memory_space<vmem>> -> memref<20x32xf32, #tpu.memory_space<vmem>>
    %dma_wait3A_698 = arith.constant 0 : i32
    %dma_wait3A_699 = arith.constant 0 : i32
    %dma_wait3A_700 = tpu.memref_slice %arg4[%add3A_689, %dma_wait3A_698, %dma_wait3A_699] : memref<16384x20x32xf32, #tpu.memory_space<hbm>> -> memref<1x20x32xf32, #tpu.memory_space<hbm>>
    %dma_wait3A_701 = tpu.memref_squeeze %dma_wait3A_700 : memref<1x20x32xf32, #tpu.memory_space<hbm>> -> memref<20x32xf32, #tpu.memory_space<hbm>>
    %dma_wait3A_702 = arith.constant 0 : i32
    %dma_wait3A_703 = arith.constant 0 : i32
    %dma_wait3A_704 = tpu.memref_slice %arg4[%add3A_689, %dma_wait3A_702, %dma_wait3A_703] : memref<16384x20x32xf32, #tpu.memory_space<hbm>> -> memref<1x20x32xf32, #tpu.memory_space<hbm>>
    %dma_wait3A_705 = tpu.memref_squeeze %dma_wait3A_704 : memref<1x20x32xf32, #tpu.memory_space<hbm>> -> memref<20x32xf32, #tpu.memory_space<hbm>>
    %dma_wait3A_706 = arith.constant 0 : i32
    %dma_wait3A_707 = arith.constant 0 : i32
    %dma_wait3A_708 = tpu.memref_slice %arg6[%dma_wait3A_690, %dma_wait3A_706, %dma_wait3A_707] : memref<2x320x32xf32, #tpu.memory_space<vmem>> -> memref<1x320x32xf32, #tpu.memory_space<vmem>>
    %dma_wait3A_709 = tpu.memref_squeeze %dma_wait3A_708 : memref<1x320x32xf32, #tpu.memory_space<vmem>> -> memref<320x32xf32, #tpu.memory_space<vmem>>
    %dma_wait3A_710 = arith.constant 180 : i32
    %dma_wait3A_711 = arith.constant 0 : i32
    %dma_wait3A_712 = tpu.memref_slice %dma_wait3A_709[%dma_wait3A_710, %dma_wait3A_711] : memref<320x32xf32, #tpu.memory_space<vmem>> -> memref<20x32xf32, #tpu.memory_space<vmem>>
    tpu.wait_dma2 semaphore(%arg8 : memref<!tpu.dma_semaphore, #tpu.memory_space<semaphore_mem>>) src(%dma_wait3A_712 : memref<20x32xf32, #tpu.memory_space<vmem>>) dst(%dma_wait3A_705 : memref<20x32xf32, #tpu.memory_space<hbm>>)
    %add3A_713 = arith.constant 496 : i32
    %add3A_714 = arith.addi %mul3A_4, %add3A_713 : i32
    %add3A_715 = arith.constant 10 : i32
    %add3A_716 = arith.addi %add3A_714, %add3A_715 : i32
    %dma_wait3A_717 = arith.constant 1 : i32
    %dma_wait3A_718 = arith.constant 0 : i32
    %dma_wait3A_719 = arith.constant 0 : i32
    %dma_wait3A_720 = tpu.memref_slice %arg6[%dma_wait3A_717, %dma_wait3A_718, %dma_wait3A_719] : memref<2x320x32xf32, #tpu.memory_space<vmem>> -> memref<1x320x32xf32, #tpu.memory_space<vmem>>
    %dma_wait3A_721 = tpu.memref_squeeze %dma_wait3A_720 : memref<1x320x32xf32, #tpu.memory_space<vmem>> -> memref<320x32xf32, #tpu.memory_space<vmem>>
    %dma_wait3A_722 = arith.constant 200 : i32
    %dma_wait3A_723 = arith.constant 0 : i32
    %dma_wait3A_724 = tpu.memref_slice %dma_wait3A_721[%dma_wait3A_722, %dma_wait3A_723] : memref<320x32xf32, #tpu.memory_space<vmem>> -> memref<20x32xf32, #tpu.memory_space<vmem>>
    %dma_wait3A_725 = arith.constant 0 : i32
    %dma_wait3A_726 = arith.constant 0 : i32
    %dma_wait3A_727 = tpu.memref_slice %arg4[%add3A_716, %dma_wait3A_725, %dma_wait3A_726] : memref<16384x20x32xf32, #tpu.memory_space<hbm>> -> memref<1x20x32xf32, #tpu.memory_space<hbm>>
    %dma_wait3A_728 = tpu.memref_squeeze %dma_wait3A_727 : memref<1x20x32xf32, #tpu.memory_space<hbm>> -> memref<20x32xf32, #tpu.memory_space<hbm>>
    %dma_wait3A_729 = arith.constant 0 : i32
    %dma_wait3A_730 = arith.constant 0 : i32
    %dma_wait3A_731 = tpu.memref_slice %arg4[%add3A_716, %dma_wait3A_729, %dma_wait3A_730] : memref<16384x20x32xf32, #tpu.memory_space<hbm>> -> memref<1x20x32xf32, #tpu.memory_space<hbm>>
    %dma_wait3A_732 = tpu.memref_squeeze %dma_wait3A_731 : memref<1x20x32xf32, #tpu.memory_space<hbm>> -> memref<20x32xf32, #tpu.memory_space<hbm>>
    %dma_wait3A_733 = arith.constant 0 : i32
    %dma_wait3A_734 = arith.constant 0 : i32
    %dma_wait3A_735 = tpu.memref_slice %arg6[%dma_wait3A_717, %dma_wait3A_733, %dma_wait3A_734] : memref<2x320x32xf32, #tpu.memory_space<vmem>> -> memref<1x320x32xf32, #tpu.memory_space<vmem>>
    %dma_wait3A_736 = tpu.memref_squeeze %dma_wait3A_735 : memref<1x320x32xf32, #tpu.memory_space<vmem>> -> memref<320x32xf32, #tpu.memory_space<vmem>>
    %dma_wait3A_737 = arith.constant 200 : i32
    %dma_wait3A_738 = arith.constant 0 : i32
    %dma_wait3A_739 = tpu.memref_slice %dma_wait3A_736[%dma_wait3A_737, %dma_wait3A_738] : memref<320x32xf32, #tpu.memory_space<vmem>> -> memref<20x32xf32, #tpu.memory_space<vmem>>
    tpu.wait_dma2 semaphore(%arg8 : memref<!tpu.dma_semaphore, #tpu.memory_space<semaphore_mem>>) src(%dma_wait3A_739 : memref<20x32xf32, #tpu.memory_space<vmem>>) dst(%dma_wait3A_732 : memref<20x32xf32, #tpu.memory_space<hbm>>)
    %add3A_740 = arith.constant 496 : i32
    %add3A_741 = arith.addi %mul3A_4, %add3A_740 : i32
    %add3A_742 = arith.constant 11 : i32
    %add3A_743 = arith.addi %add3A_741, %add3A_742 : i32
    %dma_wait3A_744 = arith.constant 1 : i32
    %dma_wait3A_745 = arith.constant 0 : i32
    %dma_wait3A_746 = arith.constant 0 : i32
    %dma_wait3A_747 = tpu.memref_slice %arg6[%dma_wait3A_744, %dma_wait3A_745, %dma_wait3A_746] : memref<2x320x32xf32, #tpu.memory_space<vmem>> -> memref<1x320x32xf32, #tpu.memory_space<vmem>>
    %dma_wait3A_748 = tpu.memref_squeeze %dma_wait3A_747 : memref<1x320x32xf32, #tpu.memory_space<vmem>> -> memref<320x32xf32, #tpu.memory_space<vmem>>
    %dma_wait3A_749 = arith.constant 220 : i32
    %dma_wait3A_750 = arith.constant 0 : i32
    %dma_wait3A_751 = tpu.memref_slice %dma_wait3A_748[%dma_wait3A_749, %dma_wait3A_750] : memref<320x32xf32, #tpu.memory_space<vmem>> -> memref<20x32xf32, #tpu.memory_space<vmem>>
    %dma_wait3A_752 = arith.constant 0 : i32
    %dma_wait3A_753 = arith.constant 0 : i32
    %dma_wait3A_754 = tpu.memref_slice %arg4[%add3A_743, %dma_wait3A_752, %dma_wait3A_753] : memref<16384x20x32xf32, #tpu.memory_space<hbm>> -> memref<1x20x32xf32, #tpu.memory_space<hbm>>
    %dma_wait3A_755 = tpu.memref_squeeze %dma_wait3A_754 : memref<1x20x32xf32, #tpu.memory_space<hbm>> -> memref<20x32xf32, #tpu.memory_space<hbm>>
    %dma_wait3A_756 = arith.constant 0 : i32
    %dma_wait3A_757 = arith.constant 0 : i32
    %dma_wait3A_758 = tpu.memref_slice %arg4[%add3A_743, %dma_wait3A_756, %dma_wait3A_757] : memref<16384x20x32xf32, #tpu.memory_space<hbm>> -> memref<1x20x32xf32, #tpu.memory_space<hbm>>
    %dma_wait3A_759 = tpu.memref_squeeze %dma_wait3A_758 : memref<1x20x32xf32, #tpu.memory_space<hbm>> -> memref<20x32xf32, #tpu.memory_space<hbm>>
    %dma_wait3A_760 = arith.constant 0 : i32
    %dma_wait3A_761 = arith.constant 0 : i32
    %dma_wait3A_762 = tpu.memref_slice %arg6[%dma_wait3A_744, %dma_wait3A_760, %dma_wait3A_761] : memref<2x320x32xf32, #tpu.memory_space<vmem>> -> memref<1x320x32xf32, #tpu.memory_space<vmem>>
    %dma_wait3A_763 = tpu.memref_squeeze %dma_wait3A_762 : memref<1x320x32xf32, #tpu.memory_space<vmem>> -> memref<320x32xf32, #tpu.memory_space<vmem>>
    %dma_wait3A_764 = arith.constant 220 : i32
    %dma_wait3A_765 = arith.constant 0 : i32
    %dma_wait3A_766 = tpu.memref_slice %dma_wait3A_763[%dma_wait3A_764, %dma_wait3A_765] : memref<320x32xf32, #tpu.memory_space<vmem>> -> memref<20x32xf32, #tpu.memory_space<vmem>>
    tpu.wait_dma2 semaphore(%arg8 : memref<!tpu.dma_semaphore, #tpu.memory_space<semaphore_mem>>) src(%dma_wait3A_766 : memref<20x32xf32, #tpu.memory_space<vmem>>) dst(%dma_wait3A_759 : memref<20x32xf32, #tpu.memory_space<hbm>>)
    %add3A_767 = arith.constant 496 : i32
    %add3A_768 = arith.addi %mul3A_4, %add3A_767 : i32
    %add3A_769 = arith.constant 12 : i32
    %add3A_770 = arith.addi %add3A_768, %add3A_769 : i32
    %dma_wait3A_771 = arith.constant 1 : i32
    %dma_wait3A_772 = arith.constant 0 : i32
    %dma_wait3A_773 = arith.constant 0 : i32
    %dma_wait3A_774 = tpu.memref_slice %arg6[%dma_wait3A_771, %dma_wait3A_772, %dma_wait3A_773] : memref<2x320x32xf32, #tpu.memory_space<vmem>> -> memref<1x320x32xf32, #tpu.memory_space<vmem>>
    %dma_wait3A_775 = tpu.memref_squeeze %dma_wait3A_774 : memref<1x320x32xf32, #tpu.memory_space<vmem>> -> memref<320x32xf32, #tpu.memory_space<vmem>>
    %dma_wait3A_776 = arith.constant 240 : i32
    %dma_wait3A_777 = arith.constant 0 : i32
    %dma_wait3A_778 = tpu.memref_slice %dma_wait3A_775[%dma_wait3A_776, %dma_wait3A_777] : memref<320x32xf32, #tpu.memory_space<vmem>> -> memref<20x32xf32, #tpu.memory_space<vmem>>
    %dma_wait3A_779 = arith.constant 0 : i32
    %dma_wait3A_780 = arith.constant 0 : i32
    %dma_wait3A_781 = tpu.memref_slice %arg4[%add3A_770, %dma_wait3A_779, %dma_wait3A_780] : memref<16384x20x32xf32, #tpu.memory_space<hbm>> -> memref<1x20x32xf32, #tpu.memory_space<hbm>>
    %dma_wait3A_782 = tpu.memref_squeeze %dma_wait3A_781 : memref<1x20x32xf32, #tpu.memory_space<hbm>> -> memref<20x32xf32, #tpu.memory_space<hbm>>
    %dma_wait3A_783 = arith.constant 0 : i32
    %dma_wait3A_784 = arith.constant 0 : i32
    %dma_wait3A_785 = tpu.memref_slice %arg4[%add3A_770, %dma_wait3A_783, %dma_wait3A_784] : memref<16384x20x32xf32, #tpu.memory_space<hbm>> -> memref<1x20x32xf32, #tpu.memory_space<hbm>>
    %dma_wait3A_786 = tpu.memref_squeeze %dma_wait3A_785 : memref<1x20x32xf32, #tpu.memory_space<hbm>> -> memref<20x32xf32, #tpu.memory_space<hbm>>
    %dma_wait3A_787 = arith.constant 0 : i32
    %dma_wait3A_788 = arith.constant 0 : i32
    %dma_wait3A_789 = tpu.memref_slice %arg6[%dma_wait3A_771, %dma_wait3A_787, %dma_wait3A_788] : memref<2x320x32xf32, #tpu.memory_space<vmem>> -> memref<1x320x32xf32, #tpu.memory_space<vmem>>
    %dma_wait3A_790 = tpu.memref_squeeze %dma_wait3A_789 : memref<1x320x32xf32, #tpu.memory_space<vmem>> -> memref<320x32xf32, #tpu.memory_space<vmem>>
    %dma_wait3A_791 = arith.constant 240 : i32
    %dma_wait3A_792 = arith.constant 0 : i32
    %dma_wait3A_793 = tpu.memref_slice %dma_wait3A_790[%dma_wait3A_791, %dma_wait3A_792] : memref<320x32xf32, #tpu.memory_space<vmem>> -> memref<20x32xf32, #tpu.memory_space<vmem>>
    tpu.wait_dma2 semaphore(%arg8 : memref<!tpu.dma_semaphore, #tpu.memory_space<semaphore_mem>>) src(%dma_wait3A_793 : memref<20x32xf32, #tpu.memory_space<vmem>>) dst(%dma_wait3A_786 : memref<20x32xf32, #tpu.memory_space<hbm>>)
    %add3A_794 = arith.constant 496 : i32
    %add3A_795 = arith.addi %mul3A_4, %add3A_794 : i32
    %add3A_796 = arith.constant 13 : i32
    %add3A_797 = arith.addi %add3A_795, %add3A_796 : i32
    %dma_wait3A_798 = arith.constant 1 : i32
    %dma_wait3A_799 = arith.constant 0 : i32
    %dma_wait3A_800 = arith.constant 0 : i32
    %dma_wait3A_801 = tpu.memref_slice %arg6[%dma_wait3A_798, %dma_wait3A_799, %dma_wait3A_800] : memref<2x320x32xf32, #tpu.memory_space<vmem>> -> memref<1x320x32xf32, #tpu.memory_space<vmem>>
    %dma_wait3A_802 = tpu.memref_squeeze %dma_wait3A_801 : memref<1x320x32xf32, #tpu.memory_space<vmem>> -> memref<320x32xf32, #tpu.memory_space<vmem>>
    %dma_wait3A_803 = arith.constant 260 : i32
    %dma_wait3A_804 = arith.constant 0 : i32
    %dma_wait3A_805 = tpu.memref_slice %dma_wait3A_802[%dma_wait3A_803, %dma_wait3A_804] : memref<320x32xf32, #tpu.memory_space<vmem>> -> memref<20x32xf32, #tpu.memory_space<vmem>>
    %dma_wait3A_806 = arith.constant 0 : i32
    %dma_wait3A_807 = arith.constant 0 : i32
    %dma_wait3A_808 = tpu.memref_slice %arg4[%add3A_797, %dma_wait3A_806, %dma_wait3A_807] : memref<16384x20x32xf32, #tpu.memory_space<hbm>> -> memref<1x20x32xf32, #tpu.memory_space<hbm>>
    %dma_wait3A_809 = tpu.memref_squeeze %dma_wait3A_808 : memref<1x20x32xf32, #tpu.memory_space<hbm>> -> memref<20x32xf32, #tpu.memory_space<hbm>>
    %dma_wait3A_810 = arith.constant 0 : i32
    %dma_wait3A_811 = arith.constant 0 : i32
    %dma_wait3A_812 = tpu.memref_slice %arg4[%add3A_797, %dma_wait3A_810, %dma_wait3A_811] : memref<16384x20x32xf32, #tpu.memory_space<hbm>> -> memref<1x20x32xf32, #tpu.memory_space<hbm>>
    %dma_wait3A_813 = tpu.memref_squeeze %dma_wait3A_812 : memref<1x20x32xf32, #tpu.memory_space<hbm>> -> memref<20x32xf32, #tpu.memory_space<hbm>>
    %dma_wait3A_814 = arith.constant 0 : i32
    %dma_wait3A_815 = arith.constant 0 : i32
    %dma_wait3A_816 = tpu.memref_slice %arg6[%dma_wait3A_798, %dma_wait3A_814, %dma_wait3A_815] : memref<2x320x32xf32, #tpu.memory_space<vmem>> -> memref<1x320x32xf32, #tpu.memory_space<vmem>>
    %dma_wait3A_817 = tpu.memref_squeeze %dma_wait3A_816 : memref<1x320x32xf32, #tpu.memory_space<vmem>> -> memref<320x32xf32, #tpu.memory_space<vmem>>
    %dma_wait3A_818 = arith.constant 260 : i32
    %dma_wait3A_819 = arith.constant 0 : i32
    %dma_wait3A_820 = tpu.memref_slice %dma_wait3A_817[%dma_wait3A_818, %dma_wait3A_819] : memref<320x32xf32, #tpu.memory_space<vmem>> -> memref<20x32xf32, #tpu.memory_space<vmem>>
    tpu.wait_dma2 semaphore(%arg8 : memref<!tpu.dma_semaphore, #tpu.memory_space<semaphore_mem>>) src(%dma_wait3A_820 : memref<20x32xf32, #tpu.memory_space<vmem>>) dst(%dma_wait3A_813 : memref<20x32xf32, #tpu.memory_space<hbm>>)
    %add3A_821 = arith.constant 496 : i32
    %add3A_822 = arith.addi %mul3A_4, %add3A_821 : i32
    %add3A_823 = arith.constant 14 : i32
    %add3A_824 = arith.addi %add3A_822, %add3A_823 : i32
    %dma_wait3A_825 = arith.constant 1 : i32
    %dma_wait3A_826 = arith.constant 0 : i32
    %dma_wait3A_827 = arith.constant 0 : i32
    %dma_wait3A_828 = tpu.memref_slice %arg6[%dma_wait3A_825, %dma_wait3A_826, %dma_wait3A_827] : memref<2x320x32xf32, #tpu.memory_space<vmem>> -> memref<1x320x32xf32, #tpu.memory_space<vmem>>
    %dma_wait3A_829 = tpu.memref_squeeze %dma_wait3A_828 : memref<1x320x32xf32, #tpu.memory_space<vmem>> -> memref<320x32xf32, #tpu.memory_space<vmem>>
    %dma_wait3A_830 = arith.constant 280 : i32
    %dma_wait3A_831 = arith.constant 0 : i32
    %dma_wait3A_832 = tpu.memref_slice %dma_wait3A_829[%dma_wait3A_830, %dma_wait3A_831] : memref<320x32xf32, #tpu.memory_space<vmem>> -> memref<20x32xf32, #tpu.memory_space<vmem>>
    %dma_wait3A_833 = arith.constant 0 : i32
    %dma_wait3A_834 = arith.constant 0 : i32
    %dma_wait3A_835 = tpu.memref_slice %arg4[%add3A_824, %dma_wait3A_833, %dma_wait3A_834] : memref<16384x20x32xf32, #tpu.memory_space<hbm>> -> memref<1x20x32xf32, #tpu.memory_space<hbm>>
    %dma_wait3A_836 = tpu.memref_squeeze %dma_wait3A_835 : memref<1x20x32xf32, #tpu.memory_space<hbm>> -> memref<20x32xf32, #tpu.memory_space<hbm>>
    %dma_wait3A_837 = arith.constant 0 : i32
    %dma_wait3A_838 = arith.constant 0 : i32
    %dma_wait3A_839 = tpu.memref_slice %arg4[%add3A_824, %dma_wait3A_837, %dma_wait3A_838] : memref<16384x20x32xf32, #tpu.memory_space<hbm>> -> memref<1x20x32xf32, #tpu.memory_space<hbm>>
    %dma_wait3A_840 = tpu.memref_squeeze %dma_wait3A_839 : memref<1x20x32xf32, #tpu.memory_space<hbm>> -> memref<20x32xf32, #tpu.memory_space<hbm>>
    %dma_wait3A_841 = arith.constant 0 : i32
    %dma_wait3A_842 = arith.constant 0 : i32
    %dma_wait3A_843 = tpu.memref_slice %arg6[%dma_wait3A_825, %dma_wait3A_841, %dma_wait3A_842] : memref<2x320x32xf32, #tpu.memory_space<vmem>> -> memref<1x320x32xf32, #tpu.memory_space<vmem>>
    %dma_wait3A_844 = tpu.memref_squeeze %dma_wait3A_843 : memref<1x320x32xf32, #tpu.memory_space<vmem>> -> memref<320x32xf32, #tpu.memory_space<vmem>>
    %dma_wait3A_845 = arith.constant 280 : i32
    %dma_wait3A_846 = arith.constant 0 : i32
    %dma_wait3A_847 = tpu.memref_slice %dma_wait3A_844[%dma_wait3A_845, %dma_wait3A_846] : memref<320x32xf32, #tpu.memory_space<vmem>> -> memref<20x32xf32, #tpu.memory_space<vmem>>
    tpu.wait_dma2 semaphore(%arg8 : memref<!tpu.dma_semaphore, #tpu.memory_space<semaphore_mem>>) src(%dma_wait3A_847 : memref<20x32xf32, #tpu.memory_space<vmem>>) dst(%dma_wait3A_840 : memref<20x32xf32, #tpu.memory_space<hbm>>)
    %add3A_848 = arith.constant 496 : i32
    %add3A_849 = arith.addi %mul3A_4, %add3A_848 : i32
    %add3A_850 = arith.constant 15 : i32
    %add3A_851 = arith.addi %add3A_849, %add3A_850 : i32
    %dma_wait3A_852 = arith.constant 1 : i32
    %dma_wait3A_853 = arith.constant 0 : i32
    %dma_wait3A_854 = arith.constant 0 : i32
    %dma_wait3A_855 = tpu.memref_slice %arg6[%dma_wait3A_852, %dma_wait3A_853, %dma_wait3A_854] : memref<2x320x32xf32, #tpu.memory_space<vmem>> -> memref<1x320x32xf32, #tpu.memory_space<vmem>>
    %dma_wait3A_856 = tpu.memref_squeeze %dma_wait3A_855 : memref<1x320x32xf32, #tpu.memory_space<vmem>> -> memref<320x32xf32, #tpu.memory_space<vmem>>
    %dma_wait3A_857 = arith.constant 300 : i32
    %dma_wait3A_858 = arith.constant 0 : i32
    %dma_wait3A_859 = tpu.memref_slice %dma_wait3A_856[%dma_wait3A_857, %dma_wait3A_858] : memref<320x32xf32, #tpu.memory_space<vmem>> -> memref<20x32xf32, #tpu.memory_space<vmem>>
    %dma_wait3A_860 = arith.constant 0 : i32
    %dma_wait3A_861 = arith.constant 0 : i32
    %dma_wait3A_862 = tpu.memref_slice %arg4[%add3A_851, %dma_wait3A_860, %dma_wait3A_861] : memref<16384x20x32xf32, #tpu.memory_space<hbm>> -> memref<1x20x32xf32, #tpu.memory_space<hbm>>
    %dma_wait3A_863 = tpu.memref_squeeze %dma_wait3A_862 : memref<1x20x32xf32, #tpu.memory_space<hbm>> -> memref<20x32xf32, #tpu.memory_space<hbm>>
    %dma_wait3A_864 = arith.constant 0 : i32
    %dma_wait3A_865 = arith.constant 0 : i32
    %dma_wait3A_866 = tpu.memref_slice %arg4[%add3A_851, %dma_wait3A_864, %dma_wait3A_865] : memref<16384x20x32xf32, #tpu.memory_space<hbm>> -> memref<1x20x32xf32, #tpu.memory_space<hbm>>
    %dma_wait3A_867 = tpu.memref_squeeze %dma_wait3A_866 : memref<1x20x32xf32, #tpu.memory_space<hbm>> -> memref<20x32xf32, #tpu.memory_space<hbm>>
    %dma_wait3A_868 = arith.constant 0 : i32
    %dma_wait3A_869 = arith.constant 0 : i32
    %dma_wait3A_870 = tpu.memref_slice %arg6[%dma_wait3A_852, %dma_wait3A_868, %dma_wait3A_869] : memref<2x320x32xf32, #tpu.memory_space<vmem>> -> memref<1x320x32xf32, #tpu.memory_space<vmem>>
    %dma_wait3A_871 = tpu.memref_squeeze %dma_wait3A_870 : memref<1x320x32xf32, #tpu.memory_space<vmem>> -> memref<320x32xf32, #tpu.memory_space<vmem>>
    %dma_wait3A_872 = arith.constant 300 : i32
    %dma_wait3A_873 = arith.constant 0 : i32
    %dma_wait3A_874 = tpu.memref_slice %dma_wait3A_871[%dma_wait3A_872, %dma_wait3A_873] : memref<320x32xf32, #tpu.memory_space<vmem>> -> memref<20x32xf32, #tpu.memory_space<vmem>>
    tpu.wait_dma2 semaphore(%arg8 : memref<!tpu.dma_semaphore, #tpu.memory_space<semaphore_mem>>) src(%dma_wait3A_874 : memref<20x32xf32, #tpu.memory_space<vmem>>) dst(%dma_wait3A_867 : memref<20x32xf32, #tpu.memory_space<hbm>>)
    return
  }
}

</mosaic_0001>

<sc_bundles>
// kernel: _emb_call.3.cloned.1.call-start
scs
__scs_entry_jumppad:
0x0: {  	(pc) =	sbr.rel $0x88, $3  }
0x1: {  	(tag) =	ssettag $0x0;
	lr =	simm.s32 $0x1  }
0x2: {  	[smem:$0x3F9F] =	sst lr;
	_ =	strace $0xD0000000  }
0x3: {  	_ = 	snop  }
0x4: {  	_ = 	snop  }
0x5: {  	_ = 	snop  }
0x6: {  	_ = 	snop  }
0x7: {  	_ = 	snop  }
__scs_overlays_trampoline_lowered:
0x8: {  	[smem:$0x3FAE] =	sst s0  }
0x9: {  	[smem:$0x3FAF] =	sst s1  }
0xa: {  	[smem:$0x3FB0] =	sst s2  }
0xb: {  	[smem:$0x3FB1] =	sst s3  }
0xc: {  	[smem:$0x3FB2] =	sst s4  }
0xd: {  	[smem:$0x3FB3] =	sst s5  }
0xe: {  	[smem:$0x3FB4] =	sst s6  }
0xf: {  	[smem:$0x3FB5] =	sst s7  }
0x10: {  	[smem:$0x3FB6] =	sst s8  }
0x11: {  	[smem:$0x3FB7] =	sst s9;
	s0 =	simm.s32 @!p0 $0x0  }
0x12: {  	s1 =	sld [smem:$0x3F9D];
	s0 =	simm.s32 @p0 $0x1  }
0x13: {  	[smem:$0x3FB8] =	sst s0;
	s0 =	simm.s32 @!p1 $0x0  }
0x14: {  	s2 =	sld [smem:$0x3F9C];
	s0 =	simm.s32 @p1 $0x1  }
0x15: {  	[smem:$0x3FB9] =	sst s0;
	s0 =	simm.s32 @!p2 $0x0  }
0x16: {  	s3 =	sld [smem:$0x3FDB];
	s0 =	simm.s32 @p2 $0x1  }
0x17: {  	s4 =	simm.s32 $0x1BF5;
	[smem:$0x3FBB] =	sst s0  }
0x18: {  	s0 =	sld [smem:$0x3F9E];
	_ =	swait.ge [sflag:s4], $0x0  }
0x19: {  	s7 =	sld [smem:$0x3F9F]  }
0x1a: {  	s8 =	sadd.s32 $0xFFFFE003, lr  }
0x1b: {  	s9 =	sadd.s32 $0xFFFFFEF7, lr;
	s5 =	simm.s32 $0xFFFFFFFF;
	p2 =	slt.u32 s8, $0xFFFFF086  }
0x1c: {  	p1 =	slt.u32 s9, $0xF7A;
	s5 =	simm.s32 @!p2 $0x0  }
0x1d: {  	s5 =	simm.s32 @p1 $0x1;
	p0 =	seq.s32 s7, s2  }
0x1e: {  	s7 =	smul.u32 @!p0 $0xF7A, s2;
	p2 =	seq.s32 @!p0 s5, $0x0  }
0x1f: {  	s9 =	smul.u32 $0xF7A, s1;
	s8 =	simm.s32 @!p0 $0x1BF5;
	p2 =	por !p2, p0  }
0x20: {  	[sflag:s8] =	ssyncset.s32 @!p0 $0xFFFFF086;
	s6 =	sadd.s32 @!p0 s3, s7;
	s7 =	simm.s32 @!p0 $0x108  }
0x21: {  	s3 =	sadd.s32 s3, s9;
	s6 =	sadd.s32 @!p0 $0x88, s6;
	s7 =	simm.s32 @p2 $0x1082  }
0x22: {  	[simem:s7], [sflag:s8] =	dma.local @!p0 [hbm:s6], $0xF7A  }
0x23: {  	s9 =	sor.u32 $0xD0000000, s2;
	s6 =	simm.s32 $0x108;
	_ =	swait.ge @!p0 [sflag:s8], $0x0  }
0x24: {  	s3 =	sadd.s32 $0x88, s3;
	s6 =	simm.s32 @!p1 $0x1082;
	[sflag:s4] =	ssyncset.s32 $0xFFFFF086  }
0x25: {  	[simem:s6], [sflag:s4] =	dma.local [hbm:s3], $0xF7A  }
0x26: {  	[smem:$0x3F9F] =	sst s1;
	(tag) =	ssettag s2;
	_ =	strace s9  }
0x27: {  	s1 =	sld [smem:$0x3FAF]  }
0x28: {  	s2 =	sld [smem:$0x3FB0]  }
0x29: {  	s4 =	sld [smem:$0x3FB2]  }
0x2a: {  	p0 =	seq.s32 s5, $0x0;
	s5 =	sld [smem:$0x3FB3]  }
0x2b: {  	s6 =	sld [smem:$0x3FB4]  }
0x2c: {  	s7 =	sld [smem:$0x3FB5]  }
0x2d: {  	s3 =	simm.s32 $0x108;
	s8 =	sld [smem:$0x3FB6]  }
0x2e: {  	s3 =	simm.s32 @!p0 $0x1082;
	s9 =	sld [smem:$0x3FB7]  }
0x2f: {  	lr =	sadd.s32 s0, s3;
	s0 =	sld [smem:$0x3FAE]  }
0x30: {  	s3 =	sld [smem:$0x3FB1]  }
0x31: {  	[smem:$0x3FBA] =	sst s10  }
0x32: {  	s10 =	sld [smem:$0x3FB8];
	_ =	sdelay $0x3  }
0x33: {  	p0 =	seq.s32 s10, $0x1;
	s10 =	sld [smem:$0x3FBA];
	_ =	sdelay $0x3  }
0x34: {  	[smem:$0x3FBA] =	sst s10  }
0x35: {  	s10 =	sld [smem:$0x3FB9];
	_ =	sdelay $0x3  }
0x36: {  	p1 =	seq.s32 s10, $0x1;
	s10 =	sld [smem:$0x3FBA];
	_ =	sdelay $0x3  }
0x37: {  	[smem:$0x3FBA] =	sst s10  }
0x38: {  	s10 =	sld [smem:$0x3FBB]  }
0x39: {  	_ = 	snop;
	(pc) =	sbr.ind lr, $3  }
0x3a: {  	_ = 	snop  }
0x3b: {  	_ = 	snop  }
0x3c: {  	p2 =	seq.s32 s10, $0x1;
	s10 =	sld [smem:$0x3FBA]  }
0x3d: {  	_ =	shalt  }
0x3e: {  	_ =	shalt  }
0x3f: {  	_ =	shalt  }
0x40: {  	_ =	shalt  }
0x41: {  	_ =	shalt  }
0x42: {  	_ =	shalt  }
0x43: {  	_ =	shalt  }
0x44: {  	_ =	shalt  }
0x45: {  	_ =	shalt  }
0x46: {  	_ =	shalt  }
0x47: {  	_ =	shalt  }
0x48: {  	_ =	shalt  }
0x49: {  	_ =	shalt  }
0x4a: {  	_ =	shalt  }
0x4b: {  	_ =	shalt  }
0x4c: {  	_ =	shalt  }
0x4d: {  	_ =	shalt  }
0x4e: {  	_ =	shalt  }
0x4f: {  	_ =	shalt  }
0x50: {  	_ =	shalt  }
0x51: {  	_ =	shalt  }
0x52: {  	_ =	shalt  }
0x53: {  	_ =	shalt  }
0x54: {  	_ =	shalt  }
0x55: {  	_ =	shalt  }
0x56: {  	_ =	shalt  }
0x57: {  	_ =	shalt  }
0x58: {  	_ =	shalt  }
0x59: {  	_ =	shalt  }
0x5a: {  	_ =	shalt  }
0x5b: {  	_ =	shalt  }
0x5c: {  	_ =	shalt  }
0x5d: {  	_ =	shalt  }
0x5e: {  	_ =	shalt  }
0x5f: {  	_ =	shalt  }
0x60: {  	_ =	shalt  }
0x61: {  	_ =	shalt  }
0x62: {  	_ =	shalt  }
0x63: {  	_ =	shalt  }
0x64: {  	_ =	shalt  }
0x65: {  	_ =	shalt  }
0x66: {  	_ =	shalt  }
0x67: {  	_ =	shalt  }
0x68: {  	_ =	shalt  }
0x69: {  	_ =	shalt  }
0x6a: {  	_ =	shalt  }
0x6b: {  	_ =	shalt  }
0x6c: {  	_ =	shalt  }
0x6d: {  	_ =	shalt  }
0x6e: {  	_ =	shalt  }
0x6f: {  	_ =	shalt  }
0x70: {  	_ =	shalt  }
0x71: {  	_ =	shalt  }
0x72: {  	_ =	shalt  }
0x73: {  	_ =	shalt  }
0x74: {  	_ =	shalt  }
0x75: {  	_ =	shalt  }
0x76: {  	_ =	shalt  }
0x77: {  	_ =	shalt  }
0x78: {  	_ =	shalt  }
0x79: {  	_ =	shalt  }
0x7a: {  	_ =	shalt  }
0x7b: {  	_ =	shalt  }
0x7c: {  	_ =	shalt  }
0x7d: {  	_ =	shalt  }
0x7e: {  	_ =	shalt  }
0x7f: {  	_ =	shalt  }
0x80: {  	_ =	shalt  }
0x81: {  	_ =	shalt  }
0x82: {  	_ =	shalt  }
0x83: {  	_ =	shalt  }
0x84: {  	_ =	shalt  }
0x85: {  	_ =	shalt  }
0x86: {  	_ =	shalt  }
0x87: {  	_ =	shalt  }
.Lfunc_end0:
.L_simem_size_0:
called_computation_lowered:
.L_overlay_start_0:
0x88: {  	s2 =	sld [smem:$0x3FD9]  }
0x89: {  	s3 =	sld [smem:$0x3FFE];
	_ =	sdelay $0x1  }
0x8a: {  	s1 =	srdreg.scid  }
0x8b: {  	s0 =	sand.u32 $0x1, s1  }
0x8c: {  	s17 =	sshll.u32 s0, $0xA;
	s2 =	sadd.s32 s3, s2  }
0x8d: {  	s2 =	sadd.s32 s2, s17  }
0x8e: {  	[smem:$0x3FC6] =	sst s2  }
0x8f: {  	_ = 	snop  }
0x90: {  	s2 =	sld [smem:$0x3FC9];
	(tm) =	ssettm $0x1  }
0x91: {  	s18 =	sld [smem:$0x3FFB];
	_ =	sdelay $0x3  }
0x92: {  	_ =	strace s18  }
0x93: {  	s3 =	sld [smem:$0x3FFC];
	_ =	sdelay $0x3  }
0x94: {  	_ =	strace s3  }
0x95: {  	s3 =	sld [smem:$0x3FFD];
	_ =	sdelay $0x3  }
0x96: {  	_ =	strace s3  }
0x97: {  	_ =	strace $0x8FFFFFFF  }
0x98: {  	s19 =	sld [smem:$0x3FDB];
	_ =	sdelay $0x1  }
0x99: {  	s4 =	simm.s32 $_scs_section_size  }
0x9a: {  	s5 =	simm.s32 $_size__tile_overlayer_lowered;
	s6 =	simm.s32 $_tile_overlayer_lowered  }
0x9b: {  	s22 =	simm.s32 $0x1BFF;
	s21 =	sshll.u32 s6, $0x1;
	s3 =	sadd.s32 s4, s19  }
0x9c: {  	s7 =	simm.s32 $0x0;
	s20 =	sshll.u32 s5, $0x1;
	s5 =	sadd.s32 s21, s3  }
0x9d: {  	[timem:s7], [sflag:s22] =	dma.local [hbm:s5], s20  }
0x9e: {  	_ =	swait.ge [sflag:s22], s20  }
0x9f: {  	s4 =	ssub.s32 $0x0, s20;
	[sflag:s22] =	ssyncset.done $0x0  }
0xa0: {  	[sflag:s22] =	ssyncadd.s32 s4;
	_ =	sdelay $0x1  }
0xa1: {  	s23 =	simm.s32 $0x1B8B  }
0xa2: {  	_ =	swait.ge [sflag:s23], $0x1  }
0xa3: {  	[sflag:s23] =	ssyncset.done $0x0  }
0xa4: {  	s25 =	simm.s32 $0x1B8E;
	s24 =	sld [smem:$0x3FFE];
	[sflag:s23] =	ssyncadd.s32 $0xFFFFFFFF  }
0xa5: {  	s26 =	simm.s32 $execute0_lowered;
	[smem:$0x3FD2] =	sst s25  }
0xa6: {  	s5 =	sshll.u32 s26, $0x1;
	_ =	strace $0x80000046;
	[dreg:$0x1] =	wrdreg $0xFFFFFFFF  }
0xa7: {  	s28 =	simm.s32 $_size_execute0_lowered;
	s3 =	sadd.s32 s3, s5;
	[dreg:$0x0] =	wrdreg $0x0  }
0xa8: {  	s5 =	sshll.u32 s28, $0x1;
	[dreg:$0x2] =	wrdreg s3  }
0xa9: {  	[dreg:$0x3] =	wrdreg s5  }
0xaa: {  	[dreg:$0x4] =	wrdreg $0xC0  }
0xab: {  	_ =	task [dreg:s7], $0x5FFFF  }
0xac: {  	[dreg:$0x1] =	wrdreg $0xFFFFFFFF  }
0xad: {  	[dreg:$0x0] =	wrdreg $0x60  }
0xae: {  	[dreg:$0x2] =	wrdreg s2  }
0xaf: {  	[dreg:$0x3] =	wrdreg s24  }
0xb0: {  	[dreg:$0x4] =	wrdreg $0x9  }
0xb1: {  	_ =	task.clear_ibuf [dreg:s7], $0x5FFFF;
	_ =	strace $0x90000046  }
0xb2: {  	s29 =	simm.s32 $0x9;
	_ =	strace $0x80000048  }
0xb3: {  	_ =	swait.ge [sflag:s29], $0x1  }
0xb4: {  	[sflag:s29] =	ssyncadd.s32 $0xFFFFFFFF  }
0xb5: {  	_ =	strace $0x90000048  }
0xb6: {  	_ =	sfence  }
0xb7: {  	s30 =	sld [smem:$0x0];
	_ =	sdelay $0x2  }
0xb8: {  	s31 =	sshll.u32 s1, $0xD;
	s1 =	sshrl.u32 s1, $0x2  }
0xb9: {  	s3 =	sand.u32 $0x4000, s31;
	s1 =	sadd.s32 s1, s30  }
0xba: {  	s0 =	sor.u32 s3, s0;
	s1 =	sshll.u32 s1, $0x11  }
0xbb: {  	s0 =	sor.u32 s1, s0  }
0xbc: {  	s0 =	sadd.s32 $0x8F2B, s0  }
0xbd: {  	[sflag:s0] =	ssyncadd.remote.s32 $0x1  }
0xbe: {  	_ =	sfence.sel $0xFFFF  }
0xbf: {  	[dreg:$0x0] =	wrdreg $0xFFFFFFFF;
	(pc) =	sbr.abs _section_cstart, $3  }
0xc0: {  	[dreg:$0x1] =	wrdreg $0xFFFFFFFF  }
0xc1: {  	_ =	task.clear_ibuf [dreg:s7], $0x2FFFF;
	_ =	strace $0x9FFFFFFF  }
0xc2: {  	(tm) =	ssettm $0x7FFFFFFF  }
0xc3: {  	_ =	shalt  }
tec
execute0_lowered:
.L_overlay_start_1:
0x0: {  	(tag) =	ssettag $0x1  }
0x1: {  	s0 =	rddreg [dreg:$0x0]  }
0x2: {  	s1 =	rddreg [dreg:$0x1];
	s2 =	simm.s32 $0x0  }
0x3: {  	s3 =	srdreg.scid;
	[smem:$0x7FF] =	sst s2;
	s5 =	sadd.s32 $0xF42F80, s1  }
0x4: {  	s23 =	sadd.s32 $0xF43100, s1;
	_ =	strace $0x80000047;
	[dreg:$0x7] =	wrdreg s5  }
0x5: {  	s4 =	stileid.u32;
	s25 =	sadd.s32 $0xF43280, s1;
	[dreg:$0x8] =	wrdreg s23  }
0x6: {  	s6 =	sand.u32 $0x1, s3;
	s26 =	sadd.s32 $0xF43400, s1;
	[dreg:$0xa] =	wrdreg s25  }
0x7: {  	s4 =	sshll.u32 s4, $0x1;
	s28 =	sadd.s32 $0xF43580, s1;
	[dreg:$0xb] =	wrdreg s26  }
0x8: {  	s3 =	sadd.s32 $0x400, s1;
	s29 =	sadd.s32 $0xF43700, s1;
	[dreg:$0xc] =	wrdreg s28  }
0x9: {  	s22 =	sadd.s32 $0xF42980, s1;
	s19 =	sadd.s32 $0xF42B00, s1;
	[dreg:$0xd] =	wrdreg s29  }
0xa: {  	s24 =	sadd.s32 $0xF42C80, s1;
	s7 =	sor.u32 s6, s4;
	[dreg:$0x3] =	wrdreg s22  }
0xb: {  	s10 =	ssub.s32 $0x2, s6;
	[dreg:$0x4] =	wrdreg s19;
	s11 =	smul.u32 $0x500, s7  }
0xc: {  	s31 =	sadd.s32 $0xF42E00, s1;
	[dreg:$0x5] =	wrdreg s24;
	s12 =	sshrl.u32 s10, $0x1  }
0xd: {  	[dreg:$0x6] =	wrdreg s31;
	s12 =	ssub.s32 s10, s12;
	s0 =	sadd.s32 s0, s11  }
0xe: {  	s20 =	sadd.s32 $0xF42800, s1;
	s30 =	smax.u32 s12, $0x1;
	[dreg:$0x9] =	wrdreg s0  }
0xf: {  	s5 =	simm.s32 $0x0;
	s16 =	sshll.u32 s7, $0x9;
	[dreg:$0xe] =	wrdreg s30  }
.LBB2_1:
0x10: {  	[dreg:$0xf] =	wrdreg s5  }
0x11: {  	s0 =	rddreg [dreg:$0x9];
	s31 =	simm.s32 $0x3  }
0x12: {  	[tilespmem:s2], [sflag:$0x3] =	stream.linear.gather [hbm4b:s0+s2], $0x2800, $0x38;
	[tilespmem:$0x16800] =	vst v63  }
0x13: {  	_ =	swait.ge [sflag:s31], $0x2800  }
0x14: {  	s21 =	simm.s32 $0x140;
	[sflag:s31] =	ssyncset.done $0x0  }
0x15: {  	s22 =	simm.s32 $0x0;
	s23 =	simm.s32 $0x0;
	[sflag:s31] =	ssyncadd.s32 $0xFFFFD800  }
.LBB2_2:
0x16: {  	p0 =	seq.s32 s23, $0x0  }
0x17: {  	s0 =	simm.s32 @!p0 $0x2  }
0x18: {  	_ =	swait.ge @!p0 [sflag:s0], $0xA00  }
0x19: {  	[sflag:s0] =	ssyncset.done @!p0 $0x0  }
0x1a: {  	[sflag:s0] =	ssyncadd.s32 @!p0 $0xFFFFF600  }
0x1b: {  	_ =	swait.ge @!p0 [sflag:s0], $0xA00  }
0x1c: {  	[sflag:s0] =	ssyncset.done @!p0 $0x0  }
0x1d: {  	[sflag:s0] =	ssyncadd.s32 @!p0 $0xFFFFF600  }
0x1e: {  	_ =	swait.ge @!p0 [sflag:s0], $0xA00  }
0x1f: {  	[sflag:s0] =	ssyncset.done @!p0 $0x0  }
0x20: {  	[sflag:s0] =	ssyncadd.s32 @!p0 $0xFFFFF600  }
0x21: {  	_ =	swait.ge @!p0 [sflag:s0], $0xA00  }
0x22: {  	[sflag:s0] =	ssyncset.done @!p0 $0x0  }
0x23: {  	[sflag:s0] =	ssyncadd.s32 @!p0 $0xFFFFF600  }
0x24: {  	_ =	swait.ge @!p0 [sflag:s0], $0xA00  }
0x25: {  	[sflag:s0] =	ssyncset.done @!p0 $0x0  }
0x26: {  	[sflag:s0] =	ssyncadd.s32 @!p0 $0xFFFFF600  }
0x27: {  	_ =	swait.ge @!p0 [sflag:s0], $0xA00  }
0x28: {  	[sflag:s0] =	ssyncset.done @!p0 $0x0  }
0x29: {  	[sflag:s0] =	ssyncadd.s32 @!p0 $0xFFFFF600  }
0x2a: {  	_ =	swait.ge @!p0 [sflag:s0], $0xA00  }
0x2b: {  	[sflag:s0] =	ssyncset.done @!p0 $0x0  }
0x2c: {  	[sflag:s0] =	ssyncadd.s32 @!p0 $0xFFFFF600  }
0x2d: {  	_ =	swait.ge @!p0 [sflag:s0], $0xA00  }
0x2e: {  	[sflag:s0] =	ssyncset.done @!p0 $0x0  }
0x2f: {  	[sflag:s0] =	ssyncadd.s32 @!p0 $0xFFFFF600  }
0x30: {  	_ =	swait.ge @!p0 [sflag:s0], $0xA00  }
0x31: {  	[sflag:s0] =	ssyncset.done @!p0 $0x0  }
0x32: {  	[sflag:s0] =	ssyncadd.s32 @!p0 $0xFFFFF600  }
0x33: {  	_ =	swait.ge @!p0 [sflag:s0], $0xA00  }
0x34: {  	[sflag:s0] =	ssyncset.done @!p0 $0x0  }
0x35: {  	[sflag:s0] =	ssyncadd.s32 @!p0 $0xFFFFF600  }
0x36: {  	_ =	swait.ge @!p0 [sflag:s0], $0xA00  }
0x37: {  	[sflag:s0] =	ssyncset.done @!p0 $0x0  }
0x38: {  	[sflag:s0] =	ssyncadd.s32 @!p0 $0xFFFFF600  }
0x39: {  	_ =	swait.ge @!p0 [sflag:s0], $0xA00  }
0x3a: {  	[sflag:s0] =	ssyncset.done @!p0 $0x0  }
0x3b: {  	[sflag:s0] =	ssyncadd.s32 @!p0 $0xFFFFF600  }
0x3c: {  	_ =	swait.ge @!p0 [sflag:s0], $0xA00  }
0x3d: {  	[sflag:s0] =	ssyncset.done @!p0 $0x0  }
0x3e: {  	[sflag:s0] =	ssyncadd.s32 @!p0 $0xFFFFF600  }
0x3f: {  	_ =	swait.ge @!p0 [sflag:s0], $0xA00  }
0x40: {  	[sflag:s0] =	ssyncset.done @!p0 $0x0  }
0x41: {  	[sflag:s0] =	ssyncadd.s32 @!p0 $0xFFFFF600  }
0x42: {  	_ =	swait.ge @!p0 [sflag:s0], $0xA00  }
0x43: {  	[sflag:s0] =	ssyncset.done @!p0 $0x0  }
0x44: {  	[sflag:s0] =	ssyncadd.s32 @!p0 $0xFFFFF600  }
0x45: {  	s1 =	simm.s32 $0x0;
	s11 =	sadd.s32 $0x0, s22;
	_ =	swait.ge @!p0 [sflag:s0], $0xA00  }
0x46: {  	s11 =	sand.u32 $0x7F80, s11;
	s1 =	sand.u32 $0x70, s1;
	[sflag:s0] =	ssyncset.done @!p0 $0x0  }
0x47: {  	s18 =	sor.u32 s1, s11;
	[sflag:s0] =	ssyncadd.s32 @!p0 $0xFFFFF600  }
0x48: {  	v0 =	vld [tilespmem:s18+$0x0];
	_ =	sdelay $0x4  }
0x49: {  	v0 =	vshll.u32 v0, $0x4  }
0x4a: {  	(v2sf) =	vpush v0, $0x0;
	_ =	sdelay $0x1  }
0x4b: {  	(v2sf) =	vpush v0, $0x1  }
0x4c: {  	(v2sf) =	vpush v0, $0x2;
	_ =	sdelay $0x1  }
0x4d: {  	(v2sf) =	vpush v0, $0x3;
	_ =	sdelay $0x1  }
0x4e: {  	(v2sf) =	vpush v0, $0x4;
	_ =	sdelay $0x1  }
0x4f: {  	(v2sf) =	vpush v0, $0x5;
	_ =	sdelay $0x1  }
0x50: {  	(v2sf) =	vpush v0, $0x6  }
0x51: {  	s4 =	smov.u32 s20;
	s19 =	smov.u32 s16;
	s20 =	sshllo.u32 s23, $0x1  }
0x52: {  	s25 =	simm.s32 $0x2000;
	s28 =	simm.s32 $0x4000;
	s26 =	simm.s32 $0x10  }
0x53: {  	s29 =	simm.s32 $0x0;
	s24 =	simm.s32 $0x2880;
	s12 =	simm.s32 $0x2B00  }
0x54: {  	s13 =	simm.s32 $0x2B80;
	s15 =	simm.s32 $0x2800;
	s5 =	spop (v2sf);
	(v2sf) =	vpush v0, $0x7  }
0x55: {  	s6 =	simm.s32 $0x2A00;
	s8 =	simm.s32 $0x2900;
	s16 =	simm.s32 $0x2980  }
0x56: {  	[dreg:$0x10] =	wrdreg s20;
	s1 =	sand.u32 $0x1FFFFFF0, s5;
	s14 =	spop (v2sf);
	(v2sf) =	vpush v0, $0x8  }
0x57: {  	s14 =	sand.u32 $0x1FFFFFF0, s14;
	s1 =	sadd.s32 s3, s1;
	(v2sf) =	vpush v0, $0x9;
	s7 =	spop (v2sf)  }
0x58: {  	[tilespmem:s15], [sflag:$0x1] =	stream.linear.gather [hbm4b:s1+s2], $0x80, $0x38;
	(v2sf) =	vpush v0, $0xA;
	[tilespmem:$0x16800] =	vst v63  }
0x59: {  	s14 =	sadd.s32 s3, s14;
	s9 =	sand.u32 $0x1FFFFFF0, s7;
	s10 =	spop (v2sf)  }
0x5a: {  	[tilespmem:s24], [sflag:$0x1] =	stream.linear.gather [hbm4b:s14+s2], $0x80, $0x38;
	[tilespmem:$0x16800] =	vst v63  }
0x5b: {  	s15 =	sand.u32 $0x1FFFFFF0, s10;
	s17 =	spop (v2sf);
	s14 =	sadd.s32 s3, s9  }
0x5c: {  	[tilespmem:s8], [sflag:$0x1] =	stream.linear.gather [hbm4b:s14+s2], $0x80, $0x38;
	[tilespmem:$0x16800] =	vst v63  }
0x5d: {  	(v2sf) =	vpush v0, $0xB;
	s18 =	sand.u32 $0x1FFFFFF0, s17;
	s15 =	sadd.s32 s3, s15;
	s20 =	spop (v2sf)  }
0x5e: {  	[tilespmem:s16], [sflag:$0x1] =	stream.linear.gather [hbm4b:s15+s2], $0x80, $0x38;
	[tilespmem:$0x16800] =	vst v63  }
0x5f: {  	s5 =	spop (v2sf);
	s14 =	sadd.s32 s3, s18;
	s15 =	sand.u32 $0x1FFFFFF0, s20  }
0x60: {  	[tilespmem:s6], [sflag:$0x1] =	stream.linear.gather [hbm4b:s14+s2], $0x80, $0x38;
	[tilespmem:$0x16800] =	vst v63  }
0x61: {  	s24 =	simm.s32 $0x2A80;
	(v2sf) =	vpush v0, $0xC;
	s17 =	sand.u32 $0x1FFFFFF0, s5;
	s15 =	sadd.s32 s3, s15  }
0x62: {  	[tilespmem:s24], [sflag:$0x1] =	stream.linear.gather [hbm4b:s15+s2], $0x80, $0x38;
	[tilespmem:$0x16800] =	vst v63  }
0x63: {  	s11 =	sadd.s32 $0x10, s22;
	s7 =	sadd.s32 s3, s17;
	s6 =	spop (v2sf);
	(v2sf) =	vpush v0, $0xD  }
0x64: {  	[tilespmem:s12], [sflag:$0x1] =	stream.linear.gather [hbm4b:s7+s2], $0x80, $0x38;
	[tilespmem:$0x16800] =	vst v63  }
0x65: {  	s30 =	simm.s32 $0x2F80;
	s31 =	sand.u32 $0x7F80, s11;
	s9 =	spop (v2sf);
	(v2sf) =	vpush v0, $0xE  }
0x66: {  	s0 =	simm.s32 $0x2D00;
	s8 =	sand.u32 $0x1FFFFFF0, s6;
	s10 =	spop (v2sf)  }
0x67: {  	s1 =	simm.s32 $0x2D80;
	s11 =	sadd.s32 s3, s8;
	s18 =	spop (v2sf);
	(v2sf) =	vpush v0, $0xF  }
0x68: {  	[tilespmem:s13], [sflag:$0x1] =	stream.linear.gather [hbm4b:s11+s2], $0x80, $0x38;
	[tilespmem:$0x16800] =	vst v63  }
0x69: {  	s17 =	simm.s32 $0x2C80;
	s12 =	sand.u32 $0x1FFFFFF0, s9;
	s16 =	sand.u32 $0x1FFFFFF0, s10  }
0x6a: {  	s15 =	simm.s32 $0x2C00;
	s12 =	sadd.s32 s3, s12;
	s13 =	sadd.s32 s3, s16  }
0x6b: {  	[tilespmem:s15], [sflag:$0x1] =	stream.linear.gather [hbm4b:s12+s2], $0x80, $0x38;
	[tilespmem:$0x16800] =	vst v63  }
0x6c: {  	s20 =	sand.u32 $0x1FFFFFF0, s18;
	s24 =	spop (v2sf);
	s12 =	simm.s32 $0x2E80  }
0x6d: {  	[tilespmem:s17], [sflag:$0x1] =	stream.linear.gather [hbm4b:s13+s2], $0x80, $0x38;
	[tilespmem:$0x16800] =	vst v63  }
0x6e: {  	s11 =	sand.u32 $0x1FFFFFF0, s24;
	s17 =	simm.s32 $0x2E00;
	s13 =	sadd.s32 s3, s20  }
.LBB2_3:
0x6f: {  	p1 =	sne.s32 s28, $0x26000  }
0x70: {  	s14 =	sand.u32 $0x70, s26;
	s15 =	spop (v2sf);
	s18 =	smov.u32 s28  }
0x71: {  	[tilespmem:s0], [sflag:$0x1] =	stream.linear.gather [hbm4b:s13+s2], $0x80, $0x38;
	[tilespmem:$0x16800] =	vst v63  }
0x72: {  	s0 =	sadd.s32 s3, s11;
	s11 =	sand.u32 $0x1FFFFFF0, s15;
	s13 =	spop (v2sf)  }
0x73: {  	[tilespmem:s1], [sflag:$0x1] =	stream.linear.gather [hbm4b:s0+s2], $0x80, $0x38;
	[tilespmem:$0x16800] =	vst v63  }
0x74: {  	s0 =	sadd.s32 s3, s11;
	s1 =	sand.u32 $0x1FFFFFF0, s13;
	s11 =	spop (v2sf)  }
0x75: {  	[tilespmem:s17], [sflag:$0x1] =	stream.linear.gather [hbm4b:s0+s2], $0x80, $0x38;
	[tilespmem:$0x16800] =	vst v63  }
0x76: {  	s0 =	sadd.s32 s3, s1;
	s1 =	sand.u32 $0x1FFFFFF0, s11;
	s11 =	spop (v2sf)  }
0x77: {  	[tilespmem:s12], [sflag:$0x1] =	stream.linear.gather [hbm4b:s0+s2], $0x80, $0x38;
	[tilespmem:$0x16800] =	vst v63  }
0x78: {  	s1 =	sadd.s32 s3, s1;
	s0 =	sadd.s32 $0x2F00, s29;
	s11 =	sand.u32 $0x1FFFFFF0, s11  }
0x79: {  	[tilespmem:s0], [sflag:$0x1] =	stream.linear.gather [hbm4b:s1+s2], $0x80, $0x38;
	[tilespmem:$0x16800] =	vst v63  }
0x7a: {  	s28 =	sadd.s32 $0x2000, s28;
	s0 =	sor.u32 s14, s31;
	s1 =	sadd.s32 s3, s11  }
0x7b: {  	[tilespmem:s30], [sflag:$0x1] =	stream.linear.gather [hbm4b:s1+s2], $0x80, $0x38;
	[tilespmem:$0x16800] =	vst v63  }
0x7c: {  	v0 =	vld [tilespmem:s0+$0x0];
	_ =	sdelay $0x4  }
0x7d: {  	v0 =	vshll.u32 v0, $0x4  }
0x7e: {  	(v2sf) =	vpush v0, $0x0  }
0x7f: {  	(v2sf) =	vpush v0, $0x1  }
0x80: {  	(v2sf) =	vpush v0, $0x2  }
0x81: {  	(v2sf) =	vpush v0, $0x3;
	_ =	sdelay $0x1  }
0x82: {  	(v2sf) =	vpush v0, $0x4;
	_ =	sdelay $0x1  }
0x83: {  	s26 =	sadd.s32 $0x10, s26;
	(v2sf) =	vpush v0, $0x5  }
0x84: {  	s12 =	sadd.s32 s26, s22;
	s29 =	sshra.s32 s25, $0x2;
	s25 =	smov.u32 s18  }
0x85: {  	s16 =	sadd.s32 $0x2880, s29;
	s18 =	sadd.s32 $0x2B80, s29;
	s11 =	sadd.s32 $0x2B00, s29;
	(v2sf) =	vpush v0, $0x6  }
0x86: {  	s20 =	sadd.s32 $0x2800, s29;
	s5 =	sadd.s32 $0x2A00, s29;
	s0 =	sadd.s32 $0x2D00, s29  }
0x87: {  	s15 =	sadd.s32 $0x2A80, s29;
	s1 =	sadd.s32 $0x2D80, s29;
	s30 =	sadd.s32 $0x2F80, s29;
	(v2sf) =	vpush v0, $0x7  }
0x88: {  	s13 =	sadd.s32 $0x2C00, s29;
	s17 =	sadd.s32 $0x2E00, s29;
	s31 =	sand.u32 $0x7F80, s12  }
0x89: {  	s12 =	sadd.s32 $0x2E80, s29;
	(v2sf) =	vpush v0, $0x8  }
0x8a: {  	s14 =	sadd.s32 $0x2C80, s29  }
0x8b: {  	s6 =	sadd.s32 $0x2980, s29;
	s7 =	spop (v2sf);
	(v2sf) =	vpush v0, $0x9  }
0x8c: {  	s7 =	sand.u32 $0x1FFFFFF0, s7;
	s8 =	spop (v2sf)  }
0x8d: {  	s9 =	sadd.s32 $0x2900, s29;
	s8 =	sand.u32 $0x1FFFFFF0, s8;
	s10 =	spop (v2sf);
	(v2sf) =	vpush v0, $0xA  }
0x8e: {  	s7 =	sadd.s32 s3, s7;
	s10 =	sand.u32 $0x1FFFFFF0, s10;
	s24 =	spop (v2sf)  }
0x8f: {  	[tilespmem:s20], [sflag:$0x1] =	stream.linear.gather [hbm4b:s7+s2], $0x80, $0x38;
	(v2sf) =	vpush v0, $0xB;
	[tilespmem:$0x16800] =	vst v63  }
0x90: {  	s7 =	sadd.s32 s3, s8;
	s8 =	sand.u32 $0x1FFFFFF0, s24;
	s20 =	spop (v2sf)  }
0x91: {  	[tilespmem:s16], [sflag:$0x1] =	stream.linear.gather [hbm4b:s7+s2], $0x80, $0x38;
	[tilespmem:$0x16800] =	vst v63  }
0x92: {  	s7 =	sadd.s32 s3, s10;
	s10 =	sand.u32 $0x1FFFFFF0, s20;
	s16 =	spop (v2sf)  }
0x93: {  	[tilespmem:s9], [sflag:$0x1] =	stream.linear.gather [hbm4b:s7+s2], $0x80, $0x38;
	(v2sf) =	vpush v0, $0xC;
	[tilespmem:$0x16800] =	vst v63  }
0x94: {  	s7 =	sadd.s32 s3, s8;
	s8 =	sand.u32 $0x1FFFFFF0, s16;
	s9 =	spop (v2sf)  }
0x95: {  	[tilespmem:s6], [sflag:$0x1] =	stream.linear.gather [hbm4b:s7+s2], $0x80, $0x38;
	(v2sf) =	vpush v0, $0xD;
	[tilespmem:$0x16800] =	vst v63  }
0x96: {  	s6 =	sadd.s32 s3, s10;
	s7 =	sand.u32 $0x1FFFFFF0, s9;
	s9 =	spop (v2sf)  }
0x97: {  	[tilespmem:s5], [sflag:$0x1] =	stream.linear.gather [hbm4b:s6+s2], $0x80, $0x38;
	(v2sf) =	vpush v0, $0xE;
	[tilespmem:$0x16800] =	vst v63  }
0x98: {  	s5 =	sadd.s32 s3, s8;
	s6 =	sand.u32 $0x1FFFFFF0, s9;
	s8 =	spop (v2sf)  }
0x99: {  	[tilespmem:s15], [sflag:$0x1] =	stream.linear.gather [hbm4b:s5+s2], $0x80, $0x38;
	(v2sf) =	vpush v0, $0xF;
	[tilespmem:$0x16800] =	vst v63  }
0x9a: {  	s5 =	sadd.s32 s3, s7;
	s7 =	sand.u32 $0x1FFFFFF0, s8;
	s8 =	spop (v2sf)  }
0x9b: {  	[tilespmem:s11], [sflag:$0x1] =	stream.linear.gather [hbm4b:s5+s2], $0x80, $0x38;
	[tilespmem:$0x16800] =	vst v63  }
0x9c: {  	s5 =	sadd.s32 s3, s6;
	s6 =	sand.u32 $0x1FFFFFF0, s8;
	s8 =	spop (v2sf)  }
0x9d: {  	[tilespmem:s18], [sflag:$0x1] =	stream.linear.gather [hbm4b:s5+s2], $0x80, $0x38;
	[tilespmem:$0x16800] =	vst v63  }
.Ltmp0:
0x9e: {  	_ = 	snop;
	(pc) =	sbr.rel @p1 .LBB2_3-.Ltmp0, $4  }
0x9f: {  	s5 =	sadd.s32 s3, s7;
	s7 =	sand.u32 $0x1FFFFFF0, s8;
	s8 =	spop (v2sf)  }
0xa0: {  	[tilespmem:s13], [sflag:$0x1] =	stream.linear.gather [hbm4b:s5+s2], $0x80, $0x38;
	[tilespmem:$0x16800] =	vst v63  }
0xa1: {  	s5 =	sadd.s32 s3, s6;
	s13 =	sadd.s32 s3, s7;
	s11 =	sand.u32 $0x1FFFFFF0, s8  }
0xa2: {  	[tilespmem:s14], [sflag:$0x1] =	stream.linear.gather [hbm4b:s5+s2], $0x80, $0x38;
	[tilespmem:$0x16800] =	vst v63  }
0xa3: {  	[tilespmem:s0], [sflag:$0x1] =	stream.linear.gather [hbm4b:s13+s2], $0x80, $0x38;
	[tilespmem:$0x16800] =	vst v63  }
0xa4: {  	s8 =	spop (v2sf)  }
0xa5: {  	s7 =	sadd.s32 s3, s11;
	s0 =	sand.u32 $0x1FFFFFF0, s8  }
0xa6: {  	[tilespmem:s1], [sflag:$0x1] =	stream.linear.gather [hbm4b:s7+s2], $0x80, $0x38;
	[tilespmem:$0x16800] =	vst v63  }
0xa7: {  	s9 =	spop (v2sf);
	s0 =	sadd.s32 s3, s0  }
0xa8: {  	[tilespmem:s17], [sflag:$0x1] =	stream.linear.gather [hbm4b:s0+s2], $0x80, $0x38;
	[tilespmem:$0x16800] =	vst v63  }
0xa9: {  	s0 =	sand.u32 $0x1FFFFFF0, s9  }
0xaa: {  	s10 =	spop (v2sf);
	s0 =	sadd.s32 s3, s0  }
0xab: {  	[tilespmem:s12], [sflag:$0x1] =	stream.linear.gather [hbm4b:s0+s2], $0x80, $0x38;
	[tilespmem:$0x16800] =	vst v63  }
0xac: {  	s0 =	sand.u32 $0x1FFFFFF0, s10  }
0xad: {  	s11 =	sadd.s32 $0x2F00, s29;
	s12 =	spop (v2sf);
	s0 =	sadd.s32 s3, s0  }
0xae: {  	[tilespmem:s11], [sflag:$0x1] =	stream.linear.gather [hbm4b:s0+s2], $0x80, $0x38;
	[tilespmem:$0x16800] =	vst v63  }
0xaf: {  	s0 =	sand.u32 $0x1FFFFFF0, s12  }
0xb0: {  	s13 =	sand.u32 $0x70, s26;
	s0 =	sadd.s32 s3, s0  }
0xb1: {  	[tilespmem:s30], [sflag:$0x1] =	stream.linear.gather [hbm4b:s0+s2], $0x80, $0x38;
	[tilespmem:$0x16800] =	vst v63  }
0xb2: {  	s0 =	sor.u32 s13, s31  }
0xb3: {  	v0 =	vld [tilespmem:s0+$0x0];
	_ =	sdelay $0x4  }
0xb4: {  	v0 =	vshll.u32 v0, $0x4  }
0xb5: {  	(v2sf) =	vpush v0, $0x0  }
0xb6: {  	(v2sf) =	vpush v0, $0x1;
	_ =	sdelay $0x1  }
0xb7: {  	(v2sf) =	vpush v0, $0x2;
	_ =	sdelay $0x1  }
0xb8: {  	(v2sf) =	vpush v0, $0x3;
	_ =	sdelay $0x4  }
0xb9: {  	(v2sf) =	vpush v0, $0x4;
	_ =	sdelay $0x4  }
0xba: {  	s14 =	spop (v2sf)  }
0xbb: {  	s15 =	spop (v2sf);
	(v2sf) =	vpush v0, $0x5;
	_ =	sdelay $0x1  }
0xbc: {  	s17 =	spop (v2sf);
	(v2sf) =	vpush v0, $0x6  }
0xbd: {  	s0 =	sshra.s32 s25, $0x2;
	s1 =	sand.u32 $0x1FFFFFF0, s14  }
0xbe: {  	s5 =	sadd.s32 $0x2800, s0;
	s1 =	sadd.s32 s3, s1;
	s20 =	spop (v2sf);
	(v2sf) =	vpush v0, $0x7  }
0xbf: {  	[tilespmem:s5], [sflag:$0x1] =	stream.linear.gather [hbm4b:s1+s2], $0x80, $0x38;
	[tilespmem:$0x16800] =	vst v63  }
0xc0: {  	s1 =	sand.u32 $0x1FFFFFF0, s15  }
0xc1: {  	s16 =	sadd.s32 $0x2880, s0;
	s1 =	sadd.s32 s3, s1  }
0xc2: {  	[tilespmem:s16], [sflag:$0x1] =	stream.linear.gather [hbm4b:s1+s2], $0x80, $0x38;
	[tilespmem:$0x16800] =	vst v63  }
0xc3: {  	s25 =	spop (v2sf);
	(v2sf) =	vpush v0, $0x8;
	s1 =	sand.u32 $0x1FFFFFF0, s17  }
0xc4: {  	s18 =	sadd.s32 $0x2900, s0;
	s1 =	sadd.s32 s3, s1  }
0xc5: {  	[tilespmem:s18], [sflag:$0x1] =	stream.linear.gather [hbm4b:s1+s2], $0x80, $0x38;
	[tilespmem:$0x16800] =	vst v63  }
0xc6: {  	s1 =	sand.u32 $0x1FFFFFF0, s20  }
0xc7: {  	s24 =	sadd.s32 $0x2980, s0;
	s1 =	sadd.s32 s3, s1  }
0xc8: {  	[tilespmem:s24], [sflag:$0x1] =	stream.linear.gather [hbm4b:s1+s2], $0x80, $0x38;
	[tilespmem:$0x16800] =	vst v63  }
0xc9: {  	s29 =	spop (v2sf);
	(v2sf) =	vpush v0, $0x9  }
0xca: {  	s1 =	sand.u32 $0x1FFFFFF0, s25  }
0xcb: {  	s26 =	sadd.s32 $0x2A00, s0;
	s1 =	sadd.s32 s3, s1;
	s6 =	spop (v2sf);
	(v2sf) =	vpush v0, $0xA  }
0xcc: {  	[tilespmem:s26], [sflag:$0x1] =	stream.linear.gather [hbm4b:s1+s2], $0x80, $0x38;
	[tilespmem:$0x16800] =	vst v63  }
0xcd: {  	s8 =	spop (v2sf);
	(v2sf) =	vpush v0, $0xB  }
0xce: {  	s1 =	sand.u32 $0x1FFFFFF0, s29  }
0xcf: {  	s30 =	sadd.s32 $0x2A80, s0;
	s1 =	sadd.s32 s3, s1  }
0xd0: {  	[tilespmem:s30], [sflag:$0x1] =	stream.linear.gather [hbm4b:s1+s2], $0x80, $0x38;
	[tilespmem:$0x16800] =	vst v63  }
0xd1: {  	s1 =	sand.u32 $0x1FFFFFF0, s6  }
0xd2: {  	s7 =	sadd.s32 $0x2B00, s0;
	s10 =	spop (v2sf);
	s1 =	sadd.s32 s3, s1  }
0xd3: {  	(v2sf) =	vpush v0, $0xC;
	[tilespmem:s7], [sflag:$0x1] =	stream.linear.gather [hbm4b:s1+s2], $0x80, $0x38;
	[tilespmem:$0x16800] =	vst v63  }
0xd4: {  	s1 =	sand.u32 $0x1FFFFFF0, s8  }
0xd5: {  	s9 =	sadd.s32 $0x2B80, s0;
	s1 =	sadd.s32 s3, s1  }
0xd6: {  	[tilespmem:s9], [sflag:$0x1] =	stream.linear.gather [hbm4b:s1+s2], $0x80, $0x38;
	[tilespmem:$0x16800] =	vst v63  }
0xd7: {  	s1 =	sand.u32 $0x1FFFFFF0, s10  }
0xd8: {  	s11 =	sadd.s32 $0x2C00, s0;
	s1 =	sadd.s32 s3, s1;
	s12 =	spop (v2sf);
	(v2sf) =	vpush v0, $0xD  }
0xd9: {  	[tilespmem:s11], [sflag:$0x1] =	stream.linear.gather [hbm4b:s1+s2], $0x80, $0x38;
	[tilespmem:$0x16800] =	vst v63  }
0xda: {  	s14 =	spop (v2sf);
	(v2sf) =	vpush v0, $0xE  }
0xdb: {  	s1 =	sand.u32 $0x1FFFFFF0, s12  }
0xdc: {  	s13 =	sadd.s32 $0x2C80, s0;
	s1 =	sadd.s32 s3, s1;
	s16 =	spop (v2sf)  }
0xdd: {  	(v2sf) =	vpush v0, $0xF;
	[tilespmem:s13], [sflag:$0x1] =	stream.linear.gather [hbm4b:s1+s2], $0x80, $0x38;
	[tilespmem:$0x16800] =	vst v63  }
0xde: {  	s1 =	sand.u32 $0x1FFFFFF0, s14  }
0xdf: {  	s15 =	sadd.s32 $0x2D00, s0;
	s1 =	sadd.s32 s3, s1  }
0xe0: {  	[tilespmem:s15], [sflag:$0x1] =	stream.linear.gather [hbm4b:s1+s2], $0x80, $0x38;
	[tilespmem:$0x16800] =	vst v63  }
0xe1: {  	s1 =	sand.u32 $0x1FFFFFF0, s16  }
0xe2: {  	s17 =	sadd.s32 $0x2D80, s0;
	s18 =	spop (v2sf);
	s1 =	sadd.s32 s3, s1  }
0xe3: {  	[tilespmem:s17], [sflag:$0x1] =	stream.linear.gather [hbm4b:s1+s2], $0x80, $0x38;
	[tilespmem:$0x16800] =	vst v63  }
0xe4: {  	s1 =	sand.u32 $0x1FFFFFF0, s18  }
0xe5: {  	s20 =	sadd.s32 $0x2E00, s0;
	s1 =	sadd.s32 s3, s1  }
0xe6: {  	[tilespmem:s20], [sflag:$0x1] =	stream.linear.gather [hbm4b:s1+s2], $0x80, $0x38;
	[tilespmem:$0x16800] =	vst v63  }
0xe7: {  	s24 =	spop (v2sf)  }
0xe8: {  	s1 =	sand.u32 $0x1FFFFFF0, s24  }
0xe9: {  	s25 =	sadd.s32 $0x2E80, s0;
	s26 =	spop (v2sf);
	s1 =	sadd.s32 s3, s1  }
0xea: {  	[tilespmem:s25], [sflag:$0x1] =	stream.linear.gather [hbm4b:s1+s2], $0x80, $0x38;
	[tilespmem:$0x16800] =	vst v63  }
0xeb: {  	s1 =	sand.u32 $0x1FFFFFF0, s26  }
0xec: {  	s29 =	sadd.s32 $0x2F00, s0;
	s30 =	spop (v2sf);
	s1 =	sadd.s32 s3, s1  }
0xed: {  	[tilespmem:s29], [sflag:$0x1] =	stream.linear.gather [hbm4b:s1+s2], $0x80, $0x38;
	[tilespmem:$0x16800] =	vst v63  }
0xee: {  	s5 =	sshll.u32 s23, $0x5;
	s1 =	sand.u32 $0x1FFFFFF0, s30  }
0xef: {  	s0 =	sadd.s32 $0x2F80, s0;
	s6 =	simm.s32 $0x1;
	s1 =	sadd.s32 s3, s1  }
0xf0: {  	[tilespmem:s0], [sflag:$0x1] =	stream.linear.gather [hbm4b:s1+s2], $0x80, $0x38;
	[tilespmem:$0x16800] =	vst v63  }
0xf1: {  	s8 =	simm.s32 $0x2800;
	s11 =	simm.s32 $0x3C00;
	s0 =	sadd.s32 s19, s5  }
0xf2: {  	s13 =	simm.s32 $0x4600;
	_ =	swait.ge [sflag:s6], $0xA000;
	s1 =	smul.u32 $0x180, s0  }
0xf3: {  	s16 =	smov.u32 s19;
	s20 =	smov.u32 s4;
	[sflag:s6] =	ssyncset.done $0x0  }
0xf4: {  	[sflag:s6] =	ssyncadd.s32 $0xFFFF6000;
	s7 =	sadd.s32 s4, s1;
	s4 =	rddreg [dreg:$0x3]  }
0xf5: {  	[hbm4b:s7+s2] =	stream.linear.scatter [tilespmem:s8], [sflag:$0x2], $0xA00, $0x38;
	[tilespmem:$0x16800] =	vst v63  }
0xf6: {  	s19 =	rddreg [dreg:$0x4];
	s6 =	simm.s32 $0x3200;
	s9 =	sadd.s32 s1, s4  }
0xf7: {  	[hbm4b:s9+s2] =	stream.linear.scatter [tilespmem:s6], [sflag:$0x2], $0xA00, $0x38;
	[tilespmem:$0x16800] =	vst v63  }
0xf8: {  	s15 =	simm.s32 $0x5000;
	s24 =	rddreg [dreg:$0x5];
	s10 =	sadd.s32 s1, s19  }
0xf9: {  	[hbm4b:s10+s2] =	stream.linear.scatter [tilespmem:s11], [sflag:$0x2], $0xA00, $0x38;
	[tilespmem:$0x16800] =	vst v63  }
0xfa: {  	s18 =	simm.s32 $0x5A00;
	s31 =	rddreg [dreg:$0x6];
	s12 =	sadd.s32 s1, s24  }
0xfb: {  	[hbm4b:s12+s2] =	stream.linear.scatter [tilespmem:s13], [sflag:$0x2], $0xA00, $0x38;
	[tilespmem:$0x16800] =	vst v63  }
0xfc: {  	s26 =	simm.s32 $0x6400;
	s17 =	rddreg [dreg:$0x7];
	s14 =	sadd.s32 s1, s31  }
0xfd: {  	[hbm4b:s14+s2] =	stream.linear.scatter [tilespmem:s15], [sflag:$0x2], $0xA00, $0x38;
	[tilespmem:$0x16800] =	vst v63  }
0xfe: {  	s30 =	simm.s32 $0x6E00;
	s25 =	rddreg [dreg:$0x8];
	s5 =	sadd.s32 s1, s17  }
0xff: {  	[hbm4b:s5+s2] =	stream.linear.scatter [tilespmem:s18], [sflag:$0x2], $0xA00, $0x38;
	[tilespmem:$0x16800] =	vst v63  }
0x100: {  	s0 =	smul.u32 $0xC00, s0;
	s29 =	rddreg [dreg:$0xa];
	s5 =	sadd.s32 s1, s25  }
0x101: {  	[hbm4b:s5+s2] =	stream.linear.scatter [tilespmem:s26], [sflag:$0x2], $0xA00, $0x38;
	[tilespmem:$0x16800] =	vst v63  }
0x102: {  	s0 =	sshrl.u32 s0, $0x3;
	s7 =	rddreg [dreg:$0xb];
	s5 =	sadd.s32 s1, s29  }
0x103: {  	[hbm4b:s5+s2] =	stream.linear.scatter [tilespmem:s30], [sflag:$0x2], $0xA00, $0x38;
	[tilespmem:$0x16800] =	vst v63  }
0x104: {  	s8 =	simm.s32 $0x7800;
	s9 =	rddreg [dreg:$0xc];
	s5 =	sadd.s32 s1, s7  }
0x105: {  	[hbm4b:s5+s2] =	stream.linear.scatter [tilespmem:s8], [sflag:$0x2], $0xA00, $0x38;
	[tilespmem:$0x16800] =	vst v63  }
0x106: {  	s10 =	simm.s32 $0x8200;
	s11 =	rddreg [dreg:$0xd];
	s5 =	sadd.s32 s1, s9  }
0x107: {  	[hbm4b:s5+s2] =	stream.linear.scatter [tilespmem:s10], [sflag:$0x2], $0xA00, $0x38;
	[tilespmem:$0x16800] =	vst v63  }
0x108: {  	s0 =	sadd.s32 s20, s0;
	s12 =	simm.s32 $0x8C00;
	s1 =	sadd.s32 s1, s11  }
0x109: {  	[hbm4b:s1+s2] =	stream.linear.scatter [tilespmem:s12], [sflag:$0x2], $0xA00, $0x38;
	[tilespmem:$0x16800] =	vst v63  }
0x10a: {  	s13 =	sadd.s32 $0x1080, s0;
	s14 =	simm.s32 $0x9600  }
0x10b: {  	[hbm4b:s13+s2] =	stream.linear.scatter [tilespmem:s14], [sflag:$0x2], $0xA00, $0x38;
	[tilespmem:$0x16800] =	vst v63  }
0x10c: {  	s17 =	simm.s32 $0xA000;
	s15 =	sadd.s32 $0x1200, s0  }
0x10d: {  	[hbm4b:s15+s2] =	stream.linear.scatter [tilespmem:s17], [sflag:$0x2], $0xA00, $0x38;
	[tilespmem:$0x16800] =	vst v63  }
0x10e: {  	s18 =	sadd.s32 $0x1380, s0;
	s25 =	simm.s32 $0xAA00  }
0x10f: {  	[hbm4b:s18+s2] =	stream.linear.scatter [tilespmem:s25], [sflag:$0x2], $0xA00, $0x38;
	[tilespmem:$0x16800] =	vst v63  }
0x110: {  	s26 =	sadd.s32 $0x1500, s0;
	s29 =	simm.s32 $0xB400  }
0x111: {  	[hbm4b:s26+s2] =	stream.linear.scatter [tilespmem:s29], [sflag:$0x2], $0xA00, $0x38;
	[tilespmem:$0x16800] =	vst v63  }
0x112: {  	s0 =	sadd.s32 $0x1680, s0;
	s30 =	simm.s32 $0xBE00  }
0x113: {  	[hbm4b:s0+s2] =	stream.linear.scatter [tilespmem:s30], [sflag:$0x2], $0xA00, $0x38;
	[tilespmem:$0x16800] =	vst v63  }
0x114: {  	s0 =	simm.s32 @!p0 $0x2  }
0x115: {  	_ =	swait.ge @!p0 [sflag:s0], $0xA00  }
0x116: {  	[sflag:s0] =	ssyncset.done @!p0 $0x0  }
0x117: {  	[sflag:s0] =	ssyncadd.s32 @!p0 $0xFFFFF600  }
0x118: {  	_ =	swait.ge @!p0 [sflag:s0], $0xA00  }
0x119: {  	[sflag:s0] =	ssyncset.done @!p0 $0x0  }
0x11a: {  	[sflag:s0] =	ssyncadd.s32 @!p0 $0xFFFFF600  }
0x11b: {  	_ =	swait.ge @!p0 [sflag:s0], $0xA00  }
0x11c: {  	[sflag:s0] =	ssyncset.done @!p0 $0x0  }
0x11d: {  	[sflag:s0] =	ssyncadd.s32 @!p0 $0xFFFFF600  }
0x11e: {  	_ =	swait.ge @!p0 [sflag:s0], $0xA00  }
0x11f: {  	[sflag:s0] =	ssyncset.done @!p0 $0x0  }
0x120: {  	[sflag:s0] =	ssyncadd.s32 @!p0 $0xFFFFF600  }
0x121: {  	_ =	swait.ge @!p0 [sflag:s0], $0xA00  }
0x122: {  	[sflag:s0] =	ssyncset.done @!p0 $0x0  }
0x123: {  	[sflag:s0] =	ssyncadd.s32 @!p0 $0xFFFFF600  }
0x124: {  	_ =	swait.ge @!p0 [sflag:s0], $0xA00  }
0x125: {  	[sflag:s0] =	ssyncset.done @!p0 $0x0  }
0x126: {  	[sflag:s0] =	ssyncadd.s32 @!p0 $0xFFFFF600  }
0x127: {  	_ =	swait.ge @!p0 [sflag:s0], $0xA00  }
0x128: {  	[sflag:s0] =	ssyncset.done @!p0 $0x0  }
0x129: {  	[sflag:s0] =	ssyncadd.s32 @!p0 $0xFFFFF600  }
0x12a: {  	_ =	swait.ge @!p0 [sflag:s0], $0xA00  }
0x12b: {  	[sflag:s0] =	ssyncset.done @!p0 $0x0  }
0x12c: {  	[sflag:s0] =	ssyncadd.s32 @!p0 $0xFFFFF600  }
0x12d: {  	_ =	swait.ge @!p0 [sflag:s0], $0xA00  }
0x12e: {  	[sflag:s0] =	ssyncset.done @!p0 $0x0  }
0x12f: {  	[sflag:s0] =	ssyncadd.s32 @!p0 $0xFFFFF600  }
0x130: {  	_ =	swait.ge @!p0 [sflag:s0], $0xA00  }
0x131: {  	[sflag:s0] =	ssyncset.done @!p0 $0x0  }
0x132: {  	[sflag:s0] =	ssyncadd.s32 @!p0 $0xFFFFF600  }
0x133: {  	_ =	swait.ge @!p0 [sflag:s0], $0xA00  }
0x134: {  	[sflag:s0] =	ssyncset.done @!p0 $0x0  }
0x135: {  	[sflag:s0] =	ssyncadd.s32 @!p0 $0xFFFFF600  }
0x136: {  	_ =	swait.ge @!p0 [sflag:s0], $0xA00  }
0x137: {  	[sflag:s0] =	ssyncset.done @!p0 $0x0  }
0x138: {  	[sflag:s0] =	ssyncadd.s32 @!p0 $0xFFFFF600  }
0x139: {  	_ =	swait.ge @!p0 [sflag:s0], $0xA00  }
0x13a: {  	[sflag:s0] =	ssyncset.done @!p0 $0x0  }
0x13b: {  	[sflag:s0] =	ssyncadd.s32 @!p0 $0xFFFFF600  }
0x13c: {  	_ =	swait.ge @!p0 [sflag:s0], $0xA00  }
0x13d: {  	[sflag:s0] =	ssyncset.done @!p0 $0x0  }
0x13e: {  	[sflag:s0] =	ssyncadd.s32 @!p0 $0xFFFFF600  }
0x13f: {  	_ =	swait.ge @!p0 [sflag:s0], $0xA00  }
0x140: {  	[sflag:s0] =	ssyncset.done @!p0 $0x0  }
0x141: {  	[sflag:s0] =	ssyncadd.s32 @!p0 $0xFFFFF600  }
0x142: {  	_ =	swait.ge @!p0 [sflag:s0], $0xA00  }
0x143: {  	[sflag:s0] =	ssyncset.done @!p0 $0x0  }
0x144: {  	[sflag:s0] =	ssyncadd.s32 @!p0 $0xFFFFF600  }
0x145: {  	v0 =	vld [tilespmem:s21+$0x0];
	_ =	sdelay $0x4  }
0x146: {  	v0 =	vshll.u32 v0, $0x4  }
0x147: {  	(v2sf) =	vpush v0, $0x0  }
0x148: {  	(v2sf) =	vpush v0, $0x1  }
0x149: {  	(v2sf) =	vpush v0, $0x2;
	_ =	sdelay $0x1  }
0x14a: {  	(v2sf) =	vpush v0, $0x4;
	_ =	sdelay $0x1  }
0x14b: {  	(v2sf) =	vpush v0, $0x3  }
0x14c: {  	(v2sf) =	vpush v0, $0x5  }
0x14d: {  	s28 =	smov.u32 s21;
	s25 =	simm.s32 $0x0;
	s26 =	simm.s32 $0x2000;
	(v2sf) =	vpush v0, $0x6  }
.LBB2_5:
0x14e: {  	p0 =	sne.s32 s26, $0x26000  }
0x14f: {  	s5 =	sadd.s32 $0xC880, s25;
	s12 =	sadd.s32 $0xCD80, s25;
	s29 =	smov.u32 s26  }
0x150: {  	s26 =	sadd.s32 $0x2000, s26;
	s30 =	sadd.s32 $0xCB80, s25;
	s0 =	sadd.s32 $0xCE00, s25;
	(v2sf) =	vpush v0, $0x7  }
0x151: {  	s13 =	sadd.s32 $0xCA80, s25;
	s18 =	sadd.s32 $0xCC00, s25;
	s1 =	sadd.s32 $0xCE80, s25  }
0x152: {  	s6 =	sadd.s32 $0xC800, s25;
	s7 =	sadd.s32 $0xCA00, s25;
	(v2sf) =	vpush v0, $0x8  }
0x153: {  	s8 =	sadd.s32 $0xCB00, s25;
	s28 =	sadd.s32 $0x10, s28  }
0x154: {  	s9 =	sadd.s32 $0xC900, s25;
	s17 =	sadd.s32 $0xCD00, s25;
	s10 =	spop (v2sf);
	(v2sf) =	vpush v0, $0x9  }
0x155: {  	s11 =	sadd.s32 $0xCC80, s25;
	s10 =	sand.u32 $0x1FFFFFF0, s10;
	s14 =	spop (v2sf)  }
0x156: {  	s10 =	sadd.s32 s3, s10;
	s14 =	sand.u32 $0x1FFFFFF0, s14;
	s15 =	spop (v2sf);
	(v2sf) =	vpush v0, $0xA  }
0x157: {  	[tilespmem:s6], [sflag:$0x1] =	stream.linear.gather [hbm4b:s10+s2], $0x80, $0x38;
	[tilespmem:$0x16800] =	vst v63  }
0x158: {  	s6 =	sadd.s32 s3, s14;
	s10 =	sadd.s32 $0xC980, s25;
	s14 =	spop (v2sf);
	(v2sf) =	vpush v0, $0xB  }
0x159: {  	[tilespmem:s5], [sflag:$0x1] =	stream.linear.gather [hbm4b:s6+s2], $0x80, $0x38;
	[tilespmem:$0x16800] =	vst v63  }
0x15a: {  	s5 =	sand.u32 $0x1FFFFFF0, s15;
	s6 =	sand.u32 $0x1FFFFFF0, s14;
	s14 =	spop (v2sf);
	(v2sf) =	vpush v0, $0xC  }
0x15b: {  	s5 =	sadd.s32 s3, s5;
	s14 =	sand.u32 $0x1FFFFFF0, s14;
	s15 =	spop (v2sf)  }
0x15c: {  	[tilespmem:s9], [sflag:$0x1] =	stream.linear.gather [hbm4b:s5+s2], $0x80, $0x38;
	(v2sf) =	vpush v0, $0xD;
	[tilespmem:$0x16800] =	vst v63  }
0x15d: {  	s5 =	sadd.s32 s3, s14;
	s9 =	sand.u32 $0x1FFFFFF0, s15;
	s14 =	spop (v2sf)  }
0x15e: {  	[tilespmem:s10], [sflag:$0x1] =	stream.linear.gather [hbm4b:s5+s2], $0x80, $0x38;
	(v2sf) =	vpush v0, $0xE;
	[tilespmem:$0x16800] =	vst v63  }
0x15f: {  	s5 =	sadd.s32 s3, s6;
	s6 =	sand.u32 $0x1FFFFFF0, s14;
	s10 =	spop (v2sf)  }
0x160: {  	[tilespmem:s7], [sflag:$0x1] =	stream.linear.gather [hbm4b:s5+s2], $0x80, $0x38;
	(v2sf) =	vpush v0, $0xF;
	[tilespmem:$0x16800] =	vst v63  }
0x161: {  	s5 =	sadd.s32 s3, s9;
	s7 =	sand.u32 $0x1FFFFFF0, s10;
	s9 =	spop (v2sf)  }
0x162: {  	[tilespmem:s13], [sflag:$0x1] =	stream.linear.gather [hbm4b:s5+s2], $0x80, $0x38;
	[tilespmem:$0x16800] =	vst v63  }
0x163: {  	s5 =	sadd.s32 s3, s6;
	s6 =	sand.u32 $0x1FFFFFF0, s9;
	s9 =	spop (v2sf)  }
0x164: {  	[tilespmem:s8], [sflag:$0x1] =	stream.linear.gather [hbm4b:s5+s2], $0x80, $0x38;
	[tilespmem:$0x16800] =	vst v63  }
0x165: {  	s5 =	sadd.s32 s3, s7;
	s7 =	sand.u32 $0x1FFFFFF0, s9;
	s8 =	spop (v2sf)  }
0x166: {  	[tilespmem:s30], [sflag:$0x1] =	stream.linear.gather [hbm4b:s5+s2], $0x80, $0x38;
	[tilespmem:$0x16800] =	vst v63  }
0x167: {  	s5 =	sadd.s32 s3, s6;
	s6 =	sand.u32 $0x1FFFFFF0, s8;
	s8 =	spop (v2sf)  }
0x168: {  	[tilespmem:s18], [sflag:$0x1] =	stream.linear.gather [hbm4b:s5+s2], $0x80, $0x38;
	[tilespmem:$0x16800] =	vst v63  }
0x169: {  	s5 =	sadd.s32 s3, s7;
	s7 =	sand.u32 $0x1FFFFFF0, s8;
	s8 =	spop (v2sf)  }
0x16a: {  	[tilespmem:s11], [sflag:$0x1] =	stream.linear.gather [hbm4b:s5+s2], $0x80, $0x38;
	[tilespmem:$0x16800] =	vst v63  }
0x16b: {  	s5 =	sadd.s32 s3, s6;
	s6 =	sand.u32 $0x1FFFFFF0, s8;
	s8 =	spop (v2sf)  }
0x16c: {  	[tilespmem:s17], [sflag:$0x1] =	stream.linear.gather [hbm4b:s5+s2], $0x80, $0x38;
	[tilespmem:$0x16800] =	vst v63  }
0x16d: {  	s5 =	sadd.s32 s3, s7;
	s7 =	sand.u32 $0x1FFFFFF0, s8;
	s8 =	spop (v2sf)  }
0x16e: {  	[tilespmem:s12], [sflag:$0x1] =	stream.linear.gather [hbm4b:s5+s2], $0x80, $0x38;
	[tilespmem:$0x16800] =	vst v63  }
0x16f: {  	s5 =	sadd.s32 s3, s6;
	s6 =	sand.u32 $0x1FFFFFF0, s8;
	s8 =	spop (v2sf)  }
0x170: {  	[tilespmem:s0], [sflag:$0x1] =	stream.linear.gather [hbm4b:s5+s2], $0x80, $0x38;
	[tilespmem:$0x16800] =	vst v63  }
0x171: {  	s0 =	sadd.s32 s3, s7;
	s5 =	sand.u32 $0x1FFFFFF0, s8  }
0x172: {  	[tilespmem:s1], [sflag:$0x1] =	stream.linear.gather [hbm4b:s0+s2], $0x80, $0x38;
	[tilespmem:$0x16800] =	vst v63  }
0x173: {  	s0 =	sadd.s32 $0xCF00, s25;
	s1 =	sadd.s32 s3, s6  }
0x174: {  	[tilespmem:s0], [sflag:$0x1] =	stream.linear.gather [hbm4b:s1+s2], $0x80, $0x38;
	[tilespmem:$0x16800] =	vst v63  }
0x175: {  	s0 =	sadd.s32 $0xCF80, s25;
	s1 =	sadd.s32 s3, s5  }
0x176: {  	[tilespmem:s0], [sflag:$0x1] =	stream.linear.gather [hbm4b:s1+s2], $0x80, $0x38;
	[tilespmem:$0x16800] =	vst v63  }
0x177: {  	v0 =	vld [tilespmem:s28+$0x0];
	_ =	sdelay $0x4  }
0x178: {  	v0 =	vshll.u32 v0, $0x4  }
0x179: {  	(v2sf) =	vpush v0, $0x0  }
0x17a: {  	(v2sf) =	vpush v0, $0x1  }
0x17b: {  	(v2sf) =	vpush v0, $0x2;
	_ =	sdelay $0x1  }
0x17c: {  	(v2sf) =	vpush v0, $0x4  }
.Ltmp1:
0x17d: {  	(pc) =	sbr.rel @p0 .LBB2_5-.Ltmp1, $3  }
0x17e: {  	(v2sf) =	vpush v0, $0x3  }
0x17f: {  	(v2sf) =	vpush v0, $0x5;
	_ =	sdelay $0x1  }
0x180: {  	s25 =	sshra.s32 s29, $0x2;
	(v2sf) =	vpush v0, $0x6  }
0x181: {  	_ =	sdelay $0x5  }
0x182: {  	s0 =	spop (v2sf)  }
0x183: {  	s1 =	spop (v2sf)  }
0x184: {  	s17 =	spop (v2sf)  }
0x185: {  	s28 =	spop (v2sf);
	(v2sf) =	vpush v0, $0x7  }
0x186: {  	s0 =	sand.u32 $0x1FFFFFF0, s0  }
0x187: {  	s5 =	sadd.s32 $0xC800, s25;
	s0 =	sadd.s32 s3, s0  }
0x188: {  	[tilespmem:s5], [sflag:$0x1] =	stream.linear.gather [hbm4b:s0+s2], $0x80, $0x38;
	[tilespmem:$0x16800] =	vst v63  }
0x189: {  	s1 =	sand.u32 $0x1FFFFFF0, s1;
	s29 =	spop (v2sf);
	(v2sf) =	vpush v0, $0x8  }
0x18a: {  	s15 =	sadd.s32 $0xC880, s25;
	s1 =	sadd.s32 s3, s1  }
0x18b: {  	[tilespmem:s15], [sflag:$0x1] =	stream.linear.gather [hbm4b:s1+s2], $0x80, $0x38;
	[tilespmem:$0x16800] =	vst v63  }
0x18c: {  	s18 =	sand.u32 $0x1FFFFFF0, s17;
	s8 =	spop (v2sf);
	(v2sf) =	vpush v0, $0x9  }
0x18d: {  	s26 =	sadd.s32 $0xC900, s25;
	s0 =	sadd.s32 s3, s18  }
0x18e: {  	[tilespmem:s26], [sflag:$0x1] =	stream.linear.gather [hbm4b:s0+s2], $0x80, $0x38;
	[tilespmem:$0x16800] =	vst v63  }
0x18f: {  	s0 =	sand.u32 $0x1FFFFFF0, s29;
	s10 =	spop (v2sf);
	(v2sf) =	vpush v0, $0xA  }
0x190: {  	s30 =	sadd.s32 $0xC980, s25;
	s6 =	sand.u32 $0x1FFFFFF0, s28;
	s0 =	sadd.s32 s3, s0  }
0x191: {  	[tilespmem:s30], [sflag:$0x1] =	stream.linear.gather [hbm4b:s0+s2], $0x80, $0x38;
	[tilespmem:$0x16800] =	vst v63  }
0x192: {  	s7 =	sadd.s32 $0xCA00, s25;
	s0 =	sadd.s32 s3, s6  }
0x193: {  	[tilespmem:s7], [sflag:$0x1] =	stream.linear.gather [hbm4b:s0+s2], $0x80, $0x38;
	[tilespmem:$0x16800] =	vst v63  }
0x194: {  	s0 =	sand.u32 $0x1FFFFFF0, s8;
	s12 =	spop (v2sf);
	(v2sf) =	vpush v0, $0xB  }
0x195: {  	s9 =	sadd.s32 $0xCA80, s25;
	s0 =	sadd.s32 s3, s0  }
0x196: {  	[tilespmem:s9], [sflag:$0x1] =	stream.linear.gather [hbm4b:s0+s2], $0x80, $0x38;
	[tilespmem:$0x16800] =	vst v63  }
0x197: {  	s0 =	sand.u32 $0x1FFFFFF0, s10  }
0x198: {  	s11 =	sadd.s32 $0xCB00, s25;
	s0 =	sadd.s32 s3, s0;
	s14 =	spop (v2sf);
	(v2sf) =	vpush v0, $0xC  }
0x199: {  	[tilespmem:s11], [sflag:$0x1] =	stream.linear.gather [hbm4b:s0+s2], $0x80, $0x38;
	[tilespmem:$0x16800] =	vst v63  }
0x19a: {  	s0 =	sand.u32 $0x1FFFFFF0, s12  }
0x19b: {  	s13 =	sadd.s32 $0xCB80, s25;
	s0 =	sadd.s32 s3, s0;
	s17 =	spop (v2sf);
	(v2sf) =	vpush v0, $0xD  }
0x19c: {  	[tilespmem:s13], [sflag:$0x1] =	stream.linear.gather [hbm4b:s0+s2], $0x80, $0x38;
	[tilespmem:$0x16800] =	vst v63  }
0x19d: {  	s0 =	sand.u32 $0x1FFFFFF0, s14  }
0x19e: {  	s15 =	sadd.s32 $0xCC00, s25;
	s0 =	sadd.s32 s3, s0;
	s26 =	spop (v2sf);
	(v2sf) =	vpush v0, $0xE  }
0x19f: {  	[tilespmem:s15], [sflag:$0x1] =	stream.linear.gather [hbm4b:s0+s2], $0x80, $0x38;
	[tilespmem:$0x16800] =	vst v63  }
0x1a0: {  	s0 =	sand.u32 $0x1FFFFFF0, s17  }
0x1a1: {  	s18 =	sadd.s32 $0xCC80, s25;
	s0 =	sadd.s32 s3, s0  }
0x1a2: {  	[tilespmem:s18], [sflag:$0x1] =	stream.linear.gather [hbm4b:s0+s2], $0x80, $0x38;
	[tilespmem:$0x16800] =	vst v63  }
0x1a3: {  	s0 =	sand.u32 $0x1FFFFFF0, s26;
	s29 =	spop (v2sf);
	(v2sf) =	vpush v0, $0xF  }
0x1a4: {  	s28 =	sadd.s32 $0xCD00, s25;
	s0 =	sadd.s32 s3, s0  }
0x1a5: {  	[tilespmem:s28], [sflag:$0x1] =	stream.linear.gather [hbm4b:s0+s2], $0x80, $0x38;
	[tilespmem:$0x16800] =	vst v63  }
0x1a6: {  	s0 =	sand.u32 $0x1FFFFFF0, s29  }
0x1a7: {  	s30 =	sadd.s32 $0xCD80, s25;
	s0 =	sadd.s32 s3, s0;
	s1 =	spop (v2sf)  }
0x1a8: {  	[tilespmem:s30], [sflag:$0x1] =	stream.linear.gather [hbm4b:s0+s2], $0x80, $0x38;
	[tilespmem:$0x16800] =	vst v63  }
0x1a9: {  	s0 =	sand.u32 $0x1FFFFFF0, s1  }
0x1aa: {  	s5 =	sadd.s32 $0xCE00, s25;
	s6 =	spop (v2sf);
	s0 =	sadd.s32 s3, s0  }
0x1ab: {  	[tilespmem:s5], [sflag:$0x1] =	stream.linear.gather [hbm4b:s0+s2], $0x80, $0x38;
	[tilespmem:$0x16800] =	vst v63  }
0x1ac: {  	s0 =	sand.u32 $0x1FFFFFF0, s6  }
0x1ad: {  	s7 =	sadd.s32 $0xCE80, s25;
	s8 =	spop (v2sf);
	s0 =	sadd.s32 s3, s0  }
0x1ae: {  	[tilespmem:s7], [sflag:$0x1] =	stream.linear.gather [hbm4b:s0+s2], $0x80, $0x38;
	[tilespmem:$0x16800] =	vst v63  }
0x1af: {  	s0 =	sand.u32 $0x1FFFFFF0, s8  }
0x1b0: {  	s9 =	sadd.s32 $0xCF00, s25;
	s0 =	sadd.s32 s3, s0  }
0x1b1: {  	[tilespmem:s9], [sflag:$0x1] =	stream.linear.gather [hbm4b:s0+s2], $0x80, $0x38;
	[tilespmem:$0x16800] =	vst v63  }
0x1b2: {  	s10 =	spop (v2sf)  }
0x1b3: {  	s0 =	sand.u32 $0x1FFFFFF0, s10  }
0x1b4: {  	s11 =	sadd.s32 $0xCF80, s25;
	s12 =	rddreg [dreg:$0x10];
	s0 =	sadd.s32 s3, s0  }
0x1b5: {  	[tilespmem:s11], [sflag:$0x1] =	stream.linear.gather [hbm4b:s0+s2], $0x80, $0x38;
	[tilespmem:$0x16800] =	vst v63  }
0x1b6: {  	s0 =	sshll.u32 s12, $0x4  }
0x1b7: {  	s13 =	simm.s32 $0x1;
	s0 =	sadd.s32 s16, s0  }
0x1b8: {  	_ =	swait.ge [sflag:s13], $0xA000;
	s14 =	smul.u32 $0x180, s0  }
0x1b9: {  	[sflag:s13] =	ssyncset.done $0x0  }
0x1ba: {  	s6 =	simm.s32 $0xC800;
	[sflag:s13] =	ssyncadd.s32 $0xFFFF6000;
	s15 =	sadd.s32 s20, s14  }
0x1bb: {  	[hbm4b:s15+s2] =	stream.linear.scatter [tilespmem:s6], [sflag:$0x2], $0xA00, $0x38;
	[tilespmem:$0x16800] =	vst v63  }
0x1bc: {  	s18 =	simm.s32 $0xD200;
	s17 =	sadd.s32 s14, s4  }
0x1bd: {  	[hbm4b:s17+s2] =	stream.linear.scatter [tilespmem:s18], [sflag:$0x2], $0xA00, $0x38;
	[tilespmem:$0x16800] =	vst v63  }
0x1be: {  	s26 =	simm.s32 $0xDC00;
	s29 =	simm.s32 $0xE600;
	s25 =	sadd.s32 s14, s19  }
0x1bf: {  	[hbm4b:s25+s2] =	stream.linear.scatter [tilespmem:s26], [sflag:$0x2], $0xA00, $0x38;
	[tilespmem:$0x16800] =	vst v63  }
0x1c0: {  	s0 =	smul.u32 $0xC00, s0;
	s28 =	sadd.s32 s14, s24;
	s30 =	sadd.s32 s14, s31  }
0x1c1: {  	[hbm4b:s28+s2] =	stream.linear.scatter [tilespmem:s29], [sflag:$0x2], $0xA00, $0x38;
	[tilespmem:$0x16800] =	vst v63  }
0x1c2: {  	s31 =	simm.s32 $0xF000;
	s4 =	rddreg [dreg:$0x7];
	s0 =	sshrl.u32 s0, $0x3  }
0x1c3: {  	[hbm4b:s30+s2] =	stream.linear.scatter [tilespmem:s31], [sflag:$0x2], $0xA00, $0x38;
	[tilespmem:$0x16800] =	vst v63  }
0x1c4: {  	s1 =	sadd.s32 s14, s4;
	s6 =	simm.s32 $0xFA00;
	s0 =	sadd.s32 s20, s0  }
0x1c5: {  	[hbm4b:s1+s2] =	stream.linear.scatter [tilespmem:s6], [sflag:$0x2], $0xA00, $0x38;
	[tilespmem:$0x16800] =	vst v63  }
0x1c6: {  	s8 =	simm.s32 $0x10400;
	s7 =	sadd.s32 $0x900, s0  }
0x1c7: {  	[hbm4b:s7+s2] =	stream.linear.scatter [tilespmem:s8], [sflag:$0x2], $0xA00, $0x38;
	[tilespmem:$0x16800] =	vst v63  }
0x1c8: {  	s10 =	simm.s32 $0x10E00;
	s9 =	sadd.s32 $0xA80, s0  }
0x1c9: {  	[hbm4b:s9+s2] =	stream.linear.scatter [tilespmem:s10], [sflag:$0x2], $0xA00, $0x38;
	[tilespmem:$0x16800] =	vst v63  }
0x1ca: {  	s12 =	simm.s32 $0x11800;
	s11 =	sadd.s32 $0xC00, s0  }
0x1cb: {  	[hbm4b:s11+s2] =	stream.linear.scatter [tilespmem:s12], [sflag:$0x2], $0xA00, $0x38;
	[tilespmem:$0x16800] =	vst v63  }
0x1cc: {  	s14 =	simm.s32 $0x12200;
	s13 =	sadd.s32 $0xD80, s0  }
0x1cd: {  	[hbm4b:s13+s2] =	stream.linear.scatter [tilespmem:s14], [sflag:$0x2], $0xA00, $0x38;
	[tilespmem:$0x16800] =	vst v63  }
0x1ce: {  	s15 =	sadd.s32 $0xF00, s0;
	s17 =	simm.s32 $0x12C00  }
0x1cf: {  	[hbm4b:s15+s2] =	stream.linear.scatter [tilespmem:s17], [sflag:$0x2], $0xA00, $0x38;
	[tilespmem:$0x16800] =	vst v63  }
0x1d0: {  	s19 =	simm.s32 $0x13600;
	s18 =	sadd.s32 $0x1080, s0  }
0x1d1: {  	[hbm4b:s18+s2] =	stream.linear.scatter [tilespmem:s19], [sflag:$0x2], $0xA00, $0x38;
	[tilespmem:$0x16800] =	vst v63  }
0x1d2: {  	s23 =	sadd.s32 $0x1, s23;
	s24 =	sadd.s32 $0x1200, s0;
	s25 =	simm.s32 $0x14000  }
0x1d3: {  	[hbm4b:s24+s2] =	stream.linear.scatter [tilespmem:s25], [sflag:$0x2], $0xA00, $0x38;
	[tilespmem:$0x16800] =	vst v63  }
0x1d4: {  	p0 =	sne.s32 s23, $0x10;
	s26 =	sadd.s32 $0x1380, s0;
	s28 =	simm.s32 $0x14A00  }
0x1d5: {  	[hbm4b:s26+s2] =	stream.linear.scatter [tilespmem:s28], [sflag:$0x2], $0xA00, $0x38;
	[tilespmem:$0x16800] =	vst v63  }
.Ltmp2:
0x1d6: {  	_ = 	snop;
	(pc) =	sbr.rel @p0 .LBB2_2-.Ltmp2, $4  }
0x1d7: {  	s22 =	sadd.s32 $0x280, s22;
	s29 =	sadd.s32 $0x1500, s0;
	s30 =	simm.s32 $0x15400  }
0x1d8: {  	[hbm4b:s29+s2] =	stream.linear.scatter [tilespmem:s30], [sflag:$0x2], $0xA00, $0x38;
	[tilespmem:$0x16800] =	vst v63  }
0x1d9: {  	s21 =	sadd.s32 $0x280, s21;
	s0 =	sadd.s32 $0x1680, s0;
	s31 =	simm.s32 $0x15E00  }
0x1da: {  	[hbm4b:s0+s2] =	stream.linear.scatter [tilespmem:s31], [sflag:$0x2], $0xA00, $0x38;
	[tilespmem:$0x16800] =	vst v63  }
0x1db: {  	s1 =	simm.s32 $0x2  }
0x1dc: {  	_ =	swait.ge [sflag:s1], $0xA00  }
0x1dd: {  	[sflag:s1] =	ssyncset.done $0x0  }
0x1de: {  	[sflag:s1] =	ssyncadd.s32 $0xFFFFF600  }
0x1df: {  	_ =	swait.ge [sflag:s1], $0xA00  }
0x1e0: {  	[sflag:s1] =	ssyncset.done $0x0  }
0x1e1: {  	[sflag:s1] =	ssyncadd.s32 $0xFFFFF600  }
0x1e2: {  	_ =	swait.ge [sflag:s1], $0xA00  }
0x1e3: {  	[sflag:s1] =	ssyncset.done $0x0  }
0x1e4: {  	[sflag:s1] =	ssyncadd.s32 $0xFFFFF600  }
0x1e5: {  	_ =	swait.ge [sflag:s1], $0xA00  }
0x1e6: {  	[sflag:s1] =	ssyncset.done $0x0  }
0x1e7: {  	[sflag:s1] =	ssyncadd.s32 $0xFFFFF600  }
0x1e8: {  	_ =	swait.ge [sflag:s1], $0xA00  }
0x1e9: {  	[sflag:s1] =	ssyncset.done $0x0  }
0x1ea: {  	[sflag:s1] =	ssyncadd.s32 $0xFFFFF600  }
0x1eb: {  	_ =	swait.ge [sflag:s1], $0xA00  }
0x1ec: {  	[sflag:s1] =	ssyncset.done $0x0  }
0x1ed: {  	[sflag:s1] =	ssyncadd.s32 $0xFFFFF600  }
0x1ee: {  	_ =	swait.ge [sflag:s1], $0xA00  }
0x1ef: {  	[sflag:s1] =	ssyncset.done $0x0  }
0x1f0: {  	[sflag:s1] =	ssyncadd.s32 $0xFFFFF600  }
0x1f1: {  	_ =	swait.ge [sflag:s1], $0xA00  }
0x1f2: {  	[sflag:s1] =	ssyncset.done $0x0  }
0x1f3: {  	[sflag:s1] =	ssyncadd.s32 $0xFFFFF600  }
0x1f4: {  	_ =	swait.ge [sflag:s1], $0xA00  }
0x1f5: {  	[sflag:s1] =	ssyncset.done $0x0  }
0x1f6: {  	[sflag:s1] =	ssyncadd.s32 $0xFFFFF600  }
0x1f7: {  	_ =	swait.ge [sflag:s1], $0xA00  }
0x1f8: {  	[sflag:s1] =	ssyncset.done $0x0  }
0x1f9: {  	[sflag:s1] =	ssyncadd.s32 $0xFFFFF600  }
0x1fa: {  	_ =	swait.ge [sflag:s1], $0xA00  }
0x1fb: {  	[sflag:s1] =	ssyncset.done $0x0  }
0x1fc: {  	[sflag:s1] =	ssyncadd.s32 $0xFFFFF600  }
0x1fd: {  	_ =	swait.ge [sflag:s1], $0xA00  }
0x1fe: {  	[sflag:s1] =	ssyncset.done $0x0  }
0x1ff: {  	[sflag:s1] =	ssyncadd.s32 $0xFFFFF600  }
0x200: {  	_ =	swait.ge [sflag:s1], $0xA00  }
0x201: {  	[sflag:s1] =	ssyncset.done $0x0  }
0x202: {  	[sflag:s1] =	ssyncadd.s32 $0xFFFFF600  }
0x203: {  	_ =	swait.ge [sflag:s1], $0xA00  }
0x204: {  	[sflag:s1] =	ssyncset.done $0x0  }
0x205: {  	[sflag:s1] =	ssyncadd.s32 $0xFFFFF600  }
0x206: {  	_ =	swait.ge [sflag:s1], $0xA00  }
0x207: {  	[sflag:s1] =	ssyncset.done $0x0  }
0x208: {  	[sflag:s1] =	ssyncadd.s32 $0xFFFFF600  }
0x209: {  	_ =	swait.ge [sflag:s1], $0xA00  }
0x20a: {  	[sflag:s1] =	ssyncset.done $0x0  }
0x20b: {  	[sflag:s1] =	ssyncadd.s32 $0xFFFFF600  }
0x20c: {  	_ =	swait.ge [sflag:s1], $0xA00  }
0x20d: {  	[sflag:s1] =	ssyncset.done $0x0  }
0x20e: {  	[sflag:s1] =	ssyncadd.s32 $0xFFFFF600  }
0x20f: {  	_ =	swait.ge [sflag:s1], $0xA00  }
0x210: {  	[sflag:s1] =	ssyncset.done $0x0  }
0x211: {  	[sflag:s1] =	ssyncadd.s32 $0xFFFFF600  }
0x212: {  	_ =	swait.ge [sflag:s1], $0xA00  }
0x213: {  	[sflag:s1] =	ssyncset.done $0x0  }
0x214: {  	[sflag:s1] =	ssyncadd.s32 $0xFFFFF600  }
0x215: {  	_ =	swait.ge [sflag:s1], $0xA00  }
0x216: {  	[sflag:s1] =	ssyncset.done $0x0  }
0x217: {  	[sflag:s1] =	ssyncadd.s32 $0xFFFFF600  }
0x218: {  	_ =	swait.ge [sflag:s1], $0xA00  }
0x219: {  	[sflag:s1] =	ssyncset.done $0x0  }
0x21a: {  	[sflag:s1] =	ssyncadd.s32 $0xFFFFF600  }
0x21b: {  	_ =	swait.ge [sflag:s1], $0xA00  }
0x21c: {  	[sflag:s1] =	ssyncset.done $0x0  }
0x21d: {  	[sflag:s1] =	ssyncadd.s32 $0xFFFFF600  }
0x21e: {  	_ =	swait.ge [sflag:s1], $0xA00  }
0x21f: {  	[sflag:s1] =	ssyncset.done $0x0  }
0x220: {  	[sflag:s1] =	ssyncadd.s32 $0xFFFFF600  }
0x221: {  	_ =	swait.ge [sflag:s1], $0xA00  }
0x222: {  	[sflag:s1] =	ssyncset.done $0x0  }
0x223: {  	[sflag:s1] =	ssyncadd.s32 $0xFFFFF600  }
0x224: {  	_ =	swait.ge [sflag:s1], $0xA00  }
0x225: {  	[sflag:s1] =	ssyncset.done $0x0  }
0x226: {  	[sflag:s1] =	ssyncadd.s32 $0xFFFFF600  }
0x227: {  	_ =	swait.ge [sflag:s1], $0xA00  }
0x228: {  	[sflag:s1] =	ssyncset.done $0x0  }
0x229: {  	[sflag:s1] =	ssyncadd.s32 $0xFFFFF600  }
0x22a: {  	_ =	swait.ge [sflag:s1], $0xA00  }
0x22b: {  	[sflag:s1] =	ssyncset.done $0x0  }
0x22c: {  	[sflag:s1] =	ssyncadd.s32 $0xFFFFF600  }
0x22d: {  	_ =	swait.ge [sflag:s1], $0xA00  }
0x22e: {  	[sflag:s1] =	ssyncset.done $0x0  }
0x22f: {  	[sflag:s1] =	ssyncadd.s32 $0xFFFFF600  }
0x230: {  	_ =	swait.ge [sflag:s1], $0xA00  }
0x231: {  	[sflag:s1] =	ssyncset.done $0x0  }
0x232: {  	[sflag:s1] =	ssyncadd.s32 $0xFFFFF600  }
0x233: {  	_ =	swait.ge [sflag:s1], $0xA00  }
0x234: {  	[sflag:s1] =	ssyncset.done $0x0  }
0x235: {  	[sflag:s1] =	ssyncadd.s32 $0xFFFFF600  }
0x236: {  	_ =	swait.ge [sflag:s1], $0xA00  }
0x237: {  	[sflag:s1] =	ssyncset.done $0x0  }
0x238: {  	[sflag:s1] =	ssyncadd.s32 $0xFFFFF600  }
0x239: {  	_ =	swait.ge [sflag:s1], $0xA00  }
0x23a: {  	s5 =	rddreg [dreg:$0xf]  }
0x23b: {  	s0 =	rddreg [dreg:$0xe];
	s5 =	sadd.s32 $0x1, s5  }
0x23c: {  	p0 =	sne.s32 s5, s0  }
.Ltmp3:
0x23d: {  	_ = 	snop;
	(pc) =	sbr.rel @p0 .LBB2_1-.Ltmp3, $3  }
0x23e: {  	_ =	sdelay $0x1  }
0x23f: {  	[sflag:s1] =	ssyncset.done $0x0  }
0x240: {  	[sflag:s1] =	ssyncadd.s32 $0xFFFFF600  }
0x241: {  	_ =	sfence.sel $0x180000  }
0x242: {  	[bflag:$0x0] =	sbarrier.arrive $0xFFFF  }
0x243: {  	_ =	strace $0x90000047  }
0x244: {  	s0 =	stileid.u32;
	[bflag:$0x2] =	sbarrier.arrive $0xFFFF  }
0x245: {  	p0 =	sne.s32 s0, $0x0;
	s0 =	rddreg [dreg:$0x2]  }
0x246: {  	s0 =	sadd.s32 @!p0 $0x100000, s0  }
0x247: {  	[sflag:s0] =	ssyncadd.tile.s32 @!p0 $0x1;
	_ =	shalt  }
.Lfunc_end2:
_tile_overlayer_lowered:
.L_overlay_start_2:
0x248: {  	(tag) =	ssettag $0x2  }
0x249: {  	s0 =	rddreg [dreg:$0x0];
	s2 =	stileid.u32  }
0x24a: {  	s1 =	rddreg [dreg:$0x1];
	p0 =	sne.s32 s2, $0x0  }
0x24b: {  	s3 =	rddreg [dreg:$0x2];
	[bflag:$0x3] =	sbarrier.arrive $0xFFFF;
	s2 =	simm.s32 @!p0 $0x1C03  }
0x24c: {  	[timem:s3], [sflag:s2] =	dma.local @!p0 [hbm:s0], s1  }
0x24d: {  	s0 =	simm.s32 @!p0 $0x3  }
0x24e: {  	_ =	swait.ge @!p0 [sflag:s0], s1  }
0x24f: {  	s1 =	ssub.s32 @!p0 $0x0, s1;
	[sflag:s0] =	ssyncset.done @!p0 $0x0  }
0x250: {  	[sflag:s0] =	ssyncadd.s32 @!p0 s1  }
0x251: {  	[bflag:$0x3] =	sbarrier.arrive $0xFFFF  }
0x252: {  	_ =	shalt  }

</sc_bundles>
